<compile_context>
chip_gen: v7x
topology: tpu7x:2x2x1
jax: 0.10.2.dev20260603
libtpu: 0.0.44.dev20260713+nightly
codegen_flags: <defaults>
</compile_context>

<pallas_src>
import functools

import jax
import jax.numpy as jnp
from jax import lax
from jax.experimental import pallas as pl
from jax.experimental.pallas import tpu as pltpu
from jax.experimental.pallas import tpu_sc as plsc

_B, _T, _V = 8, 2048, 32
_NG = 16
_NQ = 2 * _NG
_L = 16
_NW = 32
_PPW = _B * _V // _NW
_VPW = _V // (_NW // _B)


def _sc_glimpse(vals_nt, time, l_b):
    mesh = plsc.VectorSubcoreMesh(core_axis_name="c", subcore_axis_name="s")

    @functools.partial(
        pl.kernel,
        out_type=jax.ShapeDtypeStruct((_B, _V * _NQ), jnp.float32),
        mesh=mesh,
        compiler_params=pltpu.CompilerParams(needs_layout_passes=False),
        scratch_types=[
            pltpu.VMEM((_T,), jnp.float32),
            pltpu.VMEM((2 * _T,), jnp.float32),
            pltpu.VMEM((_T + _L,), jnp.float32),
            pltpu.VMEM((_T + _L,), jnp.float32),
            pltpu.VMEM((_L,), jnp.float32),
            pltpu.VMEM((_VPW * _NQ,), jnp.float32),
            pltpu.SemaphoreType.DMA,
            pltpu.SemaphoreType.DMA,
        ],
    )
    def body(vals_hbm, time_hbm, l_hbm, out_hbm,
             t_v, x2, obs_t, obs_v, l_v, o_v, semx0, semx1):
        wid = lax.axis_index("s") * 2 + lax.axis_index("c")
        b = wid // (_NW // _B)
        v0 = (wid % (_NW // _B)) * _VPW
        semx = (semx0, semx1)

        def start_fetch(j):
            p = j & 1
            return pltpu.async_copy(vals_hbm.at[b, v0 + j],
                                    x2.at[pl.ds(p * _T, _T)], semx[p])

        cp = start_fetch(0)
        pltpu.sync_copy(time_hbm.at[b], t_v)
        pltpu.sync_copy(l_hbm.at[b], l_v)
        lvec = l_v[...]
        iotaf = lax.iota(jnp.int32, _L).astype(jnp.float32)
        lin0 = iotaf * jnp.float32(0.1 / 15.0) + jnp.float32(-0.05)
        lin1 = iotaf * jnp.float32(0.5 / 15.0) + jnp.float32(-0.25)

        for j in range(_VPW):
            p = j & 1
            nxt = start_fetch(j + 1) if j + 1 < _VPW else None
            cp.wait()
            cp = nxt
            base = p * _T

            def comp_body(i, cntv, base=base):
                off = i * _L
                xi = x2[pl.ds(base + off, _L)]
                mm = xi == xi
                dest = cntv + jnp.cumsum(mm.astype(jnp.int32)) - 1
                plsc.store_scatter(obs_t, [dest], t_v[pl.ds(off, _L)], mask=mm)
                plsc.store_scatter(obs_v, [dest], xi, mask=mm)
                return cntv + plsc.all_reduce_population_count(mm)

            nvec = plsc.parallel_loop(0, _T // _L, 1, unroll=4,
                                      carry=jnp.zeros((_L,), jnp.int32))(comp_body)
            last_idx = jnp.maximum(nvec - 1, 0)
            last_t = plsc.load_gather(obs_t, [last_idx])
            last_v = plsc.load_gather(obs_v, [last_idx])
            idx_hi = jnp.maximum(nvec - 2, 0)

            def interp(lin):
                r = (lin + lvec) * last_t
                cnt = jnp.zeros((_L,), jnp.int32)
                step = _T // 2
                while step >= 1:
                    cand = cnt + step
                    gidx = jnp.minimum(cand - 1, last_idx)
                    tv = plsc.load_gather(obs_t, [gidx])
                    ok = (cand <= nvec) & (tv <= r)
                    cnt = jnp.where(ok, cand, cnt)
                    step //= 2
                idx0 = jnp.clip(cnt - 1, 0, idx_hi)
                idx1 = idx0 + 1
                x0 = plsc.load_gather(obs_t, [idx0])
                x1 = plsc.load_gather(obs_t, [idx1])
                y0 = plsc.load_gather(obs_v, [idx0])
                y1 = plsc.load_gather(obs_v, [idx1])
                y = y0 + (r - x0) / (x1 - x0) * (y1 - y0)
                y = jnp.where(r < x0, y0, y)
                y = jnp.where(r > last_t, last_v, y)
                y = jnp.where(nvec == 1, last_v, y)
                y = jnp.where(nvec == 0, jnp.zeros((_L,), jnp.float32), y)
                return y

            o_v[pl.ds(j * _NQ, _L)] = interp(lin0)
            o_v[pl.ds(j * _NQ + _NG, _L)] = interp(lin1)

        pltpu.sync_copy(o_v, out_hbm.at[b, pl.ds(v0 * _NQ, _VPW * _NQ)])

    return body(vals_nt, time, l_b)


def _tc_fc(g, l_t, wgt, wl, brow, nhid):
    def fc_body(g_ref, l_ref, w_ref, wl_ref, b_ref, o_ref):
        o_ref[...] = (
            jnp.dot(g_ref[...], w_ref[...], preferred_element_type=jnp.float32)
            + l_ref[...] * wl_ref[...]
            + b_ref[...]
        )

    return pl.pallas_call(
        fc_body,
        out_shape=jax.ShapeDtypeStruct((_B, nhid), jnp.float32),
    )(g, l_t, wgt, wl, brow)


def kernel(vals, time, masks, lengths, l_t, W, b):
    del lengths
    nhid = W.shape[0]
    vals_nt = jnp.transpose(
        jnp.where(masks, vals, jnp.float32(jnp.nan)), (0, 2, 1))
    l_b = jnp.broadcast_to(l_t, (_B, _L))
    g = _sc_glimpse(vals_nt, time, l_b)
    wgt = W[:, :-1].T
    wl = W[:, -1].reshape(1, nhid)
    grep = _tc_fc(g, l_t, wgt, wl, b.reshape(1, nhid), nhid)
    return grep, g[:, g.shape[1] // 2]

# --- scband reference (transcript-rebuilt; emitter-appended) ---
"""Pipeline reference for scband-mvglimpse-network-38199439131203 (READ-ONLY COPY).

The authoritative reference and input builder live on the scoring server;
editing this copy changes nothing except your own understanding.
"""

import jax, jax.numpy as jnp
import numpy as np

B, T, V = 8, 2048, 32
NGRAN = 2
NGLIMPSE = 16
GWIDTH = 0.1
NHID = 256


def _lin_interp(r, xp, fp):
    # scipy.interpolate.interp1d(kind='linear', bounds_error=False,
    #                            fill_value=(fp_first, fp_last)) equivalent
    n = xp.shape[0]
    idx = jnp.clip(jnp.searchsorted(xp, r, side='right') - 1, 0, n - 2)
    x0 = xp[idx]
    x1 = xp[idx + 1]
    y0 = fp[idx]
    y1 = fp[idx + 1]
    w = (r - x0) / (x1 - x0)
    y = y0 + w * (y1 - y0)
    y = jnp.where(r < xp[0], fp[0], y)
    y = jnp.where(r > xp[-1], fp[-1], y)
    return y


def _forward(vals, time, masks, l_t, W, b):
    # getGlimpseTimesteps: linspace for i in [1, 5] -> [NGLIMPSE, NGRAN]
    lin = jnp.stack([jnp.linspace(-GWIDTH * i / 2.0, GWIDTH * i / 2.0, NGLIMPSE) for i in [1, 5]]).T
    out_b = []
    for bi in range(B):
        t_i = time[bi]
        v_i = vals[bi]
        l = l_t[bi]
        rows = []
        for vi in range(V):
            m = masks[bi, :, vi]
            n_obs = jnp.sum(m.astype(jnp.int32))
            # push unobserved timesteps to the end, sort, then pad tail so
            # the padded region repeats the last observed value
            t_eff = jnp.where(m, t_i, jnp.float32(1e9))
            order = jnp.argsort(t_eff)
            t_s = t_eff[order]
            v_s = v_i[:, vi][order]
            last_idx = jnp.clip(n_obs - 1, 0, T - 1)
            last_t = t_s[last_idx]
            last_v = v_s[last_idx]
            pos_i = jnp.arange(T)
            pad = pos_i >= n_obs
            pos_f = pos_i.astype(t_s.dtype)
            t_s = jnp.where(pad, last_t + (pos_f - n_obs.astype(t_s.dtype) + 1.0), t_s)
            v_s = jnp.where(pad, last_v, v_s)
            # denormalize by max observed timestep, shift by location l
            ref = (lin + l[0]) * last_t  # [NGLIMPSE, NGRAN]
            gl = [_lin_interp(ref[:, G], t_s, v_s) for G in range(NGRAN)]
            glimpse_multi = jnp.stack(gl).reshape(-1)  # [NGRAN*NGLIMPSE]
            val = jnp.sum(jnp.where(m, v_i[:, vi], 0.0))
            glimpse_one = jnp.ones(NGRAN * NGLIMPSE, dtype=vals.dtype) * val
            glimpse_zero = jnp.zeros(NGRAN * NGLIMPSE, dtype=vals.dtype)
            glimpse = jnp.where(n_obs > 1, glimpse_multi,
                                jnp.where(n_obs == 1, glimpse_one, glimpse_zero))
            rows.append(glimpse)
        out_b.append(jnp.stack(rows))  # [V, NGRAN*NGLIMPSE]
    g = jnp.stack(out_b).reshape(B, -1)  # [B, V*NGRAN*NGLIMPSE]
    grep = jnp.concatenate([g, l_t], axis=1) @ W.T + b
    return grep, g[:, g.shape[1] // 2]


def setup_inputs(seed: int = 0):
    key = jax.random.key(seed)
    ks = jax.random.split(key, 6)
    vals = jax.random.normal(ks[0], (B, T, V), dtype=jnp.float32)
    # strictly increasing timestamps (cumsum of positive increments)
    time = jnp.cumsum(jax.random.uniform(ks[1], (B, T), dtype=jnp.float32) + 1e-3, axis=1)
    masks = jax.random.randint(ks[2], (B, T, V), 0, 2).astype(bool)
    lengths = jnp.full((B,), T, dtype=jnp.int32)
    l_t = jax.random.uniform(ks[3], (B, 1), dtype=jnp.float32)
    fan_in = V * NGRAN * NGLIMPSE + 1
    W = jax.random.normal(ks[4], (NHID, fan_in), dtype=jnp.float32) * (1.0 / np.sqrt(fan_in))
    bb = jnp.zeros((NHID,), dtype=jnp.float32)
    return {"vals": vals, "time": time, "masks": masks, "lengths": lengths, "l_t": l_t, "W": W, "b": bb}


def reference(vals, time, masks, lengths, l_t, W, b):
    return _forward(vals, time, masks, l_t, W, b)

if __name__ == "__main__":
    import jax
    _d = setup_inputs()
    print(jax.jit(kernel)(*tuple(_d.values())))

</pallas_src>

<mosaic_0001>
#map = affine_map<(d0, d1) -> (0, 0, 0)>
#map1 = affine_map<(d0, d1) -> (0, 0)>
module attributes {stable_mosaic.version = 14 : i64} {
  func.func @body(%arg0: i32, %arg1: i32, %arg2: memref<8x32x2048xf32, #tpu.memory_space<hbm>>, %arg3: memref<8x2048xf32, #tpu.memory_space<hbm>>, %arg4: memref<8x16xf32, #tpu.memory_space<hbm>>, %arg5: memref<8x1024xf32, #tpu.memory_space<hbm>>, %arg6: memref<2048xf32, #tpu.memory_space<vmem>>, %arg7: memref<4096xf32, #tpu.memory_space<vmem>>, %arg8: memref<2064xf32, #tpu.memory_space<vmem>>, %arg9: memref<2064xf32, #tpu.memory_space<vmem>>, %arg10: memref<16xf32, #tpu.memory_space<vmem>>, %arg11: memref<256xf32, #tpu.memory_space<vmem>>, %arg12: memref<!tpu.dma_semaphore, #tpu.memory_space<semaphore_mem>>, %arg13: memref<!tpu.dma_semaphore, #tpu.memory_space<semaphore_mem>>) attributes {dimension_semantics = [#tpu.dimension_semantics<core_parallel>, #tpu.dimension_semantics<subcore_parallel>], iteration_bounds = array<i64: 2, 16>, scalar_prefetch = 0 : i64, scratch_operands = 8 : i64, tpu.core_type = #tpu.core_type<sc_vector_subcore>, window_params = [{transform_indices = #map}, {transform_indices = #map1}, {transform_indices = #map1}, {transform_indices = #map1}]} {
    %mul3A = arith.constant 2 : i32
    %mul3A_0 = arith.muli %arg1, %mul3A : i32
    %add3A = arith.addi %mul3A_0, %arg0 : i32
    %jit3A = arith.constant 4 : i32
    %div3A = arith.divsi %add3A, %jit3A : i32
    %sign3A = arith.constant 0 : i32
    %sign3A_1 = arith.cmpi sgt, %add3A, %sign3A : i32
    %sign3A_2 = arith.extui %sign3A_1 : i1 to i32
    %sign3A_3 = arith.constant 0 : i32
    %sign3A_4 = arith.cmpi slt, %add3A, %sign3A_3 : i32
    %sign3A_5 = arith.extui %sign3A_4 : i1 to i32
    %sign3A_6 = arith.subi %sign3A_2, %sign3A_5 : i32
    %sign3A_7 = arith.constant 0 : i32
    %sign3A_8 = arith.cmpi sgt, %jit3A, %sign3A_7 : i32
    %sign3A_9 = arith.extui %sign3A_8 : i1 to i32
    %sign3A_10 = arith.constant 0 : i32
    %sign3A_11 = arith.cmpi slt, %jit3A, %sign3A_10 : i32
    %sign3A_12 = arith.extui %sign3A_11 : i1 to i32
    %sign3A_13 = arith.subi %sign3A_9, %sign3A_12 : i32
    %ne3A = arith.cmpi ne, %sign3A_6, %sign3A_13 : i32
    %rem3A = arith.remsi %add3A, %jit3A : i32
    %ne3A_14 = arith.constant 0 : i32
    %ne3A_15 = arith.cmpi ne, %rem3A, %ne3A_14 : i32
    %and3A = arith.andi %ne3A, %ne3A_15 : i1
    %sub3A = arith.constant 1 : i32
    %sub3A_16 = arith.subi %div3A, %sub3A : i32
    %select_n3A = arith.select %and3A, %sub3A_16, %div3A : i32
    %jit3A_17 = arith.constant 4 : i32
    %eq3A = arith.constant 0 : i32
    %eq3A_18 = arith.cmpi eq, %jit3A_17, %eq3A : i32
    %jit3A_19 = arith.constant 1 : i32
    %select_n3A_20 = arith.select %eq3A_18, %jit3A_19, %jit3A_17 : i32
    %rem3A_21 = arith.remsi %add3A, %select_n3A_20 : i32
    %ne3A_22 = arith.constant 0 : i32
    %ne3A_23 = arith.cmpi ne, %rem3A_21, %ne3A_22 : i32
    %lt3A = arith.constant 0 : i32
    %lt3A_24 = arith.cmpi slt, %rem3A_21, %lt3A : i32
    %lt3A_25 = arith.constant 0 : i32
    %lt3A_26 = arith.cmpi slt, %select_n3A_20, %lt3A_25 : i32
    %ne3A_27 = arith.xori %lt3A_24, %lt3A_26 : i1
    %and3A_28 = arith.andi %ne3A_27, %ne3A_23 : i1
    %add3A_29 = arith.addi %rem3A_21, %select_n3A_20 : i32
    %select_n3A_30 = arith.select %and3A_28, %add3A_29, %rem3A_21 : i32
    %mul3A_31 = arith.constant 8 : i32
    %mul3A_32 = arith.muli %select_n3A_30, %mul3A_31 : i32
    %add3A_33 = arith.constant 0 : i32
    %add3A_34 = arith.addi %mul3A_32, %add3A_33 : i32
    %dma_start3A = arith.constant 0 : i32
    %dma_start3A_35 = tpu.memref_slice %arg7[%dma_start3A] : memref<4096xf32, #tpu.memory_space<vmem>> -> memref<2048xf32, #tpu.memory_space<vmem>>
    %dma_start3A_36 = arith.constant 0 : i32
    %dma_start3A_37 = tpu.memref_slice %arg2[%select_n3A, %add3A_34, %dma_start3A_36] : memref<8x32x2048xf32, #tpu.memory_space<hbm>> -> memref<1x1x2048xf32, #tpu.memory_space<hbm>>
    %dma_start3A_38 = tpu.memref_squeeze %dma_start3A_37 : memref<1x1x2048xf32, #tpu.memory_space<hbm>> -> memref<2048xf32, #tpu.memory_space<hbm>>
    %dma_start3A_39 = arith.constant 0 : i32
    %dma_start3A_40 = tpu.memref_slice %arg7[%dma_start3A_39] : memref<4096xf32, #tpu.memory_space<vmem>> -> memref<2048xf32, #tpu.memory_space<vmem>>
    %dma_start3A_41 = arith.constant 0 : i32
    %dma_start3A_42 = tpu.memref_slice %arg2[%select_n3A, %add3A_34, %dma_start3A_41] : memref<8x32x2048xf32, #tpu.memory_space<hbm>> -> memref<1x1x2048xf32, #tpu.memory_space<hbm>>
    %dma_start3A_43 = tpu.memref_squeeze %dma_start3A_42 : memref<1x1x2048xf32, #tpu.memory_space<hbm>> -> memref<2048xf32, #tpu.memory_space<hbm>>
    tpu.enqueue_dma source(%dma_start3A_43 : memref<2048xf32, #tpu.memory_space<hbm>>) target(%dma_start3A_40 : memref<2048xf32, #tpu.memory_space<vmem>>) target_semaphore(%arg12 : memref<!tpu.dma_semaphore, #tpu.memory_space<semaphore_mem>>)
    "tpu.region"() ({
      %run_scoped3A = tpu.sem_alloc : memref<!tpu.dma_semaphore, #tpu.memory_space<semaphore_mem>>
      %dma_start3A_3126 = arith.constant 0 : i32
      %dma_start3A_3127 = tpu.memref_slice %arg3[%select_n3A, %dma_start3A_3126] : memref<8x2048xf32, #tpu.memory_space<hbm>> -> memref<1x2048xf32, #tpu.memory_space<hbm>>
      %dma_start3A_3128 = tpu.memref_squeeze %dma_start3A_3127 : memref<1x2048xf32, #tpu.memory_space<hbm>> -> memref<2048xf32, #tpu.memory_space<hbm>>
      %dma_start3A_3129 = arith.constant 0 : i32
      %dma_start3A_3130 = tpu.memref_slice %arg3[%select_n3A, %dma_start3A_3129] : memref<8x2048xf32, #tpu.memory_space<hbm>> -> memref<1x2048xf32, #tpu.memory_space<hbm>>
      %dma_start3A_3131 = tpu.memref_squeeze %dma_start3A_3130 : memref<1x2048xf32, #tpu.memory_space<hbm>> -> memref<2048xf32, #tpu.memory_space<hbm>>
      tpu.enqueue_dma source(%dma_start3A_3131 : memref<2048xf32, #tpu.memory_space<hbm>>) target(%arg6 : memref<2048xf32, #tpu.memory_space<vmem>>) target_semaphore(%run_scoped3A : memref<!tpu.dma_semaphore, #tpu.memory_space<semaphore_mem>>)
      %dma_wait3A_3132 = arith.constant 0 : i32
      %dma_wait3A_3133 = tpu.memref_slice %arg3[%select_n3A, %dma_wait3A_3132] : memref<8x2048xf32, #tpu.memory_space<hbm>> -> memref<1x2048xf32, #tpu.memory_space<hbm>>
      %dma_wait3A_3134 = tpu.memref_squeeze %dma_wait3A_3133 : memref<1x2048xf32, #tpu.memory_space<hbm>> -> memref<2048xf32, #tpu.memory_space<hbm>>
      %dma_wait3A_3135 = arith.constant 0 : i32
      %dma_wait3A_3136 = tpu.memref_slice %arg3[%select_n3A, %dma_wait3A_3135] : memref<8x2048xf32, #tpu.memory_space<hbm>> -> memref<1x2048xf32, #tpu.memory_space<hbm>>
      %dma_wait3A_3137 = tpu.memref_squeeze %dma_wait3A_3136 : memref<1x2048xf32, #tpu.memory_space<hbm>> -> memref<2048xf32, #tpu.memory_space<hbm>>
      tpu.wait_dma2 semaphore(%run_scoped3A : memref<!tpu.dma_semaphore, #tpu.memory_space<semaphore_mem>>) src(%dma_wait3A_3137 : memref<2048xf32, #tpu.memory_space<hbm>>) dst(%arg6 : memref<2048xf32, #tpu.memory_space<vmem>>)
      tpu.yield
    }) : () -> ()
    "tpu.region"() ({
      %run_scoped3A = tpu.sem_alloc : memref<!tpu.dma_semaphore, #tpu.memory_space<semaphore_mem>>
      %dma_start3A_3126 = arith.constant 0 : i32
      %dma_start3A_3127 = tpu.memref_slice %arg4[%select_n3A, %dma_start3A_3126] : memref<8x16xf32, #tpu.memory_space<hbm>> -> memref<1x16xf32, #tpu.memory_space<hbm>>
      %dma_start3A_3128 = tpu.memref_squeeze %dma_start3A_3127 : memref<1x16xf32, #tpu.memory_space<hbm>> -> memref<16xf32, #tpu.memory_space<hbm>>
      %dma_start3A_3129 = arith.constant 0 : i32
      %dma_start3A_3130 = tpu.memref_slice %arg4[%select_n3A, %dma_start3A_3129] : memref<8x16xf32, #tpu.memory_space<hbm>> -> memref<1x16xf32, #tpu.memory_space<hbm>>
      %dma_start3A_3131 = tpu.memref_squeeze %dma_start3A_3130 : memref<1x16xf32, #tpu.memory_space<hbm>> -> memref<16xf32, #tpu.memory_space<hbm>>
      tpu.enqueue_dma source(%dma_start3A_3131 : memref<16xf32, #tpu.memory_space<hbm>>) target(%arg10 : memref<16xf32, #tpu.memory_space<vmem>>) target_semaphore(%run_scoped3A : memref<!tpu.dma_semaphore, #tpu.memory_space<semaphore_mem>>)
      %dma_wait3A_3132 = arith.constant 0 : i32
      %dma_wait3A_3133 = tpu.memref_slice %arg4[%select_n3A, %dma_wait3A_3132] : memref<8x16xf32, #tpu.memory_space<hbm>> -> memref<1x16xf32, #tpu.memory_space<hbm>>
      %dma_wait3A_3134 = tpu.memref_squeeze %dma_wait3A_3133 : memref<1x16xf32, #tpu.memory_space<hbm>> -> memref<16xf32, #tpu.memory_space<hbm>>
      %dma_wait3A_3135 = arith.constant 0 : i32
      %dma_wait3A_3136 = tpu.memref_slice %arg4[%select_n3A, %dma_wait3A_3135] : memref<8x16xf32, #tpu.memory_space<hbm>> -> memref<1x16xf32, #tpu.memory_space<hbm>>
      %dma_wait3A_3137 = tpu.memref_squeeze %dma_wait3A_3136 : memref<1x16xf32, #tpu.memory_space<hbm>> -> memref<16xf32, #tpu.memory_space<hbm>>
      tpu.wait_dma2 semaphore(%run_scoped3A : memref<!tpu.dma_semaphore, #tpu.memory_space<semaphore_mem>>) src(%dma_wait3A_3137 : memref<16xf32, #tpu.memory_space<hbm>>) dst(%arg10 : memref<16xf32, #tpu.memory_space<vmem>>)
      tpu.yield
    }) : () -> ()
    %get3A = arith.constant 0 : index
    %get3A_44 = tpu.vector_load %arg10[%get3A] {strides = array<i32>} : memref<16xf32, #tpu.memory_space<vmem>>, vector<16xf32>,
    %iota3A = tpu.iota {dimensions = array<i32: 0>} : vector<16xi32>
    %convert_element_type3A = arith.sitofp %iota3A : vector<16xi32> to vector<16xf32>
    %mul3A_45 = arith.constant 0.00666666683 : f32
    %mul3A_46 = vector.broadcast %mul3A_45 : f32 to vector<16xf32>
    %mul3A_47 = arith.mulf %convert_element_type3A, %mul3A_46 : vector<16xf32>
    %add3A_48 = arith.constant -5.000000e-02 : f32
    %add3A_49 = vector.broadcast %add3A_48 : f32 to vector<16xf32>
    %add3A_50 = arith.addf %mul3A_47, %add3A_49 : vector<16xf32>
    %mul3A_51 = arith.constant 0.0333333351 : f32
    %mul3A_52 = vector.broadcast %mul3A_51 : f32 to vector<16xf32>
    %mul3A_53 = arith.mulf %convert_element_type3A, %mul3A_52 : vector<16xf32>
    %add3A_54 = arith.constant -2.500000e-01 : f32
    %add3A_55 = vector.broadcast %add3A_54 : f32 to vector<16xf32>
    %add3A_56 = arith.addf %mul3A_53, %add3A_55 : vector<16xf32>
    %add3A_57 = arith.constant 1 : i32
    %add3A_58 = arith.addi %mul3A_32, %add3A_57 : i32
    %dma_start3A_59 = arith.constant 2048 : i32
    %dma_start3A_60 = tpu.memref_slice %arg7[%dma_start3A_59] : memref<4096xf32, #tpu.memory_space<vmem>> -> memref<2048xf32, #tpu.memory_space<vmem>>
    %dma_start3A_61 = arith.constant 0 : i32
    %dma_start3A_62 = tpu.memref_slice %arg2[%select_n3A, %add3A_58, %dma_start3A_61] : memref<8x32x2048xf32, #tpu.memory_space<hbm>> -> memref<1x1x2048xf32, #tpu.memory_space<hbm>>
    %dma_start3A_63 = tpu.memref_squeeze %dma_start3A_62 : memref<1x1x2048xf32, #tpu.memory_space<hbm>> -> memref<2048xf32, #tpu.memory_space<hbm>>
    %dma_start3A_64 = arith.constant 2048 : i32
    %dma_start3A_65 = tpu.memref_slice %arg7[%dma_start3A_64] : memref<4096xf32, #tpu.memory_space<vmem>> -> memref<2048xf32, #tpu.memory_space<vmem>>
    %dma_start3A_66 = arith.constant 0 : i32
    %dma_start3A_67 = tpu.memref_slice %arg2[%select_n3A, %add3A_58, %dma_start3A_66] : memref<8x32x2048xf32, #tpu.memory_space<hbm>> -> memref<1x1x2048xf32, #tpu.memory_space<hbm>>
    %dma_start3A_68 = tpu.memref_squeeze %dma_start3A_67 : memref<1x1x2048xf32, #tpu.memory_space<hbm>> -> memref<2048xf32, #tpu.memory_space<hbm>>
    tpu.enqueue_dma source(%dma_start3A_68 : memref<2048xf32, #tpu.memory_space<hbm>>) target(%dma_start3A_65 : memref<2048xf32, #tpu.memory_space<vmem>>) target_semaphore(%arg13 : memref<!tpu.dma_semaphore, #tpu.memory_space<semaphore_mem>>)
    %dma_wait3A = arith.constant 0 : i32
    %dma_wait3A_69 = tpu.memref_slice %arg7[%dma_wait3A] : memref<4096xf32, #tpu.memory_space<vmem>> -> memref<2048xf32, #tpu.memory_space<vmem>>
    %dma_wait3A_70 = arith.constant 0 : i32
    %dma_wait3A_71 = tpu.memref_slice %arg2[%select_n3A, %add3A_34, %dma_wait3A_70] : memref<8x32x2048xf32, #tpu.memory_space<hbm>> -> memref<1x1x2048xf32, #tpu.memory_space<hbm>>
    %dma_wait3A_72 = tpu.memref_squeeze %dma_wait3A_71 : memref<1x1x2048xf32, #tpu.memory_space<hbm>> -> memref<2048xf32, #tpu.memory_space<hbm>>
    %dma_wait3A_73 = arith.constant 0 : i32
    %dma_wait3A_74 = tpu.memref_slice %arg7[%dma_wait3A_73] : memref<4096xf32, #tpu.memory_space<vmem>> -> memref<2048xf32, #tpu.memory_space<vmem>>
    %dma_wait3A_75 = arith.constant 0 : i32
    %dma_wait3A_76 = tpu.memref_slice %arg2[%select_n3A, %add3A_34, %dma_wait3A_75] : memref<8x32x2048xf32, #tpu.memory_space<hbm>> -> memref<1x1x2048xf32, #tpu.memory_space<hbm>>
    %dma_wait3A_77 = tpu.memref_squeeze %dma_wait3A_76 : memref<1x1x2048xf32, #tpu.memory_space<hbm>> -> memref<2048xf32, #tpu.memory_space<hbm>>
    tpu.wait_dma2 semaphore(%arg12 : memref<!tpu.dma_semaphore, #tpu.memory_space<semaphore_mem>>) src(%dma_wait3A_77 : memref<2048xf32, #tpu.memory_space<hbm>>) dst(%dma_wait3A_74 : memref<2048xf32, #tpu.memory_space<vmem>>)
    %broadcast_in_dim3A = arith.constant 0 : i32
    %broadcast_in_dim3A_78 = vector.broadcast %broadcast_in_dim3A : i32 to vector<16xi32>
    %parallel_loop3A = arith.constant 0 : i32
    %parallel_loop3A_79 = arith.constant 128 : i32
    %parallel_loop3A_80 = arith.constant 1 : i32
    %parallel_loop3A_81 = scf.for %parallel_loop3A_3126 = %parallel_loop3A to %parallel_loop3A_79 step %parallel_loop3A_80 iter_args(%parallel_loop3A_3127 = %broadcast_in_dim3A_78) -> (vector<16xi32>)  : i32 {
      %parallel_loop3A_3128 = arith.constant 16 : i32
      %parallel_loop3A_3129 = arith.muli %parallel_loop3A_3126, %parallel_loop3A_3128 : i32
      %parallel_loop3A_3130 = arith.constant 0 : i32
      %parallel_loop3A_3131 = arith.addi %parallel_loop3A_3130, %parallel_loop3A_3129 : i32
      %parallel_loop3A_3132 = arith.index_cast %parallel_loop3A_3131 : i32 to index
      %parallel_loop3A_3133 = tpu.vector_load %arg7[%parallel_loop3A_3132] {strides = array<i32>} : memref<4096xf32, #tpu.memory_space<vmem>>, vector<16xf32>,
      %parallel_loop3A_3134 = arith.cmpf oeq, %parallel_loop3A_3133, %parallel_loop3A_3133 : vector<16xf32>
      %parallel_loop3A_3135 = arith.extui %parallel_loop3A_3134 : vector<16xi1> to vector<16xi32>
      %parallel_loop3A_3136 = arith.constant true
      %parallel_loop3A_3137 = vector.broadcast %parallel_loop3A_3136 : i1 to vector<16xi1>
      %parallel_loop3A_3138 = tpu.scan <sum>, %parallel_loop3A_3135 masked %parallel_loop3A_3137 : vector<16xi32>, vector<16xi1> -> vector<16xi32>
      %parallel_loop3A_3139 = arith.addi %parallel_loop3A_3127, %parallel_loop3A_3138 : vector<16xi32>
      %parallel_loop3A_3140 = arith.constant 1 : i32
      %parallel_loop3A_3141 = vector.broadcast %parallel_loop3A_3140 : i32 to vector<16xi32>
      %parallel_loop3A_3142 = arith.subi %parallel_loop3A_3139, %parallel_loop3A_3141 : vector<16xi32>
      %parallel_loop3A_3143 = arith.index_cast %parallel_loop3A_3129 : i32 to index
      %parallel_loop3A_3144 = tpu.vector_load %arg6[%parallel_loop3A_3143] {strides = array<i32>} : memref<2048xf32, #tpu.memory_space<vmem>>, vector<16xf32>,
      tpu.vector_store_idx %arg8[%parallel_loop3A_3142], %parallel_loop3A_3144 masked %parallel_loop3A_3134 : memref<2064xf32, #tpu.memory_space<vmem>>[vector<16xi32>], vector<16xf32>, vector<16xi1>
      tpu.vector_store_idx %arg9[%parallel_loop3A_3142], %parallel_loop3A_3133 masked %parallel_loop3A_3134 : memref<2064xf32, #tpu.memory_space<vmem>>[vector<16xi32>], vector<16xf32>, vector<16xi1>
      %parallel_loop3A_3145 = tpu.all_reduce %parallel_loop3A_3134 {dim = 0 : i64, kind = #tpu.reduction_kind<sum>} : vector<16xi1> -> vector<16xi32>
      %parallel_loop3A_3146 = arith.addi %parallel_loop3A_3127, %parallel_loop3A_3145 : vector<16xi32>
      scf.yield %parallel_loop3A_3146 : vector<16xi32>
    } {sc.loop_unroll_factor = 4 : i64, sc.parallel_access}
    %sub3A_82 = arith.constant 1 : i32
    %sub3A_83 = vector.broadcast %sub3A_82 : i32 to vector<16xi32>
    %sub3A_84 = arith.subi %parallel_loop3A_81, %sub3A_83 : vector<16xi32>
    %max3A = arith.constant 0 : i32
    %max3A_85 = vector.broadcast %max3A : i32 to vector<16xi32>
    %max3A_86 = arith.maxsi %sub3A_84, %max3A_85 : vector<16xi32>
    %gather3A = tpu.vector_load_idx %arg8[%max3A_86] : memref<2064xf32, #tpu.memory_space<vmem>>[vector<16xi32>], vector<16xf32>,
    %gather3A_87 = tpu.vector_load_idx %arg9[%max3A_86] : memref<2064xf32, #tpu.memory_space<vmem>>[vector<16xi32>], vector<16xf32>,
    %sub3A_88 = arith.constant 2 : i32
    %sub3A_89 = vector.broadcast %sub3A_88 : i32 to vector<16xi32>
    %sub3A_90 = arith.subi %parallel_loop3A_81, %sub3A_89 : vector<16xi32>
    %max3A_91 = arith.constant 0 : i32
    %max3A_92 = vector.broadcast %max3A_91 : i32 to vector<16xi32>
    %max3A_93 = arith.maxsi %sub3A_90, %max3A_92 : vector<16xi32>
    %add3A_94 = arith.addf %add3A_50, %get3A_44 : vector<16xf32>
    %mul3A_95 = arith.mulf %add3A_94, %gather3A : vector<16xf32>
    %broadcast_in_dim3A_96 = arith.constant 0 : i32
    %broadcast_in_dim3A_97 = vector.broadcast %broadcast_in_dim3A_96 : i32 to vector<16xi32>
    %add3A_98 = arith.constant 1024 : i32
    %add3A_99 = vector.broadcast %add3A_98 : i32 to vector<16xi32>
    %add3A_100 = arith.addi %broadcast_in_dim3A_97, %add3A_99 : vector<16xi32>
    %sub3A_101 = arith.constant 1 : i32
    %sub3A_102 = vector.broadcast %sub3A_101 : i32 to vector<16xi32>
    %sub3A_103 = arith.subi %add3A_100, %sub3A_102 : vector<16xi32>
    %min3A = arith.minsi %sub3A_103, %max3A_86 : vector<16xi32>
    %gather3A_104 = tpu.vector_load_idx %arg8[%min3A] : memref<2064xf32, #tpu.memory_space<vmem>>[vector<16xi32>], vector<16xf32>,
    %le3A = arith.cmpi sle, %add3A_100, %parallel_loop3A_81 : vector<16xi32>
    %le3A_105 = arith.cmpf ole, %gather3A_104, %mul3A_95 : vector<16xf32>
    %and3A_106 = arith.andi %le3A, %le3A_105 : vector<16xi1>
    %select_n3A_107 = arith.select %and3A_106, %add3A_100, %broadcast_in_dim3A_97 : vector<16xi1>, vector<16xi32>
    %add3A_108 = arith.constant 512 : i32
    %add3A_109 = vector.broadcast %add3A_108 : i32 to vector<16xi32>
    %add3A_110 = arith.addi %select_n3A_107, %add3A_109 : vector<16xi32>
    %sub3A_111 = arith.constant 1 : i32
    %sub3A_112 = vector.broadcast %sub3A_111 : i32 to vector<16xi32>
    %sub3A_113 = arith.subi %add3A_110, %sub3A_112 : vector<16xi32>
    %min3A_114 = arith.minsi %sub3A_113, %max3A_86 : vector<16xi32>
    %gather3A_115 = tpu.vector_load_idx %arg8[%min3A_114] : memref<2064xf32, #tpu.memory_space<vmem>>[vector<16xi32>], vector<16xf32>,
    %le3A_116 = arith.cmpi sle, %add3A_110, %parallel_loop3A_81 : vector<16xi32>
    %le3A_117 = arith.cmpf ole, %gather3A_115, %mul3A_95 : vector<16xf32>
    %and3A_118 = arith.andi %le3A_116, %le3A_117 : vector<16xi1>
    %select_n3A_119 = arith.select %and3A_118, %add3A_110, %select_n3A_107 : vector<16xi1>, vector<16xi32>
    %add3A_120 = arith.constant 256 : i32
    %add3A_121 = vector.broadcast %add3A_120 : i32 to vector<16xi32>
    %add3A_122 = arith.addi %select_n3A_119, %add3A_121 : vector<16xi32>
    %sub3A_123 = arith.constant 1 : i32
    %sub3A_124 = vector.broadcast %sub3A_123 : i32 to vector<16xi32>
    %sub3A_125 = arith.subi %add3A_122, %sub3A_124 : vector<16xi32>
    %min3A_126 = arith.minsi %sub3A_125, %max3A_86 : vector<16xi32>
    %gather3A_127 = tpu.vector_load_idx %arg8[%min3A_126] : memref<2064xf32, #tpu.memory_space<vmem>>[vector<16xi32>], vector<16xf32>,
    %le3A_128 = arith.cmpi sle, %add3A_122, %parallel_loop3A_81 : vector<16xi32>
    %le3A_129 = arith.cmpf ole, %gather3A_127, %mul3A_95 : vector<16xf32>
    %and3A_130 = arith.andi %le3A_128, %le3A_129 : vector<16xi1>
    %select_n3A_131 = arith.select %and3A_130, %add3A_122, %select_n3A_119 : vector<16xi1>, vector<16xi32>
    %add3A_132 = arith.constant 128 : i32
    %add3A_133 = vector.broadcast %add3A_132 : i32 to vector<16xi32>
    %add3A_134 = arith.addi %select_n3A_131, %add3A_133 : vector<16xi32>
    %sub3A_135 = arith.constant 1 : i32
    %sub3A_136 = vector.broadcast %sub3A_135 : i32 to vector<16xi32>
    %sub3A_137 = arith.subi %add3A_134, %sub3A_136 : vector<16xi32>
    %min3A_138 = arith.minsi %sub3A_137, %max3A_86 : vector<16xi32>
    %gather3A_139 = tpu.vector_load_idx %arg8[%min3A_138] : memref<2064xf32, #tpu.memory_space<vmem>>[vector<16xi32>], vector<16xf32>,
    %le3A_140 = arith.cmpi sle, %add3A_134, %parallel_loop3A_81 : vector<16xi32>
    %le3A_141 = arith.cmpf ole, %gather3A_139, %mul3A_95 : vector<16xf32>
    %and3A_142 = arith.andi %le3A_140, %le3A_141 : vector<16xi1>
    %select_n3A_143 = arith.select %and3A_142, %add3A_134, %select_n3A_131 : vector<16xi1>, vector<16xi32>
    %add3A_144 = arith.constant 64 : i32
    %add3A_145 = vector.broadcast %add3A_144 : i32 to vector<16xi32>
    %add3A_146 = arith.addi %select_n3A_143, %add3A_145 : vector<16xi32>
    %sub3A_147 = arith.constant 1 : i32
    %sub3A_148 = vector.broadcast %sub3A_147 : i32 to vector<16xi32>
    %sub3A_149 = arith.subi %add3A_146, %sub3A_148 : vector<16xi32>
    %min3A_150 = arith.minsi %sub3A_149, %max3A_86 : vector<16xi32>
    %gather3A_151 = tpu.vector_load_idx %arg8[%min3A_150] : memref<2064xf32, #tpu.memory_space<vmem>>[vector<16xi32>], vector<16xf32>,
    %le3A_152 = arith.cmpi sle, %add3A_146, %parallel_loop3A_81 : vector<16xi32>
    %le3A_153 = arith.cmpf ole, %gather3A_151, %mul3A_95 : vector<16xf32>
    %and3A_154 = arith.andi %le3A_152, %le3A_153 : vector<16xi1>
    %select_n3A_155 = arith.select %and3A_154, %add3A_146, %select_n3A_143 : vector<16xi1>, vector<16xi32>
    %add3A_156 = arith.constant 32 : i32
    %add3A_157 = vector.broadcast %add3A_156 : i32 to vector<16xi32>
    %add3A_158 = arith.addi %select_n3A_155, %add3A_157 : vector<16xi32>
    %sub3A_159 = arith.constant 1 : i32
    %sub3A_160 = vector.broadcast %sub3A_159 : i32 to vector<16xi32>
    %sub3A_161 = arith.subi %add3A_158, %sub3A_160 : vector<16xi32>
    %min3A_162 = arith.minsi %sub3A_161, %max3A_86 : vector<16xi32>
    %gather3A_163 = tpu.vector_load_idx %arg8[%min3A_162] : memref<2064xf32, #tpu.memory_space<vmem>>[vector<16xi32>], vector<16xf32>,
    %le3A_164 = arith.cmpi sle, %add3A_158, %parallel_loop3A_81 : vector<16xi32>
    %le3A_165 = arith.cmpf ole, %gather3A_163, %mul3A_95 : vector<16xf32>
    %and3A_166 = arith.andi %le3A_164, %le3A_165 : vector<16xi1>
    %select_n3A_167 = arith.select %and3A_166, %add3A_158, %select_n3A_155 : vector<16xi1>, vector<16xi32>
    %add3A_168 = arith.constant 16 : i32
    %add3A_169 = vector.broadcast %add3A_168 : i32 to vector<16xi32>
    %add3A_170 = arith.addi %select_n3A_167, %add3A_169 : vector<16xi32>
    %sub3A_171 = arith.constant 1 : i32
    %sub3A_172 = vector.broadcast %sub3A_171 : i32 to vector<16xi32>
    %sub3A_173 = arith.subi %add3A_170, %sub3A_172 : vector<16xi32>
    %min3A_174 = arith.minsi %sub3A_173, %max3A_86 : vector<16xi32>
    %gather3A_175 = tpu.vector_load_idx %arg8[%min3A_174] : memref<2064xf32, #tpu.memory_space<vmem>>[vector<16xi32>], vector<16xf32>,
    %le3A_176 = arith.cmpi sle, %add3A_170, %parallel_loop3A_81 : vector<16xi32>
    %le3A_177 = arith.cmpf ole, %gather3A_175, %mul3A_95 : vector<16xf32>
    %and3A_178 = arith.andi %le3A_176, %le3A_177 : vector<16xi1>
    %select_n3A_179 = arith.select %and3A_178, %add3A_170, %select_n3A_167 : vector<16xi1>, vector<16xi32>
    %add3A_180 = arith.constant 8 : i32
    %add3A_181 = vector.broadcast %add3A_180 : i32 to vector<16xi32>
    %add3A_182 = arith.addi %select_n3A_179, %add3A_181 : vector<16xi32>
    %sub3A_183 = arith.constant 1 : i32
    %sub3A_184 = vector.broadcast %sub3A_183 : i32 to vector<16xi32>
    %sub3A_185 = arith.subi %add3A_182, %sub3A_184 : vector<16xi32>
    %min3A_186 = arith.minsi %sub3A_185, %max3A_86 : vector<16xi32>
    %gather3A_187 = tpu.vector_load_idx %arg8[%min3A_186] : memref<2064xf32, #tpu.memory_space<vmem>>[vector<16xi32>], vector<16xf32>,
    %le3A_188 = arith.cmpi sle, %add3A_182, %parallel_loop3A_81 : vector<16xi32>
    %le3A_189 = arith.cmpf ole, %gather3A_187, %mul3A_95 : vector<16xf32>
    %and3A_190 = arith.andi %le3A_188, %le3A_189 : vector<16xi1>
    %select_n3A_191 = arith.select %and3A_190, %add3A_182, %select_n3A_179 : vector<16xi1>, vector<16xi32>
    %add3A_192 = arith.constant 4 : i32
    %add3A_193 = vector.broadcast %add3A_192 : i32 to vector<16xi32>
    %add3A_194 = arith.addi %select_n3A_191, %add3A_193 : vector<16xi32>
    %sub3A_195 = arith.constant 1 : i32
    %sub3A_196 = vector.broadcast %sub3A_195 : i32 to vector<16xi32>
    %sub3A_197 = arith.subi %add3A_194, %sub3A_196 : vector<16xi32>
    %min3A_198 = arith.minsi %sub3A_197, %max3A_86 : vector<16xi32>
    %gather3A_199 = tpu.vector_load_idx %arg8[%min3A_198] : memref<2064xf32, #tpu.memory_space<vmem>>[vector<16xi32>], vector<16xf32>,
    %le3A_200 = arith.cmpi sle, %add3A_194, %parallel_loop3A_81 : vector<16xi32>
    %le3A_201 = arith.cmpf ole, %gather3A_199, %mul3A_95 : vector<16xf32>
    %and3A_202 = arith.andi %le3A_200, %le3A_201 : vector<16xi1>
    %select_n3A_203 = arith.select %and3A_202, %add3A_194, %select_n3A_191 : vector<16xi1>, vector<16xi32>
    %add3A_204 = arith.constant 2 : i32
    %add3A_205 = vector.broadcast %add3A_204 : i32 to vector<16xi32>
    %add3A_206 = arith.addi %select_n3A_203, %add3A_205 : vector<16xi32>
    %sub3A_207 = arith.constant 1 : i32
    %sub3A_208 = vector.broadcast %sub3A_207 : i32 to vector<16xi32>
    %sub3A_209 = arith.subi %add3A_206, %sub3A_208 : vector<16xi32>
    %min3A_210 = arith.minsi %sub3A_209, %max3A_86 : vector<16xi32>
    %gather3A_211 = tpu.vector_load_idx %arg8[%min3A_210] : memref<2064xf32, #tpu.memory_space<vmem>>[vector<16xi32>], vector<16xf32>,
    %le3A_212 = arith.cmpi sle, %add3A_206, %parallel_loop3A_81 : vector<16xi32>
    %le3A_213 = arith.cmpf ole, %gather3A_211, %mul3A_95 : vector<16xf32>
    %and3A_214 = arith.andi %le3A_212, %le3A_213 : vector<16xi1>
    %select_n3A_215 = arith.select %and3A_214, %add3A_206, %select_n3A_203 : vector<16xi1>, vector<16xi32>
    %add3A_216 = arith.constant 1 : i32
    %add3A_217 = vector.broadcast %add3A_216 : i32 to vector<16xi32>
    %add3A_218 = arith.addi %select_n3A_215, %add3A_217 : vector<16xi32>
    %sub3A_219 = arith.constant 1 : i32
    %sub3A_220 = vector.broadcast %sub3A_219 : i32 to vector<16xi32>
    %sub3A_221 = arith.subi %add3A_218, %sub3A_220 : vector<16xi32>
    %min3A_222 = arith.minsi %sub3A_221, %max3A_86 : vector<16xi32>
    %gather3A_223 = tpu.vector_load_idx %arg8[%min3A_222] : memref<2064xf32, #tpu.memory_space<vmem>>[vector<16xi32>], vector<16xf32>,
    %le3A_224 = arith.cmpi sle, %add3A_218, %parallel_loop3A_81 : vector<16xi32>
    %le3A_225 = arith.cmpf ole, %gather3A_223, %mul3A_95 : vector<16xf32>
    %and3A_226 = arith.andi %le3A_224, %le3A_225 : vector<16xi1>
    %select_n3A_227 = arith.select %and3A_226, %add3A_218, %select_n3A_215 : vector<16xi1>, vector<16xi32>
    %sub3A_228 = arith.constant 1 : i32
    %sub3A_229 = vector.broadcast %sub3A_228 : i32 to vector<16xi32>
    %sub3A_230 = arith.subi %select_n3A_227, %sub3A_229 : vector<16xi32>
    %jit3A_231 = arith.constant 0 : i32
    %max3A_232 = vector.broadcast %jit3A_231 : i32 to vector<16xi32>
    %max3A_233 = arith.maxsi %max3A_232, %sub3A_230 : vector<16xi32>
    %min3A_234 = arith.minsi %max3A_93, %max3A_233 : vector<16xi32>
    %add3A_235 = arith.constant 1 : i32
    %add3A_236 = vector.broadcast %add3A_235 : i32 to vector<16xi32>
    %add3A_237 = arith.addi %min3A_234, %add3A_236 : vector<16xi32>
    %gather3A_238 = tpu.vector_load_idx %arg8[%min3A_234] : memref<2064xf32, #tpu.memory_space<vmem>>[vector<16xi32>], vector<16xf32>,
    %gather3A_239 = tpu.vector_load_idx %arg8[%add3A_237] : memref<2064xf32, #tpu.memory_space<vmem>>[vector<16xi32>], vector<16xf32>,
    %gather3A_240 = tpu.vector_load_idx %arg9[%min3A_234] : memref<2064xf32, #tpu.memory_space<vmem>>[vector<16xi32>], vector<16xf32>,
    %gather3A_241 = tpu.vector_load_idx %arg9[%add3A_237] : memref<2064xf32, #tpu.memory_space<vmem>>[vector<16xi32>], vector<16xf32>,
    %sub3A_242 = arith.subf %mul3A_95, %gather3A_238 : vector<16xf32>
    %sub3A_243 = arith.subf %gather3A_239, %gather3A_238 : vector<16xf32>
    %div3A_244 = arith.divf %sub3A_242, %sub3A_243 : vector<16xf32>
    %sub3A_245 = arith.subf %gather3A_241, %gather3A_240 : vector<16xf32>
    %mul3A_246 = arith.mulf %div3A_244, %sub3A_245 : vector<16xf32>
    %add3A_247 = arith.addf %gather3A_240, %mul3A_246 : vector<16xf32>
    %lt3A_248 = arith.cmpf olt, %mul3A_95, %gather3A_238 : vector<16xf32>
    %select_n3A_249 = arith.select %lt3A_248, %gather3A_240, %add3A_247 : vector<16xi1>, vector<16xf32>
    %gt3A = arith.cmpf ogt, %mul3A_95, %gather3A : vector<16xf32>
    %select_n3A_250 = arith.select %gt3A, %gather3A_87, %select_n3A_249 : vector<16xi1>, vector<16xf32>
    %eq3A_251 = arith.constant 1 : i32
    %eq3A_252 = vector.broadcast %eq3A_251 : i32 to vector<16xi32>
    %eq3A_253 = arith.cmpi eq, %parallel_loop3A_81, %eq3A_252 : vector<16xi32>
    %select_n3A_254 = arith.select %eq3A_253, %gather3A_87, %select_n3A_250 : vector<16xi1>, vector<16xf32>
    %eq3A_255 = arith.constant 0 : i32
    %eq3A_256 = vector.broadcast %eq3A_255 : i32 to vector<16xi32>
    %eq3A_257 = arith.cmpi eq, %parallel_loop3A_81, %eq3A_256 : vector<16xi32>
    %broadcast_in_dim3A_258 = arith.constant 0.000000e+00 : f32
    %broadcast_in_dim3A_259 = vector.broadcast %broadcast_in_dim3A_258 : f32 to vector<16xf32>
    %select_n3A_260 = arith.select %eq3A_257, %broadcast_in_dim3A_259, %select_n3A_254 : vector<16xi1>, vector<16xf32>
    %swap3A = arith.constant 0 : index
    %swap3A_261 = tpu.vector_load %arg11[%swap3A] {strides = array<i32>} : memref<256xf32, #tpu.memory_space<vmem>>, vector<16xf32>,
    tpu.vector_store %arg11[%swap3A], %select_n3A_260 {strides = array<i32>} : memref<256xf32, #tpu.memory_space<vmem>>, vector<16xf32>,
    %add3A_262 = arith.addf %add3A_56, %get3A_44 : vector<16xf32>
    %mul3A_263 = arith.mulf %add3A_262, %gather3A : vector<16xf32>
    %broadcast_in_dim3A_264 = arith.constant 0 : i32
    %broadcast_in_dim3A_265 = vector.broadcast %broadcast_in_dim3A_264 : i32 to vector<16xi32>
    %add3A_266 = arith.constant 1024 : i32
    %add3A_267 = vector.broadcast %add3A_266 : i32 to vector<16xi32>
    %add3A_268 = arith.addi %broadcast_in_dim3A_265, %add3A_267 : vector<16xi32>
    %sub3A_269 = arith.constant 1 : i32
    %sub3A_270 = vector.broadcast %sub3A_269 : i32 to vector<16xi32>
    %sub3A_271 = arith.subi %add3A_268, %sub3A_270 : vector<16xi32>
    %min3A_272 = arith.minsi %sub3A_271, %max3A_86 : vector<16xi32>
    %gather3A_273 = tpu.vector_load_idx %arg8[%min3A_272] : memref<2064xf32, #tpu.memory_space<vmem>>[vector<16xi32>], vector<16xf32>,
    %le3A_274 = arith.cmpi sle, %add3A_268, %parallel_loop3A_81 : vector<16xi32>
    %le3A_275 = arith.cmpf ole, %gather3A_273, %mul3A_263 : vector<16xf32>
    %and3A_276 = arith.andi %le3A_274, %le3A_275 : vector<16xi1>
    %select_n3A_277 = arith.select %and3A_276, %add3A_268, %broadcast_in_dim3A_265 : vector<16xi1>, vector<16xi32>
    %add3A_278 = arith.constant 512 : i32
    %add3A_279 = vector.broadcast %add3A_278 : i32 to vector<16xi32>
    %add3A_280 = arith.addi %select_n3A_277, %add3A_279 : vector<16xi32>
    %sub3A_281 = arith.constant 1 : i32
    %sub3A_282 = vector.broadcast %sub3A_281 : i32 to vector<16xi32>
    %sub3A_283 = arith.subi %add3A_280, %sub3A_282 : vector<16xi32>
    %min3A_284 = arith.minsi %sub3A_283, %max3A_86 : vector<16xi32>
    %gather3A_285 = tpu.vector_load_idx %arg8[%min3A_284] : memref<2064xf32, #tpu.memory_space<vmem>>[vector<16xi32>], vector<16xf32>,
    %le3A_286 = arith.cmpi sle, %add3A_280, %parallel_loop3A_81 : vector<16xi32>
    %le3A_287 = arith.cmpf ole, %gather3A_285, %mul3A_263 : vector<16xf32>
    %and3A_288 = arith.andi %le3A_286, %le3A_287 : vector<16xi1>
    %select_n3A_289 = arith.select %and3A_288, %add3A_280, %select_n3A_277 : vector<16xi1>, vector<16xi32>
    %add3A_290 = arith.constant 256 : i32
    %add3A_291 = vector.broadcast %add3A_290 : i32 to vector<16xi32>
    %add3A_292 = arith.addi %select_n3A_289, %add3A_291 : vector<16xi32>
    %sub3A_293 = arith.constant 1 : i32
    %sub3A_294 = vector.broadcast %sub3A_293 : i32 to vector<16xi32>
    %sub3A_295 = arith.subi %add3A_292, %sub3A_294 : vector<16xi32>
    %min3A_296 = arith.minsi %sub3A_295, %max3A_86 : vector<16xi32>
    %gather3A_297 = tpu.vector_load_idx %arg8[%min3A_296] : memref<2064xf32, #tpu.memory_space<vmem>>[vector<16xi32>], vector<16xf32>,
    %le3A_298 = arith.cmpi sle, %add3A_292, %parallel_loop3A_81 : vector<16xi32>
    %le3A_299 = arith.cmpf ole, %gather3A_297, %mul3A_263 : vector<16xf32>
    %and3A_300 = arith.andi %le3A_298, %le3A_299 : vector<16xi1>
    %select_n3A_301 = arith.select %and3A_300, %add3A_292, %select_n3A_289 : vector<16xi1>, vector<16xi32>
    %add3A_302 = arith.constant 128 : i32
    %add3A_303 = vector.broadcast %add3A_302 : i32 to vector<16xi32>
    %add3A_304 = arith.addi %select_n3A_301, %add3A_303 : vector<16xi32>
    %sub3A_305 = arith.constant 1 : i32
    %sub3A_306 = vector.broadcast %sub3A_305 : i32 to vector<16xi32>
    %sub3A_307 = arith.subi %add3A_304, %sub3A_306 : vector<16xi32>
    %min3A_308 = arith.minsi %sub3A_307, %max3A_86 : vector<16xi32>
    %gather3A_309 = tpu.vector_load_idx %arg8[%min3A_308] : memref<2064xf32, #tpu.memory_space<vmem>>[vector<16xi32>], vector<16xf32>,
    %le3A_310 = arith.cmpi sle, %add3A_304, %parallel_loop3A_81 : vector<16xi32>
    %le3A_311 = arith.cmpf ole, %gather3A_309, %mul3A_263 : vector<16xf32>
    %and3A_312 = arith.andi %le3A_310, %le3A_311 : vector<16xi1>
    %select_n3A_313 = arith.select %and3A_312, %add3A_304, %select_n3A_301 : vector<16xi1>, vector<16xi32>
    %add3A_314 = arith.constant 64 : i32
    %add3A_315 = vector.broadcast %add3A_314 : i32 to vector<16xi32>
    %add3A_316 = arith.addi %select_n3A_313, %add3A_315 : vector<16xi32>
    %sub3A_317 = arith.constant 1 : i32
    %sub3A_318 = vector.broadcast %sub3A_317 : i32 to vector<16xi32>
    %sub3A_319 = arith.subi %add3A_316, %sub3A_318 : vector<16xi32>
    %min3A_320 = arith.minsi %sub3A_319, %max3A_86 : vector<16xi32>
    %gather3A_321 = tpu.vector_load_idx %arg8[%min3A_320] : memref<2064xf32, #tpu.memory_space<vmem>>[vector<16xi32>], vector<16xf32>,
    %le3A_322 = arith.cmpi sle, %add3A_316, %parallel_loop3A_81 : vector<16xi32>
    %le3A_323 = arith.cmpf ole, %gather3A_321, %mul3A_263 : vector<16xf32>
    %and3A_324 = arith.andi %le3A_322, %le3A_323 : vector<16xi1>
    %select_n3A_325 = arith.select %and3A_324, %add3A_316, %select_n3A_313 : vector<16xi1>, vector<16xi32>
    %add3A_326 = arith.constant 32 : i32
    %add3A_327 = vector.broadcast %add3A_326 : i32 to vector<16xi32>
    %add3A_328 = arith.addi %select_n3A_325, %add3A_327 : vector<16xi32>
    %sub3A_329 = arith.constant 1 : i32
    %sub3A_330 = vector.broadcast %sub3A_329 : i32 to vector<16xi32>
    %sub3A_331 = arith.subi %add3A_328, %sub3A_330 : vector<16xi32>
    %min3A_332 = arith.minsi %sub3A_331, %max3A_86 : vector<16xi32>
    %gather3A_333 = tpu.vector_load_idx %arg8[%min3A_332] : memref<2064xf32, #tpu.memory_space<vmem>>[vector<16xi32>], vector<16xf32>,
    %le3A_334 = arith.cmpi sle, %add3A_328, %parallel_loop3A_81 : vector<16xi32>
    %le3A_335 = arith.cmpf ole, %gather3A_333, %mul3A_263 : vector<16xf32>
    %and3A_336 = arith.andi %le3A_334, %le3A_335 : vector<16xi1>
    %select_n3A_337 = arith.select %and3A_336, %add3A_328, %select_n3A_325 : vector<16xi1>, vector<16xi32>
    %add3A_338 = arith.constant 16 : i32
    %add3A_339 = vector.broadcast %add3A_338 : i32 to vector<16xi32>
    %add3A_340 = arith.addi %select_n3A_337, %add3A_339 : vector<16xi32>
    %sub3A_341 = arith.constant 1 : i32
    %sub3A_342 = vector.broadcast %sub3A_341 : i32 to vector<16xi32>
    %sub3A_343 = arith.subi %add3A_340, %sub3A_342 : vector<16xi32>
    %min3A_344 = arith.minsi %sub3A_343, %max3A_86 : vector<16xi32>
    %gather3A_345 = tpu.vector_load_idx %arg8[%min3A_344] : memref<2064xf32, #tpu.memory_space<vmem>>[vector<16xi32>], vector<16xf32>,
    %le3A_346 = arith.cmpi sle, %add3A_340, %parallel_loop3A_81 : vector<16xi32>
    %le3A_347 = arith.cmpf ole, %gather3A_345, %mul3A_263 : vector<16xf32>
    %and3A_348 = arith.andi %le3A_346, %le3A_347 : vector<16xi1>
    %select_n3A_349 = arith.select %and3A_348, %add3A_340, %select_n3A_337 : vector<16xi1>, vector<16xi32>
    %add3A_350 = arith.constant 8 : i32
    %add3A_351 = vector.broadcast %add3A_350 : i32 to vector<16xi32>
    %add3A_352 = arith.addi %select_n3A_349, %add3A_351 : vector<16xi32>
    %sub3A_353 = arith.constant 1 : i32
    %sub3A_354 = vector.broadcast %sub3A_353 : i32 to vector<16xi32>
    %sub3A_355 = arith.subi %add3A_352, %sub3A_354 : vector<16xi32>
    %min3A_356 = arith.minsi %sub3A_355, %max3A_86 : vector<16xi32>
    %gather3A_357 = tpu.vector_load_idx %arg8[%min3A_356] : memref<2064xf32, #tpu.memory_space<vmem>>[vector<16xi32>], vector<16xf32>,
    %le3A_358 = arith.cmpi sle, %add3A_352, %parallel_loop3A_81 : vector<16xi32>
    %le3A_359 = arith.cmpf ole, %gather3A_357, %mul3A_263 : vector<16xf32>
    %and3A_360 = arith.andi %le3A_358, %le3A_359 : vector<16xi1>
    %select_n3A_361 = arith.select %and3A_360, %add3A_352, %select_n3A_349 : vector<16xi1>, vector<16xi32>
    %add3A_362 = arith.constant 4 : i32
    %add3A_363 = vector.broadcast %add3A_362 : i32 to vector<16xi32>
    %add3A_364 = arith.addi %select_n3A_361, %add3A_363 : vector<16xi32>
    %sub3A_365 = arith.constant 1 : i32
    %sub3A_366 = vector.broadcast %sub3A_365 : i32 to vector<16xi32>
    %sub3A_367 = arith.subi %add3A_364, %sub3A_366 : vector<16xi32>
    %min3A_368 = arith.minsi %sub3A_367, %max3A_86 : vector<16xi32>
    %gather3A_369 = tpu.vector_load_idx %arg8[%min3A_368] : memref<2064xf32, #tpu.memory_space<vmem>>[vector<16xi32>], vector<16xf32>,
    %le3A_370 = arith.cmpi sle, %add3A_364, %parallel_loop3A_81 : vector<16xi32>
    %le3A_371 = arith.cmpf ole, %gather3A_369, %mul3A_263 : vector<16xf32>
    %and3A_372 = arith.andi %le3A_370, %le3A_371 : vector<16xi1>
    %select_n3A_373 = arith.select %and3A_372, %add3A_364, %select_n3A_361 : vector<16xi1>, vector<16xi32>
    %add3A_374 = arith.constant 2 : i32
    %add3A_375 = vector.broadcast %add3A_374 : i32 to vector<16xi32>
    %add3A_376 = arith.addi %select_n3A_373, %add3A_375 : vector<16xi32>
    %sub3A_377 = arith.constant 1 : i32
    %sub3A_378 = vector.broadcast %sub3A_377 : i32 to vector<16xi32>
    %sub3A_379 = arith.subi %add3A_376, %sub3A_378 : vector<16xi32>
    %min3A_380 = arith.minsi %sub3A_379, %max3A_86 : vector<16xi32>
    %gather3A_381 = tpu.vector_load_idx %arg8[%min3A_380] : memref<2064xf32, #tpu.memory_space<vmem>>[vector<16xi32>], vector<16xf32>,
    %le3A_382 = arith.cmpi sle, %add3A_376, %parallel_loop3A_81 : vector<16xi32>
    %le3A_383 = arith.cmpf ole, %gather3A_381, %mul3A_263 : vector<16xf32>
    %and3A_384 = arith.andi %le3A_382, %le3A_383 : vector<16xi1>
    %select_n3A_385 = arith.select %and3A_384, %add3A_376, %select_n3A_373 : vector<16xi1>, vector<16xi32>
    %add3A_386 = arith.constant 1 : i32
    %add3A_387 = vector.broadcast %add3A_386 : i32 to vector<16xi32>
    %add3A_388 = arith.addi %select_n3A_385, %add3A_387 : vector<16xi32>
    %sub3A_389 = arith.constant 1 : i32
    %sub3A_390 = vector.broadcast %sub3A_389 : i32 to vector<16xi32>
    %sub3A_391 = arith.subi %add3A_388, %sub3A_390 : vector<16xi32>
    %min3A_392 = arith.minsi %sub3A_391, %max3A_86 : vector<16xi32>
    %gather3A_393 = tpu.vector_load_idx %arg8[%min3A_392] : memref<2064xf32, #tpu.memory_space<vmem>>[vector<16xi32>], vector<16xf32>,
    %le3A_394 = arith.cmpi sle, %add3A_388, %parallel_loop3A_81 : vector<16xi32>
    %le3A_395 = arith.cmpf ole, %gather3A_393, %mul3A_263 : vector<16xf32>
    %and3A_396 = arith.andi %le3A_394, %le3A_395 : vector<16xi1>
    %select_n3A_397 = arith.select %and3A_396, %add3A_388, %select_n3A_385 : vector<16xi1>, vector<16xi32>
    %sub3A_398 = arith.constant 1 : i32
    %sub3A_399 = vector.broadcast %sub3A_398 : i32 to vector<16xi32>
    %sub3A_400 = arith.subi %select_n3A_397, %sub3A_399 : vector<16xi32>
    %jit3A_401 = arith.constant 0 : i32
    %max3A_402 = vector.broadcast %jit3A_401 : i32 to vector<16xi32>
    %max3A_403 = arith.maxsi %max3A_402, %sub3A_400 : vector<16xi32>
    %min3A_404 = arith.minsi %max3A_93, %max3A_403 : vector<16xi32>
    %add3A_405 = arith.constant 1 : i32
    %add3A_406 = vector.broadcast %add3A_405 : i32 to vector<16xi32>
    %add3A_407 = arith.addi %min3A_404, %add3A_406 : vector<16xi32>
    %gather3A_408 = tpu.vector_load_idx %arg8[%min3A_404] : memref<2064xf32, #tpu.memory_space<vmem>>[vector<16xi32>], vector<16xf32>,
    %gather3A_409 = tpu.vector_load_idx %arg8[%add3A_407] : memref<2064xf32, #tpu.memory_space<vmem>>[vector<16xi32>], vector<16xf32>,
    %gather3A_410 = tpu.vector_load_idx %arg9[%min3A_404] : memref<2064xf32, #tpu.memory_space<vmem>>[vector<16xi32>], vector<16xf32>,
    %gather3A_411 = tpu.vector_load_idx %arg9[%add3A_407] : memref<2064xf32, #tpu.memory_space<vmem>>[vector<16xi32>], vector<16xf32>,
    %sub3A_412 = arith.subf %mul3A_263, %gather3A_408 : vector<16xf32>
    %sub3A_413 = arith.subf %gather3A_409, %gather3A_408 : vector<16xf32>
    %div3A_414 = arith.divf %sub3A_412, %sub3A_413 : vector<16xf32>
    %sub3A_415 = arith.subf %gather3A_411, %gather3A_410 : vector<16xf32>
    %mul3A_416 = arith.mulf %div3A_414, %sub3A_415 : vector<16xf32>
    %add3A_417 = arith.addf %gather3A_410, %mul3A_416 : vector<16xf32>
    %lt3A_418 = arith.cmpf olt, %mul3A_263, %gather3A_408 : vector<16xf32>
    %select_n3A_419 = arith.select %lt3A_418, %gather3A_410, %add3A_417 : vector<16xi1>, vector<16xf32>
    %gt3A_420 = arith.cmpf ogt, %mul3A_263, %gather3A : vector<16xf32>
    %select_n3A_421 = arith.select %gt3A_420, %gather3A_87, %select_n3A_419 : vector<16xi1>, vector<16xf32>
    %eq3A_422 = arith.constant 1 : i32
    %eq3A_423 = vector.broadcast %eq3A_422 : i32 to vector<16xi32>
    %eq3A_424 = arith.cmpi eq, %parallel_loop3A_81, %eq3A_423 : vector<16xi32>
    %select_n3A_425 = arith.select %eq3A_424, %gather3A_87, %select_n3A_421 : vector<16xi1>, vector<16xf32>
    %eq3A_426 = arith.constant 0 : i32
    %eq3A_427 = vector.broadcast %eq3A_426 : i32 to vector<16xi32>
    %eq3A_428 = arith.cmpi eq, %parallel_loop3A_81, %eq3A_427 : vector<16xi32>
    %broadcast_in_dim3A_429 = arith.constant 0.000000e+00 : f32
    %broadcast_in_dim3A_430 = vector.broadcast %broadcast_in_dim3A_429 : f32 to vector<16xf32>
    %select_n3A_431 = arith.select %eq3A_428, %broadcast_in_dim3A_430, %select_n3A_425 : vector<16xi1>, vector<16xf32>
    %swap3A_432 = arith.constant 16 : index
    %swap3A_433 = tpu.vector_load %arg11[%swap3A_432] {strides = array<i32>} : memref<256xf32, #tpu.memory_space<vmem>>, vector<16xf32>,
    tpu.vector_store %arg11[%swap3A_432], %select_n3A_431 {strides = array<i32>} : memref<256xf32, #tpu.memory_space<vmem>>, vector<16xf32>,
    %add3A_434 = arith.constant 2 : i32
    %add3A_435 = arith.addi %mul3A_32, %add3A_434 : i32
    %dma_start3A_436 = arith.constant 0 : i32
    %dma_start3A_437 = tpu.memref_slice %arg7[%dma_start3A_436] : memref<4096xf32, #tpu.memory_space<vmem>> -> memref<2048xf32, #tpu.memory_space<vmem>>
    %dma_start3A_438 = arith.constant 0 : i32
    %dma_start3A_439 = tpu.memref_slice %arg2[%select_n3A, %add3A_435, %dma_start3A_438] : memref<8x32x2048xf32, #tpu.memory_space<hbm>> -> memref<1x1x2048xf32, #tpu.memory_space<hbm>>
    %dma_start3A_440 = tpu.memref_squeeze %dma_start3A_439 : memref<1x1x2048xf32, #tpu.memory_space<hbm>> -> memref<2048xf32, #tpu.memory_space<hbm>>
    %dma_start3A_441 = arith.constant 0 : i32
    %dma_start3A_442 = tpu.memref_slice %arg7[%dma_start3A_441] : memref<4096xf32, #tpu.memory_space<vmem>> -> memref<2048xf32, #tpu.memory_space<vmem>>
    %dma_start3A_443 = arith.constant 0 : i32
    %dma_start3A_444 = tpu.memref_slice %arg2[%select_n3A, %add3A_435, %dma_start3A_443] : memref<8x32x2048xf32, #tpu.memory_space<hbm>> -> memref<1x1x2048xf32, #tpu.memory_space<hbm>>
    %dma_start3A_445 = tpu.memref_squeeze %dma_start3A_444 : memref<1x1x2048xf32, #tpu.memory_space<hbm>> -> memref<2048xf32, #tpu.memory_space<hbm>>
    tpu.enqueue_dma source(%dma_start3A_445 : memref<2048xf32, #tpu.memory_space<hbm>>) target(%dma_start3A_442 : memref<2048xf32, #tpu.memory_space<vmem>>) target_semaphore(%arg12 : memref<!tpu.dma_semaphore, #tpu.memory_space<semaphore_mem>>)
    %dma_wait3A_446 = arith.constant 2048 : i32
    %dma_wait3A_447 = tpu.memref_slice %arg7[%dma_wait3A_446] : memref<4096xf32, #tpu.memory_space<vmem>> -> memref<2048xf32, #tpu.memory_space<vmem>>
    %dma_wait3A_448 = arith.constant 0 : i32
    %dma_wait3A_449 = tpu.memref_slice %arg2[%select_n3A, %add3A_58, %dma_wait3A_448] : memref<8x32x2048xf32, #tpu.memory_space<hbm>> -> memref<1x1x2048xf32, #tpu.memory_space<hbm>>
    %dma_wait3A_450 = tpu.memref_squeeze %dma_wait3A_449 : memref<1x1x2048xf32, #tpu.memory_space<hbm>> -> memref<2048xf32, #tpu.memory_space<hbm>>
    %dma_wait3A_451 = arith.constant 2048 : i32
    %dma_wait3A_452 = tpu.memref_slice %arg7[%dma_wait3A_451] : memref<4096xf32, #tpu.memory_space<vmem>> -> memref<2048xf32, #tpu.memory_space<vmem>>
    %dma_wait3A_453 = arith.constant 0 : i32
    %dma_wait3A_454 = tpu.memref_slice %arg2[%select_n3A, %add3A_58, %dma_wait3A_453] : memref<8x32x2048xf32, #tpu.memory_space<hbm>> -> memref<1x1x2048xf32, #tpu.memory_space<hbm>>
    %dma_wait3A_455 = tpu.memref_squeeze %dma_wait3A_454 : memref<1x1x2048xf32, #tpu.memory_space<hbm>> -> memref<2048xf32, #tpu.memory_space<hbm>>
    tpu.wait_dma2 semaphore(%arg13 : memref<!tpu.dma_semaphore, #tpu.memory_space<semaphore_mem>>) src(%dma_wait3A_455 : memref<2048xf32, #tpu.memory_space<hbm>>) dst(%dma_wait3A_452 : memref<2048xf32, #tpu.memory_space<vmem>>)
    %broadcast_in_dim3A_456 = arith.constant 0 : i32
    %broadcast_in_dim3A_457 = vector.broadcast %broadcast_in_dim3A_456 : i32 to vector<16xi32>
    %parallel_loop3A_458 = arith.constant 0 : i32
    %parallel_loop3A_459 = arith.constant 128 : i32
    %parallel_loop3A_460 = arith.constant 1 : i32
    %parallel_loop3A_461 = scf.for %parallel_loop3A_3126 = %parallel_loop3A_458 to %parallel_loop3A_459 step %parallel_loop3A_460 iter_args(%parallel_loop3A_3127 = %broadcast_in_dim3A_457) -> (vector<16xi32>)  : i32 {
      %parallel_loop3A_3128 = arith.constant 16 : i32
      %parallel_loop3A_3129 = arith.muli %parallel_loop3A_3126, %parallel_loop3A_3128 : i32
      %parallel_loop3A_3130 = arith.constant 2048 : i32
      %parallel_loop3A_3131 = arith.addi %parallel_loop3A_3130, %parallel_loop3A_3129 : i32
      %parallel_loop3A_3132 = arith.index_cast %parallel_loop3A_3131 : i32 to index
      %parallel_loop3A_3133 = tpu.vector_load %arg7[%parallel_loop3A_3132] {strides = array<i32>} : memref<4096xf32, #tpu.memory_space<vmem>>, vector<16xf32>,
      %parallel_loop3A_3134 = arith.cmpf oeq, %parallel_loop3A_3133, %parallel_loop3A_3133 : vector<16xf32>
      %parallel_loop3A_3135 = arith.extui %parallel_loop3A_3134 : vector<16xi1> to vector<16xi32>
      %parallel_loop3A_3136 = arith.constant true
      %parallel_loop3A_3137 = vector.broadcast %parallel_loop3A_3136 : i1 to vector<16xi1>
      %parallel_loop3A_3138 = tpu.scan <sum>, %parallel_loop3A_3135 masked %parallel_loop3A_3137 : vector<16xi32>, vector<16xi1> -> vector<16xi32>
      %parallel_loop3A_3139 = arith.addi %parallel_loop3A_3127, %parallel_loop3A_3138 : vector<16xi32>
      %parallel_loop3A_3140 = arith.constant 1 : i32
      %parallel_loop3A_3141 = vector.broadcast %parallel_loop3A_3140 : i32 to vector<16xi32>
      %parallel_loop3A_3142 = arith.subi %parallel_loop3A_3139, %parallel_loop3A_3141 : vector<16xi32>
      %parallel_loop3A_3143 = arith.index_cast %parallel_loop3A_3129 : i32 to index
      %parallel_loop3A_3144 = tpu.vector_load %arg6[%parallel_loop3A_3143] {strides = array<i32>} : memref<2048xf32, #tpu.memory_space<vmem>>, vector<16xf32>,
      tpu.vector_store_idx %arg8[%parallel_loop3A_3142], %parallel_loop3A_3144 masked %parallel_loop3A_3134 : memref<2064xf32, #tpu.memory_space<vmem>>[vector<16xi32>], vector<16xf32>, vector<16xi1>
      tpu.vector_store_idx %arg9[%parallel_loop3A_3142], %parallel_loop3A_3133 masked %parallel_loop3A_3134 : memref<2064xf32, #tpu.memory_space<vmem>>[vector<16xi32>], vector<16xf32>, vector<16xi1>
      %parallel_loop3A_3145 = tpu.all_reduce %parallel_loop3A_3134 {dim = 0 : i64, kind = #tpu.reduction_kind<sum>} : vector<16xi1> -> vector<16xi32>
      %parallel_loop3A_3146 = arith.addi %parallel_loop3A_3127, %parallel_loop3A_3145 : vector<16xi32>
      scf.yield %parallel_loop3A_3146 : vector<16xi32>
    } {sc.loop_unroll_factor = 4 : i64, sc.parallel_access}
    %sub3A_462 = arith.constant 1 : i32
    %sub3A_463 = vector.broadcast %sub3A_462 : i32 to vector<16xi32>
    %sub3A_464 = arith.subi %parallel_loop3A_461, %sub3A_463 : vector<16xi32>
    %max3A_465 = arith.constant 0 : i32
    %max3A_466 = vector.broadcast %max3A_465 : i32 to vector<16xi32>
    %max3A_467 = arith.maxsi %sub3A_464, %max3A_466 : vector<16xi32>
    %gather3A_468 = tpu.vector_load_idx %arg8[%max3A_467] : memref<2064xf32, #tpu.memory_space<vmem>>[vector<16xi32>], vector<16xf32>,
    %gather3A_469 = tpu.vector_load_idx %arg9[%max3A_467] : memref<2064xf32, #tpu.memory_space<vmem>>[vector<16xi32>], vector<16xf32>,
    %sub3A_470 = arith.constant 2 : i32
    %sub3A_471 = vector.broadcast %sub3A_470 : i32 to vector<16xi32>
    %sub3A_472 = arith.subi %parallel_loop3A_461, %sub3A_471 : vector<16xi32>
    %max3A_473 = arith.constant 0 : i32
    %max3A_474 = vector.broadcast %max3A_473 : i32 to vector<16xi32>
    %max3A_475 = arith.maxsi %sub3A_472, %max3A_474 : vector<16xi32>
    %add3A_476 = arith.addf %add3A_50, %get3A_44 : vector<16xf32>
    %mul3A_477 = arith.mulf %add3A_476, %gather3A_468 : vector<16xf32>
    %broadcast_in_dim3A_478 = arith.constant 0 : i32
    %broadcast_in_dim3A_479 = vector.broadcast %broadcast_in_dim3A_478 : i32 to vector<16xi32>
    %add3A_480 = arith.constant 1024 : i32
    %add3A_481 = vector.broadcast %add3A_480 : i32 to vector<16xi32>
    %add3A_482 = arith.addi %broadcast_in_dim3A_479, %add3A_481 : vector<16xi32>
    %sub3A_483 = arith.constant 1 : i32
    %sub3A_484 = vector.broadcast %sub3A_483 : i32 to vector<16xi32>
    %sub3A_485 = arith.subi %add3A_482, %sub3A_484 : vector<16xi32>
    %min3A_486 = arith.minsi %sub3A_485, %max3A_467 : vector<16xi32>
    %gather3A_487 = tpu.vector_load_idx %arg8[%min3A_486] : memref<2064xf32, #tpu.memory_space<vmem>>[vector<16xi32>], vector<16xf32>,
    %le3A_488 = arith.cmpi sle, %add3A_482, %parallel_loop3A_461 : vector<16xi32>
    %le3A_489 = arith.cmpf ole, %gather3A_487, %mul3A_477 : vector<16xf32>
    %and3A_490 = arith.andi %le3A_488, %le3A_489 : vector<16xi1>
    %select_n3A_491 = arith.select %and3A_490, %add3A_482, %broadcast_in_dim3A_479 : vector<16xi1>, vector<16xi32>
    %add3A_492 = arith.constant 512 : i32
    %add3A_493 = vector.broadcast %add3A_492 : i32 to vector<16xi32>
    %add3A_494 = arith.addi %select_n3A_491, %add3A_493 : vector<16xi32>
    %sub3A_495 = arith.constant 1 : i32
    %sub3A_496 = vector.broadcast %sub3A_495 : i32 to vector<16xi32>
    %sub3A_497 = arith.subi %add3A_494, %sub3A_496 : vector<16xi32>
    %min3A_498 = arith.minsi %sub3A_497, %max3A_467 : vector<16xi32>
    %gather3A_499 = tpu.vector_load_idx %arg8[%min3A_498] : memref<2064xf32, #tpu.memory_space<vmem>>[vector<16xi32>], vector<16xf32>,
    %le3A_500 = arith.cmpi sle, %add3A_494, %parallel_loop3A_461 : vector<16xi32>
    %le3A_501 = arith.cmpf ole, %gather3A_499, %mul3A_477 : vector<16xf32>
    %and3A_502 = arith.andi %le3A_500, %le3A_501 : vector<16xi1>
    %select_n3A_503 = arith.select %and3A_502, %add3A_494, %select_n3A_491 : vector<16xi1>, vector<16xi32>
    %add3A_504 = arith.constant 256 : i32
    %add3A_505 = vector.broadcast %add3A_504 : i32 to vector<16xi32>
    %add3A_506 = arith.addi %select_n3A_503, %add3A_505 : vector<16xi32>
    %sub3A_507 = arith.constant 1 : i32
    %sub3A_508 = vector.broadcast %sub3A_507 : i32 to vector<16xi32>
    %sub3A_509 = arith.subi %add3A_506, %sub3A_508 : vector<16xi32>
    %min3A_510 = arith.minsi %sub3A_509, %max3A_467 : vector<16xi32>
    %gather3A_511 = tpu.vector_load_idx %arg8[%min3A_510] : memref<2064xf32, #tpu.memory_space<vmem>>[vector<16xi32>], vector<16xf32>,
    %le3A_512 = arith.cmpi sle, %add3A_506, %parallel_loop3A_461 : vector<16xi32>
    %le3A_513 = arith.cmpf ole, %gather3A_511, %mul3A_477 : vector<16xf32>
    %and3A_514 = arith.andi %le3A_512, %le3A_513 : vector<16xi1>
    %select_n3A_515 = arith.select %and3A_514, %add3A_506, %select_n3A_503 : vector<16xi1>, vector<16xi32>
    %add3A_516 = arith.constant 128 : i32
    %add3A_517 = vector.broadcast %add3A_516 : i32 to vector<16xi32>
    %add3A_518 = arith.addi %select_n3A_515, %add3A_517 : vector<16xi32>
    %sub3A_519 = arith.constant 1 : i32
    %sub3A_520 = vector.broadcast %sub3A_519 : i32 to vector<16xi32>
    %sub3A_521 = arith.subi %add3A_518, %sub3A_520 : vector<16xi32>
    %min3A_522 = arith.minsi %sub3A_521, %max3A_467 : vector<16xi32>
    %gather3A_523 = tpu.vector_load_idx %arg8[%min3A_522] : memref<2064xf32, #tpu.memory_space<vmem>>[vector<16xi32>], vector<16xf32>,
    %le3A_524 = arith.cmpi sle, %add3A_518, %parallel_loop3A_461 : vector<16xi32>
    %le3A_525 = arith.cmpf ole, %gather3A_523, %mul3A_477 : vector<16xf32>
    %and3A_526 = arith.andi %le3A_524, %le3A_525 : vector<16xi1>
    %select_n3A_527 = arith.select %and3A_526, %add3A_518, %select_n3A_515 : vector<16xi1>, vector<16xi32>
    %add3A_528 = arith.constant 64 : i32
    %add3A_529 = vector.broadcast %add3A_528 : i32 to vector<16xi32>
    %add3A_530 = arith.addi %select_n3A_527, %add3A_529 : vector<16xi32>
    %sub3A_531 = arith.constant 1 : i32
    %sub3A_532 = vector.broadcast %sub3A_531 : i32 to vector<16xi32>
    %sub3A_533 = arith.subi %add3A_530, %sub3A_532 : vector<16xi32>
    %min3A_534 = arith.minsi %sub3A_533, %max3A_467 : vector<16xi32>
    %gather3A_535 = tpu.vector_load_idx %arg8[%min3A_534] : memref<2064xf32, #tpu.memory_space<vmem>>[vector<16xi32>], vector<16xf32>,
    %le3A_536 = arith.cmpi sle, %add3A_530, %parallel_loop3A_461 : vector<16xi32>
    %le3A_537 = arith.cmpf ole, %gather3A_535, %mul3A_477 : vector<16xf32>
    %and3A_538 = arith.andi %le3A_536, %le3A_537 : vector<16xi1>
    %select_n3A_539 = arith.select %and3A_538, %add3A_530, %select_n3A_527 : vector<16xi1>, vector<16xi32>
    %add3A_540 = arith.constant 32 : i32
    %add3A_541 = vector.broadcast %add3A_540 : i32 to vector<16xi32>
    %add3A_542 = arith.addi %select_n3A_539, %add3A_541 : vector<16xi32>
    %sub3A_543 = arith.constant 1 : i32
    %sub3A_544 = vector.broadcast %sub3A_543 : i32 to vector<16xi32>
    %sub3A_545 = arith.subi %add3A_542, %sub3A_544 : vector<16xi32>
    %min3A_546 = arith.minsi %sub3A_545, %max3A_467 : vector<16xi32>
    %gather3A_547 = tpu.vector_load_idx %arg8[%min3A_546] : memref<2064xf32, #tpu.memory_space<vmem>>[vector<16xi32>], vector<16xf32>,
    %le3A_548 = arith.cmpi sle, %add3A_542, %parallel_loop3A_461 : vector<16xi32>
    %le3A_549 = arith.cmpf ole, %gather3A_547, %mul3A_477 : vector<16xf32>
    %and3A_550 = arith.andi %le3A_548, %le3A_549 : vector<16xi1>
    %select_n3A_551 = arith.select %and3A_550, %add3A_542, %select_n3A_539 : vector<16xi1>, vector<16xi32>
    %add3A_552 = arith.constant 16 : i32
    %add3A_553 = vector.broadcast %add3A_552 : i32 to vector<16xi32>
    %add3A_554 = arith.addi %select_n3A_551, %add3A_553 : vector<16xi32>
    %sub3A_555 = arith.constant 1 : i32
    %sub3A_556 = vector.broadcast %sub3A_555 : i32 to vector<16xi32>
    %sub3A_557 = arith.subi %add3A_554, %sub3A_556 : vector<16xi32>
    %min3A_558 = arith.minsi %sub3A_557, %max3A_467 : vector<16xi32>
    %gather3A_559 = tpu.vector_load_idx %arg8[%min3A_558] : memref<2064xf32, #tpu.memory_space<vmem>>[vector<16xi32>], vector<16xf32>,
    %le3A_560 = arith.cmpi sle, %add3A_554, %parallel_loop3A_461 : vector<16xi32>
    %le3A_561 = arith.cmpf ole, %gather3A_559, %mul3A_477 : vector<16xf32>
    %and3A_562 = arith.andi %le3A_560, %le3A_561 : vector<16xi1>
    %select_n3A_563 = arith.select %and3A_562, %add3A_554, %select_n3A_551 : vector<16xi1>, vector<16xi32>
    %add3A_564 = arith.constant 8 : i32
    %add3A_565 = vector.broadcast %add3A_564 : i32 to vector<16xi32>
    %add3A_566 = arith.addi %select_n3A_563, %add3A_565 : vector<16xi32>
    %sub3A_567 = arith.constant 1 : i32
    %sub3A_568 = vector.broadcast %sub3A_567 : i32 to vector<16xi32>
    %sub3A_569 = arith.subi %add3A_566, %sub3A_568 : vector<16xi32>
    %min3A_570 = arith.minsi %sub3A_569, %max3A_467 : vector<16xi32>
    %gather3A_571 = tpu.vector_load_idx %arg8[%min3A_570] : memref<2064xf32, #tpu.memory_space<vmem>>[vector<16xi32>], vector<16xf32>,
    %le3A_572 = arith.cmpi sle, %add3A_566, %parallel_loop3A_461 : vector<16xi32>
    %le3A_573 = arith.cmpf ole, %gather3A_571, %mul3A_477 : vector<16xf32>
    %and3A_574 = arith.andi %le3A_572, %le3A_573 : vector<16xi1>
    %select_n3A_575 = arith.select %and3A_574, %add3A_566, %select_n3A_563 : vector<16xi1>, vector<16xi32>
    %add3A_576 = arith.constant 4 : i32
    %add3A_577 = vector.broadcast %add3A_576 : i32 to vector<16xi32>
    %add3A_578 = arith.addi %select_n3A_575, %add3A_577 : vector<16xi32>
    %sub3A_579 = arith.constant 1 : i32
    %sub3A_580 = vector.broadcast %sub3A_579 : i32 to vector<16xi32>
    %sub3A_581 = arith.subi %add3A_578, %sub3A_580 : vector<16xi32>
    %min3A_582 = arith.minsi %sub3A_581, %max3A_467 : vector<16xi32>
    %gather3A_583 = tpu.vector_load_idx %arg8[%min3A_582] : memref<2064xf32, #tpu.memory_space<vmem>>[vector<16xi32>], vector<16xf32>,
    %le3A_584 = arith.cmpi sle, %add3A_578, %parallel_loop3A_461 : vector<16xi32>
    %le3A_585 = arith.cmpf ole, %gather3A_583, %mul3A_477 : vector<16xf32>
    %and3A_586 = arith.andi %le3A_584, %le3A_585 : vector<16xi1>
    %select_n3A_587 = arith.select %and3A_586, %add3A_578, %select_n3A_575 : vector<16xi1>, vector<16xi32>
    %add3A_588 = arith.constant 2 : i32
    %add3A_589 = vector.broadcast %add3A_588 : i32 to vector<16xi32>
    %add3A_590 = arith.addi %select_n3A_587, %add3A_589 : vector<16xi32>
    %sub3A_591 = arith.constant 1 : i32
    %sub3A_592 = vector.broadcast %sub3A_591 : i32 to vector<16xi32>
    %sub3A_593 = arith.subi %add3A_590, %sub3A_592 : vector<16xi32>
    %min3A_594 = arith.minsi %sub3A_593, %max3A_467 : vector<16xi32>
    %gather3A_595 = tpu.vector_load_idx %arg8[%min3A_594] : memref<2064xf32, #tpu.memory_space<vmem>>[vector<16xi32>], vector<16xf32>,
    %le3A_596 = arith.cmpi sle, %add3A_590, %parallel_loop3A_461 : vector<16xi32>
    %le3A_597 = arith.cmpf ole, %gather3A_595, %mul3A_477 : vector<16xf32>
    %and3A_598 = arith.andi %le3A_596, %le3A_597 : vector<16xi1>
    %select_n3A_599 = arith.select %and3A_598, %add3A_590, %select_n3A_587 : vector<16xi1>, vector<16xi32>
    %add3A_600 = arith.constant 1 : i32
    %add3A_601 = vector.broadcast %add3A_600 : i32 to vector<16xi32>
    %add3A_602 = arith.addi %select_n3A_599, %add3A_601 : vector<16xi32>
    %sub3A_603 = arith.constant 1 : i32
    %sub3A_604 = vector.broadcast %sub3A_603 : i32 to vector<16xi32>
    %sub3A_605 = arith.subi %add3A_602, %sub3A_604 : vector<16xi32>
    %min3A_606 = arith.minsi %sub3A_605, %max3A_467 : vector<16xi32>
    %gather3A_607 = tpu.vector_load_idx %arg8[%min3A_606] : memref<2064xf32, #tpu.memory_space<vmem>>[vector<16xi32>], vector<16xf32>,
    %le3A_608 = arith.cmpi sle, %add3A_602, %parallel_loop3A_461 : vector<16xi32>
    %le3A_609 = arith.cmpf ole, %gather3A_607, %mul3A_477 : vector<16xf32>
    %and3A_610 = arith.andi %le3A_608, %le3A_609 : vector<16xi1>
    %select_n3A_611 = arith.select %and3A_610, %add3A_602, %select_n3A_599 : vector<16xi1>, vector<16xi32>
    %sub3A_612 = arith.constant 1 : i32
    %sub3A_613 = vector.broadcast %sub3A_612 : i32 to vector<16xi32>
    %sub3A_614 = arith.subi %select_n3A_611, %sub3A_613 : vector<16xi32>
    %jit3A_615 = arith.constant 0 : i32
    %max3A_616 = vector.broadcast %jit3A_615 : i32 to vector<16xi32>
    %max3A_617 = arith.maxsi %max3A_616, %sub3A_614 : vector<16xi32>
    %min3A_618 = arith.minsi %max3A_475, %max3A_617 : vector<16xi32>
    %add3A_619 = arith.constant 1 : i32
    %add3A_620 = vector.broadcast %add3A_619 : i32 to vector<16xi32>
    %add3A_621 = arith.addi %min3A_618, %add3A_620 : vector<16xi32>
    %gather3A_622 = tpu.vector_load_idx %arg8[%min3A_618] : memref<2064xf32, #tpu.memory_space<vmem>>[vector<16xi32>], vector<16xf32>,
    %gather3A_623 = tpu.vector_load_idx %arg8[%add3A_621] : memref<2064xf32, #tpu.memory_space<vmem>>[vector<16xi32>], vector<16xf32>,
    %gather3A_624 = tpu.vector_load_idx %arg9[%min3A_618] : memref<2064xf32, #tpu.memory_space<vmem>>[vector<16xi32>], vector<16xf32>,
    %gather3A_625 = tpu.vector_load_idx %arg9[%add3A_621] : memref<2064xf32, #tpu.memory_space<vmem>>[vector<16xi32>], vector<16xf32>,
    %sub3A_626 = arith.subf %mul3A_477, %gather3A_622 : vector<16xf32>
    %sub3A_627 = arith.subf %gather3A_623, %gather3A_622 : vector<16xf32>
    %div3A_628 = arith.divf %sub3A_626, %sub3A_627 : vector<16xf32>
    %sub3A_629 = arith.subf %gather3A_625, %gather3A_624 : vector<16xf32>
    %mul3A_630 = arith.mulf %div3A_628, %sub3A_629 : vector<16xf32>
    %add3A_631 = arith.addf %gather3A_624, %mul3A_630 : vector<16xf32>
    %lt3A_632 = arith.cmpf olt, %mul3A_477, %gather3A_622 : vector<16xf32>
    %select_n3A_633 = arith.select %lt3A_632, %gather3A_624, %add3A_631 : vector<16xi1>, vector<16xf32>
    %gt3A_634 = arith.cmpf ogt, %mul3A_477, %gather3A_468 : vector<16xf32>
    %select_n3A_635 = arith.select %gt3A_634, %gather3A_469, %select_n3A_633 : vector<16xi1>, vector<16xf32>
    %eq3A_636 = arith.constant 1 : i32
    %eq3A_637 = vector.broadcast %eq3A_636 : i32 to vector<16xi32>
    %eq3A_638 = arith.cmpi eq, %parallel_loop3A_461, %eq3A_637 : vector<16xi32>
    %select_n3A_639 = arith.select %eq3A_638, %gather3A_469, %select_n3A_635 : vector<16xi1>, vector<16xf32>
    %eq3A_640 = arith.constant 0 : i32
    %eq3A_641 = vector.broadcast %eq3A_640 : i32 to vector<16xi32>
    %eq3A_642 = arith.cmpi eq, %parallel_loop3A_461, %eq3A_641 : vector<16xi32>
    %broadcast_in_dim3A_643 = arith.constant 0.000000e+00 : f32
    %broadcast_in_dim3A_644 = vector.broadcast %broadcast_in_dim3A_643 : f32 to vector<16xf32>
    %select_n3A_645 = arith.select %eq3A_642, %broadcast_in_dim3A_644, %select_n3A_639 : vector<16xi1>, vector<16xf32>
    %swap3A_646 = arith.constant 32 : index
    %swap3A_647 = tpu.vector_load %arg11[%swap3A_646] {strides = array<i32>} : memref<256xf32, #tpu.memory_space<vmem>>, vector<16xf32>,
    tpu.vector_store %arg11[%swap3A_646], %select_n3A_645 {strides = array<i32>} : memref<256xf32, #tpu.memory_space<vmem>>, vector<16xf32>,
    %add3A_648 = arith.addf %add3A_56, %get3A_44 : vector<16xf32>
    %mul3A_649 = arith.mulf %add3A_648, %gather3A_468 : vector<16xf32>
    %broadcast_in_dim3A_650 = arith.constant 0 : i32
    %broadcast_in_dim3A_651 = vector.broadcast %broadcast_in_dim3A_650 : i32 to vector<16xi32>
    %add3A_652 = arith.constant 1024 : i32
    %add3A_653 = vector.broadcast %add3A_652 : i32 to vector<16xi32>
    %add3A_654 = arith.addi %broadcast_in_dim3A_651, %add3A_653 : vector<16xi32>
    %sub3A_655 = arith.constant 1 : i32
    %sub3A_656 = vector.broadcast %sub3A_655 : i32 to vector<16xi32>
    %sub3A_657 = arith.subi %add3A_654, %sub3A_656 : vector<16xi32>
    %min3A_658 = arith.minsi %sub3A_657, %max3A_467 : vector<16xi32>
    %gather3A_659 = tpu.vector_load_idx %arg8[%min3A_658] : memref<2064xf32, #tpu.memory_space<vmem>>[vector<16xi32>], vector<16xf32>,
    %le3A_660 = arith.cmpi sle, %add3A_654, %parallel_loop3A_461 : vector<16xi32>
    %le3A_661 = arith.cmpf ole, %gather3A_659, %mul3A_649 : vector<16xf32>
    %and3A_662 = arith.andi %le3A_660, %le3A_661 : vector<16xi1>
    %select_n3A_663 = arith.select %and3A_662, %add3A_654, %broadcast_in_dim3A_651 : vector<16xi1>, vector<16xi32>
    %add3A_664 = arith.constant 512 : i32
    %add3A_665 = vector.broadcast %add3A_664 : i32 to vector<16xi32>
    %add3A_666 = arith.addi %select_n3A_663, %add3A_665 : vector<16xi32>
    %sub3A_667 = arith.constant 1 : i32
    %sub3A_668 = vector.broadcast %sub3A_667 : i32 to vector<16xi32>
    %sub3A_669 = arith.subi %add3A_666, %sub3A_668 : vector<16xi32>
    %min3A_670 = arith.minsi %sub3A_669, %max3A_467 : vector<16xi32>
    %gather3A_671 = tpu.vector_load_idx %arg8[%min3A_670] : memref<2064xf32, #tpu.memory_space<vmem>>[vector<16xi32>], vector<16xf32>,
    %le3A_672 = arith.cmpi sle, %add3A_666, %parallel_loop3A_461 : vector<16xi32>
    %le3A_673 = arith.cmpf ole, %gather3A_671, %mul3A_649 : vector<16xf32>
    %and3A_674 = arith.andi %le3A_672, %le3A_673 : vector<16xi1>
    %select_n3A_675 = arith.select %and3A_674, %add3A_666, %select_n3A_663 : vector<16xi1>, vector<16xi32>
    %add3A_676 = arith.constant 256 : i32
    %add3A_677 = vector.broadcast %add3A_676 : i32 to vector<16xi32>
    %add3A_678 = arith.addi %select_n3A_675, %add3A_677 : vector<16xi32>
    %sub3A_679 = arith.constant 1 : i32
    %sub3A_680 = vector.broadcast %sub3A_679 : i32 to vector<16xi32>
    %sub3A_681 = arith.subi %add3A_678, %sub3A_680 : vector<16xi32>
    %min3A_682 = arith.minsi %sub3A_681, %max3A_467 : vector<16xi32>
    %gather3A_683 = tpu.vector_load_idx %arg8[%min3A_682] : memref<2064xf32, #tpu.memory_space<vmem>>[vector<16xi32>], vector<16xf32>,
    %le3A_684 = arith.cmpi sle, %add3A_678, %parallel_loop3A_461 : vector<16xi32>
    %le3A_685 = arith.cmpf ole, %gather3A_683, %mul3A_649 : vector<16xf32>
    %and3A_686 = arith.andi %le3A_684, %le3A_685 : vector<16xi1>
    %select_n3A_687 = arith.select %and3A_686, %add3A_678, %select_n3A_675 : vector<16xi1>, vector<16xi32>
    %add3A_688 = arith.constant 128 : i32
    %add3A_689 = vector.broadcast %add3A_688 : i32 to vector<16xi32>
    %add3A_690 = arith.addi %select_n3A_687, %add3A_689 : vector<16xi32>
    %sub3A_691 = arith.constant 1 : i32
    %sub3A_692 = vector.broadcast %sub3A_691 : i32 to vector<16xi32>
    %sub3A_693 = arith.subi %add3A_690, %sub3A_692 : vector<16xi32>
    %min3A_694 = arith.minsi %sub3A_693, %max3A_467 : vector<16xi32>
    %gather3A_695 = tpu.vector_load_idx %arg8[%min3A_694] : memref<2064xf32, #tpu.memory_space<vmem>>[vector<16xi32>], vector<16xf32>,
    %le3A_696 = arith.cmpi sle, %add3A_690, %parallel_loop3A_461 : vector<16xi32>
    %le3A_697 = arith.cmpf ole, %gather3A_695, %mul3A_649 : vector<16xf32>
    %and3A_698 = arith.andi %le3A_696, %le3A_697 : vector<16xi1>
    %select_n3A_699 = arith.select %and3A_698, %add3A_690, %select_n3A_687 : vector<16xi1>, vector<16xi32>
    %add3A_700 = arith.constant 64 : i32
    %add3A_701 = vector.broadcast %add3A_700 : i32 to vector<16xi32>
    %add3A_702 = arith.addi %select_n3A_699, %add3A_701 : vector<16xi32>
    %sub3A_703 = arith.constant 1 : i32
    %sub3A_704 = vector.broadcast %sub3A_703 : i32 to vector<16xi32>
    %sub3A_705 = arith.subi %add3A_702, %sub3A_704 : vector<16xi32>
    %min3A_706 = arith.minsi %sub3A_705, %max3A_467 : vector<16xi32>
    %gather3A_707 = tpu.vector_load_idx %arg8[%min3A_706] : memref<2064xf32, #tpu.memory_space<vmem>>[vector<16xi32>], vector<16xf32>,
    %le3A_708 = arith.cmpi sle, %add3A_702, %parallel_loop3A_461 : vector<16xi32>
    %le3A_709 = arith.cmpf ole, %gather3A_707, %mul3A_649 : vector<16xf32>
    %and3A_710 = arith.andi %le3A_708, %le3A_709 : vector<16xi1>
    %select_n3A_711 = arith.select %and3A_710, %add3A_702, %select_n3A_699 : vector<16xi1>, vector<16xi32>
    %add3A_712 = arith.constant 32 : i32
    %add3A_713 = vector.broadcast %add3A_712 : i32 to vector<16xi32>
    %add3A_714 = arith.addi %select_n3A_711, %add3A_713 : vector<16xi32>
    %sub3A_715 = arith.constant 1 : i32
    %sub3A_716 = vector.broadcast %sub3A_715 : i32 to vector<16xi32>
    %sub3A_717 = arith.subi %add3A_714, %sub3A_716 : vector<16xi32>
    %min3A_718 = arith.minsi %sub3A_717, %max3A_467 : vector<16xi32>
    %gather3A_719 = tpu.vector_load_idx %arg8[%min3A_718] : memref<2064xf32, #tpu.memory_space<vmem>>[vector<16xi32>], vector<16xf32>,
    %le3A_720 = arith.cmpi sle, %add3A_714, %parallel_loop3A_461 : vector<16xi32>
    %le3A_721 = arith.cmpf ole, %gather3A_719, %mul3A_649 : vector<16xf32>
    %and3A_722 = arith.andi %le3A_720, %le3A_721 : vector<16xi1>
    %select_n3A_723 = arith.select %and3A_722, %add3A_714, %select_n3A_711 : vector<16xi1>, vector<16xi32>
    %add3A_724 = arith.constant 16 : i32
    %add3A_725 = vector.broadcast %add3A_724 : i32 to vector<16xi32>
    %add3A_726 = arith.addi %select_n3A_723, %add3A_725 : vector<16xi32>
    %sub3A_727 = arith.constant 1 : i32
    %sub3A_728 = vector.broadcast %sub3A_727 : i32 to vector<16xi32>
    %sub3A_729 = arith.subi %add3A_726, %sub3A_728 : vector<16xi32>
    %min3A_730 = arith.minsi %sub3A_729, %max3A_467 : vector<16xi32>
    %gather3A_731 = tpu.vector_load_idx %arg8[%min3A_730] : memref<2064xf32, #tpu.memory_space<vmem>>[vector<16xi32>], vector<16xf32>,
    %le3A_732 = arith.cmpi sle, %add3A_726, %parallel_loop3A_461 : vector<16xi32>
    %le3A_733 = arith.cmpf ole, %gather3A_731, %mul3A_649 : vector<16xf32>
    %and3A_734 = arith.andi %le3A_732, %le3A_733 : vector<16xi1>
    %select_n3A_735 = arith.select %and3A_734, %add3A_726, %select_n3A_723 : vector<16xi1>, vector<16xi32>
    %add3A_736 = arith.constant 8 : i32
    %add3A_737 = vector.broadcast %add3A_736 : i32 to vector<16xi32>
    %add3A_738 = arith.addi %select_n3A_735, %add3A_737 : vector<16xi32>
    %sub3A_739 = arith.constant 1 : i32
    %sub3A_740 = vector.broadcast %sub3A_739 : i32 to vector<16xi32>
    %sub3A_741 = arith.subi %add3A_738, %sub3A_740 : vector<16xi32>
    %min3A_742 = arith.minsi %sub3A_741, %max3A_467 : vector<16xi32>
    %gather3A_743 = tpu.vector_load_idx %arg8[%min3A_742] : memref<2064xf32, #tpu.memory_space<vmem>>[vector<16xi32>], vector<16xf32>,
    %le3A_744 = arith.cmpi sle, %add3A_738, %parallel_loop3A_461 : vector<16xi32>
    %le3A_745 = arith.cmpf ole, %gather3A_743, %mul3A_649 : vector<16xf32>
    %and3A_746 = arith.andi %le3A_744, %le3A_745 : vector<16xi1>
    %select_n3A_747 = arith.select %and3A_746, %add3A_738, %select_n3A_735 : vector<16xi1>, vector<16xi32>
    %add3A_748 = arith.constant 4 : i32
    %add3A_749 = vector.broadcast %add3A_748 : i32 to vector<16xi32>
    %add3A_750 = arith.addi %select_n3A_747, %add3A_749 : vector<16xi32>
    %sub3A_751 = arith.constant 1 : i32
    %sub3A_752 = vector.broadcast %sub3A_751 : i32 to vector<16xi32>
    %sub3A_753 = arith.subi %add3A_750, %sub3A_752 : vector<16xi32>
    %min3A_754 = arith.minsi %sub3A_753, %max3A_467 : vector<16xi32>
    %gather3A_755 = tpu.vector_load_idx %arg8[%min3A_754] : memref<2064xf32, #tpu.memory_space<vmem>>[vector<16xi32>], vector<16xf32>,
    %le3A_756 = arith.cmpi sle, %add3A_750, %parallel_loop3A_461 : vector<16xi32>
    %le3A_757 = arith.cmpf ole, %gather3A_755, %mul3A_649 : vector<16xf32>
    %and3A_758 = arith.andi %le3A_756, %le3A_757 : vector<16xi1>
    %select_n3A_759 = arith.select %and3A_758, %add3A_750, %select_n3A_747 : vector<16xi1>, vector<16xi32>
    %add3A_760 = arith.constant 2 : i32
    %add3A_761 = vector.broadcast %add3A_760 : i32 to vector<16xi32>
    %add3A_762 = arith.addi %select_n3A_759, %add3A_761 : vector<16xi32>
    %sub3A_763 = arith.constant 1 : i32
    %sub3A_764 = vector.broadcast %sub3A_763 : i32 to vector<16xi32>
    %sub3A_765 = arith.subi %add3A_762, %sub3A_764 : vector<16xi32>
    %min3A_766 = arith.minsi %sub3A_765, %max3A_467 : vector<16xi32>
    %gather3A_767 = tpu.vector_load_idx %arg8[%min3A_766] : memref<2064xf32, #tpu.memory_space<vmem>>[vector<16xi32>], vector<16xf32>,
    %le3A_768 = arith.cmpi sle, %add3A_762, %parallel_loop3A_461 : vector<16xi32>
    %le3A_769 = arith.cmpf ole, %gather3A_767, %mul3A_649 : vector<16xf32>
    %and3A_770 = arith.andi %le3A_768, %le3A_769 : vector<16xi1>
    %select_n3A_771 = arith.select %and3A_770, %add3A_762, %select_n3A_759 : vector<16xi1>, vector<16xi32>
    %add3A_772 = arith.constant 1 : i32
    %add3A_773 = vector.broadcast %add3A_772 : i32 to vector<16xi32>
    %add3A_774 = arith.addi %select_n3A_771, %add3A_773 : vector<16xi32>
    %sub3A_775 = arith.constant 1 : i32
    %sub3A_776 = vector.broadcast %sub3A_775 : i32 to vector<16xi32>
    %sub3A_777 = arith.subi %add3A_774, %sub3A_776 : vector<16xi32>
    %min3A_778 = arith.minsi %sub3A_777, %max3A_467 : vector<16xi32>
    %gather3A_779 = tpu.vector_load_idx %arg8[%min3A_778] : memref<2064xf32, #tpu.memory_space<vmem>>[vector<16xi32>], vector<16xf32>,
    %le3A_780 = arith.cmpi sle, %add3A_774, %parallel_loop3A_461 : vector<16xi32>
    %le3A_781 = arith.cmpf ole, %gather3A_779, %mul3A_649 : vector<16xf32>
    %and3A_782 = arith.andi %le3A_780, %le3A_781 : vector<16xi1>
    %select_n3A_783 = arith.select %and3A_782, %add3A_774, %select_n3A_771 : vector<16xi1>, vector<16xi32>
    %sub3A_784 = arith.constant 1 : i32
    %sub3A_785 = vector.broadcast %sub3A_784 : i32 to vector<16xi32>
    %sub3A_786 = arith.subi %select_n3A_783, %sub3A_785 : vector<16xi32>
    %jit3A_787 = arith.constant 0 : i32
    %max3A_788 = vector.broadcast %jit3A_787 : i32 to vector<16xi32>
    %max3A_789 = arith.maxsi %max3A_788, %sub3A_786 : vector<16xi32>
    %min3A_790 = arith.minsi %max3A_475, %max3A_789 : vector<16xi32>
    %add3A_791 = arith.constant 1 : i32
    %add3A_792 = vector.broadcast %add3A_791 : i32 to vector<16xi32>
    %add3A_793 = arith.addi %min3A_790, %add3A_792 : vector<16xi32>
    %gather3A_794 = tpu.vector_load_idx %arg8[%min3A_790] : memref<2064xf32, #tpu.memory_space<vmem>>[vector<16xi32>], vector<16xf32>,
    %gather3A_795 = tpu.vector_load_idx %arg8[%add3A_793] : memref<2064xf32, #tpu.memory_space<vmem>>[vector<16xi32>], vector<16xf32>,
    %gather3A_796 = tpu.vector_load_idx %arg9[%min3A_790] : memref<2064xf32, #tpu.memory_space<vmem>>[vector<16xi32>], vector<16xf32>,
    %gather3A_797 = tpu.vector_load_idx %arg9[%add3A_793] : memref<2064xf32, #tpu.memory_space<vmem>>[vector<16xi32>], vector<16xf32>,
    %sub3A_798 = arith.subf %mul3A_649, %gather3A_794 : vector<16xf32>
    %sub3A_799 = arith.subf %gather3A_795, %gather3A_794 : vector<16xf32>
    %div3A_800 = arith.divf %sub3A_798, %sub3A_799 : vector<16xf32>
    %sub3A_801 = arith.subf %gather3A_797, %gather3A_796 : vector<16xf32>
    %mul3A_802 = arith.mulf %div3A_800, %sub3A_801 : vector<16xf32>
    %add3A_803 = arith.addf %gather3A_796, %mul3A_802 : vector<16xf32>
    %lt3A_804 = arith.cmpf olt, %mul3A_649, %gather3A_794 : vector<16xf32>
    %select_n3A_805 = arith.select %lt3A_804, %gather3A_796, %add3A_803 : vector<16xi1>, vector<16xf32>
    %gt3A_806 = arith.cmpf ogt, %mul3A_649, %gather3A_468 : vector<16xf32>
    %select_n3A_807 = arith.select %gt3A_806, %gather3A_469, %select_n3A_805 : vector<16xi1>, vector<16xf32>
    %eq3A_808 = arith.constant 1 : i32
    %eq3A_809 = vector.broadcast %eq3A_808 : i32 to vector<16xi32>
    %eq3A_810 = arith.cmpi eq, %parallel_loop3A_461, %eq3A_809 : vector<16xi32>
    %select_n3A_811 = arith.select %eq3A_810, %gather3A_469, %select_n3A_807 : vector<16xi1>, vector<16xf32>
    %eq3A_812 = arith.constant 0 : i32
    %eq3A_813 = vector.broadcast %eq3A_812 : i32 to vector<16xi32>
    %eq3A_814 = arith.cmpi eq, %parallel_loop3A_461, %eq3A_813 : vector<16xi32>
    %broadcast_in_dim3A_815 = arith.constant 0.000000e+00 : f32
    %broadcast_in_dim3A_816 = vector.broadcast %broadcast_in_dim3A_815 : f32 to vector<16xf32>
    %select_n3A_817 = arith.select %eq3A_814, %broadcast_in_dim3A_816, %select_n3A_811 : vector<16xi1>, vector<16xf32>
    %swap3A_818 = arith.constant 48 : index
    %swap3A_819 = tpu.vector_load %arg11[%swap3A_818] {strides = array<i32>} : memref<256xf32, #tpu.memory_space<vmem>>, vector<16xf32>,
    tpu.vector_store %arg11[%swap3A_818], %select_n3A_817 {strides = array<i32>} : memref<256xf32, #tpu.memory_space<vmem>>, vector<16xf32>,
    %add3A_820 = arith.constant 3 : i32
    %add3A_821 = arith.addi %mul3A_32, %add3A_820 : i32
    %dma_start3A_822 = arith.constant 2048 : i32
    %dma_start3A_823 = tpu.memref_slice %arg7[%dma_start3A_822] : memref<4096xf32, #tpu.memory_space<vmem>> -> memref<2048xf32, #tpu.memory_space<vmem>>
    %dma_start3A_824 = arith.constant 0 : i32
    %dma_start3A_825 = tpu.memref_slice %arg2[%select_n3A, %add3A_821, %dma_start3A_824] : memref<8x32x2048xf32, #tpu.memory_space<hbm>> -> memref<1x1x2048xf32, #tpu.memory_space<hbm>>
    %dma_start3A_826 = tpu.memref_squeeze %dma_start3A_825 : memref<1x1x2048xf32, #tpu.memory_space<hbm>> -> memref<2048xf32, #tpu.memory_space<hbm>>
    %dma_start3A_827 = arith.constant 2048 : i32
    %dma_start3A_828 = tpu.memref_slice %arg7[%dma_start3A_827] : memref<4096xf32, #tpu.memory_space<vmem>> -> memref<2048xf32, #tpu.memory_space<vmem>>
    %dma_start3A_829 = arith.constant 0 : i32
    %dma_start3A_830 = tpu.memref_slice %arg2[%select_n3A, %add3A_821, %dma_start3A_829] : memref<8x32x2048xf32, #tpu.memory_space<hbm>> -> memref<1x1x2048xf32, #tpu.memory_space<hbm>>
    %dma_start3A_831 = tpu.memref_squeeze %dma_start3A_830 : memref<1x1x2048xf32, #tpu.memory_space<hbm>> -> memref<2048xf32, #tpu.memory_space<hbm>>
    tpu.enqueue_dma source(%dma_start3A_831 : memref<2048xf32, #tpu.memory_space<hbm>>) target(%dma_start3A_828 : memref<2048xf32, #tpu.memory_space<vmem>>) target_semaphore(%arg13 : memref<!tpu.dma_semaphore, #tpu.memory_space<semaphore_mem>>)
    %dma_wait3A_832 = arith.constant 0 : i32
    %dma_wait3A_833 = tpu.memref_slice %arg7[%dma_wait3A_832] : memref<4096xf32, #tpu.memory_space<vmem>> -> memref<2048xf32, #tpu.memory_space<vmem>>
    %dma_wait3A_834 = arith.constant 0 : i32
    %dma_wait3A_835 = tpu.memref_slice %arg2[%select_n3A, %add3A_435, %dma_wait3A_834] : memref<8x32x2048xf32, #tpu.memory_space<hbm>> -> memref<1x1x2048xf32, #tpu.memory_space<hbm>>
    %dma_wait3A_836 = tpu.memref_squeeze %dma_wait3A_835 : memref<1x1x2048xf32, #tpu.memory_space<hbm>> -> memref<2048xf32, #tpu.memory_space<hbm>>
    %dma_wait3A_837 = arith.constant 0 : i32
    %dma_wait3A_838 = tpu.memref_slice %arg7[%dma_wait3A_837] : memref<4096xf32, #tpu.memory_space<vmem>> -> memref<2048xf32, #tpu.memory_space<vmem>>
    %dma_wait3A_839 = arith.constant 0 : i32
    %dma_wait3A_840 = tpu.memref_slice %arg2[%select_n3A, %add3A_435, %dma_wait3A_839] : memref<8x32x2048xf32, #tpu.memory_space<hbm>> -> memref<1x1x2048xf32, #tpu.memory_space<hbm>>
    %dma_wait3A_841 = tpu.memref_squeeze %dma_wait3A_840 : memref<1x1x2048xf32, #tpu.memory_space<hbm>> -> memref<2048xf32, #tpu.memory_space<hbm>>
    tpu.wait_dma2 semaphore(%arg12 : memref<!tpu.dma_semaphore, #tpu.memory_space<semaphore_mem>>) src(%dma_wait3A_841 : memref<2048xf32, #tpu.memory_space<hbm>>) dst(%dma_wait3A_838 : memref<2048xf32, #tpu.memory_space<vmem>>)
    %broadcast_in_dim3A_842 = arith.constant 0 : i32
    %broadcast_in_dim3A_843 = vector.broadcast %broadcast_in_dim3A_842 : i32 to vector<16xi32>
    %parallel_loop3A_844 = arith.constant 0 : i32
    %parallel_loop3A_845 = arith.constant 128 : i32
    %parallel_loop3A_846 = arith.constant 1 : i32
    %parallel_loop3A_847 = scf.for %parallel_loop3A_3126 = %parallel_loop3A_844 to %parallel_loop3A_845 step %parallel_loop3A_846 iter_args(%parallel_loop3A_3127 = %broadcast_in_dim3A_843) -> (vector<16xi32>)  : i32 {
      %parallel_loop3A_3128 = arith.constant 16 : i32
      %parallel_loop3A_3129 = arith.muli %parallel_loop3A_3126, %parallel_loop3A_3128 : i32
      %parallel_loop3A_3130 = arith.constant 0 : i32
      %parallel_loop3A_3131 = arith.addi %parallel_loop3A_3130, %parallel_loop3A_3129 : i32
      %parallel_loop3A_3132 = arith.index_cast %parallel_loop3A_3131 : i32 to index
      %parallel_loop3A_3133 = tpu.vector_load %arg7[%parallel_loop3A_3132] {strides = array<i32>} : memref<4096xf32, #tpu.memory_space<vmem>>, vector<16xf32>,
      %parallel_loop3A_3134 = arith.cmpf oeq, %parallel_loop3A_3133, %parallel_loop3A_3133 : vector<16xf32>
      %parallel_loop3A_3135 = arith.extui %parallel_loop3A_3134 : vector<16xi1> to vector<16xi32>
      %parallel_loop3A_3136 = arith.constant true
      %parallel_loop3A_3137 = vector.broadcast %parallel_loop3A_3136 : i1 to vector<16xi1>
      %parallel_loop3A_3138 = tpu.scan <sum>, %parallel_loop3A_3135 masked %parallel_loop3A_3137 : vector<16xi32>, vector<16xi1> -> vector<16xi32>
      %parallel_loop3A_3139 = arith.addi %parallel_loop3A_3127, %parallel_loop3A_3138 : vector<16xi32>
      %parallel_loop3A_3140 = arith.constant 1 : i32
      %parallel_loop3A_3141 = vector.broadcast %parallel_loop3A_3140 : i32 to vector<16xi32>
      %parallel_loop3A_3142 = arith.subi %parallel_loop3A_3139, %parallel_loop3A_3141 : vector<16xi32>
      %parallel_loop3A_3143 = arith.index_cast %parallel_loop3A_3129 : i32 to index
      %parallel_loop3A_3144 = tpu.vector_load %arg6[%parallel_loop3A_3143] {strides = array<i32>} : memref<2048xf32, #tpu.memory_space<vmem>>, vector<16xf32>,
      tpu.vector_store_idx %arg8[%parallel_loop3A_3142], %parallel_loop3A_3144 masked %parallel_loop3A_3134 : memref<2064xf32, #tpu.memory_space<vmem>>[vector<16xi32>], vector<16xf32>, vector<16xi1>
      tpu.vector_store_idx %arg9[%parallel_loop3A_3142], %parallel_loop3A_3133 masked %parallel_loop3A_3134 : memref<2064xf32, #tpu.memory_space<vmem>>[vector<16xi32>], vector<16xf32>, vector<16xi1>
      %parallel_loop3A_3145 = tpu.all_reduce %parallel_loop3A_3134 {dim = 0 : i64, kind = #tpu.reduction_kind<sum>} : vector<16xi1> -> vector<16xi32>
      %parallel_loop3A_3146 = arith.addi %parallel_loop3A_3127, %parallel_loop3A_3145 : vector<16xi32>
      scf.yield %parallel_loop3A_3146 : vector<16xi32>
    } {sc.loop_unroll_factor = 4 : i64, sc.parallel_access}
    %sub3A_848 = arith.constant 1 : i32
    %sub3A_849 = vector.broadcast %sub3A_848 : i32 to vector<16xi32>
    %sub3A_850 = arith.subi %parallel_loop3A_847, %sub3A_849 : vector<16xi32>
    %max3A_851 = arith.constant 0 : i32
    %max3A_852 = vector.broadcast %max3A_851 : i32 to vector<16xi32>
    %max3A_853 = arith.maxsi %sub3A_850, %max3A_852 : vector<16xi32>
    %gather3A_854 = tpu.vector_load_idx %arg8[%max3A_853] : memref<2064xf32, #tpu.memory_space<vmem>>[vector<16xi32>], vector<16xf32>,
    %gather3A_855 = tpu.vector_load_idx %arg9[%max3A_853] : memref<2064xf32, #tpu.memory_space<vmem>>[vector<16xi32>], vector<16xf32>,
    %sub3A_856 = arith.constant 2 : i32
    %sub3A_857 = vector.broadcast %sub3A_856 : i32 to vector<16xi32>
    %sub3A_858 = arith.subi %parallel_loop3A_847, %sub3A_857 : vector<16xi32>
    %max3A_859 = arith.constant 0 : i32
    %max3A_860 = vector.broadcast %max3A_859 : i32 to vector<16xi32>
    %max3A_861 = arith.maxsi %sub3A_858, %max3A_860 : vector<16xi32>
    %add3A_862 = arith.addf %add3A_50, %get3A_44 : vector<16xf32>
    %mul3A_863 = arith.mulf %add3A_862, %gather3A_854 : vector<16xf32>
    %broadcast_in_dim3A_864 = arith.constant 0 : i32
    %broadcast_in_dim3A_865 = vector.broadcast %broadcast_in_dim3A_864 : i32 to vector<16xi32>
    %add3A_866 = arith.constant 1024 : i32
    %add3A_867 = vector.broadcast %add3A_866 : i32 to vector<16xi32>
    %add3A_868 = arith.addi %broadcast_in_dim3A_865, %add3A_867 : vector<16xi32>
    %sub3A_869 = arith.constant 1 : i32
    %sub3A_870 = vector.broadcast %sub3A_869 : i32 to vector<16xi32>
    %sub3A_871 = arith.subi %add3A_868, %sub3A_870 : vector<16xi32>
    %min3A_872 = arith.minsi %sub3A_871, %max3A_853 : vector<16xi32>
    %gather3A_873 = tpu.vector_load_idx %arg8[%min3A_872] : memref<2064xf32, #tpu.memory_space<vmem>>[vector<16xi32>], vector<16xf32>,
    %le3A_874 = arith.cmpi sle, %add3A_868, %parallel_loop3A_847 : vector<16xi32>
    %le3A_875 = arith.cmpf ole, %gather3A_873, %mul3A_863 : vector<16xf32>
    %and3A_876 = arith.andi %le3A_874, %le3A_875 : vector<16xi1>
    %select_n3A_877 = arith.select %and3A_876, %add3A_868, %broadcast_in_dim3A_865 : vector<16xi1>, vector<16xi32>
    %add3A_878 = arith.constant 512 : i32
    %add3A_879 = vector.broadcast %add3A_878 : i32 to vector<16xi32>
    %add3A_880 = arith.addi %select_n3A_877, %add3A_879 : vector<16xi32>
    %sub3A_881 = arith.constant 1 : i32
    %sub3A_882 = vector.broadcast %sub3A_881 : i32 to vector<16xi32>
    %sub3A_883 = arith.subi %add3A_880, %sub3A_882 : vector<16xi32>
    %min3A_884 = arith.minsi %sub3A_883, %max3A_853 : vector<16xi32>
    %gather3A_885 = tpu.vector_load_idx %arg8[%min3A_884] : memref<2064xf32, #tpu.memory_space<vmem>>[vector<16xi32>], vector<16xf32>,
    %le3A_886 = arith.cmpi sle, %add3A_880, %parallel_loop3A_847 : vector<16xi32>
    %le3A_887 = arith.cmpf ole, %gather3A_885, %mul3A_863 : vector<16xf32>
    %and3A_888 = arith.andi %le3A_886, %le3A_887 : vector<16xi1>
    %select_n3A_889 = arith.select %and3A_888, %add3A_880, %select_n3A_877 : vector<16xi1>, vector<16xi32>
    %add3A_890 = arith.constant 256 : i32
    %add3A_891 = vector.broadcast %add3A_890 : i32 to vector<16xi32>
    %add3A_892 = arith.addi %select_n3A_889, %add3A_891 : vector<16xi32>
    %sub3A_893 = arith.constant 1 : i32
    %sub3A_894 = vector.broadcast %sub3A_893 : i32 to vector<16xi32>
    %sub3A_895 = arith.subi %add3A_892, %sub3A_894 : vector<16xi32>
    %min3A_896 = arith.minsi %sub3A_895, %max3A_853 : vector<16xi32>
    %gather3A_897 = tpu.vector_load_idx %arg8[%min3A_896] : memref<2064xf32, #tpu.memory_space<vmem>>[vector<16xi32>], vector<16xf32>,
    %le3A_898 = arith.cmpi sle, %add3A_892, %parallel_loop3A_847 : vector<16xi32>
    %le3A_899 = arith.cmpf ole, %gather3A_897, %mul3A_863 : vector<16xf32>
    %and3A_900 = arith.andi %le3A_898, %le3A_899 : vector<16xi1>
    %select_n3A_901 = arith.select %and3A_900, %add3A_892, %select_n3A_889 : vector<16xi1>, vector<16xi32>
    %add3A_902 = arith.constant 128 : i32
    %add3A_903 = vector.broadcast %add3A_902 : i32 to vector<16xi32>
    %add3A_904 = arith.addi %select_n3A_901, %add3A_903 : vector<16xi32>
    %sub3A_905 = arith.constant 1 : i32
    %sub3A_906 = vector.broadcast %sub3A_905 : i32 to vector<16xi32>
    %sub3A_907 = arith.subi %add3A_904, %sub3A_906 : vector<16xi32>
    %min3A_908 = arith.minsi %sub3A_907, %max3A_853 : vector<16xi32>
    %gather3A_909 = tpu.vector_load_idx %arg8[%min3A_908] : memref<2064xf32, #tpu.memory_space<vmem>>[vector<16xi32>], vector<16xf32>,
    %le3A_910 = arith.cmpi sle, %add3A_904, %parallel_loop3A_847 : vector<16xi32>
    %le3A_911 = arith.cmpf ole, %gather3A_909, %mul3A_863 : vector<16xf32>
    %and3A_912 = arith.andi %le3A_910, %le3A_911 : vector<16xi1>
    %select_n3A_913 = arith.select %and3A_912, %add3A_904, %select_n3A_901 : vector<16xi1>, vector<16xi32>
    %add3A_914 = arith.constant 64 : i32
    %add3A_915 = vector.broadcast %add3A_914 : i32 to vector<16xi32>
    %add3A_916 = arith.addi %select_n3A_913, %add3A_915 : vector<16xi32>
    %sub3A_917 = arith.constant 1 : i32
    %sub3A_918 = vector.broadcast %sub3A_917 : i32 to vector<16xi32>
    %sub3A_919 = arith.subi %add3A_916, %sub3A_918 : vector<16xi32>
    %min3A_920 = arith.minsi %sub3A_919, %max3A_853 : vector<16xi32>
    %gather3A_921 = tpu.vector_load_idx %arg8[%min3A_920] : memref<2064xf32, #tpu.memory_space<vmem>>[vector<16xi32>], vector<16xf32>,
    %le3A_922 = arith.cmpi sle, %add3A_916, %parallel_loop3A_847 : vector<16xi32>
    %le3A_923 = arith.cmpf ole, %gather3A_921, %mul3A_863 : vector<16xf32>
    %and3A_924 = arith.andi %le3A_922, %le3A_923 : vector<16xi1>
    %select_n3A_925 = arith.select %and3A_924, %add3A_916, %select_n3A_913 : vector<16xi1>, vector<16xi32>
    %add3A_926 = arith.constant 32 : i32
    %add3A_927 = vector.broadcast %add3A_926 : i32 to vector<16xi32>
    %add3A_928 = arith.addi %select_n3A_925, %add3A_927 : vector<16xi32>
    %sub3A_929 = arith.constant 1 : i32
    %sub3A_930 = vector.broadcast %sub3A_929 : i32 to vector<16xi32>
    %sub3A_931 = arith.subi %add3A_928, %sub3A_930 : vector<16xi32>
    %min3A_932 = arith.minsi %sub3A_931, %max3A_853 : vector<16xi32>
    %gather3A_933 = tpu.vector_load_idx %arg8[%min3A_932] : memref<2064xf32, #tpu.memory_space<vmem>>[vector<16xi32>], vector<16xf32>,
    %le3A_934 = arith.cmpi sle, %add3A_928, %parallel_loop3A_847 : vector<16xi32>
    %le3A_935 = arith.cmpf ole, %gather3A_933, %mul3A_863 : vector<16xf32>
    %and3A_936 = arith.andi %le3A_934, %le3A_935 : vector<16xi1>
    %select_n3A_937 = arith.select %and3A_936, %add3A_928, %select_n3A_925 : vector<16xi1>, vector<16xi32>
    %add3A_938 = arith.constant 16 : i32
    %add3A_939 = vector.broadcast %add3A_938 : i32 to vector<16xi32>
    %add3A_940 = arith.addi %select_n3A_937, %add3A_939 : vector<16xi32>
    %sub3A_941 = arith.constant 1 : i32
    %sub3A_942 = vector.broadcast %sub3A_941 : i32 to vector<16xi32>
    %sub3A_943 = arith.subi %add3A_940, %sub3A_942 : vector<16xi32>
    %min3A_944 = arith.minsi %sub3A_943, %max3A_853 : vector<16xi32>
    %gather3A_945 = tpu.vector_load_idx %arg8[%min3A_944] : memref<2064xf32, #tpu.memory_space<vmem>>[vector<16xi32>], vector<16xf32>,
    %le3A_946 = arith.cmpi sle, %add3A_940, %parallel_loop3A_847 : vector<16xi32>
    %le3A_947 = arith.cmpf ole, %gather3A_945, %mul3A_863 : vector<16xf32>
    %and3A_948 = arith.andi %le3A_946, %le3A_947 : vector<16xi1>
    %select_n3A_949 = arith.select %and3A_948, %add3A_940, %select_n3A_937 : vector<16xi1>, vector<16xi32>
    %add3A_950 = arith.constant 8 : i32
    %add3A_951 = vector.broadcast %add3A_950 : i32 to vector<16xi32>
    %add3A_952 = arith.addi %select_n3A_949, %add3A_951 : vector<16xi32>
    %sub3A_953 = arith.constant 1 : i32
    %sub3A_954 = vector.broadcast %sub3A_953 : i32 to vector<16xi32>
    %sub3A_955 = arith.subi %add3A_952, %sub3A_954 : vector<16xi32>
    %min3A_956 = arith.minsi %sub3A_955, %max3A_853 : vector<16xi32>
    %gather3A_957 = tpu.vector_load_idx %arg8[%min3A_956] : memref<2064xf32, #tpu.memory_space<vmem>>[vector<16xi32>], vector<16xf32>,
    %le3A_958 = arith.cmpi sle, %add3A_952, %parallel_loop3A_847 : vector<16xi32>
    %le3A_959 = arith.cmpf ole, %gather3A_957, %mul3A_863 : vector<16xf32>
    %and3A_960 = arith.andi %le3A_958, %le3A_959 : vector<16xi1>
    %select_n3A_961 = arith.select %and3A_960, %add3A_952, %select_n3A_949 : vector<16xi1>, vector<16xi32>
    %add3A_962 = arith.constant 4 : i32
    %add3A_963 = vector.broadcast %add3A_962 : i32 to vector<16xi32>
    %add3A_964 = arith.addi %select_n3A_961, %add3A_963 : vector<16xi32>
    %sub3A_965 = arith.constant 1 : i32
    %sub3A_966 = vector.broadcast %sub3A_965 : i32 to vector<16xi32>
    %sub3A_967 = arith.subi %add3A_964, %sub3A_966 : vector<16xi32>
    %min3A_968 = arith.minsi %sub3A_967, %max3A_853 : vector<16xi32>
    %gather3A_969 = tpu.vector_load_idx %arg8[%min3A_968] : memref<2064xf32, #tpu.memory_space<vmem>>[vector<16xi32>], vector<16xf32>,
    %le3A_970 = arith.cmpi sle, %add3A_964, %parallel_loop3A_847 : vector<16xi32>
    %le3A_971 = arith.cmpf ole, %gather3A_969, %mul3A_863 : vector<16xf32>
    %and3A_972 = arith.andi %le3A_970, %le3A_971 : vector<16xi1>
    %select_n3A_973 = arith.select %and3A_972, %add3A_964, %select_n3A_961 : vector<16xi1>, vector<16xi32>
    %add3A_974 = arith.constant 2 : i32
    %add3A_975 = vector.broadcast %add3A_974 : i32 to vector<16xi32>
    %add3A_976 = arith.addi %select_n3A_973, %add3A_975 : vector<16xi32>
    %sub3A_977 = arith.constant 1 : i32
    %sub3A_978 = vector.broadcast %sub3A_977 : i32 to vector<16xi32>
    %sub3A_979 = arith.subi %add3A_976, %sub3A_978 : vector<16xi32>
    %min3A_980 = arith.minsi %sub3A_979, %max3A_853 : vector<16xi32>
    %gather3A_981 = tpu.vector_load_idx %arg8[%min3A_980] : memref<2064xf32, #tpu.memory_space<vmem>>[vector<16xi32>], vector<16xf32>,
    %le3A_982 = arith.cmpi sle, %add3A_976, %parallel_loop3A_847 : vector<16xi32>
    %le3A_983 = arith.cmpf ole, %gather3A_981, %mul3A_863 : vector<16xf32>
    %and3A_984 = arith.andi %le3A_982, %le3A_983 : vector<16xi1>
    %select_n3A_985 = arith.select %and3A_984, %add3A_976, %select_n3A_973 : vector<16xi1>, vector<16xi32>
    %add3A_986 = arith.constant 1 : i32
    %add3A_987 = vector.broadcast %add3A_986 : i32 to vector<16xi32>
    %add3A_988 = arith.addi %select_n3A_985, %add3A_987 : vector<16xi32>
    %sub3A_989 = arith.constant 1 : i32
    %sub3A_990 = vector.broadcast %sub3A_989 : i32 to vector<16xi32>
    %sub3A_991 = arith.subi %add3A_988, %sub3A_990 : vector<16xi32>
    %min3A_992 = arith.minsi %sub3A_991, %max3A_853 : vector<16xi32>
    %gather3A_993 = tpu.vector_load_idx %arg8[%min3A_992] : memref<2064xf32, #tpu.memory_space<vmem>>[vector<16xi32>], vector<16xf32>,
    %le3A_994 = arith.cmpi sle, %add3A_988, %parallel_loop3A_847 : vector<16xi32>
    %le3A_995 = arith.cmpf ole, %gather3A_993, %mul3A_863 : vector<16xf32>
    %and3A_996 = arith.andi %le3A_994, %le3A_995 : vector<16xi1>
    %select_n3A_997 = arith.select %and3A_996, %add3A_988, %select_n3A_985 : vector<16xi1>, vector<16xi32>
    %sub3A_998 = arith.constant 1 : i32
    %sub3A_999 = vector.broadcast %sub3A_998 : i32 to vector<16xi32>
    %sub3A_1000 = arith.subi %select_n3A_997, %sub3A_999 : vector<16xi32>
    %jit3A_1001 = arith.constant 0 : i32
    %max3A_1002 = vector.broadcast %jit3A_1001 : i32 to vector<16xi32>
    %max3A_1003 = arith.maxsi %max3A_1002, %sub3A_1000 : vector<16xi32>
    %min3A_1004 = arith.minsi %max3A_861, %max3A_1003 : vector<16xi32>
    %add3A_1005 = arith.constant 1 : i32
    %add3A_1006 = vector.broadcast %add3A_1005 : i32 to vector<16xi32>
    %add3A_1007 = arith.addi %min3A_1004, %add3A_1006 : vector<16xi32>
    %gather3A_1008 = tpu.vector_load_idx %arg8[%min3A_1004] : memref<2064xf32, #tpu.memory_space<vmem>>[vector<16xi32>], vector<16xf32>,
    %gather3A_1009 = tpu.vector_load_idx %arg8[%add3A_1007] : memref<2064xf32, #tpu.memory_space<vmem>>[vector<16xi32>], vector<16xf32>,
    %gather3A_1010 = tpu.vector_load_idx %arg9[%min3A_1004] : memref<2064xf32, #tpu.memory_space<vmem>>[vector<16xi32>], vector<16xf32>,
    %gather3A_1011 = tpu.vector_load_idx %arg9[%add3A_1007] : memref<2064xf32, #tpu.memory_space<vmem>>[vector<16xi32>], vector<16xf32>,
    %sub3A_1012 = arith.subf %mul3A_863, %gather3A_1008 : vector<16xf32>
    %sub3A_1013 = arith.subf %gather3A_1009, %gather3A_1008 : vector<16xf32>
    %div3A_1014 = arith.divf %sub3A_1012, %sub3A_1013 : vector<16xf32>
    %sub3A_1015 = arith.subf %gather3A_1011, %gather3A_1010 : vector<16xf32>
    %mul3A_1016 = arith.mulf %div3A_1014, %sub3A_1015 : vector<16xf32>
    %add3A_1017 = arith.addf %gather3A_1010, %mul3A_1016 : vector<16xf32>
    %lt3A_1018 = arith.cmpf olt, %mul3A_863, %gather3A_1008 : vector<16xf32>
    %select_n3A_1019 = arith.select %lt3A_1018, %gather3A_1010, %add3A_1017 : vector<16xi1>, vector<16xf32>
    %gt3A_1020 = arith.cmpf ogt, %mul3A_863, %gather3A_854 : vector<16xf32>
    %select_n3A_1021 = arith.select %gt3A_1020, %gather3A_855, %select_n3A_1019 : vector<16xi1>, vector<16xf32>
    %eq3A_1022 = arith.constant 1 : i32
    %eq3A_1023 = vector.broadcast %eq3A_1022 : i32 to vector<16xi32>
    %eq3A_1024 = arith.cmpi eq, %parallel_loop3A_847, %eq3A_1023 : vector<16xi32>
    %select_n3A_1025 = arith.select %eq3A_1024, %gather3A_855, %select_n3A_1021 : vector<16xi1>, vector<16xf32>
    %eq3A_1026 = arith.constant 0 : i32
    %eq3A_1027 = vector.broadcast %eq3A_1026 : i32 to vector<16xi32>
    %eq3A_1028 = arith.cmpi eq, %parallel_loop3A_847, %eq3A_1027 : vector<16xi32>
    %broadcast_in_dim3A_1029 = arith.constant 0.000000e+00 : f32
    %broadcast_in_dim3A_1030 = vector.broadcast %broadcast_in_dim3A_1029 : f32 to vector<16xf32>
    %select_n3A_1031 = arith.select %eq3A_1028, %broadcast_in_dim3A_1030, %select_n3A_1025 : vector<16xi1>, vector<16xf32>
    %swap3A_1032 = arith.constant 64 : index
    %swap3A_1033 = tpu.vector_load %arg11[%swap3A_1032] {strides = array<i32>} : memref<256xf32, #tpu.memory_space<vmem>>, vector<16xf32>,
    tpu.vector_store %arg11[%swap3A_1032], %select_n3A_1031 {strides = array<i32>} : memref<256xf32, #tpu.memory_space<vmem>>, vector<16xf32>,
    %add3A_1034 = arith.addf %add3A_56, %get3A_44 : vector<16xf32>
    %mul3A_1035 = arith.mulf %add3A_1034, %gather3A_854 : vector<16xf32>
    %broadcast_in_dim3A_1036 = arith.constant 0 : i32
    %broadcast_in_dim3A_1037 = vector.broadcast %broadcast_in_dim3A_1036 : i32 to vector<16xi32>
    %add3A_1038 = arith.constant 1024 : i32
    %add3A_1039 = vector.broadcast %add3A_1038 : i32 to vector<16xi32>
    %add3A_1040 = arith.addi %broadcast_in_dim3A_1037, %add3A_1039 : vector<16xi32>
    %sub3A_1041 = arith.constant 1 : i32
    %sub3A_1042 = vector.broadcast %sub3A_1041 : i32 to vector<16xi32>
    %sub3A_1043 = arith.subi %add3A_1040, %sub3A_1042 : vector<16xi32>
    %min3A_1044 = arith.minsi %sub3A_1043, %max3A_853 : vector<16xi32>
    %gather3A_1045 = tpu.vector_load_idx %arg8[%min3A_1044] : memref<2064xf32, #tpu.memory_space<vmem>>[vector<16xi32>], vector<16xf32>,
    %le3A_1046 = arith.cmpi sle, %add3A_1040, %parallel_loop3A_847 : vector<16xi32>
    %le3A_1047 = arith.cmpf ole, %gather3A_1045, %mul3A_1035 : vector<16xf32>
    %and3A_1048 = arith.andi %le3A_1046, %le3A_1047 : vector<16xi1>
    %select_n3A_1049 = arith.select %and3A_1048, %add3A_1040, %broadcast_in_dim3A_1037 : vector<16xi1>, vector<16xi32>
    %add3A_1050 = arith.constant 512 : i32
    %add3A_1051 = vector.broadcast %add3A_1050 : i32 to vector<16xi32>
    %add3A_1052 = arith.addi %select_n3A_1049, %add3A_1051 : vector<16xi32>
    %sub3A_1053 = arith.constant 1 : i32
    %sub3A_1054 = vector.broadcast %sub3A_1053 : i32 to vector<16xi32>
    %sub3A_1055 = arith.subi %add3A_1052, %sub3A_1054 : vector<16xi32>
    %min3A_1056 = arith.minsi %sub3A_1055, %max3A_853 : vector<16xi32>
    %gather3A_1057 = tpu.vector_load_idx %arg8[%min3A_1056] : memref<2064xf32, #tpu.memory_space<vmem>>[vector<16xi32>], vector<16xf32>,
    %le3A_1058 = arith.cmpi sle, %add3A_1052, %parallel_loop3A_847 : vector<16xi32>
    %le3A_1059 = arith.cmpf ole, %gather3A_1057, %mul3A_1035 : vector<16xf32>
    %and3A_1060 = arith.andi %le3A_1058, %le3A_1059 : vector<16xi1>
    %select_n3A_1061 = arith.select %and3A_1060, %add3A_1052, %select_n3A_1049 : vector<16xi1>, vector<16xi32>
    %add3A_1062 = arith.constant 256 : i32
    %add3A_1063 = vector.broadcast %add3A_1062 : i32 to vector<16xi32>
    %add3A_1064 = arith.addi %select_n3A_1061, %add3A_1063 : vector<16xi32>
    %sub3A_1065 = arith.constant 1 : i32
    %sub3A_1066 = vector.broadcast %sub3A_1065 : i32 to vector<16xi32>
    %sub3A_1067 = arith.subi %add3A_1064, %sub3A_1066 : vector<16xi32>
    %min3A_1068 = arith.minsi %sub3A_1067, %max3A_853 : vector<16xi32>
    %gather3A_1069 = tpu.vector_load_idx %arg8[%min3A_1068] : memref<2064xf32, #tpu.memory_space<vmem>>[vector<16xi32>], vector<16xf32>,
    %le3A_1070 = arith.cmpi sle, %add3A_1064, %parallel_loop3A_847 : vector<16xi32>
    %le3A_1071 = arith.cmpf ole, %gather3A_1069, %mul3A_1035 : vector<16xf32>
    %and3A_1072 = arith.andi %le3A_1070, %le3A_1071 : vector<16xi1>
    %select_n3A_1073 = arith.select %and3A_1072, %add3A_1064, %select_n3A_1061 : vector<16xi1>, vector<16xi32>
    %add3A_1074 = arith.constant 128 : i32
    %add3A_1075 = vector.broadcast %add3A_1074 : i32 to vector<16xi32>
    %add3A_1076 = arith.addi %select_n3A_1073, %add3A_1075 : vector<16xi32>
    %sub3A_1077 = arith.constant 1 : i32
    %sub3A_1078 = vector.broadcast %sub3A_1077 : i32 to vector<16xi32>
    %sub3A_1079 = arith.subi %add3A_1076, %sub3A_1078 : vector<16xi32>
    %min3A_1080 = arith.minsi %sub3A_1079, %max3A_853 : vector<16xi32>
    %gather3A_1081 = tpu.vector_load_idx %arg8[%min3A_1080] : memref<2064xf32, #tpu.memory_space<vmem>>[vector<16xi32>], vector<16xf32>,
    %le3A_1082 = arith.cmpi sle, %add3A_1076, %parallel_loop3A_847 : vector<16xi32>
    %le3A_1083 = arith.cmpf ole, %gather3A_1081, %mul3A_1035 : vector<16xf32>
    %and3A_1084 = arith.andi %le3A_1082, %le3A_1083 : vector<16xi1>
    %select_n3A_1085 = arith.select %and3A_1084, %add3A_1076, %select_n3A_1073 : vector<16xi1>, vector<16xi32>
    %add3A_1086 = arith.constant 64 : i32
    %add3A_1087 = vector.broadcast %add3A_1086 : i32 to vector<16xi32>
    %add3A_1088 = arith.addi %select_n3A_1085, %add3A_1087 : vector<16xi32>
    %sub3A_1089 = arith.constant 1 : i32
    %sub3A_1090 = vector.broadcast %sub3A_1089 : i32 to vector<16xi32>
    %sub3A_1091 = arith.subi %add3A_1088, %sub3A_1090 : vector<16xi32>
    %min3A_1092 = arith.minsi %sub3A_1091, %max3A_853 : vector<16xi32>
    %gather3A_1093 = tpu.vector_load_idx %arg8[%min3A_1092] : memref<2064xf32, #tpu.memory_space<vmem>>[vector<16xi32>], vector<16xf32>,
    %le3A_1094 = arith.cmpi sle, %add3A_1088, %parallel_loop3A_847 : vector<16xi32>
    %le3A_1095 = arith.cmpf ole, %gather3A_1093, %mul3A_1035 : vector<16xf32>
    %and3A_1096 = arith.andi %le3A_1094, %le3A_1095 : vector<16xi1>
    %select_n3A_1097 = arith.select %and3A_1096, %add3A_1088, %select_n3A_1085 : vector<16xi1>, vector<16xi32>
    %add3A_1098 = arith.constant 32 : i32
    %add3A_1099 = vector.broadcast %add3A_1098 : i32 to vector<16xi32>
    %add3A_1100 = arith.addi %select_n3A_1097, %add3A_1099 : vector<16xi32>
    %sub3A_1101 = arith.constant 1 : i32
    %sub3A_1102 = vector.broadcast %sub3A_1101 : i32 to vector<16xi32>
    %sub3A_1103 = arith.subi %add3A_1100, %sub3A_1102 : vector<16xi32>
    %min3A_1104 = arith.minsi %sub3A_1103, %max3A_853 : vector<16xi32>
    %gather3A_1105 = tpu.vector_load_idx %arg8[%min3A_1104] : memref<2064xf32, #tpu.memory_space<vmem>>[vector<16xi32>], vector<16xf32>,
    %le3A_1106 = arith.cmpi sle, %add3A_1100, %parallel_loop3A_847 : vector<16xi32>
    %le3A_1107 = arith.cmpf ole, %gather3A_1105, %mul3A_1035 : vector<16xf32>
    %and3A_1108 = arith.andi %le3A_1106, %le3A_1107 : vector<16xi1>
    %select_n3A_1109 = arith.select %and3A_1108, %add3A_1100, %select_n3A_1097 : vector<16xi1>, vector<16xi32>
    %add3A_1110 = arith.constant 16 : i32
    %add3A_1111 = vector.broadcast %add3A_1110 : i32 to vector<16xi32>
    %add3A_1112 = arith.addi %select_n3A_1109, %add3A_1111 : vector<16xi32>
    %sub3A_1113 = arith.constant 1 : i32
    %sub3A_1114 = vector.broadcast %sub3A_1113 : i32 to vector<16xi32>
    %sub3A_1115 = arith.subi %add3A_1112, %sub3A_1114 : vector<16xi32>
    %min3A_1116 = arith.minsi %sub3A_1115, %max3A_853 : vector<16xi32>
    %gather3A_1117 = tpu.vector_load_idx %arg8[%min3A_1116] : memref<2064xf32, #tpu.memory_space<vmem>>[vector<16xi32>], vector<16xf32>,
    %le3A_1118 = arith.cmpi sle, %add3A_1112, %parallel_loop3A_847 : vector<16xi32>
    %le3A_1119 = arith.cmpf ole, %gather3A_1117, %mul3A_1035 : vector<16xf32>
    %and3A_1120 = arith.andi %le3A_1118, %le3A_1119 : vector<16xi1>
    %select_n3A_1121 = arith.select %and3A_1120, %add3A_1112, %select_n3A_1109 : vector<16xi1>, vector<16xi32>
    %add3A_1122 = arith.constant 8 : i32
    %add3A_1123 = vector.broadcast %add3A_1122 : i32 to vector<16xi32>
    %add3A_1124 = arith.addi %select_n3A_1121, %add3A_1123 : vector<16xi32>
    %sub3A_1125 = arith.constant 1 : i32
    %sub3A_1126 = vector.broadcast %sub3A_1125 : i32 to vector<16xi32>
    %sub3A_1127 = arith.subi %add3A_1124, %sub3A_1126 : vector<16xi32>
    %min3A_1128 = arith.minsi %sub3A_1127, %max3A_853 : vector<16xi32>
    %gather3A_1129 = tpu.vector_load_idx %arg8[%min3A_1128] : memref<2064xf32, #tpu.memory_space<vmem>>[vector<16xi32>], vector<16xf32>,
    %le3A_1130 = arith.cmpi sle, %add3A_1124, %parallel_loop3A_847 : vector<16xi32>
    %le3A_1131 = arith.cmpf ole, %gather3A_1129, %mul3A_1035 : vector<16xf32>
    %and3A_1132 = arith.andi %le3A_1130, %le3A_1131 : vector<16xi1>
    %select_n3A_1133 = arith.select %and3A_1132, %add3A_1124, %select_n3A_1121 : vector<16xi1>, vector<16xi32>
    %add3A_1134 = arith.constant 4 : i32
    %add3A_1135 = vector.broadcast %add3A_1134 : i32 to vector<16xi32>
    %add3A_1136 = arith.addi %select_n3A_1133, %add3A_1135 : vector<16xi32>
    %sub3A_1137 = arith.constant 1 : i32
    %sub3A_1138 = vector.broadcast %sub3A_1137 : i32 to vector<16xi32>
    %sub3A_1139 = arith.subi %add3A_1136, %sub3A_1138 : vector<16xi32>
    %min3A_1140 = arith.minsi %sub3A_1139, %max3A_853 : vector<16xi32>
    %gather3A_1141 = tpu.vector_load_idx %arg8[%min3A_1140] : memref<2064xf32, #tpu.memory_space<vmem>>[vector<16xi32>], vector<16xf32>,
    %le3A_1142 = arith.cmpi sle, %add3A_1136, %parallel_loop3A_847 : vector<16xi32>
    %le3A_1143 = arith.cmpf ole, %gather3A_1141, %mul3A_1035 : vector<16xf32>
    %and3A_1144 = arith.andi %le3A_1142, %le3A_1143 : vector<16xi1>
    %select_n3A_1145 = arith.select %and3A_1144, %add3A_1136, %select_n3A_1133 : vector<16xi1>, vector<16xi32>
    %add3A_1146 = arith.constant 2 : i32
    %add3A_1147 = vector.broadcast %add3A_1146 : i32 to vector<16xi32>
    %add3A_1148 = arith.addi %select_n3A_1145, %add3A_1147 : vector<16xi32>
    %sub3A_1149 = arith.constant 1 : i32
    %sub3A_1150 = vector.broadcast %sub3A_1149 : i32 to vector<16xi32>
    %sub3A_1151 = arith.subi %add3A_1148, %sub3A_1150 : vector<16xi32>
    %min3A_1152 = arith.minsi %sub3A_1151, %max3A_853 : vector<16xi32>
    %gather3A_1153 = tpu.vector_load_idx %arg8[%min3A_1152] : memref<2064xf32, #tpu.memory_space<vmem>>[vector<16xi32>], vector<16xf32>,
    %le3A_1154 = arith.cmpi sle, %add3A_1148, %parallel_loop3A_847 : vector<16xi32>
    %le3A_1155 = arith.cmpf ole, %gather3A_1153, %mul3A_1035 : vector<16xf32>
    %and3A_1156 = arith.andi %le3A_1154, %le3A_1155 : vector<16xi1>
    %select_n3A_1157 = arith.select %and3A_1156, %add3A_1148, %select_n3A_1145 : vector<16xi1>, vector<16xi32>
    %add3A_1158 = arith.constant 1 : i32
    %add3A_1159 = vector.broadcast %add3A_1158 : i32 to vector<16xi32>
    %add3A_1160 = arith.addi %select_n3A_1157, %add3A_1159 : vector<16xi32>
    %sub3A_1161 = arith.constant 1 : i32
    %sub3A_1162 = vector.broadcast %sub3A_1161 : i32 to vector<16xi32>
    %sub3A_1163 = arith.subi %add3A_1160, %sub3A_1162 : vector<16xi32>
    %min3A_1164 = arith.minsi %sub3A_1163, %max3A_853 : vector<16xi32>
    %gather3A_1165 = tpu.vector_load_idx %arg8[%min3A_1164] : memref<2064xf32, #tpu.memory_space<vmem>>[vector<16xi32>], vector<16xf32>,
    %le3A_1166 = arith.cmpi sle, %add3A_1160, %parallel_loop3A_847 : vector<16xi32>
    %le3A_1167 = arith.cmpf ole, %gather3A_1165, %mul3A_1035 : vector<16xf32>
    %and3A_1168 = arith.andi %le3A_1166, %le3A_1167 : vector<16xi1>
    %select_n3A_1169 = arith.select %and3A_1168, %add3A_1160, %select_n3A_1157 : vector<16xi1>, vector<16xi32>
    %sub3A_1170 = arith.constant 1 : i32
    %sub3A_1171 = vector.broadcast %sub3A_1170 : i32 to vector<16xi32>
    %sub3A_1172 = arith.subi %select_n3A_1169, %sub3A_1171 : vector<16xi32>
    %jit3A_1173 = arith.constant 0 : i32
    %max3A_1174 = vector.broadcast %jit3A_1173 : i32 to vector<16xi32>
    %max3A_1175 = arith.maxsi %max3A_1174, %sub3A_1172 : vector<16xi32>
    %min3A_1176 = arith.minsi %max3A_861, %max3A_1175 : vector<16xi32>
    %add3A_1177 = arith.constant 1 : i32
    %add3A_1178 = vector.broadcast %add3A_1177 : i32 to vector<16xi32>
    %add3A_1179 = arith.addi %min3A_1176, %add3A_1178 : vector<16xi32>
    %gather3A_1180 = tpu.vector_load_idx %arg8[%min3A_1176] : memref<2064xf32, #tpu.memory_space<vmem>>[vector<16xi32>], vector<16xf32>,
    %gather3A_1181 = tpu.vector_load_idx %arg8[%add3A_1179] : memref<2064xf32, #tpu.memory_space<vmem>>[vector<16xi32>], vector<16xf32>,
    %gather3A_1182 = tpu.vector_load_idx %arg9[%min3A_1176] : memref<2064xf32, #tpu.memory_space<vmem>>[vector<16xi32>], vector<16xf32>,
    %gather3A_1183 = tpu.vector_load_idx %arg9[%add3A_1179] : memref<2064xf32, #tpu.memory_space<vmem>>[vector<16xi32>], vector<16xf32>,
    %sub3A_1184 = arith.subf %mul3A_1035, %gather3A_1180 : vector<16xf32>
    %sub3A_1185 = arith.subf %gather3A_1181, %gather3A_1180 : vector<16xf32>
    %div3A_1186 = arith.divf %sub3A_1184, %sub3A_1185 : vector<16xf32>
    %sub3A_1187 = arith.subf %gather3A_1183, %gather3A_1182 : vector<16xf32>
    %mul3A_1188 = arith.mulf %div3A_1186, %sub3A_1187 : vector<16xf32>
    %add3A_1189 = arith.addf %gather3A_1182, %mul3A_1188 : vector<16xf32>
    %lt3A_1190 = arith.cmpf olt, %mul3A_1035, %gather3A_1180 : vector<16xf32>
    %select_n3A_1191 = arith.select %lt3A_1190, %gather3A_1182, %add3A_1189 : vector<16xi1>, vector<16xf32>
    %gt3A_1192 = arith.cmpf ogt, %mul3A_1035, %gather3A_854 : vector<16xf32>
    %select_n3A_1193 = arith.select %gt3A_1192, %gather3A_855, %select_n3A_1191 : vector<16xi1>, vector<16xf32>
    %eq3A_1194 = arith.constant 1 : i32
    %eq3A_1195 = vector.broadcast %eq3A_1194 : i32 to vector<16xi32>
    %eq3A_1196 = arith.cmpi eq, %parallel_loop3A_847, %eq3A_1195 : vector<16xi32>
    %select_n3A_1197 = arith.select %eq3A_1196, %gather3A_855, %select_n3A_1193 : vector<16xi1>, vector<16xf32>
    %eq3A_1198 = arith.constant 0 : i32
    %eq3A_1199 = vector.broadcast %eq3A_1198 : i32 to vector<16xi32>
    %eq3A_1200 = arith.cmpi eq, %parallel_loop3A_847, %eq3A_1199 : vector<16xi32>
    %broadcast_in_dim3A_1201 = arith.constant 0.000000e+00 : f32
    %broadcast_in_dim3A_1202 = vector.broadcast %broadcast_in_dim3A_1201 : f32 to vector<16xf32>
    %select_n3A_1203 = arith.select %eq3A_1200, %broadcast_in_dim3A_1202, %select_n3A_1197 : vector<16xi1>, vector<16xf32>
    %swap3A_1204 = arith.constant 80 : index
    %swap3A_1205 = tpu.vector_load %arg11[%swap3A_1204] {strides = array<i32>} : memref<256xf32, #tpu.memory_space<vmem>>, vector<16xf32>,
    tpu.vector_store %arg11[%swap3A_1204], %select_n3A_1203 {strides = array<i32>} : memref<256xf32, #tpu.memory_space<vmem>>, vector<16xf32>,
    %add3A_1206 = arith.constant 4 : i32
    %add3A_1207 = arith.addi %mul3A_32, %add3A_1206 : i32
    %dma_start3A_1208 = arith.constant 0 : i32
    %dma_start3A_1209 = tpu.memref_slice %arg7[%dma_start3A_1208] : memref<4096xf32, #tpu.memory_space<vmem>> -> memref<2048xf32, #tpu.memory_space<vmem>>
    %dma_start3A_1210 = arith.constant 0 : i32
    %dma_start3A_1211 = tpu.memref_slice %arg2[%select_n3A, %add3A_1207, %dma_start3A_1210] : memref<8x32x2048xf32, #tpu.memory_space<hbm>> -> memref<1x1x2048xf32, #tpu.memory_space<hbm>>
    %dma_start3A_1212 = tpu.memref_squeeze %dma_start3A_1211 : memref<1x1x2048xf32, #tpu.memory_space<hbm>> -> memref<2048xf32, #tpu.memory_space<hbm>>
    %dma_start3A_1213 = arith.constant 0 : i32
    %dma_start3A_1214 = tpu.memref_slice %arg7[%dma_start3A_1213] : memref<4096xf32, #tpu.memory_space<vmem>> -> memref<2048xf32, #tpu.memory_space<vmem>>
    %dma_start3A_1215 = arith.constant 0 : i32
    %dma_start3A_1216 = tpu.memref_slice %arg2[%select_n3A, %add3A_1207, %dma_start3A_1215] : memref<8x32x2048xf32, #tpu.memory_space<hbm>> -> memref<1x1x2048xf32, #tpu.memory_space<hbm>>
    %dma_start3A_1217 = tpu.memref_squeeze %dma_start3A_1216 : memref<1x1x2048xf32, #tpu.memory_space<hbm>> -> memref<2048xf32, #tpu.memory_space<hbm>>
    tpu.enqueue_dma source(%dma_start3A_1217 : memref<2048xf32, #tpu.memory_space<hbm>>) target(%dma_start3A_1214 : memref<2048xf32, #tpu.memory_space<vmem>>) target_semaphore(%arg12 : memref<!tpu.dma_semaphore, #tpu.memory_space<semaphore_mem>>)
    %dma_wait3A_1218 = arith.constant 2048 : i32
    %dma_wait3A_1219 = tpu.memref_slice %arg7[%dma_wait3A_1218] : memref<4096xf32, #tpu.memory_space<vmem>> -> memref<2048xf32, #tpu.memory_space<vmem>>
    %dma_wait3A_1220 = arith.constant 0 : i32
    %dma_wait3A_1221 = tpu.memref_slice %arg2[%select_n3A, %add3A_821, %dma_wait3A_1220] : memref<8x32x2048xf32, #tpu.memory_space<hbm>> -> memref<1x1x2048xf32, #tpu.memory_space<hbm>>
    %dma_wait3A_1222 = tpu.memref_squeeze %dma_wait3A_1221 : memref<1x1x2048xf32, #tpu.memory_space<hbm>> -> memref<2048xf32, #tpu.memory_space<hbm>>
    %dma_wait3A_1223 = arith.constant 2048 : i32
    %dma_wait3A_1224 = tpu.memref_slice %arg7[%dma_wait3A_1223] : memref<4096xf32, #tpu.memory_space<vmem>> -> memref<2048xf32, #tpu.memory_space<vmem>>
    %dma_wait3A_1225 = arith.constant 0 : i32
    %dma_wait3A_1226 = tpu.memref_slice %arg2[%select_n3A, %add3A_821, %dma_wait3A_1225] : memref<8x32x2048xf32, #tpu.memory_space<hbm>> -> memref<1x1x2048xf32, #tpu.memory_space<hbm>>
    %dma_wait3A_1227 = tpu.memref_squeeze %dma_wait3A_1226 : memref<1x1x2048xf32, #tpu.memory_space<hbm>> -> memref<2048xf32, #tpu.memory_space<hbm>>
    tpu.wait_dma2 semaphore(%arg13 : memref<!tpu.dma_semaphore, #tpu.memory_space<semaphore_mem>>) src(%dma_wait3A_1227 : memref<2048xf32, #tpu.memory_space<hbm>>) dst(%dma_wait3A_1224 : memref<2048xf32, #tpu.memory_space<vmem>>)
    %broadcast_in_dim3A_1228 = arith.constant 0 : i32
    %broadcast_in_dim3A_1229 = vector.broadcast %broadcast_in_dim3A_1228 : i32 to vector<16xi32>
    %parallel_loop3A_1230 = arith.constant 0 : i32
    %parallel_loop3A_1231 = arith.constant 128 : i32
    %parallel_loop3A_1232 = arith.constant 1 : i32
    %parallel_loop3A_1233 = scf.for %parallel_loop3A_3126 = %parallel_loop3A_1230 to %parallel_loop3A_1231 step %parallel_loop3A_1232 iter_args(%parallel_loop3A_3127 = %broadcast_in_dim3A_1229) -> (vector<16xi32>)  : i32 {
      %parallel_loop3A_3128 = arith.constant 16 : i32
      %parallel_loop3A_3129 = arith.muli %parallel_loop3A_3126, %parallel_loop3A_3128 : i32
      %parallel_loop3A_3130 = arith.constant 2048 : i32
      %parallel_loop3A_3131 = arith.addi %parallel_loop3A_3130, %parallel_loop3A_3129 : i32
      %parallel_loop3A_3132 = arith.index_cast %parallel_loop3A_3131 : i32 to index
      %parallel_loop3A_3133 = tpu.vector_load %arg7[%parallel_loop3A_3132] {strides = array<i32>} : memref<4096xf32, #tpu.memory_space<vmem>>, vector<16xf32>,
      %parallel_loop3A_3134 = arith.cmpf oeq, %parallel_loop3A_3133, %parallel_loop3A_3133 : vector<16xf32>
      %parallel_loop3A_3135 = arith.extui %parallel_loop3A_3134 : vector<16xi1> to vector<16xi32>
      %parallel_loop3A_3136 = arith.constant true
      %parallel_loop3A_3137 = vector.broadcast %parallel_loop3A_3136 : i1 to vector<16xi1>
      %parallel_loop3A_3138 = tpu.scan <sum>, %parallel_loop3A_3135 masked %parallel_loop3A_3137 : vector<16xi32>, vector<16xi1> -> vector<16xi32>
      %parallel_loop3A_3139 = arith.addi %parallel_loop3A_3127, %parallel_loop3A_3138 : vector<16xi32>
      %parallel_loop3A_3140 = arith.constant 1 : i32
      %parallel_loop3A_3141 = vector.broadcast %parallel_loop3A_3140 : i32 to vector<16xi32>
      %parallel_loop3A_3142 = arith.subi %parallel_loop3A_3139, %parallel_loop3A_3141 : vector<16xi32>
      %parallel_loop3A_3143 = arith.index_cast %parallel_loop3A_3129 : i32 to index
      %parallel_loop3A_3144 = tpu.vector_load %arg6[%parallel_loop3A_3143] {strides = array<i32>} : memref<2048xf32, #tpu.memory_space<vmem>>, vector<16xf32>,
      tpu.vector_store_idx %arg8[%parallel_loop3A_3142], %parallel_loop3A_3144 masked %parallel_loop3A_3134 : memref<2064xf32, #tpu.memory_space<vmem>>[vector<16xi32>], vector<16xf32>, vector<16xi1>
      tpu.vector_store_idx %arg9[%parallel_loop3A_3142], %parallel_loop3A_3133 masked %parallel_loop3A_3134 : memref<2064xf32, #tpu.memory_space<vmem>>[vector<16xi32>], vector<16xf32>, vector<16xi1>
      %parallel_loop3A_3145 = tpu.all_reduce %parallel_loop3A_3134 {dim = 0 : i64, kind = #tpu.reduction_kind<sum>} : vector<16xi1> -> vector<16xi32>
      %parallel_loop3A_3146 = arith.addi %parallel_loop3A_3127, %parallel_loop3A_3145 : vector<16xi32>
      scf.yield %parallel_loop3A_3146 : vector<16xi32>
    } {sc.loop_unroll_factor = 4 : i64, sc.parallel_access}
    %sub3A_1234 = arith.constant 1 : i32
    %sub3A_1235 = vector.broadcast %sub3A_1234 : i32 to vector<16xi32>
    %sub3A_1236 = arith.subi %parallel_loop3A_1233, %sub3A_1235 : vector<16xi32>
    %max3A_1237 = arith.constant 0 : i32
    %max3A_1238 = vector.broadcast %max3A_1237 : i32 to vector<16xi32>
    %max3A_1239 = arith.maxsi %sub3A_1236, %max3A_1238 : vector<16xi32>
    %gather3A_1240 = tpu.vector_load_idx %arg8[%max3A_1239] : memref<2064xf32, #tpu.memory_space<vmem>>[vector<16xi32>], vector<16xf32>,
    %gather3A_1241 = tpu.vector_load_idx %arg9[%max3A_1239] : memref<2064xf32, #tpu.memory_space<vmem>>[vector<16xi32>], vector<16xf32>,
    %sub3A_1242 = arith.constant 2 : i32
    %sub3A_1243 = vector.broadcast %sub3A_1242 : i32 to vector<16xi32>
    %sub3A_1244 = arith.subi %parallel_loop3A_1233, %sub3A_1243 : vector<16xi32>
    %max3A_1245 = arith.constant 0 : i32
    %max3A_1246 = vector.broadcast %max3A_1245 : i32 to vector<16xi32>
    %max3A_1247 = arith.maxsi %sub3A_1244, %max3A_1246 : vector<16xi32>
    %add3A_1248 = arith.addf %add3A_50, %get3A_44 : vector<16xf32>
    %mul3A_1249 = arith.mulf %add3A_1248, %gather3A_1240 : vector<16xf32>
    %broadcast_in_dim3A_1250 = arith.constant 0 : i32
    %broadcast_in_dim3A_1251 = vector.broadcast %broadcast_in_dim3A_1250 : i32 to vector<16xi32>
    %add3A_1252 = arith.constant 1024 : i32
    %add3A_1253 = vector.broadcast %add3A_1252 : i32 to vector<16xi32>
    %add3A_1254 = arith.addi %broadcast_in_dim3A_1251, %add3A_1253 : vector<16xi32>
    %sub3A_1255 = arith.constant 1 : i32
    %sub3A_1256 = vector.broadcast %sub3A_1255 : i32 to vector<16xi32>
    %sub3A_1257 = arith.subi %add3A_1254, %sub3A_1256 : vector<16xi32>
    %min3A_1258 = arith.minsi %sub3A_1257, %max3A_1239 : vector<16xi32>
    %gather3A_1259 = tpu.vector_load_idx %arg8[%min3A_1258] : memref<2064xf32, #tpu.memory_space<vmem>>[vector<16xi32>], vector<16xf32>,
    %le3A_1260 = arith.cmpi sle, %add3A_1254, %parallel_loop3A_1233 : vector<16xi32>
    %le3A_1261 = arith.cmpf ole, %gather3A_1259, %mul3A_1249 : vector<16xf32>
    %and3A_1262 = arith.andi %le3A_1260, %le3A_1261 : vector<16xi1>
    %select_n3A_1263 = arith.select %and3A_1262, %add3A_1254, %broadcast_in_dim3A_1251 : vector<16xi1>, vector<16xi32>
    %add3A_1264 = arith.constant 512 : i32
    %add3A_1265 = vector.broadcast %add3A_1264 : i32 to vector<16xi32>
    %add3A_1266 = arith.addi %select_n3A_1263, %add3A_1265 : vector<16xi32>
    %sub3A_1267 = arith.constant 1 : i32
    %sub3A_1268 = vector.broadcast %sub3A_1267 : i32 to vector<16xi32>
    %sub3A_1269 = arith.subi %add3A_1266, %sub3A_1268 : vector<16xi32>
    %min3A_1270 = arith.minsi %sub3A_1269, %max3A_1239 : vector<16xi32>
    %gather3A_1271 = tpu.vector_load_idx %arg8[%min3A_1270] : memref<2064xf32, #tpu.memory_space<vmem>>[vector<16xi32>], vector<16xf32>,
    %le3A_1272 = arith.cmpi sle, %add3A_1266, %parallel_loop3A_1233 : vector<16xi32>
    %le3A_1273 = arith.cmpf ole, %gather3A_1271, %mul3A_1249 : vector<16xf32>
    %and3A_1274 = arith.andi %le3A_1272, %le3A_1273 : vector<16xi1>
    %select_n3A_1275 = arith.select %and3A_1274, %add3A_1266, %select_n3A_1263 : vector<16xi1>, vector<16xi32>
    %add3A_1276 = arith.constant 256 : i32
    %add3A_1277 = vector.broadcast %add3A_1276 : i32 to vector<16xi32>
    %add3A_1278 = arith.addi %select_n3A_1275, %add3A_1277 : vector<16xi32>
    %sub3A_1279 = arith.constant 1 : i32
    %sub3A_1280 = vector.broadcast %sub3A_1279 : i32 to vector<16xi32>
    %sub3A_1281 = arith.subi %add3A_1278, %sub3A_1280 : vector<16xi32>
    %min3A_1282 = arith.minsi %sub3A_1281, %max3A_1239 : vector<16xi32>
    %gather3A_1283 = tpu.vector_load_idx %arg8[%min3A_1282] : memref<2064xf32, #tpu.memory_space<vmem>>[vector<16xi32>], vector<16xf32>,
    %le3A_1284 = arith.cmpi sle, %add3A_1278, %parallel_loop3A_1233 : vector<16xi32>
    %le3A_1285 = arith.cmpf ole, %gather3A_1283, %mul3A_1249 : vector<16xf32>
    %and3A_1286 = arith.andi %le3A_1284, %le3A_1285 : vector<16xi1>
    %select_n3A_1287 = arith.select %and3A_1286, %add3A_1278, %select_n3A_1275 : vector<16xi1>, vector<16xi32>
    %add3A_1288 = arith.constant 128 : i32
    %add3A_1289 = vector.broadcast %add3A_1288 : i32 to vector<16xi32>
    %add3A_1290 = arith.addi %select_n3A_1287, %add3A_1289 : vector<16xi32>
    %sub3A_1291 = arith.constant 1 : i32
    %sub3A_1292 = vector.broadcast %sub3A_1291 : i32 to vector<16xi32>
    %sub3A_1293 = arith.subi %add3A_1290, %sub3A_1292 : vector<16xi32>
    %min3A_1294 = arith.minsi %sub3A_1293, %max3A_1239 : vector<16xi32>
    %gather3A_1295 = tpu.vector_load_idx %arg8[%min3A_1294] : memref<2064xf32, #tpu.memory_space<vmem>>[vector<16xi32>], vector<16xf32>,
    %le3A_1296 = arith.cmpi sle, %add3A_1290, %parallel_loop3A_1233 : vector<16xi32>
    %le3A_1297 = arith.cmpf ole, %gather3A_1295, %mul3A_1249 : vector<16xf32>
    %and3A_1298 = arith.andi %le3A_1296, %le3A_1297 : vector<16xi1>
    %select_n3A_1299 = arith.select %and3A_1298, %add3A_1290, %select_n3A_1287 : vector<16xi1>, vector<16xi32>
    %add3A_1300 = arith.constant 64 : i32
    %add3A_1301 = vector.broadcast %add3A_1300 : i32 to vector<16xi32>
    %add3A_1302 = arith.addi %select_n3A_1299, %add3A_1301 : vector<16xi32>
    %sub3A_1303 = arith.constant 1 : i32
    %sub3A_1304 = vector.broadcast %sub3A_1303 : i32 to vector<16xi32>
    %sub3A_1305 = arith.subi %add3A_1302, %sub3A_1304 : vector<16xi32>
    %min3A_1306 = arith.minsi %sub3A_1305, %max3A_1239 : vector<16xi32>
    %gather3A_1307 = tpu.vector_load_idx %arg8[%min3A_1306] : memref<2064xf32, #tpu.memory_space<vmem>>[vector<16xi32>], vector<16xf32>,
    %le3A_1308 = arith.cmpi sle, %add3A_1302, %parallel_loop3A_1233 : vector<16xi32>
    %le3A_1309 = arith.cmpf ole, %gather3A_1307, %mul3A_1249 : vector<16xf32>
    %and3A_1310 = arith.andi %le3A_1308, %le3A_1309 : vector<16xi1>
    %select_n3A_1311 = arith.select %and3A_1310, %add3A_1302, %select_n3A_1299 : vector<16xi1>, vector<16xi32>
    %add3A_1312 = arith.constant 32 : i32
    %add3A_1313 = vector.broadcast %add3A_1312 : i32 to vector<16xi32>
    %add3A_1314 = arith.addi %select_n3A_1311, %add3A_1313 : vector<16xi32>
    %sub3A_1315 = arith.constant 1 : i32
    %sub3A_1316 = vector.broadcast %sub3A_1315 : i32 to vector<16xi32>
    %sub3A_1317 = arith.subi %add3A_1314, %sub3A_1316 : vector<16xi32>
    %min3A_1318 = arith.minsi %sub3A_1317, %max3A_1239 : vector<16xi32>
    %gather3A_1319 = tpu.vector_load_idx %arg8[%min3A_1318] : memref<2064xf32, #tpu.memory_space<vmem>>[vector<16xi32>], vector<16xf32>,
    %le3A_1320 = arith.cmpi sle, %add3A_1314, %parallel_loop3A_1233 : vector<16xi32>
    %le3A_1321 = arith.cmpf ole, %gather3A_1319, %mul3A_1249 : vector<16xf32>
    %and3A_1322 = arith.andi %le3A_1320, %le3A_1321 : vector<16xi1>
    %select_n3A_1323 = arith.select %and3A_1322, %add3A_1314, %select_n3A_1311 : vector<16xi1>, vector<16xi32>
    %add3A_1324 = arith.constant 16 : i32
    %add3A_1325 = vector.broadcast %add3A_1324 : i32 to vector<16xi32>
    %add3A_1326 = arith.addi %select_n3A_1323, %add3A_1325 : vector<16xi32>
    %sub3A_1327 = arith.constant 1 : i32
    %sub3A_1328 = vector.broadcast %sub3A_1327 : i32 to vector<16xi32>
    %sub3A_1329 = arith.subi %add3A_1326, %sub3A_1328 : vector<16xi32>
    %min3A_1330 = arith.minsi %sub3A_1329, %max3A_1239 : vector<16xi32>
    %gather3A_1331 = tpu.vector_load_idx %arg8[%min3A_1330] : memref<2064xf32, #tpu.memory_space<vmem>>[vector<16xi32>], vector<16xf32>,
    %le3A_1332 = arith.cmpi sle, %add3A_1326, %parallel_loop3A_1233 : vector<16xi32>
    %le3A_1333 = arith.cmpf ole, %gather3A_1331, %mul3A_1249 : vector<16xf32>
    %and3A_1334 = arith.andi %le3A_1332, %le3A_1333 : vector<16xi1>
    %select_n3A_1335 = arith.select %and3A_1334, %add3A_1326, %select_n3A_1323 : vector<16xi1>, vector<16xi32>
    %add3A_1336 = arith.constant 8 : i32
    %add3A_1337 = vector.broadcast %add3A_1336 : i32 to vector<16xi32>
    %add3A_1338 = arith.addi %select_n3A_1335, %add3A_1337 : vector<16xi32>
    %sub3A_1339 = arith.constant 1 : i32
    %sub3A_1340 = vector.broadcast %sub3A_1339 : i32 to vector<16xi32>
    %sub3A_1341 = arith.subi %add3A_1338, %sub3A_1340 : vector<16xi32>
    %min3A_1342 = arith.minsi %sub3A_1341, %max3A_1239 : vector<16xi32>
    %gather3A_1343 = tpu.vector_load_idx %arg8[%min3A_1342] : memref<2064xf32, #tpu.memory_space<vmem>>[vector<16xi32>], vector<16xf32>,
    %le3A_1344 = arith.cmpi sle, %add3A_1338, %parallel_loop3A_1233 : vector<16xi32>
    %le3A_1345 = arith.cmpf ole, %gather3A_1343, %mul3A_1249 : vector<16xf32>
    %and3A_1346 = arith.andi %le3A_1344, %le3A_1345 : vector<16xi1>
    %select_n3A_1347 = arith.select %and3A_1346, %add3A_1338, %select_n3A_1335 : vector<16xi1>, vector<16xi32>
    %add3A_1348 = arith.constant 4 : i32
    %add3A_1349 = vector.broadcast %add3A_1348 : i32 to vector<16xi32>
    %add3A_1350 = arith.addi %select_n3A_1347, %add3A_1349 : vector<16xi32>
    %sub3A_1351 = arith.constant 1 : i32
    %sub3A_1352 = vector.broadcast %sub3A_1351 : i32 to vector<16xi32>
    %sub3A_1353 = arith.subi %add3A_1350, %sub3A_1352 : vector<16xi32>
    %min3A_1354 = arith.minsi %sub3A_1353, %max3A_1239 : vector<16xi32>
    %gather3A_1355 = tpu.vector_load_idx %arg8[%min3A_1354] : memref<2064xf32, #tpu.memory_space<vmem>>[vector<16xi32>], vector<16xf32>,
    %le3A_1356 = arith.cmpi sle, %add3A_1350, %parallel_loop3A_1233 : vector<16xi32>
    %le3A_1357 = arith.cmpf ole, %gather3A_1355, %mul3A_1249 : vector<16xf32>
    %and3A_1358 = arith.andi %le3A_1356, %le3A_1357 : vector<16xi1>
    %select_n3A_1359 = arith.select %and3A_1358, %add3A_1350, %select_n3A_1347 : vector<16xi1>, vector<16xi32>
    %add3A_1360 = arith.constant 2 : i32
    %add3A_1361 = vector.broadcast %add3A_1360 : i32 to vector<16xi32>
    %add3A_1362 = arith.addi %select_n3A_1359, %add3A_1361 : vector<16xi32>
    %sub3A_1363 = arith.constant 1 : i32
    %sub3A_1364 = vector.broadcast %sub3A_1363 : i32 to vector<16xi32>
    %sub3A_1365 = arith.subi %add3A_1362, %sub3A_1364 : vector<16xi32>
    %min3A_1366 = arith.minsi %sub3A_1365, %max3A_1239 : vector<16xi32>
    %gather3A_1367 = tpu.vector_load_idx %arg8[%min3A_1366] : memref<2064xf32, #tpu.memory_space<vmem>>[vector<16xi32>], vector<16xf32>,
    %le3A_1368 = arith.cmpi sle, %add3A_1362, %parallel_loop3A_1233 : vector<16xi32>
    %le3A_1369 = arith.cmpf ole, %gather3A_1367, %mul3A_1249 : vector<16xf32>
    %and3A_1370 = arith.andi %le3A_1368, %le3A_1369 : vector<16xi1>
    %select_n3A_1371 = arith.select %and3A_1370, %add3A_1362, %select_n3A_1359 : vector<16xi1>, vector<16xi32>
    %add3A_1372 = arith.constant 1 : i32
    %add3A_1373 = vector.broadcast %add3A_1372 : i32 to vector<16xi32>
    %add3A_1374 = arith.addi %select_n3A_1371, %add3A_1373 : vector<16xi32>
    %sub3A_1375 = arith.constant 1 : i32
    %sub3A_1376 = vector.broadcast %sub3A_1375 : i32 to vector<16xi32>
    %sub3A_1377 = arith.subi %add3A_1374, %sub3A_1376 : vector<16xi32>
    %min3A_1378 = arith.minsi %sub3A_1377, %max3A_1239 : vector<16xi32>
    %gather3A_1379 = tpu.vector_load_idx %arg8[%min3A_1378] : memref<2064xf32, #tpu.memory_space<vmem>>[vector<16xi32>], vector<16xf32>,
    %le3A_1380 = arith.cmpi sle, %add3A_1374, %parallel_loop3A_1233 : vector<16xi32>
    %le3A_1381 = arith.cmpf ole, %gather3A_1379, %mul3A_1249 : vector<16xf32>
    %and3A_1382 = arith.andi %le3A_1380, %le3A_1381 : vector<16xi1>
    %select_n3A_1383 = arith.select %and3A_1382, %add3A_1374, %select_n3A_1371 : vector<16xi1>, vector<16xi32>
    %sub3A_1384 = arith.constant 1 : i32
    %sub3A_1385 = vector.broadcast %sub3A_1384 : i32 to vector<16xi32>
    %sub3A_1386 = arith.subi %select_n3A_1383, %sub3A_1385 : vector<16xi32>
    %jit3A_1387 = arith.constant 0 : i32
    %max3A_1388 = vector.broadcast %jit3A_1387 : i32 to vector<16xi32>
    %max3A_1389 = arith.maxsi %max3A_1388, %sub3A_1386 : vector<16xi32>
    %min3A_1390 = arith.minsi %max3A_1247, %max3A_1389 : vector<16xi32>
    %add3A_1391 = arith.constant 1 : i32
    %add3A_1392 = vector.broadcast %add3A_1391 : i32 to vector<16xi32>
    %add3A_1393 = arith.addi %min3A_1390, %add3A_1392 : vector<16xi32>
    %gather3A_1394 = tpu.vector_load_idx %arg8[%min3A_1390] : memref<2064xf32, #tpu.memory_space<vmem>>[vector<16xi32>], vector<16xf32>,
    %gather3A_1395 = tpu.vector_load_idx %arg8[%add3A_1393] : memref<2064xf32, #tpu.memory_space<vmem>>[vector<16xi32>], vector<16xf32>,
    %gather3A_1396 = tpu.vector_load_idx %arg9[%min3A_1390] : memref<2064xf32, #tpu.memory_space<vmem>>[vector<16xi32>], vector<16xf32>,
    %gather3A_1397 = tpu.vector_load_idx %arg9[%add3A_1393] : memref<2064xf32, #tpu.memory_space<vmem>>[vector<16xi32>], vector<16xf32>,
    %sub3A_1398 = arith.subf %mul3A_1249, %gather3A_1394 : vector<16xf32>
    %sub3A_1399 = arith.subf %gather3A_1395, %gather3A_1394 : vector<16xf32>
    %div3A_1400 = arith.divf %sub3A_1398, %sub3A_1399 : vector<16xf32>
    %sub3A_1401 = arith.subf %gather3A_1397, %gather3A_1396 : vector<16xf32>
    %mul3A_1402 = arith.mulf %div3A_1400, %sub3A_1401 : vector<16xf32>
    %add3A_1403 = arith.addf %gather3A_1396, %mul3A_1402 : vector<16xf32>
    %lt3A_1404 = arith.cmpf olt, %mul3A_1249, %gather3A_1394 : vector<16xf32>
    %select_n3A_1405 = arith.select %lt3A_1404, %gather3A_1396, %add3A_1403 : vector<16xi1>, vector<16xf32>
    %gt3A_1406 = arith.cmpf ogt, %mul3A_1249, %gather3A_1240 : vector<16xf32>
    %select_n3A_1407 = arith.select %gt3A_1406, %gather3A_1241, %select_n3A_1405 : vector<16xi1>, vector<16xf32>
    %eq3A_1408 = arith.constant 1 : i32
    %eq3A_1409 = vector.broadcast %eq3A_1408 : i32 to vector<16xi32>
    %eq3A_1410 = arith.cmpi eq, %parallel_loop3A_1233, %eq3A_1409 : vector<16xi32>
    %select_n3A_1411 = arith.select %eq3A_1410, %gather3A_1241, %select_n3A_1407 : vector<16xi1>, vector<16xf32>
    %eq3A_1412 = arith.constant 0 : i32
    %eq3A_1413 = vector.broadcast %eq3A_1412 : i32 to vector<16xi32>
    %eq3A_1414 = arith.cmpi eq, %parallel_loop3A_1233, %eq3A_1413 : vector<16xi32>
    %broadcast_in_dim3A_1415 = arith.constant 0.000000e+00 : f32
    %broadcast_in_dim3A_1416 = vector.broadcast %broadcast_in_dim3A_1415 : f32 to vector<16xf32>
    %select_n3A_1417 = arith.select %eq3A_1414, %broadcast_in_dim3A_1416, %select_n3A_1411 : vector<16xi1>, vector<16xf32>
    %swap3A_1418 = arith.constant 96 : index
    %swap3A_1419 = tpu.vector_load %arg11[%swap3A_1418] {strides = array<i32>} : memref<256xf32, #tpu.memory_space<vmem>>, vector<16xf32>,
    tpu.vector_store %arg11[%swap3A_1418], %select_n3A_1417 {strides = array<i32>} : memref<256xf32, #tpu.memory_space<vmem>>, vector<16xf32>,
    %add3A_1420 = arith.addf %add3A_56, %get3A_44 : vector<16xf32>
    %mul3A_1421 = arith.mulf %add3A_1420, %gather3A_1240 : vector<16xf32>
    %broadcast_in_dim3A_1422 = arith.constant 0 : i32
    %broadcast_in_dim3A_1423 = vector.broadcast %broadcast_in_dim3A_1422 : i32 to vector<16xi32>
    %add3A_1424 = arith.constant 1024 : i32
    %add3A_1425 = vector.broadcast %add3A_1424 : i32 to vector<16xi32>
    %add3A_1426 = arith.addi %broadcast_in_dim3A_1423, %add3A_1425 : vector<16xi32>
    %sub3A_1427 = arith.constant 1 : i32
    %sub3A_1428 = vector.broadcast %sub3A_1427 : i32 to vector<16xi32>
    %sub3A_1429 = arith.subi %add3A_1426, %sub3A_1428 : vector<16xi32>
    %min3A_1430 = arith.minsi %sub3A_1429, %max3A_1239 : vector<16xi32>
    %gather3A_1431 = tpu.vector_load_idx %arg8[%min3A_1430] : memref<2064xf32, #tpu.memory_space<vmem>>[vector<16xi32>], vector<16xf32>,
    %le3A_1432 = arith.cmpi sle, %add3A_1426, %parallel_loop3A_1233 : vector<16xi32>
    %le3A_1433 = arith.cmpf ole, %gather3A_1431, %mul3A_1421 : vector<16xf32>
    %and3A_1434 = arith.andi %le3A_1432, %le3A_1433 : vector<16xi1>
    %select_n3A_1435 = arith.select %and3A_1434, %add3A_1426, %broadcast_in_dim3A_1423 : vector<16xi1>, vector<16xi32>
    %add3A_1436 = arith.constant 512 : i32
    %add3A_1437 = vector.broadcast %add3A_1436 : i32 to vector<16xi32>
    %add3A_1438 = arith.addi %select_n3A_1435, %add3A_1437 : vector<16xi32>
    %sub3A_1439 = arith.constant 1 : i32
    %sub3A_1440 = vector.broadcast %sub3A_1439 : i32 to vector<16xi32>
    %sub3A_1441 = arith.subi %add3A_1438, %sub3A_1440 : vector<16xi32>
    %min3A_1442 = arith.minsi %sub3A_1441, %max3A_1239 : vector<16xi32>
    %gather3A_1443 = tpu.vector_load_idx %arg8[%min3A_1442] : memref<2064xf32, #tpu.memory_space<vmem>>[vector<16xi32>], vector<16xf32>,
    %le3A_1444 = arith.cmpi sle, %add3A_1438, %parallel_loop3A_1233 : vector<16xi32>
    %le3A_1445 = arith.cmpf ole, %gather3A_1443, %mul3A_1421 : vector<16xf32>
    %and3A_1446 = arith.andi %le3A_1444, %le3A_1445 : vector<16xi1>
    %select_n3A_1447 = arith.select %and3A_1446, %add3A_1438, %select_n3A_1435 : vector<16xi1>, vector<16xi32>
    %add3A_1448 = arith.constant 256 : i32
    %add3A_1449 = vector.broadcast %add3A_1448 : i32 to vector<16xi32>
    %add3A_1450 = arith.addi %select_n3A_1447, %add3A_1449 : vector<16xi32>
    %sub3A_1451 = arith.constant 1 : i32
    %sub3A_1452 = vector.broadcast %sub3A_1451 : i32 to vector<16xi32>
    %sub3A_1453 = arith.subi %add3A_1450, %sub3A_1452 : vector<16xi32>
    %min3A_1454 = arith.minsi %sub3A_1453, %max3A_1239 : vector<16xi32>
    %gather3A_1455 = tpu.vector_load_idx %arg8[%min3A_1454] : memref<2064xf32, #tpu.memory_space<vmem>>[vector<16xi32>], vector<16xf32>,
    %le3A_1456 = arith.cmpi sle, %add3A_1450, %parallel_loop3A_1233 : vector<16xi32>
    %le3A_1457 = arith.cmpf ole, %gather3A_1455, %mul3A_1421 : vector<16xf32>
    %and3A_1458 = arith.andi %le3A_1456, %le3A_1457 : vector<16xi1>
    %select_n3A_1459 = arith.select %and3A_1458, %add3A_1450, %select_n3A_1447 : vector<16xi1>, vector<16xi32>
    %add3A_1460 = arith.constant 128 : i32
    %add3A_1461 = vector.broadcast %add3A_1460 : i32 to vector<16xi32>
    %add3A_1462 = arith.addi %select_n3A_1459, %add3A_1461 : vector<16xi32>
    %sub3A_1463 = arith.constant 1 : i32
    %sub3A_1464 = vector.broadcast %sub3A_1463 : i32 to vector<16xi32>
    %sub3A_1465 = arith.subi %add3A_1462, %sub3A_1464 : vector<16xi32>
    %min3A_1466 = arith.minsi %sub3A_1465, %max3A_1239 : vector<16xi32>
    %gather3A_1467 = tpu.vector_load_idx %arg8[%min3A_1466] : memref<2064xf32, #tpu.memory_space<vmem>>[vector<16xi32>], vector<16xf32>,
    %le3A_1468 = arith.cmpi sle, %add3A_1462, %parallel_loop3A_1233 : vector<16xi32>
    %le3A_1469 = arith.cmpf ole, %gather3A_1467, %mul3A_1421 : vector<16xf32>
    %and3A_1470 = arith.andi %le3A_1468, %le3A_1469 : vector<16xi1>
    %select_n3A_1471 = arith.select %and3A_1470, %add3A_1462, %select_n3A_1459 : vector<16xi1>, vector<16xi32>
    %add3A_1472 = arith.constant 64 : i32
    %add3A_1473 = vector.broadcast %add3A_1472 : i32 to vector<16xi32>
    %add3A_1474 = arith.addi %select_n3A_1471, %add3A_1473 : vector<16xi32>
    %sub3A_1475 = arith.constant 1 : i32
    %sub3A_1476 = vector.broadcast %sub3A_1475 : i32 to vector<16xi32>
    %sub3A_1477 = arith.subi %add3A_1474, %sub3A_1476 : vector<16xi32>
    %min3A_1478 = arith.minsi %sub3A_1477, %max3A_1239 : vector<16xi32>
    %gather3A_1479 = tpu.vector_load_idx %arg8[%min3A_1478] : memref<2064xf32, #tpu.memory_space<vmem>>[vector<16xi32>], vector<16xf32>,
    %le3A_1480 = arith.cmpi sle, %add3A_1474, %parallel_loop3A_1233 : vector<16xi32>
    %le3A_1481 = arith.cmpf ole, %gather3A_1479, %mul3A_1421 : vector<16xf32>
    %and3A_1482 = arith.andi %le3A_1480, %le3A_1481 : vector<16xi1>
    %select_n3A_1483 = arith.select %and3A_1482, %add3A_1474, %select_n3A_1471 : vector<16xi1>, vector<16xi32>
    %add3A_1484 = arith.constant 32 : i32
    %add3A_1485 = vector.broadcast %add3A_1484 : i32 to vector<16xi32>
    %add3A_1486 = arith.addi %select_n3A_1483, %add3A_1485 : vector<16xi32>
    %sub3A_1487 = arith.constant 1 : i32
    %sub3A_1488 = vector.broadcast %sub3A_1487 : i32 to vector<16xi32>
    %sub3A_1489 = arith.subi %add3A_1486, %sub3A_1488 : vector<16xi32>
    %min3A_1490 = arith.minsi %sub3A_1489, %max3A_1239 : vector<16xi32>
    %gather3A_1491 = tpu.vector_load_idx %arg8[%min3A_1490] : memref<2064xf32, #tpu.memory_space<vmem>>[vector<16xi32>], vector<16xf32>,
    %le3A_1492 = arith.cmpi sle, %add3A_1486, %parallel_loop3A_1233 : vector<16xi32>
    %le3A_1493 = arith.cmpf ole, %gather3A_1491, %mul3A_1421 : vector<16xf32>
    %and3A_1494 = arith.andi %le3A_1492, %le3A_1493 : vector<16xi1>
    %select_n3A_1495 = arith.select %and3A_1494, %add3A_1486, %select_n3A_1483 : vector<16xi1>, vector<16xi32>
    %add3A_1496 = arith.constant 16 : i32
    %add3A_1497 = vector.broadcast %add3A_1496 : i32 to vector<16xi32>
    %add3A_1498 = arith.addi %select_n3A_1495, %add3A_1497 : vector<16xi32>
    %sub3A_1499 = arith.constant 1 : i32
    %sub3A_1500 = vector.broadcast %sub3A_1499 : i32 to vector<16xi32>
    %sub3A_1501 = arith.subi %add3A_1498, %sub3A_1500 : vector<16xi32>
    %min3A_1502 = arith.minsi %sub3A_1501, %max3A_1239 : vector<16xi32>
    %gather3A_1503 = tpu.vector_load_idx %arg8[%min3A_1502] : memref<2064xf32, #tpu.memory_space<vmem>>[vector<16xi32>], vector<16xf32>,
    %le3A_1504 = arith.cmpi sle, %add3A_1498, %parallel_loop3A_1233 : vector<16xi32>
    %le3A_1505 = arith.cmpf ole, %gather3A_1503, %mul3A_1421 : vector<16xf32>
    %and3A_1506 = arith.andi %le3A_1504, %le3A_1505 : vector<16xi1>
    %select_n3A_1507 = arith.select %and3A_1506, %add3A_1498, %select_n3A_1495 : vector<16xi1>, vector<16xi32>
    %add3A_1508 = arith.constant 8 : i32
    %add3A_1509 = vector.broadcast %add3A_1508 : i32 to vector<16xi32>
    %add3A_1510 = arith.addi %select_n3A_1507, %add3A_1509 : vector<16xi32>
    %sub3A_1511 = arith.constant 1 : i32
    %sub3A_1512 = vector.broadcast %sub3A_1511 : i32 to vector<16xi32>
    %sub3A_1513 = arith.subi %add3A_1510, %sub3A_1512 : vector<16xi32>
    %min3A_1514 = arith.minsi %sub3A_1513, %max3A_1239 : vector<16xi32>
    %gather3A_1515 = tpu.vector_load_idx %arg8[%min3A_1514] : memref<2064xf32, #tpu.memory_space<vmem>>[vector<16xi32>], vector<16xf32>,
    %le3A_1516 = arith.cmpi sle, %add3A_1510, %parallel_loop3A_1233 : vector<16xi32>
    %le3A_1517 = arith.cmpf ole, %gather3A_1515, %mul3A_1421 : vector<16xf32>
    %and3A_1518 = arith.andi %le3A_1516, %le3A_1517 : vector<16xi1>
    %select_n3A_1519 = arith.select %and3A_1518, %add3A_1510, %select_n3A_1507 : vector<16xi1>, vector<16xi32>
    %add3A_1520 = arith.constant 4 : i32
    %add3A_1521 = vector.broadcast %add3A_1520 : i32 to vector<16xi32>
    %add3A_1522 = arith.addi %select_n3A_1519, %add3A_1521 : vector<16xi32>
    %sub3A_1523 = arith.constant 1 : i32
    %sub3A_1524 = vector.broadcast %sub3A_1523 : i32 to vector<16xi32>
    %sub3A_1525 = arith.subi %add3A_1522, %sub3A_1524 : vector<16xi32>
    %min3A_1526 = arith.minsi %sub3A_1525, %max3A_1239 : vector<16xi32>
    %gather3A_1527 = tpu.vector_load_idx %arg8[%min3A_1526] : memref<2064xf32, #tpu.memory_space<vmem>>[vector<16xi32>], vector<16xf32>,
    %le3A_1528 = arith.cmpi sle, %add3A_1522, %parallel_loop3A_1233 : vector<16xi32>
    %le3A_1529 = arith.cmpf ole, %gather3A_1527, %mul3A_1421 : vector<16xf32>
    %and3A_1530 = arith.andi %le3A_1528, %le3A_1529 : vector<16xi1>
    %select_n3A_1531 = arith.select %and3A_1530, %add3A_1522, %select_n3A_1519 : vector<16xi1>, vector<16xi32>
    %add3A_1532 = arith.constant 2 : i32
    %add3A_1533 = vector.broadcast %add3A_1532 : i32 to vector<16xi32>
    %add3A_1534 = arith.addi %select_n3A_1531, %add3A_1533 : vector<16xi32>
    %sub3A_1535 = arith.constant 1 : i32
    %sub3A_1536 = vector.broadcast %sub3A_1535 : i32 to vector<16xi32>
    %sub3A_1537 = arith.subi %add3A_1534, %sub3A_1536 : vector<16xi32>
    %min3A_1538 = arith.minsi %sub3A_1537, %max3A_1239 : vector<16xi32>
    %gather3A_1539 = tpu.vector_load_idx %arg8[%min3A_1538] : memref<2064xf32, #tpu.memory_space<vmem>>[vector<16xi32>], vector<16xf32>,
    %le3A_1540 = arith.cmpi sle, %add3A_1534, %parallel_loop3A_1233 : vector<16xi32>
    %le3A_1541 = arith.cmpf ole, %gather3A_1539, %mul3A_1421 : vector<16xf32>
    %and3A_1542 = arith.andi %le3A_1540, %le3A_1541 : vector<16xi1>
    %select_n3A_1543 = arith.select %and3A_1542, %add3A_1534, %select_n3A_1531 : vector<16xi1>, vector<16xi32>
    %add3A_1544 = arith.constant 1 : i32
    %add3A_1545 = vector.broadcast %add3A_1544 : i32 to vector<16xi32>
    %add3A_1546 = arith.addi %select_n3A_1543, %add3A_1545 : vector<16xi32>
    %sub3A_1547 = arith.constant 1 : i32
    %sub3A_1548 = vector.broadcast %sub3A_1547 : i32 to vector<16xi32>
    %sub3A_1549 = arith.subi %add3A_1546, %sub3A_1548 : vector<16xi32>
    %min3A_1550 = arith.minsi %sub3A_1549, %max3A_1239 : vector<16xi32>
    %gather3A_1551 = tpu.vector_load_idx %arg8[%min3A_1550] : memref<2064xf32, #tpu.memory_space<vmem>>[vector<16xi32>], vector<16xf32>,
    %le3A_1552 = arith.cmpi sle, %add3A_1546, %parallel_loop3A_1233 : vector<16xi32>
    %le3A_1553 = arith.cmpf ole, %gather3A_1551, %mul3A_1421 : vector<16xf32>
    %and3A_1554 = arith.andi %le3A_1552, %le3A_1553 : vector<16xi1>
    %select_n3A_1555 = arith.select %and3A_1554, %add3A_1546, %select_n3A_1543 : vector<16xi1>, vector<16xi32>
    %sub3A_1556 = arith.constant 1 : i32
    %sub3A_1557 = vector.broadcast %sub3A_1556 : i32 to vector<16xi32>
    %sub3A_1558 = arith.subi %select_n3A_1555, %sub3A_1557 : vector<16xi32>
    %jit3A_1559 = arith.constant 0 : i32
    %max3A_1560 = vector.broadcast %jit3A_1559 : i32 to vector<16xi32>
    %max3A_1561 = arith.maxsi %max3A_1560, %sub3A_1558 : vector<16xi32>
    %min3A_1562 = arith.minsi %max3A_1247, %max3A_1561 : vector<16xi32>
    %add3A_1563 = arith.constant 1 : i32
    %add3A_1564 = vector.broadcast %add3A_1563 : i32 to vector<16xi32>
    %add3A_1565 = arith.addi %min3A_1562, %add3A_1564 : vector<16xi32>
    %gather3A_1566 = tpu.vector_load_idx %arg8[%min3A_1562] : memref<2064xf32, #tpu.memory_space<vmem>>[vector<16xi32>], vector<16xf32>,
    %gather3A_1567 = tpu.vector_load_idx %arg8[%add3A_1565] : memref<2064xf32, #tpu.memory_space<vmem>>[vector<16xi32>], vector<16xf32>,
    %gather3A_1568 = tpu.vector_load_idx %arg9[%min3A_1562] : memref<2064xf32, #tpu.memory_space<vmem>>[vector<16xi32>], vector<16xf32>,
    %gather3A_1569 = tpu.vector_load_idx %arg9[%add3A_1565] : memref<2064xf32, #tpu.memory_space<vmem>>[vector<16xi32>], vector<16xf32>,
    %sub3A_1570 = arith.subf %mul3A_1421, %gather3A_1566 : vector<16xf32>
    %sub3A_1571 = arith.subf %gather3A_1567, %gather3A_1566 : vector<16xf32>
    %div3A_1572 = arith.divf %sub3A_1570, %sub3A_1571 : vector<16xf32>
    %sub3A_1573 = arith.subf %gather3A_1569, %gather3A_1568 : vector<16xf32>
    %mul3A_1574 = arith.mulf %div3A_1572, %sub3A_1573 : vector<16xf32>
    %add3A_1575 = arith.addf %gather3A_1568, %mul3A_1574 : vector<16xf32>
    %lt3A_1576 = arith.cmpf olt, %mul3A_1421, %gather3A_1566 : vector<16xf32>
    %select_n3A_1577 = arith.select %lt3A_1576, %gather3A_1568, %add3A_1575 : vector<16xi1>, vector<16xf32>
    %gt3A_1578 = arith.cmpf ogt, %mul3A_1421, %gather3A_1240 : vector<16xf32>
    %select_n3A_1579 = arith.select %gt3A_1578, %gather3A_1241, %select_n3A_1577 : vector<16xi1>, vector<16xf32>
    %eq3A_1580 = arith.constant 1 : i32
    %eq3A_1581 = vector.broadcast %eq3A_1580 : i32 to vector<16xi32>
    %eq3A_1582 = arith.cmpi eq, %parallel_loop3A_1233, %eq3A_1581 : vector<16xi32>
    %select_n3A_1583 = arith.select %eq3A_1582, %gather3A_1241, %select_n3A_1579 : vector<16xi1>, vector<16xf32>
    %eq3A_1584 = arith.constant 0 : i32
    %eq3A_1585 = vector.broadcast %eq3A_1584 : i32 to vector<16xi32>
    %eq3A_1586 = arith.cmpi eq, %parallel_loop3A_1233, %eq3A_1585 : vector<16xi32>
    %broadcast_in_dim3A_1587 = arith.constant 0.000000e+00 : f32
    %broadcast_in_dim3A_1588 = vector.broadcast %broadcast_in_dim3A_1587 : f32 to vector<16xf32>
    %select_n3A_1589 = arith.select %eq3A_1586, %broadcast_in_dim3A_1588, %select_n3A_1583 : vector<16xi1>, vector<16xf32>
    %swap3A_1590 = arith.constant 112 : index
    %swap3A_1591 = tpu.vector_load %arg11[%swap3A_1590] {strides = array<i32>} : memref<256xf32, #tpu.memory_space<vmem>>, vector<16xf32>,
    tpu.vector_store %arg11[%swap3A_1590], %select_n3A_1589 {strides = array<i32>} : memref<256xf32, #tpu.memory_space<vmem>>, vector<16xf32>,
    %add3A_1592 = arith.constant 5 : i32
    %add3A_1593 = arith.addi %mul3A_32, %add3A_1592 : i32
    %dma_start3A_1594 = arith.constant 2048 : i32
    %dma_start3A_1595 = tpu.memref_slice %arg7[%dma_start3A_1594] : memref<4096xf32, #tpu.memory_space<vmem>> -> memref<2048xf32, #tpu.memory_space<vmem>>
    %dma_start3A_1596 = arith.constant 0 : i32
    %dma_start3A_1597 = tpu.memref_slice %arg2[%select_n3A, %add3A_1593, %dma_start3A_1596] : memref<8x32x2048xf32, #tpu.memory_space<hbm>> -> memref<1x1x2048xf32, #tpu.memory_space<hbm>>
    %dma_start3A_1598 = tpu.memref_squeeze %dma_start3A_1597 : memref<1x1x2048xf32, #tpu.memory_space<hbm>> -> memref<2048xf32, #tpu.memory_space<hbm>>
    %dma_start3A_1599 = arith.constant 2048 : i32
    %dma_start3A_1600 = tpu.memref_slice %arg7[%dma_start3A_1599] : memref<4096xf32, #tpu.memory_space<vmem>> -> memref<2048xf32, #tpu.memory_space<vmem>>
    %dma_start3A_1601 = arith.constant 0 : i32
    %dma_start3A_1602 = tpu.memref_slice %arg2[%select_n3A, %add3A_1593, %dma_start3A_1601] : memref<8x32x2048xf32, #tpu.memory_space<hbm>> -> memref<1x1x2048xf32, #tpu.memory_space<hbm>>
    %dma_start3A_1603 = tpu.memref_squeeze %dma_start3A_1602 : memref<1x1x2048xf32, #tpu.memory_space<hbm>> -> memref<2048xf32, #tpu.memory_space<hbm>>
    tpu.enqueue_dma source(%dma_start3A_1603 : memref<2048xf32, #tpu.memory_space<hbm>>) target(%dma_start3A_1600 : memref<2048xf32, #tpu.memory_space<vmem>>) target_semaphore(%arg13 : memref<!tpu.dma_semaphore, #tpu.memory_space<semaphore_mem>>)
    %dma_wait3A_1604 = arith.constant 0 : i32
    %dma_wait3A_1605 = tpu.memref_slice %arg7[%dma_wait3A_1604] : memref<4096xf32, #tpu.memory_space<vmem>> -> memref<2048xf32, #tpu.memory_space<vmem>>
    %dma_wait3A_1606 = arith.constant 0 : i32
    %dma_wait3A_1607 = tpu.memref_slice %arg2[%select_n3A, %add3A_1207, %dma_wait3A_1606] : memref<8x32x2048xf32, #tpu.memory_space<hbm>> -> memref<1x1x2048xf32, #tpu.memory_space<hbm>>
    %dma_wait3A_1608 = tpu.memref_squeeze %dma_wait3A_1607 : memref<1x1x2048xf32, #tpu.memory_space<hbm>> -> memref<2048xf32, #tpu.memory_space<hbm>>
    %dma_wait3A_1609 = arith.constant 0 : i32
    %dma_wait3A_1610 = tpu.memref_slice %arg7[%dma_wait3A_1609] : memref<4096xf32, #tpu.memory_space<vmem>> -> memref<2048xf32, #tpu.memory_space<vmem>>
    %dma_wait3A_1611 = arith.constant 0 : i32
    %dma_wait3A_1612 = tpu.memref_slice %arg2[%select_n3A, %add3A_1207, %dma_wait3A_1611] : memref<8x32x2048xf32, #tpu.memory_space<hbm>> -> memref<1x1x2048xf32, #tpu.memory_space<hbm>>
    %dma_wait3A_1613 = tpu.memref_squeeze %dma_wait3A_1612 : memref<1x1x2048xf32, #tpu.memory_space<hbm>> -> memref<2048xf32, #tpu.memory_space<hbm>>
    tpu.wait_dma2 semaphore(%arg12 : memref<!tpu.dma_semaphore, #tpu.memory_space<semaphore_mem>>) src(%dma_wait3A_1613 : memref<2048xf32, #tpu.memory_space<hbm>>) dst(%dma_wait3A_1610 : memref<2048xf32, #tpu.memory_space<vmem>>)
    %broadcast_in_dim3A_1614 = arith.constant 0 : i32
    %broadcast_in_dim3A_1615 = vector.broadcast %broadcast_in_dim3A_1614 : i32 to vector<16xi32>
    %parallel_loop3A_1616 = arith.constant 0 : i32
    %parallel_loop3A_1617 = arith.constant 128 : i32
    %parallel_loop3A_1618 = arith.constant 1 : i32
    %parallel_loop3A_1619 = scf.for %parallel_loop3A_3126 = %parallel_loop3A_1616 to %parallel_loop3A_1617 step %parallel_loop3A_1618 iter_args(%parallel_loop3A_3127 = %broadcast_in_dim3A_1615) -> (vector<16xi32>)  : i32 {
      %parallel_loop3A_3128 = arith.constant 16 : i32
      %parallel_loop3A_3129 = arith.muli %parallel_loop3A_3126, %parallel_loop3A_3128 : i32
      %parallel_loop3A_3130 = arith.constant 0 : i32
      %parallel_loop3A_3131 = arith.addi %parallel_loop3A_3130, %parallel_loop3A_3129 : i32
      %parallel_loop3A_3132 = arith.index_cast %parallel_loop3A_3131 : i32 to index
      %parallel_loop3A_3133 = tpu.vector_load %arg7[%parallel_loop3A_3132] {strides = array<i32>} : memref<4096xf32, #tpu.memory_space<vmem>>, vector<16xf32>,
      %parallel_loop3A_3134 = arith.cmpf oeq, %parallel_loop3A_3133, %parallel_loop3A_3133 : vector<16xf32>
      %parallel_loop3A_3135 = arith.extui %parallel_loop3A_3134 : vector<16xi1> to vector<16xi32>
      %parallel_loop3A_3136 = arith.constant true
      %parallel_loop3A_3137 = vector.broadcast %parallel_loop3A_3136 : i1 to vector<16xi1>
      %parallel_loop3A_3138 = tpu.scan <sum>, %parallel_loop3A_3135 masked %parallel_loop3A_3137 : vector<16xi32>, vector<16xi1> -> vector<16xi32>
      %parallel_loop3A_3139 = arith.addi %parallel_loop3A_3127, %parallel_loop3A_3138 : vector<16xi32>
      %parallel_loop3A_3140 = arith.constant 1 : i32
      %parallel_loop3A_3141 = vector.broadcast %parallel_loop3A_3140 : i32 to vector<16xi32>
      %parallel_loop3A_3142 = arith.subi %parallel_loop3A_3139, %parallel_loop3A_3141 : vector<16xi32>
      %parallel_loop3A_3143 = arith.index_cast %parallel_loop3A_3129 : i32 to index
      %parallel_loop3A_3144 = tpu.vector_load %arg6[%parallel_loop3A_3143] {strides = array<i32>} : memref<2048xf32, #tpu.memory_space<vmem>>, vector<16xf32>,
      tpu.vector_store_idx %arg8[%parallel_loop3A_3142], %parallel_loop3A_3144 masked %parallel_loop3A_3134 : memref<2064xf32, #tpu.memory_space<vmem>>[vector<16xi32>], vector<16xf32>, vector<16xi1>
      tpu.vector_store_idx %arg9[%parallel_loop3A_3142], %parallel_loop3A_3133 masked %parallel_loop3A_3134 : memref<2064xf32, #tpu.memory_space<vmem>>[vector<16xi32>], vector<16xf32>, vector<16xi1>
      %parallel_loop3A_3145 = tpu.all_reduce %parallel_loop3A_3134 {dim = 0 : i64, kind = #tpu.reduction_kind<sum>} : vector<16xi1> -> vector<16xi32>
      %parallel_loop3A_3146 = arith.addi %parallel_loop3A_3127, %parallel_loop3A_3145 : vector<16xi32>
      scf.yield %parallel_loop3A_3146 : vector<16xi32>
    } {sc.loop_unroll_factor = 4 : i64, sc.parallel_access}
    %sub3A_1620 = arith.constant 1 : i32
    %sub3A_1621 = vector.broadcast %sub3A_1620 : i32 to vector<16xi32>
    %sub3A_1622 = arith.subi %parallel_loop3A_1619, %sub3A_1621 : vector<16xi32>
    %max3A_1623 = arith.constant 0 : i32
    %max3A_1624 = vector.broadcast %max3A_1623 : i32 to vector<16xi32>
    %max3A_1625 = arith.maxsi %sub3A_1622, %max3A_1624 : vector<16xi32>
    %gather3A_1626 = tpu.vector_load_idx %arg8[%max3A_1625] : memref<2064xf32, #tpu.memory_space<vmem>>[vector<16xi32>], vector<16xf32>,
    %gather3A_1627 = tpu.vector_load_idx %arg9[%max3A_1625] : memref<2064xf32, #tpu.memory_space<vmem>>[vector<16xi32>], vector<16xf32>,
    %sub3A_1628 = arith.constant 2 : i32
    %sub3A_1629 = vector.broadcast %sub3A_1628 : i32 to vector<16xi32>
    %sub3A_1630 = arith.subi %parallel_loop3A_1619, %sub3A_1629 : vector<16xi32>
    %max3A_1631 = arith.constant 0 : i32
    %max3A_1632 = vector.broadcast %max3A_1631 : i32 to vector<16xi32>
    %max3A_1633 = arith.maxsi %sub3A_1630, %max3A_1632 : vector<16xi32>
    %add3A_1634 = arith.addf %add3A_50, %get3A_44 : vector<16xf32>
    %mul3A_1635 = arith.mulf %add3A_1634, %gather3A_1626 : vector<16xf32>
    %broadcast_in_dim3A_1636 = arith.constant 0 : i32
    %broadcast_in_dim3A_1637 = vector.broadcast %broadcast_in_dim3A_1636 : i32 to vector<16xi32>
    %add3A_1638 = arith.constant 1024 : i32
    %add3A_1639 = vector.broadcast %add3A_1638 : i32 to vector<16xi32>
    %add3A_1640 = arith.addi %broadcast_in_dim3A_1637, %add3A_1639 : vector<16xi32>
    %sub3A_1641 = arith.constant 1 : i32
    %sub3A_1642 = vector.broadcast %sub3A_1641 : i32 to vector<16xi32>
    %sub3A_1643 = arith.subi %add3A_1640, %sub3A_1642 : vector<16xi32>
    %min3A_1644 = arith.minsi %sub3A_1643, %max3A_1625 : vector<16xi32>
    %gather3A_1645 = tpu.vector_load_idx %arg8[%min3A_1644] : memref<2064xf32, #tpu.memory_space<vmem>>[vector<16xi32>], vector<16xf32>,
    %le3A_1646 = arith.cmpi sle, %add3A_1640, %parallel_loop3A_1619 : vector<16xi32>
    %le3A_1647 = arith.cmpf ole, %gather3A_1645, %mul3A_1635 : vector<16xf32>
    %and3A_1648 = arith.andi %le3A_1646, %le3A_1647 : vector<16xi1>
    %select_n3A_1649 = arith.select %and3A_1648, %add3A_1640, %broadcast_in_dim3A_1637 : vector<16xi1>, vector<16xi32>
    %add3A_1650 = arith.constant 512 : i32
    %add3A_1651 = vector.broadcast %add3A_1650 : i32 to vector<16xi32>
    %add3A_1652 = arith.addi %select_n3A_1649, %add3A_1651 : vector<16xi32>
    %sub3A_1653 = arith.constant 1 : i32
    %sub3A_1654 = vector.broadcast %sub3A_1653 : i32 to vector<16xi32>
    %sub3A_1655 = arith.subi %add3A_1652, %sub3A_1654 : vector<16xi32>
    %min3A_1656 = arith.minsi %sub3A_1655, %max3A_1625 : vector<16xi32>
    %gather3A_1657 = tpu.vector_load_idx %arg8[%min3A_1656] : memref<2064xf32, #tpu.memory_space<vmem>>[vector<16xi32>], vector<16xf32>,
    %le3A_1658 = arith.cmpi sle, %add3A_1652, %parallel_loop3A_1619 : vector<16xi32>
    %le3A_1659 = arith.cmpf ole, %gather3A_1657, %mul3A_1635 : vector<16xf32>
    %and3A_1660 = arith.andi %le3A_1658, %le3A_1659 : vector<16xi1>
    %select_n3A_1661 = arith.select %and3A_1660, %add3A_1652, %select_n3A_1649 : vector<16xi1>, vector<16xi32>
    %add3A_1662 = arith.constant 256 : i32
    %add3A_1663 = vector.broadcast %add3A_1662 : i32 to vector<16xi32>
    %add3A_1664 = arith.addi %select_n3A_1661, %add3A_1663 : vector<16xi32>
    %sub3A_1665 = arith.constant 1 : i32
    %sub3A_1666 = vector.broadcast %sub3A_1665 : i32 to vector<16xi32>
    %sub3A_1667 = arith.subi %add3A_1664, %sub3A_1666 : vector<16xi32>
    %min3A_1668 = arith.minsi %sub3A_1667, %max3A_1625 : vector<16xi32>
    %gather3A_1669 = tpu.vector_load_idx %arg8[%min3A_1668] : memref<2064xf32, #tpu.memory_space<vmem>>[vector<16xi32>], vector<16xf32>,
    %le3A_1670 = arith.cmpi sle, %add3A_1664, %parallel_loop3A_1619 : vector<16xi32>
    %le3A_1671 = arith.cmpf ole, %gather3A_1669, %mul3A_1635 : vector<16xf32>
    %and3A_1672 = arith.andi %le3A_1670, %le3A_1671 : vector<16xi1>
    %select_n3A_1673 = arith.select %and3A_1672, %add3A_1664, %select_n3A_1661 : vector<16xi1>, vector<16xi32>
    %add3A_1674 = arith.constant 128 : i32
    %add3A_1675 = vector.broadcast %add3A_1674 : i32 to vector<16xi32>
    %add3A_1676 = arith.addi %select_n3A_1673, %add3A_1675 : vector<16xi32>
    %sub3A_1677 = arith.constant 1 : i32
    %sub3A_1678 = vector.broadcast %sub3A_1677 : i32 to vector<16xi32>
    %sub3A_1679 = arith.subi %add3A_1676, %sub3A_1678 : vector<16xi32>
    %min3A_1680 = arith.minsi %sub3A_1679, %max3A_1625 : vector<16xi32>
    %gather3A_1681 = tpu.vector_load_idx %arg8[%min3A_1680] : memref<2064xf32, #tpu.memory_space<vmem>>[vector<16xi32>], vector<16xf32>,
    %le3A_1682 = arith.cmpi sle, %add3A_1676, %parallel_loop3A_1619 : vector<16xi32>
    %le3A_1683 = arith.cmpf ole, %gather3A_1681, %mul3A_1635 : vector<16xf32>
    %and3A_1684 = arith.andi %le3A_1682, %le3A_1683 : vector<16xi1>
    %select_n3A_1685 = arith.select %and3A_1684, %add3A_1676, %select_n3A_1673 : vector<16xi1>, vector<16xi32>
    %add3A_1686 = arith.constant 64 : i32
    %add3A_1687 = vector.broadcast %add3A_1686 : i32 to vector<16xi32>
    %add3A_1688 = arith.addi %select_n3A_1685, %add3A_1687 : vector<16xi32>
    %sub3A_1689 = arith.constant 1 : i32
    %sub3A_1690 = vector.broadcast %sub3A_1689 : i32 to vector<16xi32>
    %sub3A_1691 = arith.subi %add3A_1688, %sub3A_1690 : vector<16xi32>
    %min3A_1692 = arith.minsi %sub3A_1691, %max3A_1625 : vector<16xi32>
    %gather3A_1693 = tpu.vector_load_idx %arg8[%min3A_1692] : memref<2064xf32, #tpu.memory_space<vmem>>[vector<16xi32>], vector<16xf32>,
    %le3A_1694 = arith.cmpi sle, %add3A_1688, %parallel_loop3A_1619 : vector<16xi32>
    %le3A_1695 = arith.cmpf ole, %gather3A_1693, %mul3A_1635 : vector<16xf32>
    %and3A_1696 = arith.andi %le3A_1694, %le3A_1695 : vector<16xi1>
    %select_n3A_1697 = arith.select %and3A_1696, %add3A_1688, %select_n3A_1685 : vector<16xi1>, vector<16xi32>
    %add3A_1698 = arith.constant 32 : i32
    %add3A_1699 = vector.broadcast %add3A_1698 : i32 to vector<16xi32>
    %add3A_1700 = arith.addi %select_n3A_1697, %add3A_1699 : vector<16xi32>
    %sub3A_1701 = arith.constant 1 : i32
    %sub3A_1702 = vector.broadcast %sub3A_1701 : i32 to vector<16xi32>
    %sub3A_1703 = arith.subi %add3A_1700, %sub3A_1702 : vector<16xi32>
    %min3A_1704 = arith.minsi %sub3A_1703, %max3A_1625 : vector<16xi32>
    %gather3A_1705 = tpu.vector_load_idx %arg8[%min3A_1704] : memref<2064xf32, #tpu.memory_space<vmem>>[vector<16xi32>], vector<16xf32>,
    %le3A_1706 = arith.cmpi sle, %add3A_1700, %parallel_loop3A_1619 : vector<16xi32>
    %le3A_1707 = arith.cmpf ole, %gather3A_1705, %mul3A_1635 : vector<16xf32>
    %and3A_1708 = arith.andi %le3A_1706, %le3A_1707 : vector<16xi1>
    %select_n3A_1709 = arith.select %and3A_1708, %add3A_1700, %select_n3A_1697 : vector<16xi1>, vector<16xi32>
    %add3A_1710 = arith.constant 16 : i32
    %add3A_1711 = vector.broadcast %add3A_1710 : i32 to vector<16xi32>
    %add3A_1712 = arith.addi %select_n3A_1709, %add3A_1711 : vector<16xi32>
    %sub3A_1713 = arith.constant 1 : i32
    %sub3A_1714 = vector.broadcast %sub3A_1713 : i32 to vector<16xi32>
    %sub3A_1715 = arith.subi %add3A_1712, %sub3A_1714 : vector<16xi32>
    %min3A_1716 = arith.minsi %sub3A_1715, %max3A_1625 : vector<16xi32>
    %gather3A_1717 = tpu.vector_load_idx %arg8[%min3A_1716] : memref<2064xf32, #tpu.memory_space<vmem>>[vector<16xi32>], vector<16xf32>,
    %le3A_1718 = arith.cmpi sle, %add3A_1712, %parallel_loop3A_1619 : vector<16xi32>
    %le3A_1719 = arith.cmpf ole, %gather3A_1717, %mul3A_1635 : vector<16xf32>
    %and3A_1720 = arith.andi %le3A_1718, %le3A_1719 : vector<16xi1>
    %select_n3A_1721 = arith.select %and3A_1720, %add3A_1712, %select_n3A_1709 : vector<16xi1>, vector<16xi32>
    %add3A_1722 = arith.constant 8 : i32
    %add3A_1723 = vector.broadcast %add3A_1722 : i32 to vector<16xi32>
    %add3A_1724 = arith.addi %select_n3A_1721, %add3A_1723 : vector<16xi32>
    %sub3A_1725 = arith.constant 1 : i32
    %sub3A_1726 = vector.broadcast %sub3A_1725 : i32 to vector<16xi32>
    %sub3A_1727 = arith.subi %add3A_1724, %sub3A_1726 : vector<16xi32>
    %min3A_1728 = arith.minsi %sub3A_1727, %max3A_1625 : vector<16xi32>
    %gather3A_1729 = tpu.vector_load_idx %arg8[%min3A_1728] : memref<2064xf32, #tpu.memory_space<vmem>>[vector<16xi32>], vector<16xf32>,
    %le3A_1730 = arith.cmpi sle, %add3A_1724, %parallel_loop3A_1619 : vector<16xi32>
    %le3A_1731 = arith.cmpf ole, %gather3A_1729, %mul3A_1635 : vector<16xf32>
    %and3A_1732 = arith.andi %le3A_1730, %le3A_1731 : vector<16xi1>
    %select_n3A_1733 = arith.select %and3A_1732, %add3A_1724, %select_n3A_1721 : vector<16xi1>, vector<16xi32>
    %add3A_1734 = arith.constant 4 : i32
    %add3A_1735 = vector.broadcast %add3A_1734 : i32 to vector<16xi32>
    %add3A_1736 = arith.addi %select_n3A_1733, %add3A_1735 : vector<16xi32>
    %sub3A_1737 = arith.constant 1 : i32
    %sub3A_1738 = vector.broadcast %sub3A_1737 : i32 to vector<16xi32>
    %sub3A_1739 = arith.subi %add3A_1736, %sub3A_1738 : vector<16xi32>
    %min3A_1740 = arith.minsi %sub3A_1739, %max3A_1625 : vector<16xi32>
    %gather3A_1741 = tpu.vector_load_idx %arg8[%min3A_1740] : memref<2064xf32, #tpu.memory_space<vmem>>[vector<16xi32>], vector<16xf32>,
    %le3A_1742 = arith.cmpi sle, %add3A_1736, %parallel_loop3A_1619 : vector<16xi32>
    %le3A_1743 = arith.cmpf ole, %gather3A_1741, %mul3A_1635 : vector<16xf32>
    %and3A_1744 = arith.andi %le3A_1742, %le3A_1743 : vector<16xi1>
    %select_n3A_1745 = arith.select %and3A_1744, %add3A_1736, %select_n3A_1733 : vector<16xi1>, vector<16xi32>
    %add3A_1746 = arith.constant 2 : i32
    %add3A_1747 = vector.broadcast %add3A_1746 : i32 to vector<16xi32>
    %add3A_1748 = arith.addi %select_n3A_1745, %add3A_1747 : vector<16xi32>
    %sub3A_1749 = arith.constant 1 : i32
    %sub3A_1750 = vector.broadcast %sub3A_1749 : i32 to vector<16xi32>
    %sub3A_1751 = arith.subi %add3A_1748, %sub3A_1750 : vector<16xi32>
    %min3A_1752 = arith.minsi %sub3A_1751, %max3A_1625 : vector<16xi32>
    %gather3A_1753 = tpu.vector_load_idx %arg8[%min3A_1752] : memref<2064xf32, #tpu.memory_space<vmem>>[vector<16xi32>], vector<16xf32>,
    %le3A_1754 = arith.cmpi sle, %add3A_1748, %parallel_loop3A_1619 : vector<16xi32>
    %le3A_1755 = arith.cmpf ole, %gather3A_1753, %mul3A_1635 : vector<16xf32>
    %and3A_1756 = arith.andi %le3A_1754, %le3A_1755 : vector<16xi1>
    %select_n3A_1757 = arith.select %and3A_1756, %add3A_1748, %select_n3A_1745 : vector<16xi1>, vector<16xi32>
    %add3A_1758 = arith.constant 1 : i32
    %add3A_1759 = vector.broadcast %add3A_1758 : i32 to vector<16xi32>
    %add3A_1760 = arith.addi %select_n3A_1757, %add3A_1759 : vector<16xi32>
    %sub3A_1761 = arith.constant 1 : i32
    %sub3A_1762 = vector.broadcast %sub3A_1761 : i32 to vector<16xi32>
    %sub3A_1763 = arith.subi %add3A_1760, %sub3A_1762 : vector<16xi32>
    %min3A_1764 = arith.minsi %sub3A_1763, %max3A_1625 : vector<16xi32>
    %gather3A_1765 = tpu.vector_load_idx %arg8[%min3A_1764] : memref<2064xf32, #tpu.memory_space<vmem>>[vector<16xi32>], vector<16xf32>,
    %le3A_1766 = arith.cmpi sle, %add3A_1760, %parallel_loop3A_1619 : vector<16xi32>
    %le3A_1767 = arith.cmpf ole, %gather3A_1765, %mul3A_1635 : vector<16xf32>
    %and3A_1768 = arith.andi %le3A_1766, %le3A_1767 : vector<16xi1>
    %select_n3A_1769 = arith.select %and3A_1768, %add3A_1760, %select_n3A_1757 : vector<16xi1>, vector<16xi32>
    %sub3A_1770 = arith.constant 1 : i32
    %sub3A_1771 = vector.broadcast %sub3A_1770 : i32 to vector<16xi32>
    %sub3A_1772 = arith.subi %select_n3A_1769, %sub3A_1771 : vector<16xi32>
    %jit3A_1773 = arith.constant 0 : i32
    %max3A_1774 = vector.broadcast %jit3A_1773 : i32 to vector<16xi32>
    %max3A_1775 = arith.maxsi %max3A_1774, %sub3A_1772 : vector<16xi32>
    %min3A_1776 = arith.minsi %max3A_1633, %max3A_1775 : vector<16xi32>
    %add3A_1777 = arith.constant 1 : i32
    %add3A_1778 = vector.broadcast %add3A_1777 : i32 to vector<16xi32>
    %add3A_1779 = arith.addi %min3A_1776, %add3A_1778 : vector<16xi32>
    %gather3A_1780 = tpu.vector_load_idx %arg8[%min3A_1776] : memref<2064xf32, #tpu.memory_space<vmem>>[vector<16xi32>], vector<16xf32>,
    %gather3A_1781 = tpu.vector_load_idx %arg8[%add3A_1779] : memref<2064xf32, #tpu.memory_space<vmem>>[vector<16xi32>], vector<16xf32>,
    %gather3A_1782 = tpu.vector_load_idx %arg9[%min3A_1776] : memref<2064xf32, #tpu.memory_space<vmem>>[vector<16xi32>], vector<16xf32>,
    %gather3A_1783 = tpu.vector_load_idx %arg9[%add3A_1779] : memref<2064xf32, #tpu.memory_space<vmem>>[vector<16xi32>], vector<16xf32>,
    %sub3A_1784 = arith.subf %mul3A_1635, %gather3A_1780 : vector<16xf32>
    %sub3A_1785 = arith.subf %gather3A_1781, %gather3A_1780 : vector<16xf32>
    %div3A_1786 = arith.divf %sub3A_1784, %sub3A_1785 : vector<16xf32>
    %sub3A_1787 = arith.subf %gather3A_1783, %gather3A_1782 : vector<16xf32>
    %mul3A_1788 = arith.mulf %div3A_1786, %sub3A_1787 : vector<16xf32>
    %add3A_1789 = arith.addf %gather3A_1782, %mul3A_1788 : vector<16xf32>
    %lt3A_1790 = arith.cmpf olt, %mul3A_1635, %gather3A_1780 : vector<16xf32>
    %select_n3A_1791 = arith.select %lt3A_1790, %gather3A_1782, %add3A_1789 : vector<16xi1>, vector<16xf32>
    %gt3A_1792 = arith.cmpf ogt, %mul3A_1635, %gather3A_1626 : vector<16xf32>
    %select_n3A_1793 = arith.select %gt3A_1792, %gather3A_1627, %select_n3A_1791 : vector<16xi1>, vector<16xf32>
    %eq3A_1794 = arith.constant 1 : i32
    %eq3A_1795 = vector.broadcast %eq3A_1794 : i32 to vector<16xi32>
    %eq3A_1796 = arith.cmpi eq, %parallel_loop3A_1619, %eq3A_1795 : vector<16xi32>
    %select_n3A_1797 = arith.select %eq3A_1796, %gather3A_1627, %select_n3A_1793 : vector<16xi1>, vector<16xf32>
    %eq3A_1798 = arith.constant 0 : i32
    %eq3A_1799 = vector.broadcast %eq3A_1798 : i32 to vector<16xi32>
    %eq3A_1800 = arith.cmpi eq, %parallel_loop3A_1619, %eq3A_1799 : vector<16xi32>
    %broadcast_in_dim3A_1801 = arith.constant 0.000000e+00 : f32
    %broadcast_in_dim3A_1802 = vector.broadcast %broadcast_in_dim3A_1801 : f32 to vector<16xf32>
    %select_n3A_1803 = arith.select %eq3A_1800, %broadcast_in_dim3A_1802, %select_n3A_1797 : vector<16xi1>, vector<16xf32>
    %swap3A_1804 = arith.constant 128 : index
    %swap3A_1805 = tpu.vector_load %arg11[%swap3A_1804] {strides = array<i32>} : memref<256xf32, #tpu.memory_space<vmem>>, vector<16xf32>,
    tpu.vector_store %arg11[%swap3A_1804], %select_n3A_1803 {strides = array<i32>} : memref<256xf32, #tpu.memory_space<vmem>>, vector<16xf32>,
    %add3A_1806 = arith.addf %add3A_56, %get3A_44 : vector<16xf32>
    %mul3A_1807 = arith.mulf %add3A_1806, %gather3A_1626 : vector<16xf32>
    %broadcast_in_dim3A_1808 = arith.constant 0 : i32
    %broadcast_in_dim3A_1809 = vector.broadcast %broadcast_in_dim3A_1808 : i32 to vector<16xi32>
    %add3A_1810 = arith.constant 1024 : i32
    %add3A_1811 = vector.broadcast %add3A_1810 : i32 to vector<16xi32>
    %add3A_1812 = arith.addi %broadcast_in_dim3A_1809, %add3A_1811 : vector<16xi32>
    %sub3A_1813 = arith.constant 1 : i32
    %sub3A_1814 = vector.broadcast %sub3A_1813 : i32 to vector<16xi32>
    %sub3A_1815 = arith.subi %add3A_1812, %sub3A_1814 : vector<16xi32>
    %min3A_1816 = arith.minsi %sub3A_1815, %max3A_1625 : vector<16xi32>
    %gather3A_1817 = tpu.vector_load_idx %arg8[%min3A_1816] : memref<2064xf32, #tpu.memory_space<vmem>>[vector<16xi32>], vector<16xf32>,
    %le3A_1818 = arith.cmpi sle, %add3A_1812, %parallel_loop3A_1619 : vector<16xi32>
    %le3A_1819 = arith.cmpf ole, %gather3A_1817, %mul3A_1807 : vector<16xf32>
    %and3A_1820 = arith.andi %le3A_1818, %le3A_1819 : vector<16xi1>
    %select_n3A_1821 = arith.select %and3A_1820, %add3A_1812, %broadcast_in_dim3A_1809 : vector<16xi1>, vector<16xi32>
    %add3A_1822 = arith.constant 512 : i32
    %add3A_1823 = vector.broadcast %add3A_1822 : i32 to vector<16xi32>
    %add3A_1824 = arith.addi %select_n3A_1821, %add3A_1823 : vector<16xi32>
    %sub3A_1825 = arith.constant 1 : i32
    %sub3A_1826 = vector.broadcast %sub3A_1825 : i32 to vector<16xi32>
    %sub3A_1827 = arith.subi %add3A_1824, %sub3A_1826 : vector<16xi32>
    %min3A_1828 = arith.minsi %sub3A_1827, %max3A_1625 : vector<16xi32>
    %gather3A_1829 = tpu.vector_load_idx %arg8[%min3A_1828] : memref<2064xf32, #tpu.memory_space<vmem>>[vector<16xi32>], vector<16xf32>,
    %le3A_1830 = arith.cmpi sle, %add3A_1824, %parallel_loop3A_1619 : vector<16xi32>
    %le3A_1831 = arith.cmpf ole, %gather3A_1829, %mul3A_1807 : vector<16xf32>
    %and3A_1832 = arith.andi %le3A_1830, %le3A_1831 : vector<16xi1>
    %select_n3A_1833 = arith.select %and3A_1832, %add3A_1824, %select_n3A_1821 : vector<16xi1>, vector<16xi32>
    %add3A_1834 = arith.constant 256 : i32
    %add3A_1835 = vector.broadcast %add3A_1834 : i32 to vector<16xi32>
    %add3A_1836 = arith.addi %select_n3A_1833, %add3A_1835 : vector<16xi32>
    %sub3A_1837 = arith.constant 1 : i32
    %sub3A_1838 = vector.broadcast %sub3A_1837 : i32 to vector<16xi32>
    %sub3A_1839 = arith.subi %add3A_1836, %sub3A_1838 : vector<16xi32>
    %min3A_1840 = arith.minsi %sub3A_1839, %max3A_1625 : vector<16xi32>
    %gather3A_1841 = tpu.vector_load_idx %arg8[%min3A_1840] : memref<2064xf32, #tpu.memory_space<vmem>>[vector<16xi32>], vector<16xf32>,
    %le3A_1842 = arith.cmpi sle, %add3A_1836, %parallel_loop3A_1619 : vector<16xi32>
    %le3A_1843 = arith.cmpf ole, %gather3A_1841, %mul3A_1807 : vector<16xf32>
    %and3A_1844 = arith.andi %le3A_1842, %le3A_1843 : vector<16xi1>
    %select_n3A_1845 = arith.select %and3A_1844, %add3A_1836, %select_n3A_1833 : vector<16xi1>, vector<16xi32>
    %add3A_1846 = arith.constant 128 : i32
    %add3A_1847 = vector.broadcast %add3A_1846 : i32 to vector<16xi32>
    %add3A_1848 = arith.addi %select_n3A_1845, %add3A_1847 : vector<16xi32>
    %sub3A_1849 = arith.constant 1 : i32
    %sub3A_1850 = vector.broadcast %sub3A_1849 : i32 to vector<16xi32>
    %sub3A_1851 = arith.subi %add3A_1848, %sub3A_1850 : vector<16xi32>
    %min3A_1852 = arith.minsi %sub3A_1851, %max3A_1625 : vector<16xi32>
    %gather3A_1853 = tpu.vector_load_idx %arg8[%min3A_1852] : memref<2064xf32, #tpu.memory_space<vmem>>[vector<16xi32>], vector<16xf32>,
    %le3A_1854 = arith.cmpi sle, %add3A_1848, %parallel_loop3A_1619 : vector<16xi32>
    %le3A_1855 = arith.cmpf ole, %gather3A_1853, %mul3A_1807 : vector<16xf32>
    %and3A_1856 = arith.andi %le3A_1854, %le3A_1855 : vector<16xi1>
    %select_n3A_1857 = arith.select %and3A_1856, %add3A_1848, %select_n3A_1845 : vector<16xi1>, vector<16xi32>
    %add3A_1858 = arith.constant 64 : i32
    %add3A_1859 = vector.broadcast %add3A_1858 : i32 to vector<16xi32>
    %add3A_1860 = arith.addi %select_n3A_1857, %add3A_1859 : vector<16xi32>
    %sub3A_1861 = arith.constant 1 : i32
    %sub3A_1862 = vector.broadcast %sub3A_1861 : i32 to vector<16xi32>
    %sub3A_1863 = arith.subi %add3A_1860, %sub3A_1862 : vector<16xi32>
    %min3A_1864 = arith.minsi %sub3A_1863, %max3A_1625 : vector<16xi32>
    %gather3A_1865 = tpu.vector_load_idx %arg8[%min3A_1864] : memref<2064xf32, #tpu.memory_space<vmem>>[vector<16xi32>], vector<16xf32>,
    %le3A_1866 = arith.cmpi sle, %add3A_1860, %parallel_loop3A_1619 : vector<16xi32>
    %le3A_1867 = arith.cmpf ole, %gather3A_1865, %mul3A_1807 : vector<16xf32>
    %and3A_1868 = arith.andi %le3A_1866, %le3A_1867 : vector<16xi1>
    %select_n3A_1869 = arith.select %and3A_1868, %add3A_1860, %select_n3A_1857 : vector<16xi1>, vector<16xi32>
    %add3A_1870 = arith.constant 32 : i32
    %add3A_1871 = vector.broadcast %add3A_1870 : i32 to vector<16xi32>
    %add3A_1872 = arith.addi %select_n3A_1869, %add3A_1871 : vector<16xi32>
    %sub3A_1873 = arith.constant 1 : i32
    %sub3A_1874 = vector.broadcast %sub3A_1873 : i32 to vector<16xi32>
    %sub3A_1875 = arith.subi %add3A_1872, %sub3A_1874 : vector<16xi32>
    %min3A_1876 = arith.minsi %sub3A_1875, %max3A_1625 : vector<16xi32>
    %gather3A_1877 = tpu.vector_load_idx %arg8[%min3A_1876] : memref<2064xf32, #tpu.memory_space<vmem>>[vector<16xi32>], vector<16xf32>,
    %le3A_1878 = arith.cmpi sle, %add3A_1872, %parallel_loop3A_1619 : vector<16xi32>
    %le3A_1879 = arith.cmpf ole, %gather3A_1877, %mul3A_1807 : vector<16xf32>
    %and3A_1880 = arith.andi %le3A_1878, %le3A_1879 : vector<16xi1>
    %select_n3A_1881 = arith.select %and3A_1880, %add3A_1872, %select_n3A_1869 : vector<16xi1>, vector<16xi32>
    %add3A_1882 = arith.constant 16 : i32
    %add3A_1883 = vector.broadcast %add3A_1882 : i32 to vector<16xi32>
    %add3A_1884 = arith.addi %select_n3A_1881, %add3A_1883 : vector<16xi32>
    %sub3A_1885 = arith.constant 1 : i32
    %sub3A_1886 = vector.broadcast %sub3A_1885 : i32 to vector<16xi32>
    %sub3A_1887 = arith.subi %add3A_1884, %sub3A_1886 : vector<16xi32>
    %min3A_1888 = arith.minsi %sub3A_1887, %max3A_1625 : vector<16xi32>
    %gather3A_1889 = tpu.vector_load_idx %arg8[%min3A_1888] : memref<2064xf32, #tpu.memory_space<vmem>>[vector<16xi32>], vector<16xf32>,
    %le3A_1890 = arith.cmpi sle, %add3A_1884, %parallel_loop3A_1619 : vector<16xi32>
    %le3A_1891 = arith.cmpf ole, %gather3A_1889, %mul3A_1807 : vector<16xf32>
    %and3A_1892 = arith.andi %le3A_1890, %le3A_1891 : vector<16xi1>
    %select_n3A_1893 = arith.select %and3A_1892, %add3A_1884, %select_n3A_1881 : vector<16xi1>, vector<16xi32>
    %add3A_1894 = arith.constant 8 : i32
    %add3A_1895 = vector.broadcast %add3A_1894 : i32 to vector<16xi32>
    %add3A_1896 = arith.addi %select_n3A_1893, %add3A_1895 : vector<16xi32>
    %sub3A_1897 = arith.constant 1 : i32
    %sub3A_1898 = vector.broadcast %sub3A_1897 : i32 to vector<16xi32>
    %sub3A_1899 = arith.subi %add3A_1896, %sub3A_1898 : vector<16xi32>
    %min3A_1900 = arith.minsi %sub3A_1899, %max3A_1625 : vector<16xi32>
    %gather3A_1901 = tpu.vector_load_idx %arg8[%min3A_1900] : memref<2064xf32, #tpu.memory_space<vmem>>[vector<16xi32>], vector<16xf32>,
    %le3A_1902 = arith.cmpi sle, %add3A_1896, %parallel_loop3A_1619 : vector<16xi32>
    %le3A_1903 = arith.cmpf ole, %gather3A_1901, %mul3A_1807 : vector<16xf32>
    %and3A_1904 = arith.andi %le3A_1902, %le3A_1903 : vector<16xi1>
    %select_n3A_1905 = arith.select %and3A_1904, %add3A_1896, %select_n3A_1893 : vector<16xi1>, vector<16xi32>
    %add3A_1906 = arith.constant 4 : i32
    %add3A_1907 = vector.broadcast %add3A_1906 : i32 to vector<16xi32>
    %add3A_1908 = arith.addi %select_n3A_1905, %add3A_1907 : vector<16xi32>
    %sub3A_1909 = arith.constant 1 : i32
    %sub3A_1910 = vector.broadcast %sub3A_1909 : i32 to vector<16xi32>
    %sub3A_1911 = arith.subi %add3A_1908, %sub3A_1910 : vector<16xi32>
    %min3A_1912 = arith.minsi %sub3A_1911, %max3A_1625 : vector<16xi32>
    %gather3A_1913 = tpu.vector_load_idx %arg8[%min3A_1912] : memref<2064xf32, #tpu.memory_space<vmem>>[vector<16xi32>], vector<16xf32>,
    %le3A_1914 = arith.cmpi sle, %add3A_1908, %parallel_loop3A_1619 : vector<16xi32>
    %le3A_1915 = arith.cmpf ole, %gather3A_1913, %mul3A_1807 : vector<16xf32>
    %and3A_1916 = arith.andi %le3A_1914, %le3A_1915 : vector<16xi1>
    %select_n3A_1917 = arith.select %and3A_1916, %add3A_1908, %select_n3A_1905 : vector<16xi1>, vector<16xi32>
    %add3A_1918 = arith.constant 2 : i32
    %add3A_1919 = vector.broadcast %add3A_1918 : i32 to vector<16xi32>
    %add3A_1920 = arith.addi %select_n3A_1917, %add3A_1919 : vector<16xi32>
    %sub3A_1921 = arith.constant 1 : i32
    %sub3A_1922 = vector.broadcast %sub3A_1921 : i32 to vector<16xi32>
    %sub3A_1923 = arith.subi %add3A_1920, %sub3A_1922 : vector<16xi32>
    %min3A_1924 = arith.minsi %sub3A_1923, %max3A_1625 : vector<16xi32>
    %gather3A_1925 = tpu.vector_load_idx %arg8[%min3A_1924] : memref<2064xf32, #tpu.memory_space<vmem>>[vector<16xi32>], vector<16xf32>,
    %le3A_1926 = arith.cmpi sle, %add3A_1920, %parallel_loop3A_1619 : vector<16xi32>
    %le3A_1927 = arith.cmpf ole, %gather3A_1925, %mul3A_1807 : vector<16xf32>
    %and3A_1928 = arith.andi %le3A_1926, %le3A_1927 : vector<16xi1>
    %select_n3A_1929 = arith.select %and3A_1928, %add3A_1920, %select_n3A_1917 : vector<16xi1>, vector<16xi32>
    %add3A_1930 = arith.constant 1 : i32
    %add3A_1931 = vector.broadcast %add3A_1930 : i32 to vector<16xi32>
    %add3A_1932 = arith.addi %select_n3A_1929, %add3A_1931 : vector<16xi32>
    %sub3A_1933 = arith.constant 1 : i32
    %sub3A_1934 = vector.broadcast %sub3A_1933 : i32 to vector<16xi32>
    %sub3A_1935 = arith.subi %add3A_1932, %sub3A_1934 : vector<16xi32>
    %min3A_1936 = arith.minsi %sub3A_1935, %max3A_1625 : vector<16xi32>
    %gather3A_1937 = tpu.vector_load_idx %arg8[%min3A_1936] : memref<2064xf32, #tpu.memory_space<vmem>>[vector<16xi32>], vector<16xf32>,
    %le3A_1938 = arith.cmpi sle, %add3A_1932, %parallel_loop3A_1619 : vector<16xi32>
    %le3A_1939 = arith.cmpf ole, %gather3A_1937, %mul3A_1807 : vector<16xf32>
    %and3A_1940 = arith.andi %le3A_1938, %le3A_1939 : vector<16xi1>
    %select_n3A_1941 = arith.select %and3A_1940, %add3A_1932, %select_n3A_1929 : vector<16xi1>, vector<16xi32>
    %sub3A_1942 = arith.constant 1 : i32
    %sub3A_1943 = vector.broadcast %sub3A_1942 : i32 to vector<16xi32>
    %sub3A_1944 = arith.subi %select_n3A_1941, %sub3A_1943 : vector<16xi32>
    %jit3A_1945 = arith.constant 0 : i32
    %max3A_1946 = vector.broadcast %jit3A_1945 : i32 to vector<16xi32>
    %max3A_1947 = arith.maxsi %max3A_1946, %sub3A_1944 : vector<16xi32>
    %min3A_1948 = arith.minsi %max3A_1633, %max3A_1947 : vector<16xi32>
    %add3A_1949 = arith.constant 1 : i32
    %add3A_1950 = vector.broadcast %add3A_1949 : i32 to vector<16xi32>
    %add3A_1951 = arith.addi %min3A_1948, %add3A_1950 : vector<16xi32>
    %gather3A_1952 = tpu.vector_load_idx %arg8[%min3A_1948] : memref<2064xf32, #tpu.memory_space<vmem>>[vector<16xi32>], vector<16xf32>,
    %gather3A_1953 = tpu.vector_load_idx %arg8[%add3A_1951] : memref<2064xf32, #tpu.memory_space<vmem>>[vector<16xi32>], vector<16xf32>,
    %gather3A_1954 = tpu.vector_load_idx %arg9[%min3A_1948] : memref<2064xf32, #tpu.memory_space<vmem>>[vector<16xi32>], vector<16xf32>,
    %gather3A_1955 = tpu.vector_load_idx %arg9[%add3A_1951] : memref<2064xf32, #tpu.memory_space<vmem>>[vector<16xi32>], vector<16xf32>,
    %sub3A_1956 = arith.subf %mul3A_1807, %gather3A_1952 : vector<16xf32>
    %sub3A_1957 = arith.subf %gather3A_1953, %gather3A_1952 : vector<16xf32>
    %div3A_1958 = arith.divf %sub3A_1956, %sub3A_1957 : vector<16xf32>
    %sub3A_1959 = arith.subf %gather3A_1955, %gather3A_1954 : vector<16xf32>
    %mul3A_1960 = arith.mulf %div3A_1958, %sub3A_1959 : vector<16xf32>
    %add3A_1961 = arith.addf %gather3A_1954, %mul3A_1960 : vector<16xf32>
    %lt3A_1962 = arith.cmpf olt, %mul3A_1807, %gather3A_1952 : vector<16xf32>
    %select_n3A_1963 = arith.select %lt3A_1962, %gather3A_1954, %add3A_1961 : vector<16xi1>, vector<16xf32>
    %gt3A_1964 = arith.cmpf ogt, %mul3A_1807, %gather3A_1626 : vector<16xf32>
    %select_n3A_1965 = arith.select %gt3A_1964, %gather3A_1627, %select_n3A_1963 : vector<16xi1>, vector<16xf32>
    %eq3A_1966 = arith.constant 1 : i32
    %eq3A_1967 = vector.broadcast %eq3A_1966 : i32 to vector<16xi32>
    %eq3A_1968 = arith.cmpi eq, %parallel_loop3A_1619, %eq3A_1967 : vector<16xi32>
    %select_n3A_1969 = arith.select %eq3A_1968, %gather3A_1627, %select_n3A_1965 : vector<16xi1>, vector<16xf32>
    %eq3A_1970 = arith.constant 0 : i32
    %eq3A_1971 = vector.broadcast %eq3A_1970 : i32 to vector<16xi32>
    %eq3A_1972 = arith.cmpi eq, %parallel_loop3A_1619, %eq3A_1971 : vector<16xi32>
    %broadcast_in_dim3A_1973 = arith.constant 0.000000e+00 : f32
    %broadcast_in_dim3A_1974 = vector.broadcast %broadcast_in_dim3A_1973 : f32 to vector<16xf32>
    %select_n3A_1975 = arith.select %eq3A_1972, %broadcast_in_dim3A_1974, %select_n3A_1969 : vector<16xi1>, vector<16xf32>
    %swap3A_1976 = arith.constant 144 : index
    %swap3A_1977 = tpu.vector_load %arg11[%swap3A_1976] {strides = array<i32>} : memref<256xf32, #tpu.memory_space<vmem>>, vector<16xf32>,
    tpu.vector_store %arg11[%swap3A_1976], %select_n3A_1975 {strides = array<i32>} : memref<256xf32, #tpu.memory_space<vmem>>, vector<16xf32>,
    %add3A_1978 = arith.constant 6 : i32
    %add3A_1979 = arith.addi %mul3A_32, %add3A_1978 : i32
    %dma_start3A_1980 = arith.constant 0 : i32
    %dma_start3A_1981 = tpu.memref_slice %arg7[%dma_start3A_1980] : memref<4096xf32, #tpu.memory_space<vmem>> -> memref<2048xf32, #tpu.memory_space<vmem>>
    %dma_start3A_1982 = arith.constant 0 : i32
    %dma_start3A_1983 = tpu.memref_slice %arg2[%select_n3A, %add3A_1979, %dma_start3A_1982] : memref<8x32x2048xf32, #tpu.memory_space<hbm>> -> memref<1x1x2048xf32, #tpu.memory_space<hbm>>
    %dma_start3A_1984 = tpu.memref_squeeze %dma_start3A_1983 : memref<1x1x2048xf32, #tpu.memory_space<hbm>> -> memref<2048xf32, #tpu.memory_space<hbm>>
    %dma_start3A_1985 = arith.constant 0 : i32
    %dma_start3A_1986 = tpu.memref_slice %arg7[%dma_start3A_1985] : memref<4096xf32, #tpu.memory_space<vmem>> -> memref<2048xf32, #tpu.memory_space<vmem>>
    %dma_start3A_1987 = arith.constant 0 : i32
    %dma_start3A_1988 = tpu.memref_slice %arg2[%select_n3A, %add3A_1979, %dma_start3A_1987] : memref<8x32x2048xf32, #tpu.memory_space<hbm>> -> memref<1x1x2048xf32, #tpu.memory_space<hbm>>
    %dma_start3A_1989 = tpu.memref_squeeze %dma_start3A_1988 : memref<1x1x2048xf32, #tpu.memory_space<hbm>> -> memref<2048xf32, #tpu.memory_space<hbm>>
    tpu.enqueue_dma source(%dma_start3A_1989 : memref<2048xf32, #tpu.memory_space<hbm>>) target(%dma_start3A_1986 : memref<2048xf32, #tpu.memory_space<vmem>>) target_semaphore(%arg12 : memref<!tpu.dma_semaphore, #tpu.memory_space<semaphore_mem>>)
    %dma_wait3A_1990 = arith.constant 2048 : i32
    %dma_wait3A_1991 = tpu.memref_slice %arg7[%dma_wait3A_1990] : memref<4096xf32, #tpu.memory_space<vmem>> -> memref<2048xf32, #tpu.memory_space<vmem>>
    %dma_wait3A_1992 = arith.constant 0 : i32
    %dma_wait3A_1993 = tpu.memref_slice %arg2[%select_n3A, %add3A_1593, %dma_wait3A_1992] : memref<8x32x2048xf32, #tpu.memory_space<hbm>> -> memref<1x1x2048xf32, #tpu.memory_space<hbm>>
    %dma_wait3A_1994 = tpu.memref_squeeze %dma_wait3A_1993 : memref<1x1x2048xf32, #tpu.memory_space<hbm>> -> memref<2048xf32, #tpu.memory_space<hbm>>
    %dma_wait3A_1995 = arith.constant 2048 : i32
    %dma_wait3A_1996 = tpu.memref_slice %arg7[%dma_wait3A_1995] : memref<4096xf32, #tpu.memory_space<vmem>> -> memref<2048xf32, #tpu.memory_space<vmem>>
    %dma_wait3A_1997 = arith.constant 0 : i32
    %dma_wait3A_1998 = tpu.memref_slice %arg2[%select_n3A, %add3A_1593, %dma_wait3A_1997] : memref<8x32x2048xf32, #tpu.memory_space<hbm>> -> memref<1x1x2048xf32, #tpu.memory_space<hbm>>
    %dma_wait3A_1999 = tpu.memref_squeeze %dma_wait3A_1998 : memref<1x1x2048xf32, #tpu.memory_space<hbm>> -> memref<2048xf32, #tpu.memory_space<hbm>>
    tpu.wait_dma2 semaphore(%arg13 : memref<!tpu.dma_semaphore, #tpu.memory_space<semaphore_mem>>) src(%dma_wait3A_1999 : memref<2048xf32, #tpu.memory_space<hbm>>) dst(%dma_wait3A_1996 : memref<2048xf32, #tpu.memory_space<vmem>>)
    %broadcast_in_dim3A_2000 = arith.constant 0 : i32
    %broadcast_in_dim3A_2001 = vector.broadcast %broadcast_in_dim3A_2000 : i32 to vector<16xi32>
    %parallel_loop3A_2002 = arith.constant 0 : i32
    %parallel_loop3A_2003 = arith.constant 128 : i32
    %parallel_loop3A_2004 = arith.constant 1 : i32
    %parallel_loop3A_2005 = scf.for %parallel_loop3A_3126 = %parallel_loop3A_2002 to %parallel_loop3A_2003 step %parallel_loop3A_2004 iter_args(%parallel_loop3A_3127 = %broadcast_in_dim3A_2001) -> (vector<16xi32>)  : i32 {
      %parallel_loop3A_3128 = arith.constant 16 : i32
      %parallel_loop3A_3129 = arith.muli %parallel_loop3A_3126, %parallel_loop3A_3128 : i32
      %parallel_loop3A_3130 = arith.constant 2048 : i32
      %parallel_loop3A_3131 = arith.addi %parallel_loop3A_3130, %parallel_loop3A_3129 : i32
      %parallel_loop3A_3132 = arith.index_cast %parallel_loop3A_3131 : i32 to index
      %parallel_loop3A_3133 = tpu.vector_load %arg7[%parallel_loop3A_3132] {strides = array<i32>} : memref<4096xf32, #tpu.memory_space<vmem>>, vector<16xf32>,
      %parallel_loop3A_3134 = arith.cmpf oeq, %parallel_loop3A_3133, %parallel_loop3A_3133 : vector<16xf32>
      %parallel_loop3A_3135 = arith.extui %parallel_loop3A_3134 : vector<16xi1> to vector<16xi32>
      %parallel_loop3A_3136 = arith.constant true
      %parallel_loop3A_3137 = vector.broadcast %parallel_loop3A_3136 : i1 to vector<16xi1>
      %parallel_loop3A_3138 = tpu.scan <sum>, %parallel_loop3A_3135 masked %parallel_loop3A_3137 : vector<16xi32>, vector<16xi1> -> vector<16xi32>
      %parallel_loop3A_3139 = arith.addi %parallel_loop3A_3127, %parallel_loop3A_3138 : vector<16xi32>
      %parallel_loop3A_3140 = arith.constant 1 : i32
      %parallel_loop3A_3141 = vector.broadcast %parallel_loop3A_3140 : i32 to vector<16xi32>
      %parallel_loop3A_3142 = arith.subi %parallel_loop3A_3139, %parallel_loop3A_3141 : vector<16xi32>
      %parallel_loop3A_3143 = arith.index_cast %parallel_loop3A_3129 : i32 to index
      %parallel_loop3A_3144 = tpu.vector_load %arg6[%parallel_loop3A_3143] {strides = array<i32>} : memref<2048xf32, #tpu.memory_space<vmem>>, vector<16xf32>,
      tpu.vector_store_idx %arg8[%parallel_loop3A_3142], %parallel_loop3A_3144 masked %parallel_loop3A_3134 : memref<2064xf32, #tpu.memory_space<vmem>>[vector<16xi32>], vector<16xf32>, vector<16xi1>
      tpu.vector_store_idx %arg9[%parallel_loop3A_3142], %parallel_loop3A_3133 masked %parallel_loop3A_3134 : memref<2064xf32, #tpu.memory_space<vmem>>[vector<16xi32>], vector<16xf32>, vector<16xi1>
      %parallel_loop3A_3145 = tpu.all_reduce %parallel_loop3A_3134 {dim = 0 : i64, kind = #tpu.reduction_kind<sum>} : vector<16xi1> -> vector<16xi32>
      %parallel_loop3A_3146 = arith.addi %parallel_loop3A_3127, %parallel_loop3A_3145 : vector<16xi32>
      scf.yield %parallel_loop3A_3146 : vector<16xi32>
    } {sc.loop_unroll_factor = 4 : i64, sc.parallel_access}
    %sub3A_2006 = arith.constant 1 : i32
    %sub3A_2007 = vector.broadcast %sub3A_2006 : i32 to vector<16xi32>
    %sub3A_2008 = arith.subi %parallel_loop3A_2005, %sub3A_2007 : vector<16xi32>
    %max3A_2009 = arith.constant 0 : i32
    %max3A_2010 = vector.broadcast %max3A_2009 : i32 to vector<16xi32>
    %max3A_2011 = arith.maxsi %sub3A_2008, %max3A_2010 : vector<16xi32>
    %gather3A_2012 = tpu.vector_load_idx %arg8[%max3A_2011] : memref<2064xf32, #tpu.memory_space<vmem>>[vector<16xi32>], vector<16xf32>,
    %gather3A_2013 = tpu.vector_load_idx %arg9[%max3A_2011] : memref<2064xf32, #tpu.memory_space<vmem>>[vector<16xi32>], vector<16xf32>,
    %sub3A_2014 = arith.constant 2 : i32
    %sub3A_2015 = vector.broadcast %sub3A_2014 : i32 to vector<16xi32>
    %sub3A_2016 = arith.subi %parallel_loop3A_2005, %sub3A_2015 : vector<16xi32>
    %max3A_2017 = arith.constant 0 : i32
    %max3A_2018 = vector.broadcast %max3A_2017 : i32 to vector<16xi32>
    %max3A_2019 = arith.maxsi %sub3A_2016, %max3A_2018 : vector<16xi32>
    %add3A_2020 = arith.addf %add3A_50, %get3A_44 : vector<16xf32>
    %mul3A_2021 = arith.mulf %add3A_2020, %gather3A_2012 : vector<16xf32>
    %broadcast_in_dim3A_2022 = arith.constant 0 : i32
    %broadcast_in_dim3A_2023 = vector.broadcast %broadcast_in_dim3A_2022 : i32 to vector<16xi32>
    %add3A_2024 = arith.constant 1024 : i32
    %add3A_2025 = vector.broadcast %add3A_2024 : i32 to vector<16xi32>
    %add3A_2026 = arith.addi %broadcast_in_dim3A_2023, %add3A_2025 : vector<16xi32>
    %sub3A_2027 = arith.constant 1 : i32
    %sub3A_2028 = vector.broadcast %sub3A_2027 : i32 to vector<16xi32>
    %sub3A_2029 = arith.subi %add3A_2026, %sub3A_2028 : vector<16xi32>
    %min3A_2030 = arith.minsi %sub3A_2029, %max3A_2011 : vector<16xi32>
    %gather3A_2031 = tpu.vector_load_idx %arg8[%min3A_2030] : memref<2064xf32, #tpu.memory_space<vmem>>[vector<16xi32>], vector<16xf32>,
    %le3A_2032 = arith.cmpi sle, %add3A_2026, %parallel_loop3A_2005 : vector<16xi32>
    %le3A_2033 = arith.cmpf ole, %gather3A_2031, %mul3A_2021 : vector<16xf32>
    %and3A_2034 = arith.andi %le3A_2032, %le3A_2033 : vector<16xi1>
    %select_n3A_2035 = arith.select %and3A_2034, %add3A_2026, %broadcast_in_dim3A_2023 : vector<16xi1>, vector<16xi32>
    %add3A_2036 = arith.constant 512 : i32
    %add3A_2037 = vector.broadcast %add3A_2036 : i32 to vector<16xi32>
    %add3A_2038 = arith.addi %select_n3A_2035, %add3A_2037 : vector<16xi32>
    %sub3A_2039 = arith.constant 1 : i32
    %sub3A_2040 = vector.broadcast %sub3A_2039 : i32 to vector<16xi32>
    %sub3A_2041 = arith.subi %add3A_2038, %sub3A_2040 : vector<16xi32>
    %min3A_2042 = arith.minsi %sub3A_2041, %max3A_2011 : vector<16xi32>
    %gather3A_2043 = tpu.vector_load_idx %arg8[%min3A_2042] : memref<2064xf32, #tpu.memory_space<vmem>>[vector<16xi32>], vector<16xf32>,
    %le3A_2044 = arith.cmpi sle, %add3A_2038, %parallel_loop3A_2005 : vector<16xi32>
    %le3A_2045 = arith.cmpf ole, %gather3A_2043, %mul3A_2021 : vector<16xf32>
    %and3A_2046 = arith.andi %le3A_2044, %le3A_2045 : vector<16xi1>
    %select_n3A_2047 = arith.select %and3A_2046, %add3A_2038, %select_n3A_2035 : vector<16xi1>, vector<16xi32>
    %add3A_2048 = arith.constant 256 : i32
    %add3A_2049 = vector.broadcast %add3A_2048 : i32 to vector<16xi32>
    %add3A_2050 = arith.addi %select_n3A_2047, %add3A_2049 : vector<16xi32>
    %sub3A_2051 = arith.constant 1 : i32
    %sub3A_2052 = vector.broadcast %sub3A_2051 : i32 to vector<16xi32>
    %sub3A_2053 = arith.subi %add3A_2050, %sub3A_2052 : vector<16xi32>
    %min3A_2054 = arith.minsi %sub3A_2053, %max3A_2011 : vector<16xi32>
    %gather3A_2055 = tpu.vector_load_idx %arg8[%min3A_2054] : memref<2064xf32, #tpu.memory_space<vmem>>[vector<16xi32>], vector<16xf32>,
    %le3A_2056 = arith.cmpi sle, %add3A_2050, %parallel_loop3A_2005 : vector<16xi32>
    %le3A_2057 = arith.cmpf ole, %gather3A_2055, %mul3A_2021 : vector<16xf32>
    %and3A_2058 = arith.andi %le3A_2056, %le3A_2057 : vector<16xi1>
    %select_n3A_2059 = arith.select %and3A_2058, %add3A_2050, %select_n3A_2047 : vector<16xi1>, vector<16xi32>
    %add3A_2060 = arith.constant 128 : i32
    %add3A_2061 = vector.broadcast %add3A_2060 : i32 to vector<16xi32>
    %add3A_2062 = arith.addi %select_n3A_2059, %add3A_2061 : vector<16xi32>
    %sub3A_2063 = arith.constant 1 : i32
    %sub3A_2064 = vector.broadcast %sub3A_2063 : i32 to vector<16xi32>
    %sub3A_2065 = arith.subi %add3A_2062, %sub3A_2064 : vector<16xi32>
    %min3A_2066 = arith.minsi %sub3A_2065, %max3A_2011 : vector<16xi32>
    %gather3A_2067 = tpu.vector_load_idx %arg8[%min3A_2066] : memref<2064xf32, #tpu.memory_space<vmem>>[vector<16xi32>], vector<16xf32>,
    %le3A_2068 = arith.cmpi sle, %add3A_2062, %parallel_loop3A_2005 : vector<16xi32>
    %le3A_2069 = arith.cmpf ole, %gather3A_2067, %mul3A_2021 : vector<16xf32>
    %and3A_2070 = arith.andi %le3A_2068, %le3A_2069 : vector<16xi1>
    %select_n3A_2071 = arith.select %and3A_2070, %add3A_2062, %select_n3A_2059 : vector<16xi1>, vector<16xi32>
    %add3A_2072 = arith.constant 64 : i32
    %add3A_2073 = vector.broadcast %add3A_2072 : i32 to vector<16xi32>
    %add3A_2074 = arith.addi %select_n3A_2071, %add3A_2073 : vector<16xi32>
    %sub3A_2075 = arith.constant 1 : i32
    %sub3A_2076 = vector.broadcast %sub3A_2075 : i32 to vector<16xi32>
    %sub3A_2077 = arith.subi %add3A_2074, %sub3A_2076 : vector<16xi32>
    %min3A_2078 = arith.minsi %sub3A_2077, %max3A_2011 : vector<16xi32>
    %gather3A_2079 = tpu.vector_load_idx %arg8[%min3A_2078] : memref<2064xf32, #tpu.memory_space<vmem>>[vector<16xi32>], vector<16xf32>,
    %le3A_2080 = arith.cmpi sle, %add3A_2074, %parallel_loop3A_2005 : vector<16xi32>
    %le3A_2081 = arith.cmpf ole, %gather3A_2079, %mul3A_2021 : vector<16xf32>
    %and3A_2082 = arith.andi %le3A_2080, %le3A_2081 : vector<16xi1>
    %select_n3A_2083 = arith.select %and3A_2082, %add3A_2074, %select_n3A_2071 : vector<16xi1>, vector<16xi32>
    %add3A_2084 = arith.constant 32 : i32
    %add3A_2085 = vector.broadcast %add3A_2084 : i32 to vector<16xi32>
    %add3A_2086 = arith.addi %select_n3A_2083, %add3A_2085 : vector<16xi32>
    %sub3A_2087 = arith.constant 1 : i32
    %sub3A_2088 = vector.broadcast %sub3A_2087 : i32 to vector<16xi32>
    %sub3A_2089 = arith.subi %add3A_2086, %sub3A_2088 : vector<16xi32>
    %min3A_2090 = arith.minsi %sub3A_2089, %max3A_2011 : vector<16xi32>
    %gather3A_2091 = tpu.vector_load_idx %arg8[%min3A_2090] : memref<2064xf32, #tpu.memory_space<vmem>>[vector<16xi32>], vector<16xf32>,
    %le3A_2092 = arith.cmpi sle, %add3A_2086, %parallel_loop3A_2005 : vector<16xi32>
    %le3A_2093 = arith.cmpf ole, %gather3A_2091, %mul3A_2021 : vector<16xf32>
    %and3A_2094 = arith.andi %le3A_2092, %le3A_2093 : vector<16xi1>
    %select_n3A_2095 = arith.select %and3A_2094, %add3A_2086, %select_n3A_2083 : vector<16xi1>, vector<16xi32>
    %add3A_2096 = arith.constant 16 : i32
    %add3A_2097 = vector.broadcast %add3A_2096 : i32 to vector<16xi32>
    %add3A_2098 = arith.addi %select_n3A_2095, %add3A_2097 : vector<16xi32>
    %sub3A_2099 = arith.constant 1 : i32
    %sub3A_2100 = vector.broadcast %sub3A_2099 : i32 to vector<16xi32>
    %sub3A_2101 = arith.subi %add3A_2098, %sub3A_2100 : vector<16xi32>
    %min3A_2102 = arith.minsi %sub3A_2101, %max3A_2011 : vector<16xi32>
    %gather3A_2103 = tpu.vector_load_idx %arg8[%min3A_2102] : memref<2064xf32, #tpu.memory_space<vmem>>[vector<16xi32>], vector<16xf32>,
    %le3A_2104 = arith.cmpi sle, %add3A_2098, %parallel_loop3A_2005 : vector<16xi32>
    %le3A_2105 = arith.cmpf ole, %gather3A_2103, %mul3A_2021 : vector<16xf32>
    %and3A_2106 = arith.andi %le3A_2104, %le3A_2105 : vector<16xi1>
    %select_n3A_2107 = arith.select %and3A_2106, %add3A_2098, %select_n3A_2095 : vector<16xi1>, vector<16xi32>
    %add3A_2108 = arith.constant 8 : i32
    %add3A_2109 = vector.broadcast %add3A_2108 : i32 to vector<16xi32>
    %add3A_2110 = arith.addi %select_n3A_2107, %add3A_2109 : vector<16xi32>
    %sub3A_2111 = arith.constant 1 : i32
    %sub3A_2112 = vector.broadcast %sub3A_2111 : i32 to vector<16xi32>
    %sub3A_2113 = arith.subi %add3A_2110, %sub3A_2112 : vector<16xi32>
    %min3A_2114 = arith.minsi %sub3A_2113, %max3A_2011 : vector<16xi32>
    %gather3A_2115 = tpu.vector_load_idx %arg8[%min3A_2114] : memref<2064xf32, #tpu.memory_space<vmem>>[vector<16xi32>], vector<16xf32>,
    %le3A_2116 = arith.cmpi sle, %add3A_2110, %parallel_loop3A_2005 : vector<16xi32>
    %le3A_2117 = arith.cmpf ole, %gather3A_2115, %mul3A_2021 : vector<16xf32>
    %and3A_2118 = arith.andi %le3A_2116, %le3A_2117 : vector<16xi1>
    %select_n3A_2119 = arith.select %and3A_2118, %add3A_2110, %select_n3A_2107 : vector<16xi1>, vector<16xi32>
    %add3A_2120 = arith.constant 4 : i32
    %add3A_2121 = vector.broadcast %add3A_2120 : i32 to vector<16xi32>
    %add3A_2122 = arith.addi %select_n3A_2119, %add3A_2121 : vector<16xi32>
    %sub3A_2123 = arith.constant 1 : i32
    %sub3A_2124 = vector.broadcast %sub3A_2123 : i32 to vector<16xi32>
    %sub3A_2125 = arith.subi %add3A_2122, %sub3A_2124 : vector<16xi32>
    %min3A_2126 = arith.minsi %sub3A_2125, %max3A_2011 : vector<16xi32>
    %gather3A_2127 = tpu.vector_load_idx %arg8[%min3A_2126] : memref<2064xf32, #tpu.memory_space<vmem>>[vector<16xi32>], vector<16xf32>,
    %le3A_2128 = arith.cmpi sle, %add3A_2122, %parallel_loop3A_2005 : vector<16xi32>
    %le3A_2129 = arith.cmpf ole, %gather3A_2127, %mul3A_2021 : vector<16xf32>
    %and3A_2130 = arith.andi %le3A_2128, %le3A_2129 : vector<16xi1>
    %select_n3A_2131 = arith.select %and3A_2130, %add3A_2122, %select_n3A_2119 : vector<16xi1>, vector<16xi32>
    %add3A_2132 = arith.constant 2 : i32
    %add3A_2133 = vector.broadcast %add3A_2132 : i32 to vector<16xi32>
    %add3A_2134 = arith.addi %select_n3A_2131, %add3A_2133 : vector<16xi32>
    %sub3A_2135 = arith.constant 1 : i32
    %sub3A_2136 = vector.broadcast %sub3A_2135 : i32 to vector<16xi32>
    %sub3A_2137 = arith.subi %add3A_2134, %sub3A_2136 : vector<16xi32>
    %min3A_2138 = arith.minsi %sub3A_2137, %max3A_2011 : vector<16xi32>
    %gather3A_2139 = tpu.vector_load_idx %arg8[%min3A_2138] : memref<2064xf32, #tpu.memory_space<vmem>>[vector<16xi32>], vector<16xf32>,
    %le3A_2140 = arith.cmpi sle, %add3A_2134, %parallel_loop3A_2005 : vector<16xi32>
    %le3A_2141 = arith.cmpf ole, %gather3A_2139, %mul3A_2021 : vector<16xf32>
    %and3A_2142 = arith.andi %le3A_2140, %le3A_2141 : vector<16xi1>
    %select_n3A_2143 = arith.select %and3A_2142, %add3A_2134, %select_n3A_2131 : vector<16xi1>, vector<16xi32>
    %add3A_2144 = arith.constant 1 : i32
    %add3A_2145 = vector.broadcast %add3A_2144 : i32 to vector<16xi32>
    %add3A_2146 = arith.addi %select_n3A_2143, %add3A_2145 : vector<16xi32>
    %sub3A_2147 = arith.constant 1 : i32
    %sub3A_2148 = vector.broadcast %sub3A_2147 : i32 to vector<16xi32>
    %sub3A_2149 = arith.subi %add3A_2146, %sub3A_2148 : vector<16xi32>
    %min3A_2150 = arith.minsi %sub3A_2149, %max3A_2011 : vector<16xi32>
    %gather3A_2151 = tpu.vector_load_idx %arg8[%min3A_2150] : memref<2064xf32, #tpu.memory_space<vmem>>[vector<16xi32>], vector<16xf32>,
    %le3A_2152 = arith.cmpi sle, %add3A_2146, %parallel_loop3A_2005 : vector<16xi32>
    %le3A_2153 = arith.cmpf ole, %gather3A_2151, %mul3A_2021 : vector<16xf32>
    %and3A_2154 = arith.andi %le3A_2152, %le3A_2153 : vector<16xi1>
    %select_n3A_2155 = arith.select %and3A_2154, %add3A_2146, %select_n3A_2143 : vector<16xi1>, vector<16xi32>
    %sub3A_2156 = arith.constant 1 : i32
    %sub3A_2157 = vector.broadcast %sub3A_2156 : i32 to vector<16xi32>
    %sub3A_2158 = arith.subi %select_n3A_2155, %sub3A_2157 : vector<16xi32>
    %jit3A_2159 = arith.constant 0 : i32
    %max3A_2160 = vector.broadcast %jit3A_2159 : i32 to vector<16xi32>
    %max3A_2161 = arith.maxsi %max3A_2160, %sub3A_2158 : vector<16xi32>
    %min3A_2162 = arith.minsi %max3A_2019, %max3A_2161 : vector<16xi32>
    %add3A_2163 = arith.constant 1 : i32
    %add3A_2164 = vector.broadcast %add3A_2163 : i32 to vector<16xi32>
    %add3A_2165 = arith.addi %min3A_2162, %add3A_2164 : vector<16xi32>
    %gather3A_2166 = tpu.vector_load_idx %arg8[%min3A_2162] : memref<2064xf32, #tpu.memory_space<vmem>>[vector<16xi32>], vector<16xf32>,
    %gather3A_2167 = tpu.vector_load_idx %arg8[%add3A_2165] : memref<2064xf32, #tpu.memory_space<vmem>>[vector<16xi32>], vector<16xf32>,
    %gather3A_2168 = tpu.vector_load_idx %arg9[%min3A_2162] : memref<2064xf32, #tpu.memory_space<vmem>>[vector<16xi32>], vector<16xf32>,
    %gather3A_2169 = tpu.vector_load_idx %arg9[%add3A_2165] : memref<2064xf32, #tpu.memory_space<vmem>>[vector<16xi32>], vector<16xf32>,
    %sub3A_2170 = arith.subf %mul3A_2021, %gather3A_2166 : vector<16xf32>
    %sub3A_2171 = arith.subf %gather3A_2167, %gather3A_2166 : vector<16xf32>
    %div3A_2172 = arith.divf %sub3A_2170, %sub3A_2171 : vector<16xf32>
    %sub3A_2173 = arith.subf %gather3A_2169, %gather3A_2168 : vector<16xf32>
    %mul3A_2174 = arith.mulf %div3A_2172, %sub3A_2173 : vector<16xf32>
    %add3A_2175 = arith.addf %gather3A_2168, %mul3A_2174 : vector<16xf32>
    %lt3A_2176 = arith.cmpf olt, %mul3A_2021, %gather3A_2166 : vector<16xf32>
    %select_n3A_2177 = arith.select %lt3A_2176, %gather3A_2168, %add3A_2175 : vector<16xi1>, vector<16xf32>
    %gt3A_2178 = arith.cmpf ogt, %mul3A_2021, %gather3A_2012 : vector<16xf32>
    %select_n3A_2179 = arith.select %gt3A_2178, %gather3A_2013, %select_n3A_2177 : vector<16xi1>, vector<16xf32>
    %eq3A_2180 = arith.constant 1 : i32
    %eq3A_2181 = vector.broadcast %eq3A_2180 : i32 to vector<16xi32>
    %eq3A_2182 = arith.cmpi eq, %parallel_loop3A_2005, %eq3A_2181 : vector<16xi32>
    %select_n3A_2183 = arith.select %eq3A_2182, %gather3A_2013, %select_n3A_2179 : vector<16xi1>, vector<16xf32>
    %eq3A_2184 = arith.constant 0 : i32
    %eq3A_2185 = vector.broadcast %eq3A_2184 : i32 to vector<16xi32>
    %eq3A_2186 = arith.cmpi eq, %parallel_loop3A_2005, %eq3A_2185 : vector<16xi32>
    %broadcast_in_dim3A_2187 = arith.constant 0.000000e+00 : f32
    %broadcast_in_dim3A_2188 = vector.broadcast %broadcast_in_dim3A_2187 : f32 to vector<16xf32>
    %select_n3A_2189 = arith.select %eq3A_2186, %broadcast_in_dim3A_2188, %select_n3A_2183 : vector<16xi1>, vector<16xf32>
    %swap3A_2190 = arith.constant 160 : index
    %swap3A_2191 = tpu.vector_load %arg11[%swap3A_2190] {strides = array<i32>} : memref<256xf32, #tpu.memory_space<vmem>>, vector<16xf32>,
    tpu.vector_store %arg11[%swap3A_2190], %select_n3A_2189 {strides = array<i32>} : memref<256xf32, #tpu.memory_space<vmem>>, vector<16xf32>,
    %add3A_2192 = arith.addf %add3A_56, %get3A_44 : vector<16xf32>
    %mul3A_2193 = arith.mulf %add3A_2192, %gather3A_2012 : vector<16xf32>
    %broadcast_in_dim3A_2194 = arith.constant 0 : i32
    %broadcast_in_dim3A_2195 = vector.broadcast %broadcast_in_dim3A_2194 : i32 to vector<16xi32>
    %add3A_2196 = arith.constant 1024 : i32
    %add3A_2197 = vector.broadcast %add3A_2196 : i32 to vector<16xi32>
    %add3A_2198 = arith.addi %broadcast_in_dim3A_2195, %add3A_2197 : vector<16xi32>
    %sub3A_2199 = arith.constant 1 : i32
    %sub3A_2200 = vector.broadcast %sub3A_2199 : i32 to vector<16xi32>
    %sub3A_2201 = arith.subi %add3A_2198, %sub3A_2200 : vector<16xi32>
    %min3A_2202 = arith.minsi %sub3A_2201, %max3A_2011 : vector<16xi32>
    %gather3A_2203 = tpu.vector_load_idx %arg8[%min3A_2202] : memref<2064xf32, #tpu.memory_space<vmem>>[vector<16xi32>], vector<16xf32>,
    %le3A_2204 = arith.cmpi sle, %add3A_2198, %parallel_loop3A_2005 : vector<16xi32>
    %le3A_2205 = arith.cmpf ole, %gather3A_2203, %mul3A_2193 : vector<16xf32>
    %and3A_2206 = arith.andi %le3A_2204, %le3A_2205 : vector<16xi1>
    %select_n3A_2207 = arith.select %and3A_2206, %add3A_2198, %broadcast_in_dim3A_2195 : vector<16xi1>, vector<16xi32>
    %add3A_2208 = arith.constant 512 : i32
    %add3A_2209 = vector.broadcast %add3A_2208 : i32 to vector<16xi32>
    %add3A_2210 = arith.addi %select_n3A_2207, %add3A_2209 : vector<16xi32>
    %sub3A_2211 = arith.constant 1 : i32
    %sub3A_2212 = vector.broadcast %sub3A_2211 : i32 to vector<16xi32>
    %sub3A_2213 = arith.subi %add3A_2210, %sub3A_2212 : vector<16xi32>
    %min3A_2214 = arith.minsi %sub3A_2213, %max3A_2011 : vector<16xi32>
    %gather3A_2215 = tpu.vector_load_idx %arg8[%min3A_2214] : memref<2064xf32, #tpu.memory_space<vmem>>[vector<16xi32>], vector<16xf32>,
    %le3A_2216 = arith.cmpi sle, %add3A_2210, %parallel_loop3A_2005 : vector<16xi32>
    %le3A_2217 = arith.cmpf ole, %gather3A_2215, %mul3A_2193 : vector<16xf32>
    %and3A_2218 = arith.andi %le3A_2216, %le3A_2217 : vector<16xi1>
    %select_n3A_2219 = arith.select %and3A_2218, %add3A_2210, %select_n3A_2207 : vector<16xi1>, vector<16xi32>
    %add3A_2220 = arith.constant 256 : i32
    %add3A_2221 = vector.broadcast %add3A_2220 : i32 to vector<16xi32>
    %add3A_2222 = arith.addi %select_n3A_2219, %add3A_2221 : vector<16xi32>
    %sub3A_2223 = arith.constant 1 : i32
    %sub3A_2224 = vector.broadcast %sub3A_2223 : i32 to vector<16xi32>
    %sub3A_2225 = arith.subi %add3A_2222, %sub3A_2224 : vector<16xi32>
    %min3A_2226 = arith.minsi %sub3A_2225, %max3A_2011 : vector<16xi32>
    %gather3A_2227 = tpu.vector_load_idx %arg8[%min3A_2226] : memref<2064xf32, #tpu.memory_space<vmem>>[vector<16xi32>], vector<16xf32>,
    %le3A_2228 = arith.cmpi sle, %add3A_2222, %parallel_loop3A_2005 : vector<16xi32>
    %le3A_2229 = arith.cmpf ole, %gather3A_2227, %mul3A_2193 : vector<16xf32>
    %and3A_2230 = arith.andi %le3A_2228, %le3A_2229 : vector<16xi1>
    %select_n3A_2231 = arith.select %and3A_2230, %add3A_2222, %select_n3A_2219 : vector<16xi1>, vector<16xi32>
    %add3A_2232 = arith.constant 128 : i32
    %add3A_2233 = vector.broadcast %add3A_2232 : i32 to vector<16xi32>
    %add3A_2234 = arith.addi %select_n3A_2231, %add3A_2233 : vector<16xi32>
    %sub3A_2235 = arith.constant 1 : i32
    %sub3A_2236 = vector.broadcast %sub3A_2235 : i32 to vector<16xi32>
    %sub3A_2237 = arith.subi %add3A_2234, %sub3A_2236 : vector<16xi32>
    %min3A_2238 = arith.minsi %sub3A_2237, %max3A_2011 : vector<16xi32>
    %gather3A_2239 = tpu.vector_load_idx %arg8[%min3A_2238] : memref<2064xf32, #tpu.memory_space<vmem>>[vector<16xi32>], vector<16xf32>,
    %le3A_2240 = arith.cmpi sle, %add3A_2234, %parallel_loop3A_2005 : vector<16xi32>
    %le3A_2241 = arith.cmpf ole, %gather3A_2239, %mul3A_2193 : vector<16xf32>
    %and3A_2242 = arith.andi %le3A_2240, %le3A_2241 : vector<16xi1>
    %select_n3A_2243 = arith.select %and3A_2242, %add3A_2234, %select_n3A_2231 : vector<16xi1>, vector<16xi32>
    %add3A_2244 = arith.constant 64 : i32
    %add3A_2245 = vector.broadcast %add3A_2244 : i32 to vector<16xi32>
    %add3A_2246 = arith.addi %select_n3A_2243, %add3A_2245 : vector<16xi32>
    %sub3A_2247 = arith.constant 1 : i32
    %sub3A_2248 = vector.broadcast %sub3A_2247 : i32 to vector<16xi32>
    %sub3A_2249 = arith.subi %add3A_2246, %sub3A_2248 : vector<16xi32>
    %min3A_2250 = arith.minsi %sub3A_2249, %max3A_2011 : vector<16xi32>
    %gather3A_2251 = tpu.vector_load_idx %arg8[%min3A_2250] : memref<2064xf32, #tpu.memory_space<vmem>>[vector<16xi32>], vector<16xf32>,
    %le3A_2252 = arith.cmpi sle, %add3A_2246, %parallel_loop3A_2005 : vector<16xi32>
    %le3A_2253 = arith.cmpf ole, %gather3A_2251, %mul3A_2193 : vector<16xf32>
    %and3A_2254 = arith.andi %le3A_2252, %le3A_2253 : vector<16xi1>
    %select_n3A_2255 = arith.select %and3A_2254, %add3A_2246, %select_n3A_2243 : vector<16xi1>, vector<16xi32>
    %add3A_2256 = arith.constant 32 : i32
    %add3A_2257 = vector.broadcast %add3A_2256 : i32 to vector<16xi32>
    %add3A_2258 = arith.addi %select_n3A_2255, %add3A_2257 : vector<16xi32>
    %sub3A_2259 = arith.constant 1 : i32
    %sub3A_2260 = vector.broadcast %sub3A_2259 : i32 to vector<16xi32>
    %sub3A_2261 = arith.subi %add3A_2258, %sub3A_2260 : vector<16xi32>
    %min3A_2262 = arith.minsi %sub3A_2261, %max3A_2011 : vector<16xi32>
    %gather3A_2263 = tpu.vector_load_idx %arg8[%min3A_2262] : memref<2064xf32, #tpu.memory_space<vmem>>[vector<16xi32>], vector<16xf32>,
    %le3A_2264 = arith.cmpi sle, %add3A_2258, %parallel_loop3A_2005 : vector<16xi32>
    %le3A_2265 = arith.cmpf ole, %gather3A_2263, %mul3A_2193 : vector<16xf32>
    %and3A_2266 = arith.andi %le3A_2264, %le3A_2265 : vector<16xi1>
    %select_n3A_2267 = arith.select %and3A_2266, %add3A_2258, %select_n3A_2255 : vector<16xi1>, vector<16xi32>
    %add3A_2268 = arith.constant 16 : i32
    %add3A_2269 = vector.broadcast %add3A_2268 : i32 to vector<16xi32>
    %add3A_2270 = arith.addi %select_n3A_2267, %add3A_2269 : vector<16xi32>
    %sub3A_2271 = arith.constant 1 : i32
    %sub3A_2272 = vector.broadcast %sub3A_2271 : i32 to vector<16xi32>
    %sub3A_2273 = arith.subi %add3A_2270, %sub3A_2272 : vector<16xi32>
    %min3A_2274 = arith.minsi %sub3A_2273, %max3A_2011 : vector<16xi32>
    %gather3A_2275 = tpu.vector_load_idx %arg8[%min3A_2274] : memref<2064xf32, #tpu.memory_space<vmem>>[vector<16xi32>], vector<16xf32>,
    %le3A_2276 = arith.cmpi sle, %add3A_2270, %parallel_loop3A_2005 : vector<16xi32>
    %le3A_2277 = arith.cmpf ole, %gather3A_2275, %mul3A_2193 : vector<16xf32>
    %and3A_2278 = arith.andi %le3A_2276, %le3A_2277 : vector<16xi1>
    %select_n3A_2279 = arith.select %and3A_2278, %add3A_2270, %select_n3A_2267 : vector<16xi1>, vector<16xi32>
    %add3A_2280 = arith.constant 8 : i32
    %add3A_2281 = vector.broadcast %add3A_2280 : i32 to vector<16xi32>
    %add3A_2282 = arith.addi %select_n3A_2279, %add3A_2281 : vector<16xi32>
    %sub3A_2283 = arith.constant 1 : i32
    %sub3A_2284 = vector.broadcast %sub3A_2283 : i32 to vector<16xi32>
    %sub3A_2285 = arith.subi %add3A_2282, %sub3A_2284 : vector<16xi32>
    %min3A_2286 = arith.minsi %sub3A_2285, %max3A_2011 : vector<16xi32>
    %gather3A_2287 = tpu.vector_load_idx %arg8[%min3A_2286] : memref<2064xf32, #tpu.memory_space<vmem>>[vector<16xi32>], vector<16xf32>,
    %le3A_2288 = arith.cmpi sle, %add3A_2282, %parallel_loop3A_2005 : vector<16xi32>
    %le3A_2289 = arith.cmpf ole, %gather3A_2287, %mul3A_2193 : vector<16xf32>
    %and3A_2290 = arith.andi %le3A_2288, %le3A_2289 : vector<16xi1>
    %select_n3A_2291 = arith.select %and3A_2290, %add3A_2282, %select_n3A_2279 : vector<16xi1>, vector<16xi32>
    %add3A_2292 = arith.constant 4 : i32
    %add3A_2293 = vector.broadcast %add3A_2292 : i32 to vector<16xi32>
    %add3A_2294 = arith.addi %select_n3A_2291, %add3A_2293 : vector<16xi32>
    %sub3A_2295 = arith.constant 1 : i32
    %sub3A_2296 = vector.broadcast %sub3A_2295 : i32 to vector<16xi32>
    %sub3A_2297 = arith.subi %add3A_2294, %sub3A_2296 : vector<16xi32>
    %min3A_2298 = arith.minsi %sub3A_2297, %max3A_2011 : vector<16xi32>
    %gather3A_2299 = tpu.vector_load_idx %arg8[%min3A_2298] : memref<2064xf32, #tpu.memory_space<vmem>>[vector<16xi32>], vector<16xf32>,
    %le3A_2300 = arith.cmpi sle, %add3A_2294, %parallel_loop3A_2005 : vector<16xi32>
    %le3A_2301 = arith.cmpf ole, %gather3A_2299, %mul3A_2193 : vector<16xf32>
    %and3A_2302 = arith.andi %le3A_2300, %le3A_2301 : vector<16xi1>
    %select_n3A_2303 = arith.select %and3A_2302, %add3A_2294, %select_n3A_2291 : vector<16xi1>, vector<16xi32>
    %add3A_2304 = arith.constant 2 : i32
    %add3A_2305 = vector.broadcast %add3A_2304 : i32 to vector<16xi32>
    %add3A_2306 = arith.addi %select_n3A_2303, %add3A_2305 : vector<16xi32>
    %sub3A_2307 = arith.constant 1 : i32
    %sub3A_2308 = vector.broadcast %sub3A_2307 : i32 to vector<16xi32>
    %sub3A_2309 = arith.subi %add3A_2306, %sub3A_2308 : vector<16xi32>
    %min3A_2310 = arith.minsi %sub3A_2309, %max3A_2011 : vector<16xi32>
    %gather3A_2311 = tpu.vector_load_idx %arg8[%min3A_2310] : memref<2064xf32, #tpu.memory_space<vmem>>[vector<16xi32>], vector<16xf32>,
    %le3A_2312 = arith.cmpi sle, %add3A_2306, %parallel_loop3A_2005 : vector<16xi32>
    %le3A_2313 = arith.cmpf ole, %gather3A_2311, %mul3A_2193 : vector<16xf32>
    %and3A_2314 = arith.andi %le3A_2312, %le3A_2313 : vector<16xi1>
    %select_n3A_2315 = arith.select %and3A_2314, %add3A_2306, %select_n3A_2303 : vector<16xi1>, vector<16xi32>
    %add3A_2316 = arith.constant 1 : i32
    %add3A_2317 = vector.broadcast %add3A_2316 : i32 to vector<16xi32>
    %add3A_2318 = arith.addi %select_n3A_2315, %add3A_2317 : vector<16xi32>
    %sub3A_2319 = arith.constant 1 : i32
    %sub3A_2320 = vector.broadcast %sub3A_2319 : i32 to vector<16xi32>
    %sub3A_2321 = arith.subi %add3A_2318, %sub3A_2320 : vector<16xi32>
    %min3A_2322 = arith.minsi %sub3A_2321, %max3A_2011 : vector<16xi32>
    %gather3A_2323 = tpu.vector_load_idx %arg8[%min3A_2322] : memref<2064xf32, #tpu.memory_space<vmem>>[vector<16xi32>], vector<16xf32>,
    %le3A_2324 = arith.cmpi sle, %add3A_2318, %parallel_loop3A_2005 : vector<16xi32>
    %le3A_2325 = arith.cmpf ole, %gather3A_2323, %mul3A_2193 : vector<16xf32>
    %and3A_2326 = arith.andi %le3A_2324, %le3A_2325 : vector<16xi1>
    %select_n3A_2327 = arith.select %and3A_2326, %add3A_2318, %select_n3A_2315 : vector<16xi1>, vector<16xi32>
    %sub3A_2328 = arith.constant 1 : i32
    %sub3A_2329 = vector.broadcast %sub3A_2328 : i32 to vector<16xi32>
    %sub3A_2330 = arith.subi %select_n3A_2327, %sub3A_2329 : vector<16xi32>
    %jit3A_2331 = arith.constant 0 : i32
    %max3A_2332 = vector.broadcast %jit3A_2331 : i32 to vector<16xi32>
    %max3A_2333 = arith.maxsi %max3A_2332, %sub3A_2330 : vector<16xi32>
    %min3A_2334 = arith.minsi %max3A_2019, %max3A_2333 : vector<16xi32>
    %add3A_2335 = arith.constant 1 : i32
    %add3A_2336 = vector.broadcast %add3A_2335 : i32 to vector<16xi32>
    %add3A_2337 = arith.addi %min3A_2334, %add3A_2336 : vector<16xi32>
    %gather3A_2338 = tpu.vector_load_idx %arg8[%min3A_2334] : memref<2064xf32, #tpu.memory_space<vmem>>[vector<16xi32>], vector<16xf32>,
    %gather3A_2339 = tpu.vector_load_idx %arg8[%add3A_2337] : memref<2064xf32, #tpu.memory_space<vmem>>[vector<16xi32>], vector<16xf32>,
    %gather3A_2340 = tpu.vector_load_idx %arg9[%min3A_2334] : memref<2064xf32, #tpu.memory_space<vmem>>[vector<16xi32>], vector<16xf32>,
    %gather3A_2341 = tpu.vector_load_idx %arg9[%add3A_2337] : memref<2064xf32, #tpu.memory_space<vmem>>[vector<16xi32>], vector<16xf32>,
    %sub3A_2342 = arith.subf %mul3A_2193, %gather3A_2338 : vector<16xf32>
    %sub3A_2343 = arith.subf %gather3A_2339, %gather3A_2338 : vector<16xf32>
    %div3A_2344 = arith.divf %sub3A_2342, %sub3A_2343 : vector<16xf32>
    %sub3A_2345 = arith.subf %gather3A_2341, %gather3A_2340 : vector<16xf32>
    %mul3A_2346 = arith.mulf %div3A_2344, %sub3A_2345 : vector<16xf32>
    %add3A_2347 = arith.addf %gather3A_2340, %mul3A_2346 : vector<16xf32>
    %lt3A_2348 = arith.cmpf olt, %mul3A_2193, %gather3A_2338 : vector<16xf32>
    %select_n3A_2349 = arith.select %lt3A_2348, %gather3A_2340, %add3A_2347 : vector<16xi1>, vector<16xf32>
    %gt3A_2350 = arith.cmpf ogt, %mul3A_2193, %gather3A_2012 : vector<16xf32>
    %select_n3A_2351 = arith.select %gt3A_2350, %gather3A_2013, %select_n3A_2349 : vector<16xi1>, vector<16xf32>
    %eq3A_2352 = arith.constant 1 : i32
    %eq3A_2353 = vector.broadcast %eq3A_2352 : i32 to vector<16xi32>
    %eq3A_2354 = arith.cmpi eq, %parallel_loop3A_2005, %eq3A_2353 : vector<16xi32>
    %select_n3A_2355 = arith.select %eq3A_2354, %gather3A_2013, %select_n3A_2351 : vector<16xi1>, vector<16xf32>
    %eq3A_2356 = arith.constant 0 : i32
    %eq3A_2357 = vector.broadcast %eq3A_2356 : i32 to vector<16xi32>
    %eq3A_2358 = arith.cmpi eq, %parallel_loop3A_2005, %eq3A_2357 : vector<16xi32>
    %broadcast_in_dim3A_2359 = arith.constant 0.000000e+00 : f32
    %broadcast_in_dim3A_2360 = vector.broadcast %broadcast_in_dim3A_2359 : f32 to vector<16xf32>
    %select_n3A_2361 = arith.select %eq3A_2358, %broadcast_in_dim3A_2360, %select_n3A_2355 : vector<16xi1>, vector<16xf32>
    %swap3A_2362 = arith.constant 176 : index
    %swap3A_2363 = tpu.vector_load %arg11[%swap3A_2362] {strides = array<i32>} : memref<256xf32, #tpu.memory_space<vmem>>, vector<16xf32>,
    tpu.vector_store %arg11[%swap3A_2362], %select_n3A_2361 {strides = array<i32>} : memref<256xf32, #tpu.memory_space<vmem>>, vector<16xf32>,
    %add3A_2364 = arith.constant 7 : i32
    %add3A_2365 = arith.addi %mul3A_32, %add3A_2364 : i32
    %dma_start3A_2366 = arith.constant 2048 : i32
    %dma_start3A_2367 = tpu.memref_slice %arg7[%dma_start3A_2366] : memref<4096xf32, #tpu.memory_space<vmem>> -> memref<2048xf32, #tpu.memory_space<vmem>>
    %dma_start3A_2368 = arith.constant 0 : i32
    %dma_start3A_2369 = tpu.memref_slice %arg2[%select_n3A, %add3A_2365, %dma_start3A_2368] : memref<8x32x2048xf32, #tpu.memory_space<hbm>> -> memref<1x1x2048xf32, #tpu.memory_space<hbm>>
    %dma_start3A_2370 = tpu.memref_squeeze %dma_start3A_2369 : memref<1x1x2048xf32, #tpu.memory_space<hbm>> -> memref<2048xf32, #tpu.memory_space<hbm>>
    %dma_start3A_2371 = arith.constant 2048 : i32
    %dma_start3A_2372 = tpu.memref_slice %arg7[%dma_start3A_2371] : memref<4096xf32, #tpu.memory_space<vmem>> -> memref<2048xf32, #tpu.memory_space<vmem>>
    %dma_start3A_2373 = arith.constant 0 : i32
    %dma_start3A_2374 = tpu.memref_slice %arg2[%select_n3A, %add3A_2365, %dma_start3A_2373] : memref<8x32x2048xf32, #tpu.memory_space<hbm>> -> memref<1x1x2048xf32, #tpu.memory_space<hbm>>
    %dma_start3A_2375 = tpu.memref_squeeze %dma_start3A_2374 : memref<1x1x2048xf32, #tpu.memory_space<hbm>> -> memref<2048xf32, #tpu.memory_space<hbm>>
    tpu.enqueue_dma source(%dma_start3A_2375 : memref<2048xf32, #tpu.memory_space<hbm>>) target(%dma_start3A_2372 : memref<2048xf32, #tpu.memory_space<vmem>>) target_semaphore(%arg13 : memref<!tpu.dma_semaphore, #tpu.memory_space<semaphore_mem>>)
    %dma_wait3A_2376 = arith.constant 0 : i32
    %dma_wait3A_2377 = tpu.memref_slice %arg7[%dma_wait3A_2376] : memref<4096xf32, #tpu.memory_space<vmem>> -> memref<2048xf32, #tpu.memory_space<vmem>>
    %dma_wait3A_2378 = arith.constant 0 : i32
    %dma_wait3A_2379 = tpu.memref_slice %arg2[%select_n3A, %add3A_1979, %dma_wait3A_2378] : memref<8x32x2048xf32, #tpu.memory_space<hbm>> -> memref<1x1x2048xf32, #tpu.memory_space<hbm>>
    %dma_wait3A_2380 = tpu.memref_squeeze %dma_wait3A_2379 : memref<1x1x2048xf32, #tpu.memory_space<hbm>> -> memref<2048xf32, #tpu.memory_space<hbm>>
    %dma_wait3A_2381 = arith.constant 0 : i32
    %dma_wait3A_2382 = tpu.memref_slice %arg7[%dma_wait3A_2381] : memref<4096xf32, #tpu.memory_space<vmem>> -> memref<2048xf32, #tpu.memory_space<vmem>>
    %dma_wait3A_2383 = arith.constant 0 : i32
    %dma_wait3A_2384 = tpu.memref_slice %arg2[%select_n3A, %add3A_1979, %dma_wait3A_2383] : memref<8x32x2048xf32, #tpu.memory_space<hbm>> -> memref<1x1x2048xf32, #tpu.memory_space<hbm>>
    %dma_wait3A_2385 = tpu.memref_squeeze %dma_wait3A_2384 : memref<1x1x2048xf32, #tpu.memory_space<hbm>> -> memref<2048xf32, #tpu.memory_space<hbm>>
    tpu.wait_dma2 semaphore(%arg12 : memref<!tpu.dma_semaphore, #tpu.memory_space<semaphore_mem>>) src(%dma_wait3A_2385 : memref<2048xf32, #tpu.memory_space<hbm>>) dst(%dma_wait3A_2382 : memref<2048xf32, #tpu.memory_space<vmem>>)
    %broadcast_in_dim3A_2386 = arith.constant 0 : i32
    %broadcast_in_dim3A_2387 = vector.broadcast %broadcast_in_dim3A_2386 : i32 to vector<16xi32>
    %parallel_loop3A_2388 = arith.constant 0 : i32
    %parallel_loop3A_2389 = arith.constant 128 : i32
    %parallel_loop3A_2390 = arith.constant 1 : i32
    %parallel_loop3A_2391 = scf.for %parallel_loop3A_3126 = %parallel_loop3A_2388 to %parallel_loop3A_2389 step %parallel_loop3A_2390 iter_args(%parallel_loop3A_3127 = %broadcast_in_dim3A_2387) -> (vector<16xi32>)  : i32 {
      %parallel_loop3A_3128 = arith.constant 16 : i32
      %parallel_loop3A_3129 = arith.muli %parallel_loop3A_3126, %parallel_loop3A_3128 : i32
      %parallel_loop3A_3130 = arith.constant 0 : i32
      %parallel_loop3A_3131 = arith.addi %parallel_loop3A_3130, %parallel_loop3A_3129 : i32
      %parallel_loop3A_3132 = arith.index_cast %parallel_loop3A_3131 : i32 to index
      %parallel_loop3A_3133 = tpu.vector_load %arg7[%parallel_loop3A_3132] {strides = array<i32>} : memref<4096xf32, #tpu.memory_space<vmem>>, vector<16xf32>,
      %parallel_loop3A_3134 = arith.cmpf oeq, %parallel_loop3A_3133, %parallel_loop3A_3133 : vector<16xf32>
      %parallel_loop3A_3135 = arith.extui %parallel_loop3A_3134 : vector<16xi1> to vector<16xi32>
      %parallel_loop3A_3136 = arith.constant true
      %parallel_loop3A_3137 = vector.broadcast %parallel_loop3A_3136 : i1 to vector<16xi1>
      %parallel_loop3A_3138 = tpu.scan <sum>, %parallel_loop3A_3135 masked %parallel_loop3A_3137 : vector<16xi32>, vector<16xi1> -> vector<16xi32>
      %parallel_loop3A_3139 = arith.addi %parallel_loop3A_3127, %parallel_loop3A_3138 : vector<16xi32>
      %parallel_loop3A_3140 = arith.constant 1 : i32
      %parallel_loop3A_3141 = vector.broadcast %parallel_loop3A_3140 : i32 to vector<16xi32>
      %parallel_loop3A_3142 = arith.subi %parallel_loop3A_3139, %parallel_loop3A_3141 : vector<16xi32>
      %parallel_loop3A_3143 = arith.index_cast %parallel_loop3A_3129 : i32 to index
      %parallel_loop3A_3144 = tpu.vector_load %arg6[%parallel_loop3A_3143] {strides = array<i32>} : memref<2048xf32, #tpu.memory_space<vmem>>, vector<16xf32>,
      tpu.vector_store_idx %arg8[%parallel_loop3A_3142], %parallel_loop3A_3144 masked %parallel_loop3A_3134 : memref<2064xf32, #tpu.memory_space<vmem>>[vector<16xi32>], vector<16xf32>, vector<16xi1>
      tpu.vector_store_idx %arg9[%parallel_loop3A_3142], %parallel_loop3A_3133 masked %parallel_loop3A_3134 : memref<2064xf32, #tpu.memory_space<vmem>>[vector<16xi32>], vector<16xf32>, vector<16xi1>
      %parallel_loop3A_3145 = tpu.all_reduce %parallel_loop3A_3134 {dim = 0 : i64, kind = #tpu.reduction_kind<sum>} : vector<16xi1> -> vector<16xi32>
      %parallel_loop3A_3146 = arith.addi %parallel_loop3A_3127, %parallel_loop3A_3145 : vector<16xi32>
      scf.yield %parallel_loop3A_3146 : vector<16xi32>
    } {sc.loop_unroll_factor = 4 : i64, sc.parallel_access}
    %sub3A_2392 = arith.constant 1 : i32
    %sub3A_2393 = vector.broadcast %sub3A_2392 : i32 to vector<16xi32>
    %sub3A_2394 = arith.subi %parallel_loop3A_2391, %sub3A_2393 : vector<16xi32>
    %max3A_2395 = arith.constant 0 : i32
    %max3A_2396 = vector.broadcast %max3A_2395 : i32 to vector<16xi32>
    %max3A_2397 = arith.maxsi %sub3A_2394, %max3A_2396 : vector<16xi32>
    %gather3A_2398 = tpu.vector_load_idx %arg8[%max3A_2397] : memref<2064xf32, #tpu.memory_space<vmem>>[vector<16xi32>], vector<16xf32>,
    %gather3A_2399 = tpu.vector_load_idx %arg9[%max3A_2397] : memref<2064xf32, #tpu.memory_space<vmem>>[vector<16xi32>], vector<16xf32>,
    %sub3A_2400 = arith.constant 2 : i32
    %sub3A_2401 = vector.broadcast %sub3A_2400 : i32 to vector<16xi32>
    %sub3A_2402 = arith.subi %parallel_loop3A_2391, %sub3A_2401 : vector<16xi32>
    %max3A_2403 = arith.constant 0 : i32
    %max3A_2404 = vector.broadcast %max3A_2403 : i32 to vector<16xi32>
    %max3A_2405 = arith.maxsi %sub3A_2402, %max3A_2404 : vector<16xi32>
    %add3A_2406 = arith.addf %add3A_50, %get3A_44 : vector<16xf32>
    %mul3A_2407 = arith.mulf %add3A_2406, %gather3A_2398 : vector<16xf32>
    %broadcast_in_dim3A_2408 = arith.constant 0 : i32
    %broadcast_in_dim3A_2409 = vector.broadcast %broadcast_in_dim3A_2408 : i32 to vector<16xi32>
    %add3A_2410 = arith.constant 1024 : i32
    %add3A_2411 = vector.broadcast %add3A_2410 : i32 to vector<16xi32>
    %add3A_2412 = arith.addi %broadcast_in_dim3A_2409, %add3A_2411 : vector<16xi32>
    %sub3A_2413 = arith.constant 1 : i32
    %sub3A_2414 = vector.broadcast %sub3A_2413 : i32 to vector<16xi32>
    %sub3A_2415 = arith.subi %add3A_2412, %sub3A_2414 : vector<16xi32>
    %min3A_2416 = arith.minsi %sub3A_2415, %max3A_2397 : vector<16xi32>
    %gather3A_2417 = tpu.vector_load_idx %arg8[%min3A_2416] : memref<2064xf32, #tpu.memory_space<vmem>>[vector<16xi32>], vector<16xf32>,
    %le3A_2418 = arith.cmpi sle, %add3A_2412, %parallel_loop3A_2391 : vector<16xi32>
    %le3A_2419 = arith.cmpf ole, %gather3A_2417, %mul3A_2407 : vector<16xf32>
    %and3A_2420 = arith.andi %le3A_2418, %le3A_2419 : vector<16xi1>
    %select_n3A_2421 = arith.select %and3A_2420, %add3A_2412, %broadcast_in_dim3A_2409 : vector<16xi1>, vector<16xi32>
    %add3A_2422 = arith.constant 512 : i32
    %add3A_2423 = vector.broadcast %add3A_2422 : i32 to vector<16xi32>
    %add3A_2424 = arith.addi %select_n3A_2421, %add3A_2423 : vector<16xi32>
    %sub3A_2425 = arith.constant 1 : i32
    %sub3A_2426 = vector.broadcast %sub3A_2425 : i32 to vector<16xi32>
    %sub3A_2427 = arith.subi %add3A_2424, %sub3A_2426 : vector<16xi32>
    %min3A_2428 = arith.minsi %sub3A_2427, %max3A_2397 : vector<16xi32>
    %gather3A_2429 = tpu.vector_load_idx %arg8[%min3A_2428] : memref<2064xf32, #tpu.memory_space<vmem>>[vector<16xi32>], vector<16xf32>,
    %le3A_2430 = arith.cmpi sle, %add3A_2424, %parallel_loop3A_2391 : vector<16xi32>
    %le3A_2431 = arith.cmpf ole, %gather3A_2429, %mul3A_2407 : vector<16xf32>
    %and3A_2432 = arith.andi %le3A_2430, %le3A_2431 : vector<16xi1>
    %select_n3A_2433 = arith.select %and3A_2432, %add3A_2424, %select_n3A_2421 : vector<16xi1>, vector<16xi32>
    %add3A_2434 = arith.constant 256 : i32
    %add3A_2435 = vector.broadcast %add3A_2434 : i32 to vector<16xi32>
    %add3A_2436 = arith.addi %select_n3A_2433, %add3A_2435 : vector<16xi32>
    %sub3A_2437 = arith.constant 1 : i32
    %sub3A_2438 = vector.broadcast %sub3A_2437 : i32 to vector<16xi32>
    %sub3A_2439 = arith.subi %add3A_2436, %sub3A_2438 : vector<16xi32>
    %min3A_2440 = arith.minsi %sub3A_2439, %max3A_2397 : vector<16xi32>
    %gather3A_2441 = tpu.vector_load_idx %arg8[%min3A_2440] : memref<2064xf32, #tpu.memory_space<vmem>>[vector<16xi32>], vector<16xf32>,
    %le3A_2442 = arith.cmpi sle, %add3A_2436, %parallel_loop3A_2391 : vector<16xi32>
    %le3A_2443 = arith.cmpf ole, %gather3A_2441, %mul3A_2407 : vector<16xf32>
    %and3A_2444 = arith.andi %le3A_2442, %le3A_2443 : vector<16xi1>
    %select_n3A_2445 = arith.select %and3A_2444, %add3A_2436, %select_n3A_2433 : vector<16xi1>, vector<16xi32>
    %add3A_2446 = arith.constant 128 : i32
    %add3A_2447 = vector.broadcast %add3A_2446 : i32 to vector<16xi32>
    %add3A_2448 = arith.addi %select_n3A_2445, %add3A_2447 : vector<16xi32>
    %sub3A_2449 = arith.constant 1 : i32
    %sub3A_2450 = vector.broadcast %sub3A_2449 : i32 to vector<16xi32>
    %sub3A_2451 = arith.subi %add3A_2448, %sub3A_2450 : vector<16xi32>
    %min3A_2452 = arith.minsi %sub3A_2451, %max3A_2397 : vector<16xi32>
    %gather3A_2453 = tpu.vector_load_idx %arg8[%min3A_2452] : memref<2064xf32, #tpu.memory_space<vmem>>[vector<16xi32>], vector<16xf32>,
    %le3A_2454 = arith.cmpi sle, %add3A_2448, %parallel_loop3A_2391 : vector<16xi32>
    %le3A_2455 = arith.cmpf ole, %gather3A_2453, %mul3A_2407 : vector<16xf32>
    %and3A_2456 = arith.andi %le3A_2454, %le3A_2455 : vector<16xi1>
    %select_n3A_2457 = arith.select %and3A_2456, %add3A_2448, %select_n3A_2445 : vector<16xi1>, vector<16xi32>
    %add3A_2458 = arith.constant 64 : i32
    %add3A_2459 = vector.broadcast %add3A_2458 : i32 to vector<16xi32>
    %add3A_2460 = arith.addi %select_n3A_2457, %add3A_2459 : vector<16xi32>
    %sub3A_2461 = arith.constant 1 : i32
    %sub3A_2462 = vector.broadcast %sub3A_2461 : i32 to vector<16xi32>
    %sub3A_2463 = arith.subi %add3A_2460, %sub3A_2462 : vector<16xi32>
    %min3A_2464 = arith.minsi %sub3A_2463, %max3A_2397 : vector<16xi32>
    %gather3A_2465 = tpu.vector_load_idx %arg8[%min3A_2464] : memref<2064xf32, #tpu.memory_space<vmem>>[vector<16xi32>], vector<16xf32>,
    %le3A_2466 = arith.cmpi sle, %add3A_2460, %parallel_loop3A_2391 : vector<16xi32>
    %le3A_2467 = arith.cmpf ole, %gather3A_2465, %mul3A_2407 : vector<16xf32>
    %and3A_2468 = arith.andi %le3A_2466, %le3A_2467 : vector<16xi1>
    %select_n3A_2469 = arith.select %and3A_2468, %add3A_2460, %select_n3A_2457 : vector<16xi1>, vector<16xi32>
    %add3A_2470 = arith.constant 32 : i32
    %add3A_2471 = vector.broadcast %add3A_2470 : i32 to vector<16xi32>
    %add3A_2472 = arith.addi %select_n3A_2469, %add3A_2471 : vector<16xi32>
    %sub3A_2473 = arith.constant 1 : i32
    %sub3A_2474 = vector.broadcast %sub3A_2473 : i32 to vector<16xi32>
    %sub3A_2475 = arith.subi %add3A_2472, %sub3A_2474 : vector<16xi32>
    %min3A_2476 = arith.minsi %sub3A_2475, %max3A_2397 : vector<16xi32>
    %gather3A_2477 = tpu.vector_load_idx %arg8[%min3A_2476] : memref<2064xf32, #tpu.memory_space<vmem>>[vector<16xi32>], vector<16xf32>,
    %le3A_2478 = arith.cmpi sle, %add3A_2472, %parallel_loop3A_2391 : vector<16xi32>
    %le3A_2479 = arith.cmpf ole, %gather3A_2477, %mul3A_2407 : vector<16xf32>
    %and3A_2480 = arith.andi %le3A_2478, %le3A_2479 : vector<16xi1>
    %select_n3A_2481 = arith.select %and3A_2480, %add3A_2472, %select_n3A_2469 : vector<16xi1>, vector<16xi32>
    %add3A_2482 = arith.constant 16 : i32
    %add3A_2483 = vector.broadcast %add3A_2482 : i32 to vector<16xi32>
    %add3A_2484 = arith.addi %select_n3A_2481, %add3A_2483 : vector<16xi32>
    %sub3A_2485 = arith.constant 1 : i32
    %sub3A_2486 = vector.broadcast %sub3A_2485 : i32 to vector<16xi32>
    %sub3A_2487 = arith.subi %add3A_2484, %sub3A_2486 : vector<16xi32>
    %min3A_2488 = arith.minsi %sub3A_2487, %max3A_2397 : vector<16xi32>
    %gather3A_2489 = tpu.vector_load_idx %arg8[%min3A_2488] : memref<2064xf32, #tpu.memory_space<vmem>>[vector<16xi32>], vector<16xf32>,
    %le3A_2490 = arith.cmpi sle, %add3A_2484, %parallel_loop3A_2391 : vector<16xi32>
    %le3A_2491 = arith.cmpf ole, %gather3A_2489, %mul3A_2407 : vector<16xf32>
    %and3A_2492 = arith.andi %le3A_2490, %le3A_2491 : vector<16xi1>
    %select_n3A_2493 = arith.select %and3A_2492, %add3A_2484, %select_n3A_2481 : vector<16xi1>, vector<16xi32>
    %add3A_2494 = arith.constant 8 : i32
    %add3A_2495 = vector.broadcast %add3A_2494 : i32 to vector<16xi32>
    %add3A_2496 = arith.addi %select_n3A_2493, %add3A_2495 : vector<16xi32>
    %sub3A_2497 = arith.constant 1 : i32
    %sub3A_2498 = vector.broadcast %sub3A_2497 : i32 to vector<16xi32>
    %sub3A_2499 = arith.subi %add3A_2496, %sub3A_2498 : vector<16xi32>
    %min3A_2500 = arith.minsi %sub3A_2499, %max3A_2397 : vector<16xi32>
    %gather3A_2501 = tpu.vector_load_idx %arg8[%min3A_2500] : memref<2064xf32, #tpu.memory_space<vmem>>[vector<16xi32>], vector<16xf32>,
    %le3A_2502 = arith.cmpi sle, %add3A_2496, %parallel_loop3A_2391 : vector<16xi32>
    %le3A_2503 = arith.cmpf ole, %gather3A_2501, %mul3A_2407 : vector<16xf32>
    %and3A_2504 = arith.andi %le3A_2502, %le3A_2503 : vector<16xi1>
    %select_n3A_2505 = arith.select %and3A_2504, %add3A_2496, %select_n3A_2493 : vector<16xi1>, vector<16xi32>
    %add3A_2506 = arith.constant 4 : i32
    %add3A_2507 = vector.broadcast %add3A_2506 : i32 to vector<16xi32>
    %add3A_2508 = arith.addi %select_n3A_2505, %add3A_2507 : vector<16xi32>
    %sub3A_2509 = arith.constant 1 : i32
    %sub3A_2510 = vector.broadcast %sub3A_2509 : i32 to vector<16xi32>
    %sub3A_2511 = arith.subi %add3A_2508, %sub3A_2510 : vector<16xi32>
    %min3A_2512 = arith.minsi %sub3A_2511, %max3A_2397 : vector<16xi32>
    %gather3A_2513 = tpu.vector_load_idx %arg8[%min3A_2512] : memref<2064xf32, #tpu.memory_space<vmem>>[vector<16xi32>], vector<16xf32>,
    %le3A_2514 = arith.cmpi sle, %add3A_2508, %parallel_loop3A_2391 : vector<16xi32>
    %le3A_2515 = arith.cmpf ole, %gather3A_2513, %mul3A_2407 : vector<16xf32>
    %and3A_2516 = arith.andi %le3A_2514, %le3A_2515 : vector<16xi1>
    %select_n3A_2517 = arith.select %and3A_2516, %add3A_2508, %select_n3A_2505 : vector<16xi1>, vector<16xi32>
    %add3A_2518 = arith.constant 2 : i32
    %add3A_2519 = vector.broadcast %add3A_2518 : i32 to vector<16xi32>
    %add3A_2520 = arith.addi %select_n3A_2517, %add3A_2519 : vector<16xi32>
    %sub3A_2521 = arith.constant 1 : i32
    %sub3A_2522 = vector.broadcast %sub3A_2521 : i32 to vector<16xi32>
    %sub3A_2523 = arith.subi %add3A_2520, %sub3A_2522 : vector<16xi32>
    %min3A_2524 = arith.minsi %sub3A_2523, %max3A_2397 : vector<16xi32>
    %gather3A_2525 = tpu.vector_load_idx %arg8[%min3A_2524] : memref<2064xf32, #tpu.memory_space<vmem>>[vector<16xi32>], vector<16xf32>,
    %le3A_2526 = arith.cmpi sle, %add3A_2520, %parallel_loop3A_2391 : vector<16xi32>
    %le3A_2527 = arith.cmpf ole, %gather3A_2525, %mul3A_2407 : vector<16xf32>
    %and3A_2528 = arith.andi %le3A_2526, %le3A_2527 : vector<16xi1>
    %select_n3A_2529 = arith.select %and3A_2528, %add3A_2520, %select_n3A_2517 : vector<16xi1>, vector<16xi32>
    %add3A_2530 = arith.constant 1 : i32
    %add3A_2531 = vector.broadcast %add3A_2530 : i32 to vector<16xi32>
    %add3A_2532 = arith.addi %select_n3A_2529, %add3A_2531 : vector<16xi32>
    %sub3A_2533 = arith.constant 1 : i32
    %sub3A_2534 = vector.broadcast %sub3A_2533 : i32 to vector<16xi32>
    %sub3A_2535 = arith.subi %add3A_2532, %sub3A_2534 : vector<16xi32>
    %min3A_2536 = arith.minsi %sub3A_2535, %max3A_2397 : vector<16xi32>
    %gather3A_2537 = tpu.vector_load_idx %arg8[%min3A_2536] : memref<2064xf32, #tpu.memory_space<vmem>>[vector<16xi32>], vector<16xf32>,
    %le3A_2538 = arith.cmpi sle, %add3A_2532, %parallel_loop3A_2391 : vector<16xi32>
    %le3A_2539 = arith.cmpf ole, %gather3A_2537, %mul3A_2407 : vector<16xf32>
    %and3A_2540 = arith.andi %le3A_2538, %le3A_2539 : vector<16xi1>
    %select_n3A_2541 = arith.select %and3A_2540, %add3A_2532, %select_n3A_2529 : vector<16xi1>, vector<16xi32>
    %sub3A_2542 = arith.constant 1 : i32
    %sub3A_2543 = vector.broadcast %sub3A_2542 : i32 to vector<16xi32>
    %sub3A_2544 = arith.subi %select_n3A_2541, %sub3A_2543 : vector<16xi32>
    %jit3A_2545 = arith.constant 0 : i32
    %max3A_2546 = vector.broadcast %jit3A_2545 : i32 to vector<16xi32>
    %max3A_2547 = arith.maxsi %max3A_2546, %sub3A_2544 : vector<16xi32>
    %min3A_2548 = arith.minsi %max3A_2405, %max3A_2547 : vector<16xi32>
    %add3A_2549 = arith.constant 1 : i32
    %add3A_2550 = vector.broadcast %add3A_2549 : i32 to vector<16xi32>
    %add3A_2551 = arith.addi %min3A_2548, %add3A_2550 : vector<16xi32>
    %gather3A_2552 = tpu.vector_load_idx %arg8[%min3A_2548] : memref<2064xf32, #tpu.memory_space<vmem>>[vector<16xi32>], vector<16xf32>,
    %gather3A_2553 = tpu.vector_load_idx %arg8[%add3A_2551] : memref<2064xf32, #tpu.memory_space<vmem>>[vector<16xi32>], vector<16xf32>,
    %gather3A_2554 = tpu.vector_load_idx %arg9[%min3A_2548] : memref<2064xf32, #tpu.memory_space<vmem>>[vector<16xi32>], vector<16xf32>,
    %gather3A_2555 = tpu.vector_load_idx %arg9[%add3A_2551] : memref<2064xf32, #tpu.memory_space<vmem>>[vector<16xi32>], vector<16xf32>,
    %sub3A_2556 = arith.subf %mul3A_2407, %gather3A_2552 : vector<16xf32>
    %sub3A_2557 = arith.subf %gather3A_2553, %gather3A_2552 : vector<16xf32>
    %div3A_2558 = arith.divf %sub3A_2556, %sub3A_2557 : vector<16xf32>
    %sub3A_2559 = arith.subf %gather3A_2555, %gather3A_2554 : vector<16xf32>
    %mul3A_2560 = arith.mulf %div3A_2558, %sub3A_2559 : vector<16xf32>
    %add3A_2561 = arith.addf %gather3A_2554, %mul3A_2560 : vector<16xf32>
    %lt3A_2562 = arith.cmpf olt, %mul3A_2407, %gather3A_2552 : vector<16xf32>
    %select_n3A_2563 = arith.select %lt3A_2562, %gather3A_2554, %add3A_2561 : vector<16xi1>, vector<16xf32>
    %gt3A_2564 = arith.cmpf ogt, %mul3A_2407, %gather3A_2398 : vector<16xf32>
    %select_n3A_2565 = arith.select %gt3A_2564, %gather3A_2399, %select_n3A_2563 : vector<16xi1>, vector<16xf32>
    %eq3A_2566 = arith.constant 1 : i32
    %eq3A_2567 = vector.broadcast %eq3A_2566 : i32 to vector<16xi32>
    %eq3A_2568 = arith.cmpi eq, %parallel_loop3A_2391, %eq3A_2567 : vector<16xi32>
    %select_n3A_2569 = arith.select %eq3A_2568, %gather3A_2399, %select_n3A_2565 : vector<16xi1>, vector<16xf32>
    %eq3A_2570 = arith.constant 0 : i32
    %eq3A_2571 = vector.broadcast %eq3A_2570 : i32 to vector<16xi32>
    %eq3A_2572 = arith.cmpi eq, %parallel_loop3A_2391, %eq3A_2571 : vector<16xi32>
    %broadcast_in_dim3A_2573 = arith.constant 0.000000e+00 : f32
    %broadcast_in_dim3A_2574 = vector.broadcast %broadcast_in_dim3A_2573 : f32 to vector<16xf32>
    %select_n3A_2575 = arith.select %eq3A_2572, %broadcast_in_dim3A_2574, %select_n3A_2569 : vector<16xi1>, vector<16xf32>
    %swap3A_2576 = arith.constant 192 : index
    %swap3A_2577 = tpu.vector_load %arg11[%swap3A_2576] {strides = array<i32>} : memref<256xf32, #tpu.memory_space<vmem>>, vector<16xf32>,
    tpu.vector_store %arg11[%swap3A_2576], %select_n3A_2575 {strides = array<i32>} : memref<256xf32, #tpu.memory_space<vmem>>, vector<16xf32>,
    %add3A_2578 = arith.addf %add3A_56, %get3A_44 : vector<16xf32>
    %mul3A_2579 = arith.mulf %add3A_2578, %gather3A_2398 : vector<16xf32>
    %broadcast_in_dim3A_2580 = arith.constant 0 : i32
    %broadcast_in_dim3A_2581 = vector.broadcast %broadcast_in_dim3A_2580 : i32 to vector<16xi32>
    %add3A_2582 = arith.constant 1024 : i32
    %add3A_2583 = vector.broadcast %add3A_2582 : i32 to vector<16xi32>
    %add3A_2584 = arith.addi %broadcast_in_dim3A_2581, %add3A_2583 : vector<16xi32>
    %sub3A_2585 = arith.constant 1 : i32
    %sub3A_2586 = vector.broadcast %sub3A_2585 : i32 to vector<16xi32>
    %sub3A_2587 = arith.subi %add3A_2584, %sub3A_2586 : vector<16xi32>
    %min3A_2588 = arith.minsi %sub3A_2587, %max3A_2397 : vector<16xi32>
    %gather3A_2589 = tpu.vector_load_idx %arg8[%min3A_2588] : memref<2064xf32, #tpu.memory_space<vmem>>[vector<16xi32>], vector<16xf32>,
    %le3A_2590 = arith.cmpi sle, %add3A_2584, %parallel_loop3A_2391 : vector<16xi32>
    %le3A_2591 = arith.cmpf ole, %gather3A_2589, %mul3A_2579 : vector<16xf32>
    %and3A_2592 = arith.andi %le3A_2590, %le3A_2591 : vector<16xi1>
    %select_n3A_2593 = arith.select %and3A_2592, %add3A_2584, %broadcast_in_dim3A_2581 : vector<16xi1>, vector<16xi32>
    %add3A_2594 = arith.constant 512 : i32
    %add3A_2595 = vector.broadcast %add3A_2594 : i32 to vector<16xi32>
    %add3A_2596 = arith.addi %select_n3A_2593, %add3A_2595 : vector<16xi32>
    %sub3A_2597 = arith.constant 1 : i32
    %sub3A_2598 = vector.broadcast %sub3A_2597 : i32 to vector<16xi32>
    %sub3A_2599 = arith.subi %add3A_2596, %sub3A_2598 : vector<16xi32>
    %min3A_2600 = arith.minsi %sub3A_2599, %max3A_2397 : vector<16xi32>
    %gather3A_2601 = tpu.vector_load_idx %arg8[%min3A_2600] : memref<2064xf32, #tpu.memory_space<vmem>>[vector<16xi32>], vector<16xf32>,
    %le3A_2602 = arith.cmpi sle, %add3A_2596, %parallel_loop3A_2391 : vector<16xi32>
    %le3A_2603 = arith.cmpf ole, %gather3A_2601, %mul3A_2579 : vector<16xf32>
    %and3A_2604 = arith.andi %le3A_2602, %le3A_2603 : vector<16xi1>
    %select_n3A_2605 = arith.select %and3A_2604, %add3A_2596, %select_n3A_2593 : vector<16xi1>, vector<16xi32>
    %add3A_2606 = arith.constant 256 : i32
    %add3A_2607 = vector.broadcast %add3A_2606 : i32 to vector<16xi32>
    %add3A_2608 = arith.addi %select_n3A_2605, %add3A_2607 : vector<16xi32>
    %sub3A_2609 = arith.constant 1 : i32
    %sub3A_2610 = vector.broadcast %sub3A_2609 : i32 to vector<16xi32>
    %sub3A_2611 = arith.subi %add3A_2608, %sub3A_2610 : vector<16xi32>
    %min3A_2612 = arith.minsi %sub3A_2611, %max3A_2397 : vector<16xi32>
    %gather3A_2613 = tpu.vector_load_idx %arg8[%min3A_2612] : memref<2064xf32, #tpu.memory_space<vmem>>[vector<16xi32>], vector<16xf32>,
    %le3A_2614 = arith.cmpi sle, %add3A_2608, %parallel_loop3A_2391 : vector<16xi32>
    %le3A_2615 = arith.cmpf ole, %gather3A_2613, %mul3A_2579 : vector<16xf32>
    %and3A_2616 = arith.andi %le3A_2614, %le3A_2615 : vector<16xi1>
    %select_n3A_2617 = arith.select %and3A_2616, %add3A_2608, %select_n3A_2605 : vector<16xi1>, vector<16xi32>
    %add3A_2618 = arith.constant 128 : i32
    %add3A_2619 = vector.broadcast %add3A_2618 : i32 to vector<16xi32>
    %add3A_2620 = arith.addi %select_n3A_2617, %add3A_2619 : vector<16xi32>
    %sub3A_2621 = arith.constant 1 : i32
    %sub3A_2622 = vector.broadcast %sub3A_2621 : i32 to vector<16xi32>
    %sub3A_2623 = arith.subi %add3A_2620, %sub3A_2622 : vector<16xi32>
    %min3A_2624 = arith.minsi %sub3A_2623, %max3A_2397 : vector<16xi32>
    %gather3A_2625 = tpu.vector_load_idx %arg8[%min3A_2624] : memref<2064xf32, #tpu.memory_space<vmem>>[vector<16xi32>], vector<16xf32>,
    %le3A_2626 = arith.cmpi sle, %add3A_2620, %parallel_loop3A_2391 : vector<16xi32>
    %le3A_2627 = arith.cmpf ole, %gather3A_2625, %mul3A_2579 : vector<16xf32>
    %and3A_2628 = arith.andi %le3A_2626, %le3A_2627 : vector<16xi1>
    %select_n3A_2629 = arith.select %and3A_2628, %add3A_2620, %select_n3A_2617 : vector<16xi1>, vector<16xi32>
    %add3A_2630 = arith.constant 64 : i32
    %add3A_2631 = vector.broadcast %add3A_2630 : i32 to vector<16xi32>
    %add3A_2632 = arith.addi %select_n3A_2629, %add3A_2631 : vector<16xi32>
    %sub3A_2633 = arith.constant 1 : i32
    %sub3A_2634 = vector.broadcast %sub3A_2633 : i32 to vector<16xi32>
    %sub3A_2635 = arith.subi %add3A_2632, %sub3A_2634 : vector<16xi32>
    %min3A_2636 = arith.minsi %sub3A_2635, %max3A_2397 : vector<16xi32>
    %gather3A_2637 = tpu.vector_load_idx %arg8[%min3A_2636] : memref<2064xf32, #tpu.memory_space<vmem>>[vector<16xi32>], vector<16xf32>,
    %le3A_2638 = arith.cmpi sle, %add3A_2632, %parallel_loop3A_2391 : vector<16xi32>
    %le3A_2639 = arith.cmpf ole, %gather3A_2637, %mul3A_2579 : vector<16xf32>
    %and3A_2640 = arith.andi %le3A_2638, %le3A_2639 : vector<16xi1>
    %select_n3A_2641 = arith.select %and3A_2640, %add3A_2632, %select_n3A_2629 : vector<16xi1>, vector<16xi32>
    %add3A_2642 = arith.constant 32 : i32
    %add3A_2643 = vector.broadcast %add3A_2642 : i32 to vector<16xi32>
    %add3A_2644 = arith.addi %select_n3A_2641, %add3A_2643 : vector<16xi32>
    %sub3A_2645 = arith.constant 1 : i32
    %sub3A_2646 = vector.broadcast %sub3A_2645 : i32 to vector<16xi32>
    %sub3A_2647 = arith.subi %add3A_2644, %sub3A_2646 : vector<16xi32>
    %min3A_2648 = arith.minsi %sub3A_2647, %max3A_2397 : vector<16xi32>
    %gather3A_2649 = tpu.vector_load_idx %arg8[%min3A_2648] : memref<2064xf32, #tpu.memory_space<vmem>>[vector<16xi32>], vector<16xf32>,
    %le3A_2650 = arith.cmpi sle, %add3A_2644, %parallel_loop3A_2391 : vector<16xi32>
    %le3A_2651 = arith.cmpf ole, %gather3A_2649, %mul3A_2579 : vector<16xf32>
    %and3A_2652 = arith.andi %le3A_2650, %le3A_2651 : vector<16xi1>
    %select_n3A_2653 = arith.select %and3A_2652, %add3A_2644, %select_n3A_2641 : vector<16xi1>, vector<16xi32>
    %add3A_2654 = arith.constant 16 : i32
    %add3A_2655 = vector.broadcast %add3A_2654 : i32 to vector<16xi32>
    %add3A_2656 = arith.addi %select_n3A_2653, %add3A_2655 : vector<16xi32>
    %sub3A_2657 = arith.constant 1 : i32
    %sub3A_2658 = vector.broadcast %sub3A_2657 : i32 to vector<16xi32>
    %sub3A_2659 = arith.subi %add3A_2656, %sub3A_2658 : vector<16xi32>
    %min3A_2660 = arith.minsi %sub3A_2659, %max3A_2397 : vector<16xi32>
    %gather3A_2661 = tpu.vector_load_idx %arg8[%min3A_2660] : memref<2064xf32, #tpu.memory_space<vmem>>[vector<16xi32>], vector<16xf32>,
    %le3A_2662 = arith.cmpi sle, %add3A_2656, %parallel_loop3A_2391 : vector<16xi32>
    %le3A_2663 = arith.cmpf ole, %gather3A_2661, %mul3A_2579 : vector<16xf32>
    %and3A_2664 = arith.andi %le3A_2662, %le3A_2663 : vector<16xi1>
    %select_n3A_2665 = arith.select %and3A_2664, %add3A_2656, %select_n3A_2653 : vector<16xi1>, vector<16xi32>
    %add3A_2666 = arith.constant 8 : i32
    %add3A_2667 = vector.broadcast %add3A_2666 : i32 to vector<16xi32>
    %add3A_2668 = arith.addi %select_n3A_2665, %add3A_2667 : vector<16xi32>
    %sub3A_2669 = arith.constant 1 : i32
    %sub3A_2670 = vector.broadcast %sub3A_2669 : i32 to vector<16xi32>
    %sub3A_2671 = arith.subi %add3A_2668, %sub3A_2670 : vector<16xi32>
    %min3A_2672 = arith.minsi %sub3A_2671, %max3A_2397 : vector<16xi32>
    %gather3A_2673 = tpu.vector_load_idx %arg8[%min3A_2672] : memref<2064xf32, #tpu.memory_space<vmem>>[vector<16xi32>], vector<16xf32>,
    %le3A_2674 = arith.cmpi sle, %add3A_2668, %parallel_loop3A_2391 : vector<16xi32>
    %le3A_2675 = arith.cmpf ole, %gather3A_2673, %mul3A_2579 : vector<16xf32>
    %and3A_2676 = arith.andi %le3A_2674, %le3A_2675 : vector<16xi1>
    %select_n3A_2677 = arith.select %and3A_2676, %add3A_2668, %select_n3A_2665 : vector<16xi1>, vector<16xi32>
    %add3A_2678 = arith.constant 4 : i32
    %add3A_2679 = vector.broadcast %add3A_2678 : i32 to vector<16xi32>
    %add3A_2680 = arith.addi %select_n3A_2677, %add3A_2679 : vector<16xi32>
    %sub3A_2681 = arith.constant 1 : i32
    %sub3A_2682 = vector.broadcast %sub3A_2681 : i32 to vector<16xi32>
    %sub3A_2683 = arith.subi %add3A_2680, %sub3A_2682 : vector<16xi32>
    %min3A_2684 = arith.minsi %sub3A_2683, %max3A_2397 : vector<16xi32>
    %gather3A_2685 = tpu.vector_load_idx %arg8[%min3A_2684] : memref<2064xf32, #tpu.memory_space<vmem>>[vector<16xi32>], vector<16xf32>,
    %le3A_2686 = arith.cmpi sle, %add3A_2680, %parallel_loop3A_2391 : vector<16xi32>
    %le3A_2687 = arith.cmpf ole, %gather3A_2685, %mul3A_2579 : vector<16xf32>
    %and3A_2688 = arith.andi %le3A_2686, %le3A_2687 : vector<16xi1>
    %select_n3A_2689 = arith.select %and3A_2688, %add3A_2680, %select_n3A_2677 : vector<16xi1>, vector<16xi32>
    %add3A_2690 = arith.constant 2 : i32
    %add3A_2691 = vector.broadcast %add3A_2690 : i32 to vector<16xi32>
    %add3A_2692 = arith.addi %select_n3A_2689, %add3A_2691 : vector<16xi32>
    %sub3A_2693 = arith.constant 1 : i32
    %sub3A_2694 = vector.broadcast %sub3A_2693 : i32 to vector<16xi32>
    %sub3A_2695 = arith.subi %add3A_2692, %sub3A_2694 : vector<16xi32>
    %min3A_2696 = arith.minsi %sub3A_2695, %max3A_2397 : vector<16xi32>
    %gather3A_2697 = tpu.vector_load_idx %arg8[%min3A_2696] : memref<2064xf32, #tpu.memory_space<vmem>>[vector<16xi32>], vector<16xf32>,
    %le3A_2698 = arith.cmpi sle, %add3A_2692, %parallel_loop3A_2391 : vector<16xi32>
    %le3A_2699 = arith.cmpf ole, %gather3A_2697, %mul3A_2579 : vector<16xf32>
    %and3A_2700 = arith.andi %le3A_2698, %le3A_2699 : vector<16xi1>
    %select_n3A_2701 = arith.select %and3A_2700, %add3A_2692, %select_n3A_2689 : vector<16xi1>, vector<16xi32>
    %add3A_2702 = arith.constant 1 : i32
    %add3A_2703 = vector.broadcast %add3A_2702 : i32 to vector<16xi32>
    %add3A_2704 = arith.addi %select_n3A_2701, %add3A_2703 : vector<16xi32>
    %sub3A_2705 = arith.constant 1 : i32
    %sub3A_2706 = vector.broadcast %sub3A_2705 : i32 to vector<16xi32>
    %sub3A_2707 = arith.subi %add3A_2704, %sub3A_2706 : vector<16xi32>
    %min3A_2708 = arith.minsi %sub3A_2707, %max3A_2397 : vector<16xi32>
    %gather3A_2709 = tpu.vector_load_idx %arg8[%min3A_2708] : memref<2064xf32, #tpu.memory_space<vmem>>[vector<16xi32>], vector<16xf32>,
    %le3A_2710 = arith.cmpi sle, %add3A_2704, %parallel_loop3A_2391 : vector<16xi32>
    %le3A_2711 = arith.cmpf ole, %gather3A_2709, %mul3A_2579 : vector<16xf32>
    %and3A_2712 = arith.andi %le3A_2710, %le3A_2711 : vector<16xi1>
    %select_n3A_2713 = arith.select %and3A_2712, %add3A_2704, %select_n3A_2701 : vector<16xi1>, vector<16xi32>
    %sub3A_2714 = arith.constant 1 : i32
    %sub3A_2715 = vector.broadcast %sub3A_2714 : i32 to vector<16xi32>
    %sub3A_2716 = arith.subi %select_n3A_2713, %sub3A_2715 : vector<16xi32>
    %jit3A_2717 = arith.constant 0 : i32
    %max3A_2718 = vector.broadcast %jit3A_2717 : i32 to vector<16xi32>
    %max3A_2719 = arith.maxsi %max3A_2718, %sub3A_2716 : vector<16xi32>
    %min3A_2720 = arith.minsi %max3A_2405, %max3A_2719 : vector<16xi32>
    %add3A_2721 = arith.constant 1 : i32
    %add3A_2722 = vector.broadcast %add3A_2721 : i32 to vector<16xi32>
    %add3A_2723 = arith.addi %min3A_2720, %add3A_2722 : vector<16xi32>
    %gather3A_2724 = tpu.vector_load_idx %arg8[%min3A_2720] : memref<2064xf32, #tpu.memory_space<vmem>>[vector<16xi32>], vector<16xf32>,
    %gather3A_2725 = tpu.vector_load_idx %arg8[%add3A_2723] : memref<2064xf32, #tpu.memory_space<vmem>>[vector<16xi32>], vector<16xf32>,
    %gather3A_2726 = tpu.vector_load_idx %arg9[%min3A_2720] : memref<2064xf32, #tpu.memory_space<vmem>>[vector<16xi32>], vector<16xf32>,
    %gather3A_2727 = tpu.vector_load_idx %arg9[%add3A_2723] : memref<2064xf32, #tpu.memory_space<vmem>>[vector<16xi32>], vector<16xf32>,
    %sub3A_2728 = arith.subf %mul3A_2579, %gather3A_2724 : vector<16xf32>
    %sub3A_2729 = arith.subf %gather3A_2725, %gather3A_2724 : vector<16xf32>
    %div3A_2730 = arith.divf %sub3A_2728, %sub3A_2729 : vector<16xf32>
    %sub3A_2731 = arith.subf %gather3A_2727, %gather3A_2726 : vector<16xf32>
    %mul3A_2732 = arith.mulf %div3A_2730, %sub3A_2731 : vector<16xf32>
    %add3A_2733 = arith.addf %gather3A_2726, %mul3A_2732 : vector<16xf32>
    %lt3A_2734 = arith.cmpf olt, %mul3A_2579, %gather3A_2724 : vector<16xf32>
    %select_n3A_2735 = arith.select %lt3A_2734, %gather3A_2726, %add3A_2733 : vector<16xi1>, vector<16xf32>
    %gt3A_2736 = arith.cmpf ogt, %mul3A_2579, %gather3A_2398 : vector<16xf32>
    %select_n3A_2737 = arith.select %gt3A_2736, %gather3A_2399, %select_n3A_2735 : vector<16xi1>, vector<16xf32>
    %eq3A_2738 = arith.constant 1 : i32
    %eq3A_2739 = vector.broadcast %eq3A_2738 : i32 to vector<16xi32>
    %eq3A_2740 = arith.cmpi eq, %parallel_loop3A_2391, %eq3A_2739 : vector<16xi32>
    %select_n3A_2741 = arith.select %eq3A_2740, %gather3A_2399, %select_n3A_2737 : vector<16xi1>, vector<16xf32>
    %eq3A_2742 = arith.constant 0 : i32
    %eq3A_2743 = vector.broadcast %eq3A_2742 : i32 to vector<16xi32>
    %eq3A_2744 = arith.cmpi eq, %parallel_loop3A_2391, %eq3A_2743 : vector<16xi32>
    %broadcast_in_dim3A_2745 = arith.constant 0.000000e+00 : f32
    %broadcast_in_dim3A_2746 = vector.broadcast %broadcast_in_dim3A_2745 : f32 to vector<16xf32>
    %select_n3A_2747 = arith.select %eq3A_2744, %broadcast_in_dim3A_2746, %select_n3A_2741 : vector<16xi1>, vector<16xf32>
    %swap3A_2748 = arith.constant 208 : index
    %swap3A_2749 = tpu.vector_load %arg11[%swap3A_2748] {strides = array<i32>} : memref<256xf32, #tpu.memory_space<vmem>>, vector<16xf32>,
    tpu.vector_store %arg11[%swap3A_2748], %select_n3A_2747 {strides = array<i32>} : memref<256xf32, #tpu.memory_space<vmem>>, vector<16xf32>,
    %dma_wait3A_2750 = arith.constant 2048 : i32
    %dma_wait3A_2751 = tpu.memref_slice %arg7[%dma_wait3A_2750] : memref<4096xf32, #tpu.memory_space<vmem>> -> memref<2048xf32, #tpu.memory_space<vmem>>
    %dma_wait3A_2752 = arith.constant 0 : i32
    %dma_wait3A_2753 = tpu.memref_slice %arg2[%select_n3A, %add3A_2365, %dma_wait3A_2752] : memref<8x32x2048xf32, #tpu.memory_space<hbm>> -> memref<1x1x2048xf32, #tpu.memory_space<hbm>>
    %dma_wait3A_2754 = tpu.memref_squeeze %dma_wait3A_2753 : memref<1x1x2048xf32, #tpu.memory_space<hbm>> -> memref<2048xf32, #tpu.memory_space<hbm>>
    %dma_wait3A_2755 = arith.constant 2048 : i32
    %dma_wait3A_2756 = tpu.memref_slice %arg7[%dma_wait3A_2755] : memref<4096xf32, #tpu.memory_space<vmem>> -> memref<2048xf32, #tpu.memory_space<vmem>>
    %dma_wait3A_2757 = arith.constant 0 : i32
    %dma_wait3A_2758 = tpu.memref_slice %arg2[%select_n3A, %add3A_2365, %dma_wait3A_2757] : memref<8x32x2048xf32, #tpu.memory_space<hbm>> -> memref<1x1x2048xf32, #tpu.memory_space<hbm>>
    %dma_wait3A_2759 = tpu.memref_squeeze %dma_wait3A_2758 : memref<1x1x2048xf32, #tpu.memory_space<hbm>> -> memref<2048xf32, #tpu.memory_space<hbm>>
    tpu.wait_dma2 semaphore(%arg13 : memref<!tpu.dma_semaphore, #tpu.memory_space<semaphore_mem>>) src(%dma_wait3A_2759 : memref<2048xf32, #tpu.memory_space<hbm>>) dst(%dma_wait3A_2756 : memref<2048xf32, #tpu.memory_space<vmem>>)
    %broadcast_in_dim3A_2760 = arith.constant 0 : i32
    %broadcast_in_dim3A_2761 = vector.broadcast %broadcast_in_dim3A_2760 : i32 to vector<16xi32>
    %parallel_loop3A_2762 = arith.constant 0 : i32
    %parallel_loop3A_2763 = arith.constant 128 : i32
    %parallel_loop3A_2764 = arith.constant 1 : i32
    %parallel_loop3A_2765 = scf.for %parallel_loop3A_3126 = %parallel_loop3A_2762 to %parallel_loop3A_2763 step %parallel_loop3A_2764 iter_args(%parallel_loop3A_3127 = %broadcast_in_dim3A_2761) -> (vector<16xi32>)  : i32 {
      %parallel_loop3A_3128 = arith.constant 16 : i32
      %parallel_loop3A_3129 = arith.muli %parallel_loop3A_3126, %parallel_loop3A_3128 : i32
      %parallel_loop3A_3130 = arith.constant 2048 : i32
      %parallel_loop3A_3131 = arith.addi %parallel_loop3A_3130, %parallel_loop3A_3129 : i32
      %parallel_loop3A_3132 = arith.index_cast %parallel_loop3A_3131 : i32 to index
      %parallel_loop3A_3133 = tpu.vector_load %arg7[%parallel_loop3A_3132] {strides = array<i32>} : memref<4096xf32, #tpu.memory_space<vmem>>, vector<16xf32>,
      %parallel_loop3A_3134 = arith.cmpf oeq, %parallel_loop3A_3133, %parallel_loop3A_3133 : vector<16xf32>
      %parallel_loop3A_3135 = arith.extui %parallel_loop3A_3134 : vector<16xi1> to vector<16xi32>
      %parallel_loop3A_3136 = arith.constant true
      %parallel_loop3A_3137 = vector.broadcast %parallel_loop3A_3136 : i1 to vector<16xi1>
      %parallel_loop3A_3138 = tpu.scan <sum>, %parallel_loop3A_3135 masked %parallel_loop3A_3137 : vector<16xi32>, vector<16xi1> -> vector<16xi32>
      %parallel_loop3A_3139 = arith.addi %parallel_loop3A_3127, %parallel_loop3A_3138 : vector<16xi32>
      %parallel_loop3A_3140 = arith.constant 1 : i32
      %parallel_loop3A_3141 = vector.broadcast %parallel_loop3A_3140 : i32 to vector<16xi32>
      %parallel_loop3A_3142 = arith.subi %parallel_loop3A_3139, %parallel_loop3A_3141 : vector<16xi32>
      %parallel_loop3A_3143 = arith.index_cast %parallel_loop3A_3129 : i32 to index
      %parallel_loop3A_3144 = tpu.vector_load %arg6[%parallel_loop3A_3143] {strides = array<i32>} : memref<2048xf32, #tpu.memory_space<vmem>>, vector<16xf32>,
      tpu.vector_store_idx %arg8[%parallel_loop3A_3142], %parallel_loop3A_3144 masked %parallel_loop3A_3134 : memref<2064xf32, #tpu.memory_space<vmem>>[vector<16xi32>], vector<16xf32>, vector<16xi1>
      tpu.vector_store_idx %arg9[%parallel_loop3A_3142], %parallel_loop3A_3133 masked %parallel_loop3A_3134 : memref<2064xf32, #tpu.memory_space<vmem>>[vector<16xi32>], vector<16xf32>, vector<16xi1>
      %parallel_loop3A_3145 = tpu.all_reduce %parallel_loop3A_3134 {dim = 0 : i64, kind = #tpu.reduction_kind<sum>} : vector<16xi1> -> vector<16xi32>
      %parallel_loop3A_3146 = arith.addi %parallel_loop3A_3127, %parallel_loop3A_3145 : vector<16xi32>
      scf.yield %parallel_loop3A_3146 : vector<16xi32>
    } {sc.loop_unroll_factor = 4 : i64, sc.parallel_access}
    %sub3A_2766 = arith.constant 1 : i32
    %sub3A_2767 = vector.broadcast %sub3A_2766 : i32 to vector<16xi32>
    %sub3A_2768 = arith.subi %parallel_loop3A_2765, %sub3A_2767 : vector<16xi32>
    %max3A_2769 = arith.constant 0 : i32
    %max3A_2770 = vector.broadcast %max3A_2769 : i32 to vector<16xi32>
    %max3A_2771 = arith.maxsi %sub3A_2768, %max3A_2770 : vector<16xi32>
    %gather3A_2772 = tpu.vector_load_idx %arg8[%max3A_2771] : memref<2064xf32, #tpu.memory_space<vmem>>[vector<16xi32>], vector<16xf32>,
    %gather3A_2773 = tpu.vector_load_idx %arg9[%max3A_2771] : memref<2064xf32, #tpu.memory_space<vmem>>[vector<16xi32>], vector<16xf32>,
    %sub3A_2774 = arith.constant 2 : i32
    %sub3A_2775 = vector.broadcast %sub3A_2774 : i32 to vector<16xi32>
    %sub3A_2776 = arith.subi %parallel_loop3A_2765, %sub3A_2775 : vector<16xi32>
    %max3A_2777 = arith.constant 0 : i32
    %max3A_2778 = vector.broadcast %max3A_2777 : i32 to vector<16xi32>
    %max3A_2779 = arith.maxsi %sub3A_2776, %max3A_2778 : vector<16xi32>
    %add3A_2780 = arith.addf %add3A_50, %get3A_44 : vector<16xf32>
    %mul3A_2781 = arith.mulf %add3A_2780, %gather3A_2772 : vector<16xf32>
    %broadcast_in_dim3A_2782 = arith.constant 0 : i32
    %broadcast_in_dim3A_2783 = vector.broadcast %broadcast_in_dim3A_2782 : i32 to vector<16xi32>
    %add3A_2784 = arith.constant 1024 : i32
    %add3A_2785 = vector.broadcast %add3A_2784 : i32 to vector<16xi32>
    %add3A_2786 = arith.addi %broadcast_in_dim3A_2783, %add3A_2785 : vector<16xi32>
    %sub3A_2787 = arith.constant 1 : i32
    %sub3A_2788 = vector.broadcast %sub3A_2787 : i32 to vector<16xi32>
    %sub3A_2789 = arith.subi %add3A_2786, %sub3A_2788 : vector<16xi32>
    %min3A_2790 = arith.minsi %sub3A_2789, %max3A_2771 : vector<16xi32>
    %gather3A_2791 = tpu.vector_load_idx %arg8[%min3A_2790] : memref<2064xf32, #tpu.memory_space<vmem>>[vector<16xi32>], vector<16xf32>,
    %le3A_2792 = arith.cmpi sle, %add3A_2786, %parallel_loop3A_2765 : vector<16xi32>
    %le3A_2793 = arith.cmpf ole, %gather3A_2791, %mul3A_2781 : vector<16xf32>
    %and3A_2794 = arith.andi %le3A_2792, %le3A_2793 : vector<16xi1>
    %select_n3A_2795 = arith.select %and3A_2794, %add3A_2786, %broadcast_in_dim3A_2783 : vector<16xi1>, vector<16xi32>
    %add3A_2796 = arith.constant 512 : i32
    %add3A_2797 = vector.broadcast %add3A_2796 : i32 to vector<16xi32>
    %add3A_2798 = arith.addi %select_n3A_2795, %add3A_2797 : vector<16xi32>
    %sub3A_2799 = arith.constant 1 : i32
    %sub3A_2800 = vector.broadcast %sub3A_2799 : i32 to vector<16xi32>
    %sub3A_2801 = arith.subi %add3A_2798, %sub3A_2800 : vector<16xi32>
    %min3A_2802 = arith.minsi %sub3A_2801, %max3A_2771 : vector<16xi32>
    %gather3A_2803 = tpu.vector_load_idx %arg8[%min3A_2802] : memref<2064xf32, #tpu.memory_space<vmem>>[vector<16xi32>], vector<16xf32>,
    %le3A_2804 = arith.cmpi sle, %add3A_2798, %parallel_loop3A_2765 : vector<16xi32>
    %le3A_2805 = arith.cmpf ole, %gather3A_2803, %mul3A_2781 : vector<16xf32>
    %and3A_2806 = arith.andi %le3A_2804, %le3A_2805 : vector<16xi1>
    %select_n3A_2807 = arith.select %and3A_2806, %add3A_2798, %select_n3A_2795 : vector<16xi1>, vector<16xi32>
    %add3A_2808 = arith.constant 256 : i32
    %add3A_2809 = vector.broadcast %add3A_2808 : i32 to vector<16xi32>
    %add3A_2810 = arith.addi %select_n3A_2807, %add3A_2809 : vector<16xi32>
    %sub3A_2811 = arith.constant 1 : i32
    %sub3A_2812 = vector.broadcast %sub3A_2811 : i32 to vector<16xi32>
    %sub3A_2813 = arith.subi %add3A_2810, %sub3A_2812 : vector<16xi32>
    %min3A_2814 = arith.minsi %sub3A_2813, %max3A_2771 : vector<16xi32>
    %gather3A_2815 = tpu.vector_load_idx %arg8[%min3A_2814] : memref<2064xf32, #tpu.memory_space<vmem>>[vector<16xi32>], vector<16xf32>,
    %le3A_2816 = arith.cmpi sle, %add3A_2810, %parallel_loop3A_2765 : vector<16xi32>
    %le3A_2817 = arith.cmpf ole, %gather3A_2815, %mul3A_2781 : vector<16xf32>
    %and3A_2818 = arith.andi %le3A_2816, %le3A_2817 : vector<16xi1>
    %select_n3A_2819 = arith.select %and3A_2818, %add3A_2810, %select_n3A_2807 : vector<16xi1>, vector<16xi32>
    %add3A_2820 = arith.constant 128 : i32
    %add3A_2821 = vector.broadcast %add3A_2820 : i32 to vector<16xi32>
    %add3A_2822 = arith.addi %select_n3A_2819, %add3A_2821 : vector<16xi32>
    %sub3A_2823 = arith.constant 1 : i32
    %sub3A_2824 = vector.broadcast %sub3A_2823 : i32 to vector<16xi32>
    %sub3A_2825 = arith.subi %add3A_2822, %sub3A_2824 : vector<16xi32>
    %min3A_2826 = arith.minsi %sub3A_2825, %max3A_2771 : vector<16xi32>
    %gather3A_2827 = tpu.vector_load_idx %arg8[%min3A_2826] : memref<2064xf32, #tpu.memory_space<vmem>>[vector<16xi32>], vector<16xf32>,
    %le3A_2828 = arith.cmpi sle, %add3A_2822, %parallel_loop3A_2765 : vector<16xi32>
    %le3A_2829 = arith.cmpf ole, %gather3A_2827, %mul3A_2781 : vector<16xf32>
    %and3A_2830 = arith.andi %le3A_2828, %le3A_2829 : vector<16xi1>
    %select_n3A_2831 = arith.select %and3A_2830, %add3A_2822, %select_n3A_2819 : vector<16xi1>, vector<16xi32>
    %add3A_2832 = arith.constant 64 : i32
    %add3A_2833 = vector.broadcast %add3A_2832 : i32 to vector<16xi32>
    %add3A_2834 = arith.addi %select_n3A_2831, %add3A_2833 : vector<16xi32>
    %sub3A_2835 = arith.constant 1 : i32
    %sub3A_2836 = vector.broadcast %sub3A_2835 : i32 to vector<16xi32>
    %sub3A_2837 = arith.subi %add3A_2834, %sub3A_2836 : vector<16xi32>
    %min3A_2838 = arith.minsi %sub3A_2837, %max3A_2771 : vector<16xi32>
    %gather3A_2839 = tpu.vector_load_idx %arg8[%min3A_2838] : memref<2064xf32, #tpu.memory_space<vmem>>[vector<16xi32>], vector<16xf32>,
    %le3A_2840 = arith.cmpi sle, %add3A_2834, %parallel_loop3A_2765 : vector<16xi32>
    %le3A_2841 = arith.cmpf ole, %gather3A_2839, %mul3A_2781 : vector<16xf32>
    %and3A_2842 = arith.andi %le3A_2840, %le3A_2841 : vector<16xi1>
    %select_n3A_2843 = arith.select %and3A_2842, %add3A_2834, %select_n3A_2831 : vector<16xi1>, vector<16xi32>
    %add3A_2844 = arith.constant 32 : i32
    %add3A_2845 = vector.broadcast %add3A_2844 : i32 to vector<16xi32>
    %add3A_2846 = arith.addi %select_n3A_2843, %add3A_2845 : vector<16xi32>
    %sub3A_2847 = arith.constant 1 : i32
    %sub3A_2848 = vector.broadcast %sub3A_2847 : i32 to vector<16xi32>
    %sub3A_2849 = arith.subi %add3A_2846, %sub3A_2848 : vector<16xi32>
    %min3A_2850 = arith.minsi %sub3A_2849, %max3A_2771 : vector<16xi32>
    %gather3A_2851 = tpu.vector_load_idx %arg8[%min3A_2850] : memref<2064xf32, #tpu.memory_space<vmem>>[vector<16xi32>], vector<16xf32>,
    %le3A_2852 = arith.cmpi sle, %add3A_2846, %parallel_loop3A_2765 : vector<16xi32>
    %le3A_2853 = arith.cmpf ole, %gather3A_2851, %mul3A_2781 : vector<16xf32>
    %and3A_2854 = arith.andi %le3A_2852, %le3A_2853 : vector<16xi1>
    %select_n3A_2855 = arith.select %and3A_2854, %add3A_2846, %select_n3A_2843 : vector<16xi1>, vector<16xi32>
    %add3A_2856 = arith.constant 16 : i32
    %add3A_2857 = vector.broadcast %add3A_2856 : i32 to vector<16xi32>
    %add3A_2858 = arith.addi %select_n3A_2855, %add3A_2857 : vector<16xi32>
    %sub3A_2859 = arith.constant 1 : i32
    %sub3A_2860 = vector.broadcast %sub3A_2859 : i32 to vector<16xi32>
    %sub3A_2861 = arith.subi %add3A_2858, %sub3A_2860 : vector<16xi32>
    %min3A_2862 = arith.minsi %sub3A_2861, %max3A_2771 : vector<16xi32>
    %gather3A_2863 = tpu.vector_load_idx %arg8[%min3A_2862] : memref<2064xf32, #tpu.memory_space<vmem>>[vector<16xi32>], vector<16xf32>,
    %le3A_2864 = arith.cmpi sle, %add3A_2858, %parallel_loop3A_2765 : vector<16xi32>
    %le3A_2865 = arith.cmpf ole, %gather3A_2863, %mul3A_2781 : vector<16xf32>
    %and3A_2866 = arith.andi %le3A_2864, %le3A_2865 : vector<16xi1>
    %select_n3A_2867 = arith.select %and3A_2866, %add3A_2858, %select_n3A_2855 : vector<16xi1>, vector<16xi32>
    %add3A_2868 = arith.constant 8 : i32
    %add3A_2869 = vector.broadcast %add3A_2868 : i32 to vector<16xi32>
    %add3A_2870 = arith.addi %select_n3A_2867, %add3A_2869 : vector<16xi32>
    %sub3A_2871 = arith.constant 1 : i32
    %sub3A_2872 = vector.broadcast %sub3A_2871 : i32 to vector<16xi32>
    %sub3A_2873 = arith.subi %add3A_2870, %sub3A_2872 : vector<16xi32>
    %min3A_2874 = arith.minsi %sub3A_2873, %max3A_2771 : vector<16xi32>
    %gather3A_2875 = tpu.vector_load_idx %arg8[%min3A_2874] : memref<2064xf32, #tpu.memory_space<vmem>>[vector<16xi32>], vector<16xf32>,
    %le3A_2876 = arith.cmpi sle, %add3A_2870, %parallel_loop3A_2765 : vector<16xi32>
    %le3A_2877 = arith.cmpf ole, %gather3A_2875, %mul3A_2781 : vector<16xf32>
    %and3A_2878 = arith.andi %le3A_2876, %le3A_2877 : vector<16xi1>
    %select_n3A_2879 = arith.select %and3A_2878, %add3A_2870, %select_n3A_2867 : vector<16xi1>, vector<16xi32>
    %add3A_2880 = arith.constant 4 : i32
    %add3A_2881 = vector.broadcast %add3A_2880 : i32 to vector<16xi32>
    %add3A_2882 = arith.addi %select_n3A_2879, %add3A_2881 : vector<16xi32>
    %sub3A_2883 = arith.constant 1 : i32
    %sub3A_2884 = vector.broadcast %sub3A_2883 : i32 to vector<16xi32>
    %sub3A_2885 = arith.subi %add3A_2882, %sub3A_2884 : vector<16xi32>
    %min3A_2886 = arith.minsi %sub3A_2885, %max3A_2771 : vector<16xi32>
    %gather3A_2887 = tpu.vector_load_idx %arg8[%min3A_2886] : memref<2064xf32, #tpu.memory_space<vmem>>[vector<16xi32>], vector<16xf32>,
    %le3A_2888 = arith.cmpi sle, %add3A_2882, %parallel_loop3A_2765 : vector<16xi32>
    %le3A_2889 = arith.cmpf ole, %gather3A_2887, %mul3A_2781 : vector<16xf32>
    %and3A_2890 = arith.andi %le3A_2888, %le3A_2889 : vector<16xi1>
    %select_n3A_2891 = arith.select %and3A_2890, %add3A_2882, %select_n3A_2879 : vector<16xi1>, vector<16xi32>
    %add3A_2892 = arith.constant 2 : i32
    %add3A_2893 = vector.broadcast %add3A_2892 : i32 to vector<16xi32>
    %add3A_2894 = arith.addi %select_n3A_2891, %add3A_2893 : vector<16xi32>
    %sub3A_2895 = arith.constant 1 : i32
    %sub3A_2896 = vector.broadcast %sub3A_2895 : i32 to vector<16xi32>
    %sub3A_2897 = arith.subi %add3A_2894, %sub3A_2896 : vector<16xi32>
    %min3A_2898 = arith.minsi %sub3A_2897, %max3A_2771 : vector<16xi32>
    %gather3A_2899 = tpu.vector_load_idx %arg8[%min3A_2898] : memref<2064xf32, #tpu.memory_space<vmem>>[vector<16xi32>], vector<16xf32>,
    %le3A_2900 = arith.cmpi sle, %add3A_2894, %parallel_loop3A_2765 : vector<16xi32>
    %le3A_2901 = arith.cmpf ole, %gather3A_2899, %mul3A_2781 : vector<16xf32>
    %and3A_2902 = arith.andi %le3A_2900, %le3A_2901 : vector<16xi1>
    %select_n3A_2903 = arith.select %and3A_2902, %add3A_2894, %select_n3A_2891 : vector<16xi1>, vector<16xi32>
    %add3A_2904 = arith.constant 1 : i32
    %add3A_2905 = vector.broadcast %add3A_2904 : i32 to vector<16xi32>
    %add3A_2906 = arith.addi %select_n3A_2903, %add3A_2905 : vector<16xi32>
    %sub3A_2907 = arith.constant 1 : i32
    %sub3A_2908 = vector.broadcast %sub3A_2907 : i32 to vector<16xi32>
    %sub3A_2909 = arith.subi %add3A_2906, %sub3A_2908 : vector<16xi32>
    %min3A_2910 = arith.minsi %sub3A_2909, %max3A_2771 : vector<16xi32>
    %gather3A_2911 = tpu.vector_load_idx %arg8[%min3A_2910] : memref<2064xf32, #tpu.memory_space<vmem>>[vector<16xi32>], vector<16xf32>,
    %le3A_2912 = arith.cmpi sle, %add3A_2906, %parallel_loop3A_2765 : vector<16xi32>
    %le3A_2913 = arith.cmpf ole, %gather3A_2911, %mul3A_2781 : vector<16xf32>
    %and3A_2914 = arith.andi %le3A_2912, %le3A_2913 : vector<16xi1>
    %select_n3A_2915 = arith.select %and3A_2914, %add3A_2906, %select_n3A_2903 : vector<16xi1>, vector<16xi32>
    %sub3A_2916 = arith.constant 1 : i32
    %sub3A_2917 = vector.broadcast %sub3A_2916 : i32 to vector<16xi32>
    %sub3A_2918 = arith.subi %select_n3A_2915, %sub3A_2917 : vector<16xi32>
    %jit3A_2919 = arith.constant 0 : i32
    %max3A_2920 = vector.broadcast %jit3A_2919 : i32 to vector<16xi32>
    %max3A_2921 = arith.maxsi %max3A_2920, %sub3A_2918 : vector<16xi32>
    %min3A_2922 = arith.minsi %max3A_2779, %max3A_2921 : vector<16xi32>
    %add3A_2923 = arith.constant 1 : i32
    %add3A_2924 = vector.broadcast %add3A_2923 : i32 to vector<16xi32>
    %add3A_2925 = arith.addi %min3A_2922, %add3A_2924 : vector<16xi32>
    %gather3A_2926 = tpu.vector_load_idx %arg8[%min3A_2922] : memref<2064xf32, #tpu.memory_space<vmem>>[vector<16xi32>], vector<16xf32>,
    %gather3A_2927 = tpu.vector_load_idx %arg8[%add3A_2925] : memref<2064xf32, #tpu.memory_space<vmem>>[vector<16xi32>], vector<16xf32>,
    %gather3A_2928 = tpu.vector_load_idx %arg9[%min3A_2922] : memref<2064xf32, #tpu.memory_space<vmem>>[vector<16xi32>], vector<16xf32>,
    %gather3A_2929 = tpu.vector_load_idx %arg9[%add3A_2925] : memref<2064xf32, #tpu.memory_space<vmem>>[vector<16xi32>], vector<16xf32>,
    %sub3A_2930 = arith.subf %mul3A_2781, %gather3A_2926 : vector<16xf32>
    %sub3A_2931 = arith.subf %gather3A_2927, %gather3A_2926 : vector<16xf32>
    %div3A_2932 = arith.divf %sub3A_2930, %sub3A_2931 : vector<16xf32>
    %sub3A_2933 = arith.subf %gather3A_2929, %gather3A_2928 : vector<16xf32>
    %mul3A_2934 = arith.mulf %div3A_2932, %sub3A_2933 : vector<16xf32>
    %add3A_2935 = arith.addf %gather3A_2928, %mul3A_2934 : vector<16xf32>
    %lt3A_2936 = arith.cmpf olt, %mul3A_2781, %gather3A_2926 : vector<16xf32>
    %select_n3A_2937 = arith.select %lt3A_2936, %gather3A_2928, %add3A_2935 : vector<16xi1>, vector<16xf32>
    %gt3A_2938 = arith.cmpf ogt, %mul3A_2781, %gather3A_2772 : vector<16xf32>
    %select_n3A_2939 = arith.select %gt3A_2938, %gather3A_2773, %select_n3A_2937 : vector<16xi1>, vector<16xf32>
    %eq3A_2940 = arith.constant 1 : i32
    %eq3A_2941 = vector.broadcast %eq3A_2940 : i32 to vector<16xi32>
    %eq3A_2942 = arith.cmpi eq, %parallel_loop3A_2765, %eq3A_2941 : vector<16xi32>
    %select_n3A_2943 = arith.select %eq3A_2942, %gather3A_2773, %select_n3A_2939 : vector<16xi1>, vector<16xf32>
    %eq3A_2944 = arith.constant 0 : i32
    %eq3A_2945 = vector.broadcast %eq3A_2944 : i32 to vector<16xi32>
    %eq3A_2946 = arith.cmpi eq, %parallel_loop3A_2765, %eq3A_2945 : vector<16xi32>
    %broadcast_in_dim3A_2947 = arith.constant 0.000000e+00 : f32
    %broadcast_in_dim3A_2948 = vector.broadcast %broadcast_in_dim3A_2947 : f32 to vector<16xf32>
    %select_n3A_2949 = arith.select %eq3A_2946, %broadcast_in_dim3A_2948, %select_n3A_2943 : vector<16xi1>, vector<16xf32>
    %swap3A_2950 = arith.constant 224 : index
    %swap3A_2951 = tpu.vector_load %arg11[%swap3A_2950] {strides = array<i32>} : memref<256xf32, #tpu.memory_space<vmem>>, vector<16xf32>,
    tpu.vector_store %arg11[%swap3A_2950], %select_n3A_2949 {strides = array<i32>} : memref<256xf32, #tpu.memory_space<vmem>>, vector<16xf32>,
    %add3A_2952 = arith.addf %add3A_56, %get3A_44 : vector<16xf32>
    %mul3A_2953 = arith.mulf %add3A_2952, %gather3A_2772 : vector<16xf32>
    %broadcast_in_dim3A_2954 = arith.constant 0 : i32
    %broadcast_in_dim3A_2955 = vector.broadcast %broadcast_in_dim3A_2954 : i32 to vector<16xi32>
    %add3A_2956 = arith.constant 1024 : i32
    %add3A_2957 = vector.broadcast %add3A_2956 : i32 to vector<16xi32>
    %add3A_2958 = arith.addi %broadcast_in_dim3A_2955, %add3A_2957 : vector<16xi32>
    %sub3A_2959 = arith.constant 1 : i32
    %sub3A_2960 = vector.broadcast %sub3A_2959 : i32 to vector<16xi32>
    %sub3A_2961 = arith.subi %add3A_2958, %sub3A_2960 : vector<16xi32>
    %min3A_2962 = arith.minsi %sub3A_2961, %max3A_2771 : vector<16xi32>
    %gather3A_2963 = tpu.vector_load_idx %arg8[%min3A_2962] : memref<2064xf32, #tpu.memory_space<vmem>>[vector<16xi32>], vector<16xf32>,
    %le3A_2964 = arith.cmpi sle, %add3A_2958, %parallel_loop3A_2765 : vector<16xi32>
    %le3A_2965 = arith.cmpf ole, %gather3A_2963, %mul3A_2953 : vector<16xf32>
    %and3A_2966 = arith.andi %le3A_2964, %le3A_2965 : vector<16xi1>
    %select_n3A_2967 = arith.select %and3A_2966, %add3A_2958, %broadcast_in_dim3A_2955 : vector<16xi1>, vector<16xi32>
    %add3A_2968 = arith.constant 512 : i32
    %add3A_2969 = vector.broadcast %add3A_2968 : i32 to vector<16xi32>
    %add3A_2970 = arith.addi %select_n3A_2967, %add3A_2969 : vector<16xi32>
    %sub3A_2971 = arith.constant 1 : i32
    %sub3A_2972 = vector.broadcast %sub3A_2971 : i32 to vector<16xi32>
    %sub3A_2973 = arith.subi %add3A_2970, %sub3A_2972 : vector<16xi32>
    %min3A_2974 = arith.minsi %sub3A_2973, %max3A_2771 : vector<16xi32>
    %gather3A_2975 = tpu.vector_load_idx %arg8[%min3A_2974] : memref<2064xf32, #tpu.memory_space<vmem>>[vector<16xi32>], vector<16xf32>,
    %le3A_2976 = arith.cmpi sle, %add3A_2970, %parallel_loop3A_2765 : vector<16xi32>
    %le3A_2977 = arith.cmpf ole, %gather3A_2975, %mul3A_2953 : vector<16xf32>
    %and3A_2978 = arith.andi %le3A_2976, %le3A_2977 : vector<16xi1>
    %select_n3A_2979 = arith.select %and3A_2978, %add3A_2970, %select_n3A_2967 : vector<16xi1>, vector<16xi32>
    %add3A_2980 = arith.constant 256 : i32
    %add3A_2981 = vector.broadcast %add3A_2980 : i32 to vector<16xi32>
    %add3A_2982 = arith.addi %select_n3A_2979, %add3A_2981 : vector<16xi32>
    %sub3A_2983 = arith.constant 1 : i32
    %sub3A_2984 = vector.broadcast %sub3A_2983 : i32 to vector<16xi32>
    %sub3A_2985 = arith.subi %add3A_2982, %sub3A_2984 : vector<16xi32>
    %min3A_2986 = arith.minsi %sub3A_2985, %max3A_2771 : vector<16xi32>
    %gather3A_2987 = tpu.vector_load_idx %arg8[%min3A_2986] : memref<2064xf32, #tpu.memory_space<vmem>>[vector<16xi32>], vector<16xf32>,
    %le3A_2988 = arith.cmpi sle, %add3A_2982, %parallel_loop3A_2765 : vector<16xi32>
    %le3A_2989 = arith.cmpf ole, %gather3A_2987, %mul3A_2953 : vector<16xf32>
    %and3A_2990 = arith.andi %le3A_2988, %le3A_2989 : vector<16xi1>
    %select_n3A_2991 = arith.select %and3A_2990, %add3A_2982, %select_n3A_2979 : vector<16xi1>, vector<16xi32>
    %add3A_2992 = arith.constant 128 : i32
    %add3A_2993 = vector.broadcast %add3A_2992 : i32 to vector<16xi32>
    %add3A_2994 = arith.addi %select_n3A_2991, %add3A_2993 : vector<16xi32>
    %sub3A_2995 = arith.constant 1 : i32
    %sub3A_2996 = vector.broadcast %sub3A_2995 : i32 to vector<16xi32>
    %sub3A_2997 = arith.subi %add3A_2994, %sub3A_2996 : vector<16xi32>
    %min3A_2998 = arith.minsi %sub3A_2997, %max3A_2771 : vector<16xi32>
    %gather3A_2999 = tpu.vector_load_idx %arg8[%min3A_2998] : memref<2064xf32, #tpu.memory_space<vmem>>[vector<16xi32>], vector<16xf32>,
    %le3A_3000 = arith.cmpi sle, %add3A_2994, %parallel_loop3A_2765 : vector<16xi32>
    %le3A_3001 = arith.cmpf ole, %gather3A_2999, %mul3A_2953 : vector<16xf32>
    %and3A_3002 = arith.andi %le3A_3000, %le3A_3001 : vector<16xi1>
    %select_n3A_3003 = arith.select %and3A_3002, %add3A_2994, %select_n3A_2991 : vector<16xi1>, vector<16xi32>
    %add3A_3004 = arith.constant 64 : i32
    %add3A_3005 = vector.broadcast %add3A_3004 : i32 to vector<16xi32>
    %add3A_3006 = arith.addi %select_n3A_3003, %add3A_3005 : vector<16xi32>
    %sub3A_3007 = arith.constant 1 : i32
    %sub3A_3008 = vector.broadcast %sub3A_3007 : i32 to vector<16xi32>
    %sub3A_3009 = arith.subi %add3A_3006, %sub3A_3008 : vector<16xi32>
    %min3A_3010 = arith.minsi %sub3A_3009, %max3A_2771 : vector<16xi32>
    %gather3A_3011 = tpu.vector_load_idx %arg8[%min3A_3010] : memref<2064xf32, #tpu.memory_space<vmem>>[vector<16xi32>], vector<16xf32>,
    %le3A_3012 = arith.cmpi sle, %add3A_3006, %parallel_loop3A_2765 : vector<16xi32>
    %le3A_3013 = arith.cmpf ole, %gather3A_3011, %mul3A_2953 : vector<16xf32>
    %and3A_3014 = arith.andi %le3A_3012, %le3A_3013 : vector<16xi1>
    %select_n3A_3015 = arith.select %and3A_3014, %add3A_3006, %select_n3A_3003 : vector<16xi1>, vector<16xi32>
    %add3A_3016 = arith.constant 32 : i32
    %add3A_3017 = vector.broadcast %add3A_3016 : i32 to vector<16xi32>
    %add3A_3018 = arith.addi %select_n3A_3015, %add3A_3017 : vector<16xi32>
    %sub3A_3019 = arith.constant 1 : i32
    %sub3A_3020 = vector.broadcast %sub3A_3019 : i32 to vector<16xi32>
    %sub3A_3021 = arith.subi %add3A_3018, %sub3A_3020 : vector<16xi32>
    %min3A_3022 = arith.minsi %sub3A_3021, %max3A_2771 : vector<16xi32>
    %gather3A_3023 = tpu.vector_load_idx %arg8[%min3A_3022] : memref<2064xf32, #tpu.memory_space<vmem>>[vector<16xi32>], vector<16xf32>,
    %le3A_3024 = arith.cmpi sle, %add3A_3018, %parallel_loop3A_2765 : vector<16xi32>
    %le3A_3025 = arith.cmpf ole, %gather3A_3023, %mul3A_2953 : vector<16xf32>
    %and3A_3026 = arith.andi %le3A_3024, %le3A_3025 : vector<16xi1>
    %select_n3A_3027 = arith.select %and3A_3026, %add3A_3018, %select_n3A_3015 : vector<16xi1>, vector<16xi32>
    %add3A_3028 = arith.constant 16 : i32
    %add3A_3029 = vector.broadcast %add3A_3028 : i32 to vector<16xi32>
    %add3A_3030 = arith.addi %select_n3A_3027, %add3A_3029 : vector<16xi32>
    %sub3A_3031 = arith.constant 1 : i32
    %sub3A_3032 = vector.broadcast %sub3A_3031 : i32 to vector<16xi32>
    %sub3A_3033 = arith.subi %add3A_3030, %sub3A_3032 : vector<16xi32>
    %min3A_3034 = arith.minsi %sub3A_3033, %max3A_2771 : vector<16xi32>
    %gather3A_3035 = tpu.vector_load_idx %arg8[%min3A_3034] : memref<2064xf32, #tpu.memory_space<vmem>>[vector<16xi32>], vector<16xf32>,
    %le3A_3036 = arith.cmpi sle, %add3A_3030, %parallel_loop3A_2765 : vector<16xi32>
    %le3A_3037 = arith.cmpf ole, %gather3A_3035, %mul3A_2953 : vector<16xf32>
    %and3A_3038 = arith.andi %le3A_3036, %le3A_3037 : vector<16xi1>
    %select_n3A_3039 = arith.select %and3A_3038, %add3A_3030, %select_n3A_3027 : vector<16xi1>, vector<16xi32>
    %add3A_3040 = arith.constant 8 : i32
    %add3A_3041 = vector.broadcast %add3A_3040 : i32 to vector<16xi32>
    %add3A_3042 = arith.addi %select_n3A_3039, %add3A_3041 : vector<16xi32>
    %sub3A_3043 = arith.constant 1 : i32
    %sub3A_3044 = vector.broadcast %sub3A_3043 : i32 to vector<16xi32>
    %sub3A_3045 = arith.subi %add3A_3042, %sub3A_3044 : vector<16xi32>
    %min3A_3046 = arith.minsi %sub3A_3045, %max3A_2771 : vector<16xi32>
    %gather3A_3047 = tpu.vector_load_idx %arg8[%min3A_3046] : memref<2064xf32, #tpu.memory_space<vmem>>[vector<16xi32>], vector<16xf32>,
    %le3A_3048 = arith.cmpi sle, %add3A_3042, %parallel_loop3A_2765 : vector<16xi32>
    %le3A_3049 = arith.cmpf ole, %gather3A_3047, %mul3A_2953 : vector<16xf32>
    %and3A_3050 = arith.andi %le3A_3048, %le3A_3049 : vector<16xi1>
    %select_n3A_3051 = arith.select %and3A_3050, %add3A_3042, %select_n3A_3039 : vector<16xi1>, vector<16xi32>
    %add3A_3052 = arith.constant 4 : i32
    %add3A_3053 = vector.broadcast %add3A_3052 : i32 to vector<16xi32>
    %add3A_3054 = arith.addi %select_n3A_3051, %add3A_3053 : vector<16xi32>
    %sub3A_3055 = arith.constant 1 : i32
    %sub3A_3056 = vector.broadcast %sub3A_3055 : i32 to vector<16xi32>
    %sub3A_3057 = arith.subi %add3A_3054, %sub3A_3056 : vector<16xi32>
    %min3A_3058 = arith.minsi %sub3A_3057, %max3A_2771 : vector<16xi32>
    %gather3A_3059 = tpu.vector_load_idx %arg8[%min3A_3058] : memref<2064xf32, #tpu.memory_space<vmem>>[vector<16xi32>], vector<16xf32>,
    %le3A_3060 = arith.cmpi sle, %add3A_3054, %parallel_loop3A_2765 : vector<16xi32>
    %le3A_3061 = arith.cmpf ole, %gather3A_3059, %mul3A_2953 : vector<16xf32>
    %and3A_3062 = arith.andi %le3A_3060, %le3A_3061 : vector<16xi1>
    %select_n3A_3063 = arith.select %and3A_3062, %add3A_3054, %select_n3A_3051 : vector<16xi1>, vector<16xi32>
    %add3A_3064 = arith.constant 2 : i32
    %add3A_3065 = vector.broadcast %add3A_3064 : i32 to vector<16xi32>
    %add3A_3066 = arith.addi %select_n3A_3063, %add3A_3065 : vector<16xi32>
    %sub3A_3067 = arith.constant 1 : i32
    %sub3A_3068 = vector.broadcast %sub3A_3067 : i32 to vector<16xi32>
    %sub3A_3069 = arith.subi %add3A_3066, %sub3A_3068 : vector<16xi32>
    %min3A_3070 = arith.minsi %sub3A_3069, %max3A_2771 : vector<16xi32>
    %gather3A_3071 = tpu.vector_load_idx %arg8[%min3A_3070] : memref<2064xf32, #tpu.memory_space<vmem>>[vector<16xi32>], vector<16xf32>,
    %le3A_3072 = arith.cmpi sle, %add3A_3066, %parallel_loop3A_2765 : vector<16xi32>
    %le3A_3073 = arith.cmpf ole, %gather3A_3071, %mul3A_2953 : vector<16xf32>
    %and3A_3074 = arith.andi %le3A_3072, %le3A_3073 : vector<16xi1>
    %select_n3A_3075 = arith.select %and3A_3074, %add3A_3066, %select_n3A_3063 : vector<16xi1>, vector<16xi32>
    %add3A_3076 = arith.constant 1 : i32
    %add3A_3077 = vector.broadcast %add3A_3076 : i32 to vector<16xi32>
    %add3A_3078 = arith.addi %select_n3A_3075, %add3A_3077 : vector<16xi32>
    %sub3A_3079 = arith.constant 1 : i32
    %sub3A_3080 = vector.broadcast %sub3A_3079 : i32 to vector<16xi32>
    %sub3A_3081 = arith.subi %add3A_3078, %sub3A_3080 : vector<16xi32>
    %min3A_3082 = arith.minsi %sub3A_3081, %max3A_2771 : vector<16xi32>
    %gather3A_3083 = tpu.vector_load_idx %arg8[%min3A_3082] : memref<2064xf32, #tpu.memory_space<vmem>>[vector<16xi32>], vector<16xf32>,
    %le3A_3084 = arith.cmpi sle, %add3A_3078, %parallel_loop3A_2765 : vector<16xi32>
    %le3A_3085 = arith.cmpf ole, %gather3A_3083, %mul3A_2953 : vector<16xf32>
    %and3A_3086 = arith.andi %le3A_3084, %le3A_3085 : vector<16xi1>
    %select_n3A_3087 = arith.select %and3A_3086, %add3A_3078, %select_n3A_3075 : vector<16xi1>, vector<16xi32>
    %sub3A_3088 = arith.constant 1 : i32
    %sub3A_3089 = vector.broadcast %sub3A_3088 : i32 to vector<16xi32>
    %sub3A_3090 = arith.subi %select_n3A_3087, %sub3A_3089 : vector<16xi32>
    %jit3A_3091 = arith.constant 0 : i32
    %max3A_3092 = vector.broadcast %jit3A_3091 : i32 to vector<16xi32>
    %max3A_3093 = arith.maxsi %max3A_3092, %sub3A_3090 : vector<16xi32>
    %min3A_3094 = arith.minsi %max3A_2779, %max3A_3093 : vector<16xi32>
    %add3A_3095 = arith.constant 1 : i32
    %add3A_3096 = vector.broadcast %add3A_3095 : i32 to vector<16xi32>
    %add3A_3097 = arith.addi %min3A_3094, %add3A_3096 : vector<16xi32>
    %gather3A_3098 = tpu.vector_load_idx %arg8[%min3A_3094] : memref<2064xf32, #tpu.memory_space<vmem>>[vector<16xi32>], vector<16xf32>,
    %gather3A_3099 = tpu.vector_load_idx %arg8[%add3A_3097] : memref<2064xf32, #tpu.memory_space<vmem>>[vector<16xi32>], vector<16xf32>,
    %gather3A_3100 = tpu.vector_load_idx %arg9[%min3A_3094] : memref<2064xf32, #tpu.memory_space<vmem>>[vector<16xi32>], vector<16xf32>,
    %gather3A_3101 = tpu.vector_load_idx %arg9[%add3A_3097] : memref<2064xf32, #tpu.memory_space<vmem>>[vector<16xi32>], vector<16xf32>,
    %sub3A_3102 = arith.subf %mul3A_2953, %gather3A_3098 : vector<16xf32>
    %sub3A_3103 = arith.subf %gather3A_3099, %gather3A_3098 : vector<16xf32>
    %div3A_3104 = arith.divf %sub3A_3102, %sub3A_3103 : vector<16xf32>
    %sub3A_3105 = arith.subf %gather3A_3101, %gather3A_3100 : vector<16xf32>
    %mul3A_3106 = arith.mulf %div3A_3104, %sub3A_3105 : vector<16xf32>
    %add3A_3107 = arith.addf %gather3A_3100, %mul3A_3106 : vector<16xf32>
    %lt3A_3108 = arith.cmpf olt, %mul3A_2953, %gather3A_3098 : vector<16xf32>
    %select_n3A_3109 = arith.select %lt3A_3108, %gather3A_3100, %add3A_3107 : vector<16xi1>, vector<16xf32>
    %gt3A_3110 = arith.cmpf ogt, %mul3A_2953, %gather3A_2772 : vector<16xf32>
    %select_n3A_3111 = arith.select %gt3A_3110, %gather3A_2773, %select_n3A_3109 : vector<16xi1>, vector<16xf32>
    %eq3A_3112 = arith.constant 1 : i32
    %eq3A_3113 = vector.broadcast %eq3A_3112 : i32 to vector<16xi32>
    %eq3A_3114 = arith.cmpi eq, %parallel_loop3A_2765, %eq3A_3113 : vector<16xi32>
    %select_n3A_3115 = arith.select %eq3A_3114, %gather3A_2773, %select_n3A_3111 : vector<16xi1>, vector<16xf32>
    %eq3A_3116 = arith.constant 0 : i32
    %eq3A_3117 = vector.broadcast %eq3A_3116 : i32 to vector<16xi32>
    %eq3A_3118 = arith.cmpi eq, %parallel_loop3A_2765, %eq3A_3117 : vector<16xi32>
    %broadcast_in_dim3A_3119 = arith.constant 0.000000e+00 : f32
    %broadcast_in_dim3A_3120 = vector.broadcast %broadcast_in_dim3A_3119 : f32 to vector<16xf32>
    %select_n3A_3121 = arith.select %eq3A_3118, %broadcast_in_dim3A_3120, %select_n3A_3115 : vector<16xi1>, vector<16xf32>
    %swap3A_3122 = arith.constant 240 : index
    %swap3A_3123 = tpu.vector_load %arg11[%swap3A_3122] {strides = array<i32>} : memref<256xf32, #tpu.memory_space<vmem>>, vector<16xf32>,
    tpu.vector_store %arg11[%swap3A_3122], %select_n3A_3121 {strides = array<i32>} : memref<256xf32, #tpu.memory_space<vmem>>, vector<16xf32>,
    %mul3A_3124 = arith.constant 32 : i32
    %mul3A_3125 = arith.muli %mul3A_32, %mul3A_3124 : i32
    "tpu.region"() ({
      %run_scoped3A = tpu.sem_alloc : memref<!tpu.dma_semaphore, #tpu.memory_space<semaphore_mem>>
      %dma_start3A_3126 = tpu.memref_slice %arg5[%select_n3A, %mul3A_3125] : memref<8x1024xf32, #tpu.memory_space<hbm>> -> memref<1x256xf32, #tpu.memory_space<hbm>>
      %dma_start3A_3127 = tpu.memref_squeeze %dma_start3A_3126 : memref<1x256xf32, #tpu.memory_space<hbm>> -> memref<256xf32, #tpu.memory_space<hbm>>
      %dma_start3A_3128 = tpu.memref_slice %arg5[%select_n3A, %mul3A_3125] : memref<8x1024xf32, #tpu.memory_space<hbm>> -> memref<1x256xf32, #tpu.memory_space<hbm>>
      %dma_start3A_3129 = tpu.memref_squeeze %dma_start3A_3128 : memref<1x256xf32, #tpu.memory_space<hbm>> -> memref<256xf32, #tpu.memory_space<hbm>>
      tpu.enqueue_dma source(%arg11 : memref<256xf32, #tpu.memory_space<vmem>>) target(%dma_start3A_3129 : memref<256xf32, #tpu.memory_space<hbm>>) target_semaphore(%run_scoped3A : memref<!tpu.dma_semaphore, #tpu.memory_space<semaphore_mem>>)
      %dma_wait3A_3130 = tpu.memref_slice %arg5[%select_n3A, %mul3A_3125] : memref<8x1024xf32, #tpu.memory_space<hbm>> -> memref<1x256xf32, #tpu.memory_space<hbm>>
      %dma_wait3A_3131 = tpu.memref_squeeze %dma_wait3A_3130 : memref<1x256xf32, #tpu.memory_space<hbm>> -> memref<256xf32, #tpu.memory_space<hbm>>
      %dma_wait3A_3132 = tpu.memref_slice %arg5[%select_n3A, %mul3A_3125] : memref<8x1024xf32, #tpu.memory_space<hbm>> -> memref<1x256xf32, #tpu.memory_space<hbm>>
      %dma_wait3A_3133 = tpu.memref_squeeze %dma_wait3A_3132 : memref<1x256xf32, #tpu.memory_space<hbm>> -> memref<256xf32, #tpu.memory_space<hbm>>
      tpu.wait_dma2 semaphore(%run_scoped3A : memref<!tpu.dma_semaphore, #tpu.memory_space<semaphore_mem>>) src(%arg11 : memref<256xf32, #tpu.memory_space<vmem>>) dst(%dma_wait3A_3133 : memref<256xf32, #tpu.memory_space<hbm>>)
      tpu.yield
    }) : () -> ()
    return
  }
}

module attributes {stable_mosaic.version = 14 : i64} {
  func.func @fc_body(%arg0: memref<8x1024xf32, #tpu.memory_space<vmem>>, %arg1: memref<8x1xf32, #tpu.memory_space<vmem>>, %arg2: memref<1024x256xf32, #tpu.memory_space<vmem>>, %arg3: memref<1x256xf32, #tpu.memory_space<vmem>>, %arg4: memref<1x256xf32, #tpu.memory_space<vmem>>, %arg5: memref<8x256xf32, #tpu.memory_space<vmem>>) attributes {dimension_semantics = [], scalar_prefetch = 0 : i64, scratch_operands = 0 : i64, tpu.core_type = #tpu.core_type<tc>} {
    %get3A = arith.constant 0 : index
    %get3A_0 = arith.constant 0 : index
    %get3A_1 = vector.load %arg0[%get3A, %get3A_0] : memref<8x1024xf32, #tpu.memory_space<vmem>>, vector<8x1024xf32>
    %get3A_2 = arith.constant 0 : index
    %get3A_3 = arith.constant 0 : index
    %get3A_4 = vector.load %arg2[%get3A_2, %get3A_3] : memref<1024x256xf32, #tpu.memory_space<vmem>>, vector<1024x256xf32>
    %dot_general3A = arith.constant dense<0.000000e+00> : vector<8x256xf32>
    %dot_general3A_5 = tpu.matmul %get3A_1, %get3A_4, %dot_general3A {dimension_numbers = #tpu.dot_dimension_numbers<[1], [0], [0], [1], [0, 0, 1, 1], [], []>, transpose_lhs_hint = false} : vector<8x1024xf32>, vector<1024x256xf32>, vector<8x256xf32> -> vector<8x256xf32>
    %get3A_6 = arith.constant 0 : index
    %get3A_7 = arith.constant 0 : index
    %get3A_8 = vector.load %arg1[%get3A_6, %get3A_7] : memref<8x1xf32, #tpu.memory_space<vmem>>, vector<8x1xf32>
    %get3A_9 = arith.constant 0 : index
    %get3A_10 = arith.constant 0 : index
    %get3A_11 = vector.load %arg3[%get3A_9, %get3A_10] : memref<1x256xf32, #tpu.memory_space<vmem>>, vector<1x256xf32>
    %mul3A = vector.broadcast %get3A_8 : vector<8x1xf32> to vector<8x256xf32>
    %mul3A_12 = vector.broadcast %get3A_11 : vector<1x256xf32> to vector<8x256xf32>
    %mul3A_13 = arith.mulf %mul3A, %mul3A_12 : vector<8x256xf32>
    %add3A = arith.addf %dot_general3A_5, %mul3A_13 : vector<8x256xf32>
    %get3A_14 = arith.constant 0 : index
    %get3A_15 = arith.constant 0 : index
    %get3A_16 = vector.load %arg4[%get3A_14, %get3A_15] : memref<1x256xf32, #tpu.memory_space<vmem>>, vector<1x256xf32>
    %add3A_17 = vector.broadcast %get3A_16 : vector<1x256xf32> to vector<8x256xf32>
    %add3A_18 = arith.addf %add3A, %add3A_17 : vector<8x256xf32>
    %swap3A = arith.constant 0 : index
    %swap3A_19 = arith.constant 0 : index
    %swap3A_20 = vector.load %arg5[%swap3A, %swap3A_19] : memref<8x256xf32, #tpu.memory_space<vmem>>, vector<8x256xf32>
    tpu.vector_store %arg5[%swap3A, %swap3A_19], %add3A_18 {strides = array<i32>} : memref<8x256xf32, #tpu.memory_space<vmem>>, vector<8x256xf32>,
    return
  }
}

</mosaic_0001>

<sc_bundles>
// kernel: kernel.4.cloned.1.call-start
scs
__scs_entry_jumppad:
0x0: {  	(pc) =	sbr.rel $0x88, $3  }
0x1: {  	(tag) =	ssettag $0x0;
	lr =	simm.s32 $0x1  }
0x2: {  	[smem:$0x3F9B] =	sst lr;
	_ =	strace $0xD0000000  }
0x3: {  	_ = 	snop  }
0x4: {  	_ = 	snop  }
0x5: {  	_ = 	snop  }
0x6: {  	_ = 	snop  }
0x7: {  	_ = 	snop  }
__scs_overlays_trampoline_lowered:
0x8: {  	[smem:$0x3FAA] =	sst s0  }
0x9: {  	[smem:$0x3FAB] =	sst s1  }
0xa: {  	[smem:$0x3FAC] =	sst s2  }
0xb: {  	[smem:$0x3FAD] =	sst s3  }
0xc: {  	[smem:$0x3FAE] =	sst s4  }
0xd: {  	[smem:$0x3FAF] =	sst s5  }
0xe: {  	[smem:$0x3FB0] =	sst s6  }
0xf: {  	[smem:$0x3FB1] =	sst s7  }
0x10: {  	[smem:$0x3FB2] =	sst s8  }
0x11: {  	[smem:$0x3FB3] =	sst s9;
	s0 =	simm.s32 @!p0 $0x0  }
0x12: {  	s1 =	sld [smem:$0x3F99];
	s0 =	simm.s32 @p0 $0x1  }
0x13: {  	[smem:$0x3FB4] =	sst s0;
	s0 =	simm.s32 @!p1 $0x0  }
0x14: {  	s2 =	sld [smem:$0x3F98];
	s0 =	simm.s32 @p1 $0x1  }
0x15: {  	[smem:$0x3FB5] =	sst s0;
	s0 =	simm.s32 @!p2 $0x0  }
0x16: {  	s3 =	sld [smem:$0x3FDB];
	s0 =	simm.s32 @p2 $0x1  }
0x17: {  	s4 =	simm.s32 $0x1BF5;
	[smem:$0x3FB7] =	sst s0  }
0x18: {  	s0 =	sld [smem:$0x3F9A];
	_ =	swait.ge [sflag:s4], $0x0  }
0x19: {  	s7 =	sld [smem:$0x3F9B]  }
0x1a: {  	s8 =	sadd.s32 $0xFFFFE003, lr  }
0x1b: {  	s9 =	sadd.s32 $0xFFFFFEF7, lr;
	s5 =	simm.s32 $0xFFFFFFFF;
	p2 =	slt.u32 s8, $0xFFFFF086  }
0x1c: {  	p1 =	slt.u32 s9, $0xF7A;
	s5 =	simm.s32 @!p2 $0x0  }
0x1d: {  	s5 =	simm.s32 @p1 $0x1;
	p0 =	seq.s32 s7, s2  }
0x1e: {  	s7 =	smul.u32 @!p0 $0xF7A, s2;
	p2 =	seq.s32 @!p0 s5, $0x0  }
0x1f: {  	s9 =	smul.u32 $0xF7A, s1;
	s8 =	simm.s32 @!p0 $0x1BF5;
	p2 =	por !p2, p0  }
0x20: {  	[sflag:s8] =	ssyncset.s32 @!p0 $0xFFFFF086;
	s6 =	sadd.s32 @!p0 s3, s7;
	s7 =	simm.s32 @!p0 $0x108  }
0x21: {  	s3 =	sadd.s32 s3, s9;
	s6 =	sadd.s32 @!p0 $0x88, s6;
	s7 =	simm.s32 @p2 $0x1082  }
0x22: {  	[simem:s7], [sflag:s8] =	dma.local @!p0 [hbm:s6], $0xF7A  }
0x23: {  	s9 =	sor.u32 $0xD0000000, s2;
	s6 =	simm.s32 $0x108;
	_ =	swait.ge @!p0 [sflag:s8], $0x0  }
0x24: {  	s3 =	sadd.s32 $0x88, s3;
	s6 =	simm.s32 @!p1 $0x1082;
	[sflag:s4] =	ssyncset.s32 $0xFFFFF086  }
0x25: {  	[simem:s6], [sflag:s4] =	dma.local [hbm:s3], $0xF7A  }
0x26: {  	[smem:$0x3F9B] =	sst s1;
	(tag) =	ssettag s2;
	_ =	strace s9  }
0x27: {  	s1 =	sld [smem:$0x3FAB]  }
0x28: {  	s2 =	sld [smem:$0x3FAC]  }
0x29: {  	s4 =	sld [smem:$0x3FAE]  }
0x2a: {  	p0 =	seq.s32 s5, $0x0;
	s5 =	sld [smem:$0x3FAF]  }
0x2b: {  	s6 =	sld [smem:$0x3FB0]  }
0x2c: {  	s7 =	sld [smem:$0x3FB1]  }
0x2d: {  	s3 =	simm.s32 $0x108;
	s8 =	sld [smem:$0x3FB2]  }
0x2e: {  	s3 =	simm.s32 @!p0 $0x1082;
	s9 =	sld [smem:$0x3FB3]  }
0x2f: {  	lr =	sadd.s32 s0, s3;
	s0 =	sld [smem:$0x3FAA]  }
0x30: {  	s3 =	sld [smem:$0x3FAD]  }
0x31: {  	[smem:$0x3FB6] =	sst s10  }
0x32: {  	s10 =	sld [smem:$0x3FB4];
	_ =	sdelay $0x3  }
0x33: {  	p0 =	seq.s32 s10, $0x1;
	s10 =	sld [smem:$0x3FB6];
	_ =	sdelay $0x3  }
0x34: {  	[smem:$0x3FB6] =	sst s10  }
0x35: {  	s10 =	sld [smem:$0x3FB5];
	_ =	sdelay $0x3  }
0x36: {  	p1 =	seq.s32 s10, $0x1;
	s10 =	sld [smem:$0x3FB6];
	_ =	sdelay $0x3  }
0x37: {  	[smem:$0x3FB6] =	sst s10  }
0x38: {  	s10 =	sld [smem:$0x3FB7]  }
0x39: {  	_ = 	snop;
	(pc) =	sbr.ind lr, $3  }
0x3a: {  	_ = 	snop  }
0x3b: {  	_ = 	snop  }
0x3c: {  	p2 =	seq.s32 s10, $0x1;
	s10 =	sld [smem:$0x3FB6]  }
0x3d: {  	_ =	shalt  }
0x3e: {  	_ =	shalt  }
0x3f: {  	_ =	shalt  }
0x40: {  	_ =	shalt  }
0x41: {  	_ =	shalt  }
0x42: {  	_ =	shalt  }
0x43: {  	_ =	shalt  }
0x44: {  	_ =	shalt  }
0x45: {  	_ =	shalt  }
0x46: {  	_ =	shalt  }
0x47: {  	_ =	shalt  }
0x48: {  	_ =	shalt  }
0x49: {  	_ =	shalt  }
0x4a: {  	_ =	shalt  }
0x4b: {  	_ =	shalt  }
0x4c: {  	_ =	shalt  }
0x4d: {  	_ =	shalt  }
0x4e: {  	_ =	shalt  }
0x4f: {  	_ =	shalt  }
0x50: {  	_ =	shalt  }
0x51: {  	_ =	shalt  }
0x52: {  	_ =	shalt  }
0x53: {  	_ =	shalt  }
0x54: {  	_ =	shalt  }
0x55: {  	_ =	shalt  }
0x56: {  	_ =	shalt  }
0x57: {  	_ =	shalt  }
0x58: {  	_ =	shalt  }
0x59: {  	_ =	shalt  }
0x5a: {  	_ =	shalt  }
0x5b: {  	_ =	shalt  }
0x5c: {  	_ =	shalt  }
0x5d: {  	_ =	shalt  }
0x5e: {  	_ =	shalt  }
0x5f: {  	_ =	shalt  }
0x60: {  	_ =	shalt  }
0x61: {  	_ =	shalt  }
0x62: {  	_ =	shalt  }
0x63: {  	_ =	shalt  }
0x64: {  	_ =	shalt  }
0x65: {  	_ =	shalt  }
0x66: {  	_ =	shalt  }
0x67: {  	_ =	shalt  }
0x68: {  	_ =	shalt  }
0x69: {  	_ =	shalt  }
0x6a: {  	_ =	shalt  }
0x6b: {  	_ =	shalt  }
0x6c: {  	_ =	shalt  }
0x6d: {  	_ =	shalt  }
0x6e: {  	_ =	shalt  }
0x6f: {  	_ =	shalt  }
0x70: {  	_ =	shalt  }
0x71: {  	_ =	shalt  }
0x72: {  	_ =	shalt  }
0x73: {  	_ =	shalt  }
0x74: {  	_ =	shalt  }
0x75: {  	_ =	shalt  }
0x76: {  	_ =	shalt  }
0x77: {  	_ =	shalt  }
0x78: {  	_ =	shalt  }
0x79: {  	_ =	shalt  }
0x7a: {  	_ =	shalt  }
0x7b: {  	_ =	shalt  }
0x7c: {  	_ =	shalt  }
0x7d: {  	_ =	shalt  }
0x7e: {  	_ =	shalt  }
0x7f: {  	_ =	shalt  }
0x80: {  	_ =	shalt  }
0x81: {  	_ =	shalt  }
0x82: {  	_ =	shalt  }
0x83: {  	_ =	shalt  }
0x84: {  	_ =	shalt  }
0x85: {  	_ =	shalt  }
0x86: {  	_ =	shalt  }
0x87: {  	_ =	shalt  }
.Lfunc_end0:
.L_simem_size_0:
called_computation_lowered:
.L_overlay_start_0:
0x88: {  	s2 =	sld [smem:$0x3FD9]  }
0x89: {  	s3 =	sld [smem:$0x3FFE];
	_ =	sdelay $0x1  }
0x8a: {  	s1 =	srdreg.scid  }
0x8b: {  	s0 =	sand.u32 $0x1, s1  }
0x8c: {  	s14 =	sshll.u32 s0, $0xA;
	s2 =	sadd.s32 s3, s2  }
0x8d: {  	s2 =	sadd.s32 s2, s14  }
0x8e: {  	[smem:$0x3FC2] =	sst s2  }
0x8f: {  	_ = 	snop  }
0x90: {  	s2 =	sld [smem:$0x3FD0];
	_ =	sdelay $0x2  }
0x91: {  	s4 =	simm.s32 $0xA;
	s5 =	simm.s32 $0x10;
	s15 =	sld [smem:$0x3FC8]  }
0x92: {  	[smem:s5], [sflag:s4] =	dma.local [hbm:s2], $0x1  }
0x93: {  	_ =	swait.eq [sflag:s4], $0x1  }
0x94: {  	[sflag:s4] =	ssyncset.done $0x0  }
0x95: {  	[sflag:s4] =	ssyncadd.s32 $0xFFFFFFFF  }
0x96: {  	s16 =	sld [smem:$0x10];
	(tm) =	ssettm $0x1  }
0x97: {  	s17 =	sld [smem:$0x3FFB];
	_ =	sdelay $0x3  }
0x98: {  	_ =	strace s17  }
0x99: {  	s4 =	sld [smem:$0x3FFC];
	_ =	sdelay $0x3  }
0x9a: {  	_ =	strace s4  }
0x9b: {  	s4 =	sld [smem:$0x3FFD];
	_ =	sdelay $0x3  }
0x9c: {  	_ =	strace s4  }
0x9d: {  	_ =	strace $0x8FFFFFFF  }
0x9e: {  	s18 =	sld [smem:$0x3FDB];
	_ =	sdelay $0x1  }
0x9f: {  	s19 =	simm.s32 $_scs_section_size  }
0xa0: {  	s6 =	simm.s32 $_size__tile_overlayer_lowered;
	s7 =	simm.s32 $_tile_overlayer_lowered  }
0xa1: {  	s22 =	simm.s32 $0x1BFF;
	s21 =	sshll.u32 s7, $0x1;
	s4 =	sadd.s32 s19, s18  }
0xa2: {  	s8 =	simm.s32 $0x0;
	s20 =	sshll.u32 s6, $0x1;
	s6 =	sadd.s32 s21, s4  }
0xa3: {  	[timem:s8], [sflag:s22] =	dma.local [hbm:s6], s20  }
0xa4: {  	_ =	swait.ge [sflag:s22], s20  }
0xa5: {  	s5 =	ssub.s32 $0x0, s20;
	[sflag:s22] =	ssyncset.done $0x0  }
0xa6: {  	[sflag:s22] =	ssyncadd.s32 s5;
	_ =	sdelay $0x1  }
0xa7: {  	s23 =	simm.s32 $0x1B8B  }
0xa8: {  	_ =	swait.ge [sflag:s23], $0x1  }
0xa9: {  	[sflag:s23] =	ssyncset.done $0x0  }
0xaa: {  	s25 =	simm.s32 $0x1B8E;
	s24 =	sld [smem:$0x3FFE];
	[sflag:s23] =	ssyncadd.s32 $0xFFFFFFFF  }
0xab: {  	s26 =	simm.s32 $execute0_lowered;
	[smem:$0x3FD2] =	sst s25  }
0xac: {  	s6 =	sshll.u32 s26, $0x1;
	_ =	strace $0x80000046;
	[dreg:$0x1] =	wrdreg $0xFFFFFFFF  }
0xad: {  	s28 =	simm.s32 $_size_execute0_lowered;
	s4 =	sadd.s32 s4, s6;
	[dreg:$0x0] =	wrdreg $0x0  }
0xae: {  	s6 =	sshll.u32 s28, $0x1;
	[dreg:$0x2] =	wrdreg s4  }
0xaf: {  	[dreg:$0x3] =	wrdreg s6  }
0xb0: {  	[dreg:$0x4] =	wrdreg $0xC0  }
0xb1: {  	_ =	task [dreg:s8], $0x5FFFF  }
0xb2: {  	[dreg:$0x1] =	wrdreg $0xFFFFFFFF  }
0xb3: {  	[dreg:$0x0] =	wrdreg $0x60  }
0xb4: {  	[dreg:$0x2] =	wrdreg s24  }
0xb5: {  	[dreg:$0x3] =	wrdreg s15  }
0xb6: {  	[dreg:$0x4] =	wrdreg s16  }
0xb7: {  	[dreg:$0x5] =	wrdreg $0x9  }
0xb8: {  	_ =	task.clear_ibuf [dreg:s8], $0x6FFFF;
	_ =	strace $0x90000046  }
0xb9: {  	s29 =	simm.s32 $0x9;
	_ =	strace $0x80000048  }
0xba: {  	_ =	swait.ge [sflag:s29], $0x1  }
0xbb: {  	[sflag:s29] =	ssyncadd.s32 $0xFFFFFFFF  }
0xbc: {  	_ =	strace $0x90000048  }
0xbd: {  	_ =	sfence  }
0xbe: {  	s30 =	sld [smem:$0x0];
	_ =	sdelay $0x2  }
0xbf: {  	s31 =	sshll.u32 s1, $0xD;
	s1 =	sshrl.u32 s1, $0x2  }
0xc0: {  	s3 =	sand.u32 $0x4000, s31;
	s1 =	sadd.s32 s1, s30  }
0xc1: {  	s0 =	sor.u32 s3, s0;
	s1 =	sshll.u32 s1, $0x11  }
0xc2: {  	s0 =	sor.u32 s1, s0  }
0xc3: {  	s0 =	sadd.s32 $0x8F2B, s0  }
0xc4: {  	[sflag:s0] =	ssyncadd.remote.s32 $0x1  }
0xc5: {  	_ =	sfence.sel $0xFFFF  }
0xc6: {  	[dreg:$0x0] =	wrdreg $0xFFFFFFFF;
	(pc) =	sbr.abs _section_cstart, $3  }
0xc7: {  	[dreg:$0x1] =	wrdreg $0xFFFFFFFF  }
0xc8: {  	_ =	task.clear_ibuf [dreg:s8], $0x2FFFF;
	_ =	strace $0x9FFFFFFF  }
0xc9: {  	(tm) =	ssettm $0x7FFFFFFF  }
tec
execute0_lowered:
.L_overlay_start_1:
0x0: {  	(tag) =	ssettag $0x1  }
0x1: {  	s8 =	rddreg [dreg:$0x0]  }
0x2: {  	s0 =	stileid.u32;
	s15 =	rddreg [dreg:$0x1]  }
0x3: {  	s1 =	srdreg.scid;
	s16 =	rddreg [dreg:$0x2];
	s20 =	simm.s32 $0x1800  }
0x4: {  	s23 =	simm.s32 $0x2080;
	s25 =	simm.s32 $0x2980;
	s2 =	sshll.u32 s0, $0x1  }
0x5: {  	v0 =	vimm.f32 $5.000000070e-02;
	vm1 =	vcmask $0x300;
	v1 =	vimm.f32 $2.500000000e-01;
	s11 =	sand.u32 $0x1, s1;
	s7 =	sshrl.u32 s0, $0x1;
	s2 =	sand.u32 $0x2, s2  }
0x6: {  	vm2 =	vcmask $0x704;
	v0 =	vsel vm1, $0xBD4CCCCD, v0;
	v1 =	vsel vm1, $0xBE800000, v1;
	s3 =	sshll.u32 s7, $0xD;
	s17 =	sshll.u32 s7, $0x4;
	s14 =	ssub.s32 $0x2, s11  }
0x7: {  	vm1 =	vcmask $0xB08;
	v0 =	vsel vm2, $0xBD317E4B, v0;
	v1 =	vsel vm2, $0xBE5DDDDE, v1;
	s9 =	sor.u32 s11, s2;
	s2 =	simm.s32 $0x0;
	s10 =	sadd.s32 s17, s8  }
0x8: {  	v0 =	vsel vm1, $0xBD162FCA, v0;
	v1 =	vsel vm1, $0xBE3BBBBC, v1;
	s11 =	simm.s32 $0x400;
	s15 =	sadd.s32 s15, s17;
	s16 =	sadd.s32 s16, s17  }
0x9: {  	vm2 =	vcmask $0xF0C;
	vm1 =	vcmask $0x1310;
	s17 =	simm.s32 $0x1000;
	s4 =	sshll.u32 s9, $0xB;
	[smem:$0x7FF] =	sst s2  }
0xa: {  	v0 =	vsel vm2, $0xBCF5C290, v0;
	v1 =	vsel vm2, $0xBE199999, v1;
	vm2 =	vcmask $0x1714  }
0xb: {  	vm0 =	vmmov $0xffff;
	s18 =	sshrl.u32 s14, $0x1;
	_ =	strace $0x80000047;
	v0 =	vsel vm1, $0xBCBF258C, v0;
	v1 =	vsel vm1, $0xBDEEEEEE, v1  }
0xc: {  	s13 =	sshll.u32 s9, $0x8;
	s18 =	ssub.s32 s14, s18;
	s14 =	simm.s32 $0x2900;
	vm1 =	vcmask $0x1B18;
	v0 =	vsel vm2, $0xBC888888, v0;
	v1 =	vsel vm2, $0xBDAAAAAA, v1  }
0xd: {  	s3 =	sor.u32 s3, s4;
	s10 =	sadd.s32 s13, s10;
	s13 =	simm.s32 $0x800;
	vm2 =	vcmask $0x1F1C;
	v0 =	vsel vm1, $0xBC23D70C, v0;
	v1 =	vsel vm1, $0xBD4CCCC8, v1  }
0xe: {  	s12 =	sadd.s32 s3, s8;
	s10 =	sadd.s32 $0x10800, s10;
	vm1 =	vcmask $0x2320;
	v0 =	vsel vm2, $0xBB5A7410, v0;
	v1 =	vsel vm2, $0xBC888880, v1  }
0xf: {  	s3 =	sadd.s32 $0x810, s12;
	vm2 =	vcmask $0x2724;
	v0 =	vsel vm1, $0x3B5A7410, v0;
	v1 =	vsel vm1, $0x3C888890, v1  }
0x10: {  	s4 =	sadd.s32 $0x820, s12;
	vm1 =	vcmask $0x2B28;
	v0 =	vsel vm2, $0x3C23D70C, v0;
	v1 =	vsel vm2, $0x3D4CCCD0, v1  }
0x11: {  	s5 =	sadd.s32 $0x830, s12;
	vm2 =	vcmask $0x2F2C;
	v0 =	vsel vm1, $0x3C88888A, v0;
	v1 =	vsel vm1, $0x3DAAAAAC, v1  }
0x12: {  	s19 =	simm.s32 $0x80;
	s6 =	sadd.s32 $0x840, s12;
	vm1 =	vcmask $0x3330;
	v0 =	vsel vm2, $0x3CBF258E, v0;
	v1 =	vsel vm2, $0x3DEEEEF0, v1  }
0x13: {  	s21 =	simm.s32 $0x3;
	s22 =	simm.s32 $0x1;
	s7 =	sadd.s32 $0x850, s12;
	vm2 =	vcmask $0x3734;
	v0 =	vsel vm1, $0x3CF5C28E, v0;
	v1 =	vsel vm1, $0x3E19999C, v1  }
0x14: {  	s24 =	simm.s32 $0x2;
	s26 =	simm.s32 $0x0;
	s8 =	sadd.s32 $0x860, s12;
	vm1 =	vcmask $0x3B38;
	v2 =	vsel vm2, $0x3D162FC9, v0;
	v3 =	vsel vm2, $0x3E3BBBBE, v1  }
0x15: {  	s18 =	smax.u32 s18, $0x1;
	s9 =	sadd.s32 $0x870, s12;
	s12 =	sadd.s32 $0x800, s12;
	v0 =	vimm.s32 $0x0;
	v1 =	vsel vm1, $0x3D317E4B, v2;
	v2 =	vsel vm1, $0x3E5DDDE0, v3  }
.LBB2_1:
0x16: {  	[tilespmem:s13], [sflag:$0x1] =	stream.strided.gather [hbm4b:s12+s19], $0x800, s11, s19, $0x38;
	[tilespmem:$0x2A80] =	vst v63  }
0x17: {  	_ = 	snop  }
0x18: {  	[tilespmem:s2], [sflag:$0x3] =	stream.strided.gather [hbm4b:s15+s19], $0x800, s11, s19, $0x38;
	[tilespmem:$0x2A80] =	vst v63  }
0x19: {  	_ =	swait.ge [sflag:s21], $0x800  }
0x1a: {  	[sflag:s21] =	ssyncset.done $0x0  }
0x1b: {  	[sflag:s21] =	ssyncadd.s32 $0xFFFFF800  }
0x1c: {  	[tilespmem:s14], [sflag:$0x3] =	stream.linear.gather [hbm4b:s16+s2], $0x80, $0x38;
	[tilespmem:$0x2A80] =	vst v63  }
0x1d: {  	_ =	swait.ge [sflag:s21], $0x80  }
0x1e: {  	[sflag:s21] =	ssyncset.done $0x0  }
0x1f: {  	[sflag:s21] =	ssyncadd.s32 $0xFFFFFF80  }
0x20: {  	v4 =	vld [tilespmem:$0x2900];
	[tilespmem:s17], [sflag:$0x2] =	stream.strided.gather [hbm4b:s3+s19], $0x800, s11, s19, $0x38  }
0x21: {  	_ =	swait.ge [sflag:s22], $0x800  }
0x22: {  	[sflag:s22] =	ssyncset.done $0x0  }
0x23: {  	s28 =	simm.s32 $0x820;
	[sflag:s22] =	ssyncadd.s32 $0xFFFFF800  }
0x24: {  	v12 =	vld [tilespmem:s28+$0xFFFFFFE0]  }
0x25: {  	v10 =	vld [tilespmem:s28+$0xFFFFFFF0]  }
0x26: {  	v9 =	vld [tilespmem:s28+$0x0];
	_ =	sdelay $0x2  }
0x27: {  	v7 =	vld [tilespmem:s28+$0x10];
	vm1 =	veq.f32 v12, v12  }
0x28: {  	vm2 =	vmand vm1, vm0;
	vm1 =	veq.f32 v10, v10  }
0x29: {  	vm3 =	veq.f32 v9, v9;
	vm1 =	vmand vm1, vm0;
	v3 =	vsel vm2, $0x1, v0  }
0x2a: {  	vm3 =	vmand vm3, vm0;
	v5 =	vsel vm1, $0x1, v0;
	(xrf0) =	vadd.scan.msk.s32 $0xffff, v3  }
0x2b: {  	s28 =	simm.s32 $0x860;
	v6 =	vsel vm3, $0x1, v0;
	v3 =	vmpcnt.ones.xlane vm2;
	(xrf0) =	vadd.scan.msk.s32 $0xffff, v5  }
0x2c: {  	vm4 =	veq.f32 v7, v7;
	v5 =	vmpcnt.ones.xlane vm1;
	(xrf0) =	vadd.scan.msk.s32 $0xffff, v6;
	v6 =	vld [tilespmem:s28+$0xFFFFFFE0]  }
0x2d: {  	vm4 =	vmand vm4, vm0;
	v11 =	vadd.s32 v0, v3;
	v3 =	vmpcnt.ones.xlane vm3  }
0x2e: {  	v8 =	vld [tilespmem:s28+$0xFFFFFFF0];
	v13 =	vadd.s32 v11, v5;
	v5 =	vmpcnt.ones.xlane vm4  }
0x2f: {  	v15 =	vsel vm4, $0x1, v0;
	vm5 =	vmmov vm3;
	v14 =	vadd.s32 v13, v3  }
0x30: {  	vm2 =	vmmov vm2;
	vm1 =	vmmov vm1;
	v17 =	vadd.s32 v14, v5;
	v5 =	vld [tilespmem:s28+$0x0];
	v16, _, _ =	vpop (xrf0)  }
0x31: {  	vm4 =	vmmov vm4;
	v3 =	vld [tilespmem:s28+$0x10];
	s28 =	simm.s32 $0x20;
	v16 =	vadd.s32 v16, v0;
	v18, _, _ =	vpop (xrf0);
	vm3 =	veq.f32 v6, v6;
	(xrf0) =	vadd.scan.msk.s32 $0xffff, v15  }
0x32: {  	v25 =	vadd.s32 $0xFFFFFFFF, v16;
	v11 =	vadd.s32 v18, v11;
	v15, _, _ =	vpop (xrf0);
	v16 =	vld [tilespmem:s28+$0xFFFFFFE0];
	vm6 =	vmand vm3, vm0  }
0x33: {  	vm3 =	veq.f32 v8, v8;
	v15 =	vadd.s32 v15, v13;
	v13 =	vmpcnt.ones.xlane vm6  }
0x34: {  	vm3 =	vmand vm3, vm0;
	v18 =	vsel vm6, $0x1, v0;
	v24 =	vadd.s32 $0xFFFFFFFF, v11  }
0x35: {  	vm7 =	veq.f32 v5, v5;
	v19 =	vmpcnt.ones.xlane vm3;
	v20 =	vsel vm3, $0x1, v0;
	(xrf0) =	vadd.scan.msk.s32 $0xffff, v18  }
0x36: {  	v27 =	vld [tilespmem:s28+$0xFFFFFFF0];
	v23 =	vadd.s32 $0xFFFFFFFF, v15;
	vm8 =	vmand vm7, vm0;
	vm7 =	veq.f32 v3, v3;
	(xrf0) =	vadd.scan.msk.s32 $0xffff, v20  }
0x37: {  	s29 =	simm.s32 $0x8A0;
	v22 =	vld [tilespmem:s28+$0x0];
	v18 =	vadd.s32 v17, v13;
	vm9 =	vmand vm7, vm0;
	v11, _, _ =	vpop (xrf0);
	[tilespmem:v25+s20+$0x0] =	vst.idx.msk vm2, v16;
	v16 =	vsel vm8, $0x1, v0  }
0x38: {  	v13 =	vmpcnt.ones.xlane vm8;
	v26 =	vsel vm9, $0x1, v0;
	v14 =	vadd.s32 v11, v14;
	(xrf0) =	vadd.scan.msk.s32 $0xffff, v16;
	v11 =	vld [tilespmem:s29+$0xFFFFFFE0]  }
0x39: {  	v21 =	vld [tilespmem:s28+$0x10];
	v19 =	vadd.s32 v18, v19;
	vm7 =	vmmov vm5;
	v20 =	vmpcnt.ones.xlane vm9;
	(xrf0) =	vadd.scan.msk.s32 $0xffff, v26  }
0x3a: {  	v15 =	vld [tilespmem:s29+$0xFFFFFFF0];
	vm5 =	vmmov vm8;
	v13 =	vadd.s32 v19, v13;
	[tilespmem:v25+s23+$0x0] =	vst.idx.msk vm2, v12;
	vm2 =	vmmov vm6  }
0x3b: {  	vm6 =	vmmov vm4;
	v16 =	vadd.s32 v13, v20;
	v20 =	vadd.s32 $0xFFFFFFFF, v14;
	v14 =	vld [tilespmem:s29+$0x0];
	v25, _, _ =	vpop (xrf0)  }
0x3c: {  	s30 =	simm.s32 $0x8;
	s28 =	simm.s32 $0x60;
	vm4 =	vmmov vm9;
	v12 =	vld [tilespmem:s29+$0x10];
	[tilespmem:v24+s20+$0x0] =	vst.idx.msk vm1, v27;
	v26 =	vadd.s32 v25, v17;
	v25, _, _ =	vpop (xrf0);
	v17 =	vmov v16  }
.LBB2_2:
0x3d: {  	vm8 =	veq.f32 v11, v11;
	v26 =	vadd.s32 $0xFFFFFFFF, v26  }
0x3e: {  	s30 =	sadd.s32 $0x4, s30;
	v27 =	vld [tilespmem:s28+$0xFFFFFFE0];
	v25 =	vadd.s32 v25, v18;
	v18, _, _ =	vpop (xrf0);
	[tilespmem:v24+s23+$0x0] =	vst.idx.msk vm1, v10;
	v10 =	vmov v8;
	vm1 =	vmmov vm3  }
0x3f: {  	p0 =	slt.u32 s30, $0x7C;
	vm8 =	vmand vm8, vm0;
	vm3 =	veq.f32 v15, v15;
	v28 =	vadd.s32 v18, v19;
	v24, _, _ =	vpop (xrf0);
	[tilespmem:v23+s20+$0x0] =	vst.idx.msk vm7, v22  }
0x40: {  	v8 =	vmovc v15;
	v18 =	vmpcnt.ones.xlane vm8;
	vm3 =	vmand vm3, vm0;
	vm9 =	veq.f32 v14, v14;
	[tilespmem:v23+s23+$0x0] =	vst.idx.msk vm7, v9  }
0x41: {  	v9 =	vmovc v5;
	v15 =	vmpcnt.ones.xlane vm3;
	vm9 =	vmand vm9, vm0;
	vm7 =	veq.f32 v12, v12;
	[tilespmem:v20+s20+$0x0] =	vst.idx.msk vm6, v21  }
0x42: {  	v5 =	vmovc v14;
	v18 =	vadd.s32 v16, v18;
	v16 =	vmpcnt.ones.xlane vm9;
	vm10 =	vmand vm7, vm0;
	[tilespmem:v20+s23+$0x0] =	vst.idx.msk vm6, v7  }
0x43: {  	v14 =	vsel vm8, $0x1, v0;
	v7 =	vmovc v3;
	v19 =	vadd.s32 v18, v15;
	v15 =	vmpcnt.ones.xlane vm10;
	[tilespmem:v26+s20+$0x0] =	vst.idx.msk vm2, v27  }
0x44: {  	v20 =	vsel vm3, $0x1, v0;
	v21 =	vsel vm9, $0x1, v0;
	v3 =	vmovc v12;
	v23 =	vadd.s32 v19, v16;
	(xrf0) =	vadd.scan.msk.s32 $0xffff, v14;
	v27 =	vld [tilespmem:s28+$0xFFFFFFF0]  }
0x45: {  	v12 =	vsel vm10, $0x1, v0;
	v14 =	vadd.s32 v24, v13;
	v16 =	vadd.s32 v23, v15;
	(xrf0) =	vadd.scan.msk.s32 $0xffff, v20;
	v22 =	vld [tilespmem:s28+$0x0];
	v13 =	vmovc v23  }
0x46: {  	s29 =	sadd.s32 $0x40, s29;
	v24 =	vadd.s32 $0xFFFFFFFF, v25;
	v23 =	vadd.s32 $0xFFFFFFFF, v28;
	v20 =	vadd.s32 $0xFFFFFFFF, v14;
	(xrf0) =	vadd.scan.msk.s32 $0xffff, v21;
	v21 =	vld [tilespmem:s28+$0x10]  }
.Ltmp0:
0x47: {  	vm7 =	vmmov vm5;
	(xrf0) =	vadd.scan.msk.s32 $0xffff, v12;
	[tilespmem:v26+s23+$0x0] =	vst.idx.msk vm2, v6;
	v6 =	vmovc v11;
	v11 =	vld [tilespmem:s29+$0xFFFFFFE0];
	vm2 =	vmmov vm8;
	(pc) =	sbr.rel @p0 .LBB2_2-.Ltmp0, $4  }
0x48: {  	vm5 =	vmmov vm9;
	vm6 =	vmmov vm4;
	vm4 =	vmmov vm10;
	v15 =	vld [tilespmem:s29+$0xFFFFFFF0]  }
0x49: {  	v14 =	vld [tilespmem:s29+$0x0]  }
0x4a: {  	v12 =	vld [tilespmem:s29+$0x10];
	v25, _, _ =	vpop (xrf0)  }
0x4b: {  	s28 =	sadd.s32 $0x40, s28;
	v26 =	vadd.s32 v25, v17;
	v25, _, _ =	vpop (xrf0);
	[tilespmem:v24+s20+$0x0] =	vst.idx.msk vm1, v27;
	v17 =	vmov v16  }
0x4c: {  	_ =	sdelay $0x2  }
0x4d: {  	vm8 =	veq.f32 v11, v11  }
0x4e: {  	v26 =	vadd.s32 $0xFFFFFFFF, v26;
	v18 =	vadd.s32 v25, v18;
	vm8 =	vmand vm8, vm0  }
0x4f: {  	[tilespmem:v24+s23+$0x0] =	vst.idx.msk vm1, v10;
	v62 =	vld [tilespmem:s28+$0xFFFFFFE0];
	vm3 =	vmmov vm3;
	vm1 =	veq.f32 v15, v15;
	v10 =	vsel vm8, $0x1, v0  }
0x50: {  	v63, _, _ =	vpop (xrf0);
	[tilespmem:v23+s20+$0x0] =	vst.idx.msk vm7, v22;
	v18 =	vadd.s32 $0xFFFFFFFF, v18;
	vm1 =	vmand vm1, vm0;
	(xrf0) =	vadd.scan.msk.s32 $0xffff, v10  }
0x51: {  	[tilespmem:v23+s23+$0x0] =	vst.idx.msk vm7, v9;
	v9 =	vld [tilespmem:s28+$0xFFFFFFF0];
	vm9 =	veq.f32 v14, v14;
	v10 =	vadd.s32 v63, v19;
	v19 =	vsel vm1, $0x1, v0  }
0x52: {  	[tilespmem:v20+s20+$0x0] =	vst.idx.msk vm6, v21;
	vm14 =	vmmov vm5;
	vm7 =	vmand vm9, vm0;
	(xrf0) =	vadd.scan.msk.s32 $0xffff, v19  }
0x53: {  	vm4 =	vmmov vm4;
	[tilespmem:v20+s23+$0x0] =	vst.idx.msk vm6, v7;
	vm10 =	veq.f32 v12, v12;
	v19 =	vsel vm7, $0x1, v0  }
0x54: {  	v21, _, _ =	vpop (xrf0);
	v7 =	vld [tilespmem:s28+$0x0];
	vm5 =	vmand vm10, vm0;
	v10 =	vadd.s32 $0xFFFFFFFF, v10;
	(xrf0) =	vadd.scan.msk.s32 $0xffff, v19;
	[tilespmem:v26+s20+$0x0] =	vst.idx.msk vm2, v62  }
0x55: {  	v13 =	vadd.s32 v21, v13;
	v20 =	vmpcnt.ones.xlane vm8;
	v19 =	vsel vm5, $0x1, v0;
	[tilespmem:v26+s23+$0x0] =	vst.idx.msk vm2, v6  }
0x56: {  	v21 =	vld [tilespmem:s28+$0x10];
	v13 =	vadd.s32 $0xFFFFFFFF, v13;
	(xrf0) =	vadd.scan.msk.s32 $0xffff, v19;
	[tilespmem:v18+s20+$0x0] =	vst.idx.msk vm3, v9;
	v9 =	vmpcnt.ones.xlane vm1;
	v6, _, _ =	vpop (xrf0)  }
0x57: {  	s28 =	sadd.s32 $0x40, s28;
	v6 =	vadd.s32 v6, v17  }
0x58: {  	v16 =	vadd.s32 v16, v20;
	v19 =	vld [tilespmem:s28+$0xFFFFFFE0];
	[tilespmem:v18+s23+$0x0] =	vst.idx.msk vm3, v8;
	v17, _, _ =	vpop (xrf0);
	v6 =	vadd.s32 $0xFFFFFFFF, v6  }
0x59: {  	vm1 =	vmmov vm1;
	v8 =	vmpcnt.ones.xlane vm7;
	[tilespmem:v10+s20+$0x0] =	vst.idx.msk vm14, v7;
	v17 =	vadd.s32 v17, v16  }
0x5a: {  	vm3 =	vmmov vm7;
	v7 =	vadd.s32 v16, v9;
	[tilespmem:v10+s23+$0x0] =	vst.idx.msk vm14, v5;
	v5 =	vld [tilespmem:s28+$0xFFFFFFF0];
	v9, _, _ =	vpop (xrf0);
	v10 =	vadd.s32 $0xFFFFFFFF, v17  }
0x5b: {  	[tilespmem:v13+s20+$0x0] =	vst.idx.msk vm4, v21;
	vm3 =	vmmov vm3;
	v16 =	vmpcnt.ones.xlane vm5;
	v9 =	vadd.s32 v9, v7  }
0x5c: {  	[tilespmem:v13+s23+$0x0] =	vst.idx.msk vm4, v3;
	v3 =	vld [tilespmem:s28+$0x0];
	v8 =	vadd.s32 v7, v8;
	v9 =	vadd.s32 $0xFFFFFFFF, v9;
	v17, _, _ =	vpop (xrf0)  }
0x5d: {  	vm5 =	vmmov vm5;
	v7 =	vadd.s32 v8, v16;
	v8 =	vadd.s32 v17, v8;
	[tilespmem:v6+s20+$0x0] =	vst.idx.msk vm8, v19  }
0x5e: {  	vm2 =	vmmov vm8;
	v16 =	vld [tilespmem:s28+$0x10];
	v13 =	vadd.s32 $0xFFFFFFFF, v8;
	[tilespmem:v6+s23+$0x0] =	vst.idx.msk vm8, v11;
	v6 =	vadd.s32 $0xFFFFFFFF, v7  }
0x5f: {  	[tilespmem:v10+s20+$0x0] =	vst.idx.msk vm1, v5;
	vm2 =	vgt.s32 v6, $0x0  }
0x60: {  	[tilespmem:v10+s23+$0x0] =	vst.idx.msk vm1, v15;
	v8 =	vnsel vm2, $0x0, v6  }
0x61: {  	[tilespmem:v9+s20+$0x0] =	vst.idx.msk vm3, v3  }
0x62: {  	[tilespmem:v9+s23+$0x0] =	vst.idx.msk vm3, v14;
	v9 =	vmin.u32 v8, $0x3FF  }
0x63: {  	[tilespmem:v13+s20+$0x0] =	vst.idx.msk vm5, v16  }
0x64: {  	[tilespmem:v13+s23+$0x0] =	vst.idx.msk vm5, v12  }
0x65: {  	v6 =	vld.idx.msk [tilespmem:v8+s20+$0x0], $0xffff;
	_ =	sdelay $0x1  }
0x66: {  	v5 =	vld.idx.msk [tilespmem:v9+s20+$0x0], $0xffff  }
0x67: {  	v3 =	vadd.f32 v1, v4;
	_ =	sdelay $0x1  }
0x68: {  	v10 =	vmul.f32 v6, v3;
	_ =	sdelay $0x1  }
0x69: {  	vm1 =	vgt.s32 v7, $0x3FF;
	vm2 =	vle.f32 v5, v10  }
0x6a: {  	v5 =	vimm.s32 $0x0;
	vm2 =	vmand vm1, vm2  }
0x6b: {  	v11 =	vsel vm2, $0x400, v5  }
0x6c: {  	v12 =	vor.u32 $0x1FF, v11  }
0x6d: {  	v12 =	vmin.u32 v12, v8;
	_ =	sdelay $0x4  }
0x6e: {  	v12 =	vld.idx.msk [tilespmem:v12+s20+$0x0], $0xffff;
	_ =	sdelay $0x3  }
0x6f: {  	v13 =	vor.u32 $0x200, v11  }
0x70: {  	vm2 =	vle.s32 v13, v7;
	vm3 =	vle.f32 v12, v10  }
0x71: {  	vm2 =	vmand vm3, vm2  }
0x72: {  	v11 =	vsel vm2, v13, v11  }
0x73: {  	v12 =	vor.u32 $0xFF, v11  }
0x74: {  	v12 =	vmin.u32 v12, v8;
	_ =	sdelay $0x4  }
0x75: {  	v12 =	vld.idx.msk [tilespmem:v12+s20+$0x0], $0xffff;
	_ =	sdelay $0x3  }
0x76: {  	v13 =	vor.u32 $0x100, v11  }
0x77: {  	vm2 =	vle.s32 v13, v7;
	vm3 =	vle.f32 v12, v10  }
0x78: {  	vm2 =	vmand vm3, vm2  }
0x79: {  	v11 =	vsel vm2, v13, v11  }
0x7a: {  	v12 =	vor.u32 $0x7F, v11  }
0x7b: {  	v12 =	vmin.u32 v12, v8;
	_ =	sdelay $0x4  }
0x7c: {  	v12 =	vld.idx.msk [tilespmem:v12+s20+$0x0], $0xffff;
	_ =	sdelay $0x3  }
0x7d: {  	v13 =	vor.u32 $0x80, v11  }
0x7e: {  	vm2 =	vle.s32 v13, v7;
	vm3 =	vle.f32 v12, v10  }
0x7f: {  	vm2 =	vmand vm3, vm2  }
0x80: {  	v11 =	vsel vm2, v13, v11  }
0x81: {  	v12 =	vadd.s32 $0x3F, v11  }
0x82: {  	v12 =	vmin.u32 v12, v8;
	_ =	sdelay $0x4  }
0x83: {  	v12 =	vld.idx.msk [tilespmem:v12+s20+$0x0], $0xffff;
	_ =	sdelay $0x3  }
0x84: {  	v13 =	vadd.s32 $0x40, v11  }
0x85: {  	vm2 =	vle.s32 v13, v7;
	vm3 =	vle.f32 v12, v10  }
0x86: {  	vm2 =	vmand vm3, vm2  }
0x87: {  	v11 =	vsel vm2, v13, v11  }
0x88: {  	v12 =	vadd.s32 $0x1F, v11  }
0x89: {  	v12 =	vmin.u32 v12, v8;
	_ =	sdelay $0x4  }
0x8a: {  	v12 =	vld.idx.msk [tilespmem:v12+s20+$0x0], $0xffff;
	_ =	sdelay $0x3  }
0x8b: {  	v13 =	vadd.s32 $0x20, v11  }
0x8c: {  	vm2 =	vle.s32 v13, v7;
	vm3 =	vle.f32 v12, v10  }
0x8d: {  	vm2 =	vmand vm3, vm2  }
0x8e: {  	v11 =	vsel vm2, v13, v11  }
0x8f: {  	v12 =	vadd.s32 $0xF, v11  }
0x90: {  	v12 =	vmin.u32 v12, v8;
	_ =	sdelay $0x4  }
0x91: {  	v12 =	vld.idx.msk [tilespmem:v12+s20+$0x0], $0xffff;
	_ =	sdelay $0x3  }
0x92: {  	v13 =	vadd.s32 $0x10, v11  }
0x93: {  	vm2 =	vle.s32 v13, v7;
	vm3 =	vle.f32 v12, v10  }
0x94: {  	vm2 =	vmand vm3, vm2  }
0x95: {  	v11 =	vsel vm2, v13, v11  }
0x96: {  	v12 =	vadd.s32 $0x7, v11  }
0x97: {  	v12 =	vmin.u32 v12, v8;
	_ =	sdelay $0x4  }
0x98: {  	v12 =	vld.idx.msk [tilespmem:v12+s20+$0x0], $0xffff;
	_ =	sdelay $0x3  }
0x99: {  	v13 =	vadd.s32 $0x8, v11  }
0x9a: {  	vm2 =	vle.s32 v13, v7;
	vm3 =	vle.f32 v12, v10  }
0x9b: {  	vm2 =	vmand vm3, vm2  }
0x9c: {  	v11 =	vsel vm2, v13, v11  }
0x9d: {  	v12 =	vadd.s32 $0x3, v11  }
0x9e: {  	v12 =	vmin.u32 v12, v8;
	_ =	sdelay $0x4  }
0x9f: {  	v12 =	vld.idx.msk [tilespmem:v12+s20+$0x0], $0xffff;
	_ =	sdelay $0x3  }
0xa0: {  	v13 =	vadd.s32 $0x4, v11  }
0xa1: {  	vm2 =	vle.s32 v13, v7;
	vm3 =	vle.f32 v12, v10  }
0xa2: {  	vm2 =	vmand vm3, vm2  }
0xa3: {  	v11 =	vsel vm2, v13, v11  }
0xa4: {  	v12 =	vadd.s32 $0x1, v11  }
0xa5: {  	v12 =	vmin.u32 v12, v8;
	_ =	sdelay $0x4  }
0xa6: {  	v12 =	vld.idx.msk [tilespmem:v12+s20+$0x0], $0xffff;
	_ =	sdelay $0x3  }
0xa7: {  	v13 =	vadd.s32 $0x2, v11  }
0xa8: {  	vm2 =	vle.s32 v13, v7;
	vm3 =	vle.f32 v12, v10  }
0xa9: {  	vm2 =	vmand vm3, vm2  }
0xaa: {  	v11 =	vsel vm2, v13, v11  }
0xab: {  	v12 =	vmin.u32 v11, v8;
	_ =	sdelay $0x4  }
0xac: {  	v12 =	vld.idx.msk [tilespmem:v12+s20+$0x0], $0xffff;
	_ =	sdelay $0x4  }
0xad: {  	vm2 =	vle.f32 v12, v10  }
0xae: {  	vm3 =	vge.s32 v11, v7;
	vm2 =	vmneg vm2  }
0xaf: {  	vm2 =	vmor vm2, vm3  }
0xb0: {  	v12 =	vsel vm2, $0xFFFFFFFF, v0  }
0xb1: {  	v13 =	vadd.s32 $0xFFFFFFFE, v7;
	v11 =	vadd.s32 v12, v11  }
0xb2: {  	vm2 =	vgt.s32 v13, $0x0;
	vm3 =	vgt.s32 v11, $0x0  }
0xb3: {  	v12 =	vnsel vm2, $0x0, v13;
	v11 =	vnsel vm3, $0x0, v11  }
0xb4: {  	v11 =	vmin.u32 v12, v11  }
0xb5: {  	v13 =	vadd.s32 $0x1, v11;
	_ =	sdelay $0x3  }
0xb6: {  	v14 =	vld.idx.msk [tilespmem:v11+s20+$0x0], $0xffff  }
0xb7: {  	v15 =	vld.idx.msk [tilespmem:v13+s20+$0x0], $0xffff;
	_ =	sdelay $0x4  }
0xb8: {  	v15 =	vsub.f32 v15, v14;
	_ =	sdelay $0x1  }
0xb9: {  	(erf) = vrcp.f32 v15;
	_ =	sdelay $0x3  }
0xba: {  	v11 =	vld.idx.msk [tilespmem:v11+s23+$0x0], $0xffff  }
0xbb: {  	v13 =	vld.idx.msk [tilespmem:v13+s23+$0x0], $0xffff;
	_ =	sdelay $0x2  }
0xbc: {  	v15 =	vsub.f32 v10, v14  }
0xbd: {  	v16 =	vpop (erf)  }
0xbe: {  	v13 =	vsub.f32 v13, v11;
	v15 =	vmul.f32 v16, v15;
	_ =	sdelay $0x1  }
0xbf: {  	v16 =	vld.idx.msk [tilespmem:v8+s23+$0x0], $0xffff;
	v13 =	vmul.f32 v13, v15;
	_ =	sdelay $0x1  }
0xc0: {  	vm4 =	vmmov vm5;
	v13 =	vadd.f32 v13, v11  }
0xc1: {  	vm4 =	vgt.f32 v10, v6;
	vm2 =	veq.s32 v7, $0x1;
	vm3 =	vlt.f32 v10, v14  }
0xc2: {  	v10 =	vsel vm3, v11, v13;
	vm3 =	vmor vm2, vm4  }
0xc3: {  	v10 =	vsel vm3, v16, v10;
	vm3 =	veq.s32 v7, $0x0  }
0xc4: {  	v10 =	vsel vm3, $0x0, v10  }
0xc5: {  	[tilespmem:$0x2980] =	vst v10  }
0xc6: {  	v9 =	vld.idx.msk [tilespmem:v9+s20+$0x0], $0xffff  }
0xc7: {  	v4 =	vadd.f32 v2, v4;
	_ =	sdelay $0x1  }
0xc8: {  	v10 =	vmul.f32 v6, v4;
	_ =	sdelay $0x1  }
0xc9: {  	vm4 =	vle.f32 v9, v10  }
0xca: {  	vm1 =	vmand vm1, vm4  }
0xcb: {  	v9 =	vsel vm1, $0x400, v5  }
0xcc: {  	v11 =	vor.u32 $0x1FF, v9  }
0xcd: {  	v11 =	vmin.u32 v11, v8;
	_ =	sdelay $0x4  }
0xce: {  	v11 =	vld.idx.msk [tilespmem:v11+s20+$0x0], $0xffff;
	_ =	sdelay $0x3  }
0xcf: {  	v13 =	vor.u32 $0x200, v9  }
0xd0: {  	vm1 =	vle.s32 v13, v7;
	vm4 =	vle.f32 v11, v10  }
0xd1: {  	vm1 =	vmand vm4, vm1  }
0xd2: {  	v9 =	vsel vm1, v13, v9  }
0xd3: {  	v11 =	vor.u32 $0xFF, v9  }
0xd4: {  	v11 =	vmin.u32 v11, v8;
	_ =	sdelay $0x4  }
0xd5: {  	v11 =	vld.idx.msk [tilespmem:v11+s20+$0x0], $0xffff;
	_ =	sdelay $0x3  }
0xd6: {  	v13 =	vor.u32 $0x100, v9  }
0xd7: {  	vm1 =	vle.s32 v13, v7;
	vm4 =	vle.f32 v11, v10  }
0xd8: {  	vm1 =	vmand vm4, vm1  }
0xd9: {  	v9 =	vsel vm1, v13, v9  }
0xda: {  	v11 =	vor.u32 $0x7F, v9  }
0xdb: {  	v11 =	vmin.u32 v11, v8;
	_ =	sdelay $0x4  }
0xdc: {  	v11 =	vld.idx.msk [tilespmem:v11+s20+$0x0], $0xffff;
	_ =	sdelay $0x3  }
0xdd: {  	v13 =	vor.u32 $0x80, v9  }
0xde: {  	vm1 =	vle.s32 v13, v7;
	vm4 =	vle.f32 v11, v10  }
0xdf: {  	vm1 =	vmand vm4, vm1  }
0xe0: {  	v9 =	vsel vm1, v13, v9  }
0xe1: {  	v11 =	vadd.s32 $0x3F, v9  }
0xe2: {  	v11 =	vmin.u32 v11, v8;
	_ =	sdelay $0x4  }
0xe3: {  	v11 =	vld.idx.msk [tilespmem:v11+s20+$0x0], $0xffff;
	_ =	sdelay $0x3  }
0xe4: {  	v13 =	vadd.s32 $0x40, v9  }
0xe5: {  	vm1 =	vle.s32 v13, v7;
	vm4 =	vle.f32 v11, v10  }
0xe6: {  	vm1 =	vmand vm4, vm1  }
0xe7: {  	v9 =	vsel vm1, v13, v9  }
0xe8: {  	v11 =	vadd.s32 $0x1F, v9  }
0xe9: {  	v11 =	vmin.u32 v11, v8;
	_ =	sdelay $0x4  }
0xea: {  	v11 =	vld.idx.msk [tilespmem:v11+s20+$0x0], $0xffff;
	_ =	sdelay $0x3  }
0xeb: {  	v13 =	vadd.s32 $0x20, v9  }
0xec: {  	vm1 =	vle.s32 v13, v7;
	vm4 =	vle.f32 v11, v10  }
0xed: {  	vm1 =	vmand vm4, vm1  }
0xee: {  	v9 =	vsel vm1, v13, v9  }
0xef: {  	v11 =	vadd.s32 $0xF, v9  }
0xf0: {  	v11 =	vmin.u32 v11, v8;
	_ =	sdelay $0x4  }
0xf1: {  	v11 =	vld.idx.msk [tilespmem:v11+s20+$0x0], $0xffff;
	_ =	sdelay $0x3  }
0xf2: {  	v13 =	vadd.s32 $0x10, v9  }
0xf3: {  	vm1 =	vle.s32 v13, v7;
	vm4 =	vle.f32 v11, v10  }
0xf4: {  	vm1 =	vmand vm4, vm1  }
0xf5: {  	v9 =	vsel vm1, v13, v9  }
0xf6: {  	v11 =	vadd.s32 $0x7, v9  }
0xf7: {  	v11 =	vmin.u32 v11, v8;
	_ =	sdelay $0x4  }
0xf8: {  	v11 =	vld.idx.msk [tilespmem:v11+s20+$0x0], $0xffff;
	_ =	sdelay $0x3  }
0xf9: {  	v13 =	vadd.s32 $0x8, v9  }
0xfa: {  	vm1 =	vle.s32 v13, v7;
	vm4 =	vle.f32 v11, v10  }
0xfb: {  	vm1 =	vmand vm4, vm1  }
0xfc: {  	v9 =	vsel vm1, v13, v9  }
0xfd: {  	v11 =	vadd.s32 $0x3, v9  }
0xfe: {  	v11 =	vmin.u32 v11, v8;
	_ =	sdelay $0x4  }
0xff: {  	v11 =	vld.idx.msk [tilespmem:v11+s20+$0x0], $0xffff;
	_ =	sdelay $0x3  }
0x100: {  	v13 =	vadd.s32 $0x4, v9  }
0x101: {  	vm1 =	vle.s32 v13, v7;
	vm4 =	vle.f32 v11, v10  }
0x102: {  	vm1 =	vmand vm4, vm1  }
0x103: {  	v9 =	vsel vm1, v13, v9  }
0x104: {  	v11 =	vadd.s32 $0x1, v9  }
0x105: {  	v11 =	vmin.u32 v11, v8;
	_ =	sdelay $0x4  }
0x106: {  	v11 =	vld.idx.msk [tilespmem:v11+s20+$0x0], $0xffff;
	_ =	sdelay $0x3  }
0x107: {  	v13 =	vadd.s32 $0x2, v9  }
0x108: {  	vm1 =	vle.s32 v13, v7;
	vm4 =	vle.f32 v11, v10  }
0x109: {  	vm1 =	vmand vm4, vm1  }
0x10a: {  	v9 =	vsel vm1, v13, v9  }
0x10b: {  	v8 =	vmin.u32 v9, v8;
	_ =	sdelay $0x4  }
0x10c: {  	v8 =	vld.idx.msk [tilespmem:v8+s20+$0x0], $0xffff;
	_ =	sdelay $0x4  }
0x10d: {  	vm1 =	vle.f32 v8, v10  }
0x10e: {  	vm4 =	vge.s32 v9, v7;
	vm1 =	vmneg vm1  }
0x10f: {  	vm1 =	vmor vm1, vm4  }
0x110: {  	v7 =	vsel vm1, $0xFFFFFFFF, v0  }
0x111: {  	v7 =	vadd.s32 v7, v9  }
0x112: {  	vm1 =	vgt.s32 v7, $0x0  }
0x113: {  	v7 =	vnsel vm1, $0x0, v7  }
0x114: {  	v7 =	vmin.u32 v12, v7  }
0x115: {  	v8 =	vadd.s32 $0x1, v7;
	_ =	sdelay $0x3  }
0x116: {  	v9 =	vld.idx.msk [tilespmem:v7+s20+$0x0], $0xffff  }
0x117: {  	v11 =	vld.idx.msk [tilespmem:v8+s20+$0x0], $0xffff;
	_ =	sdelay $0x4  }
0x118: {  	v11 =	vsub.f32 v11, v9;
	_ =	sdelay $0x1  }
0x119: {  	(erf) = vrcp.f32 v11;
	_ =	sdelay $0x3  }
0x11a: {  	v7 =	vld.idx.msk [tilespmem:v7+s23+$0x0], $0xffff  }
0x11b: {  	v8 =	vld.idx.msk [tilespmem:v8+s23+$0x0], $0xffff;
	_ =	sdelay $0x2  }
0x11c: {  	v11 =	vsub.f32 v10, v9  }
0x11d: {  	v12 =	vpop (erf)  }
0x11e: {  	v8 =	vsub.f32 v8, v7;
	v11 =	vmul.f32 v12, v11;
	_ =	sdelay $0x1  }
0x11f: {  	v8 =	vmul.f32 v8, v11;
	_ =	sdelay $0x1  }
0x120: {  	v8 =	vadd.f32 v8, v7  }
0x121: {  	vm4 =	vgt.f32 v10, v6;
	vm1 =	vlt.f32 v10, v9  }
0x122: {  	v6 =	vsel vm1, v7, v8;
	vm1 =	vmor vm2, vm4  }
0x123: {  	v6 =	vsel vm1, v16, v6  }
0x124: {  	v6 =	vsel vm3, $0x0, v6  }
0x125: {  	[tilespmem:$0x2990] =	vst v6  }
0x126: {  	[tilespmem:s13], [sflag:$0x1] =	stream.strided.gather [hbm4b:s4+s19], $0x800, s11, s19, $0x38;
	[tilespmem:$0x2A80] =	vst v63  }
0x127: {  	_ =	swait.ge [sflag:s24], $0x800  }
0x128: {  	[sflag:s24] =	ssyncset.done $0x0  }
0x129: {  	s28 =	simm.s32 $0x1030;
	[sflag:s24] =	ssyncadd.s32 $0xFFFFF800  }
0x12a: {  	v14 =	vld [tilespmem:s28+$0x0]  }
0x12b: {  	s29 =	simm.s32 $0x0  }
0x12c: {  	s29 =	sand.u32 $0x7C0, s29  }
0x12d: {  	v8 =	vld [tilespmem:s29+$0x1000]  }
0x12e: {  	v6 =	vld [tilespmem:s28+$0xFFFFFFE0]  }
0x12f: {  	v7 =	vld [tilespmem:s28+$0xFFFFFFF0];
	vm1 =	veq.f32 v14, v14  }
0x130: {  	vm2 =	vmand vm1, vm0  }
0x131: {  	v9 =	vsel vm2, $0x1, v0  }
0x132: {  	vm3 =	veq.f32 v8, v8;
	(xrf0) =	vadd.scan.msk.s32 $0xffff, v9  }
0x133: {  	vm1 =	veq.f32 v6, v6;
	vm3 =	vmand vm3, vm0  }
0x134: {  	vm4 =	veq.f32 v7, v7;
	vm1 =	vmand vm1, vm0;
	v11 =	vmpcnt.ones.xlane vm3  }
0x135: {  	vm4 =	vmand vm4, vm0;
	v9 =	vsel vm1, $0x1, v0;
	v12 =	vmpcnt.ones.xlane vm1  }
0x136: {  	v10 =	vsel vm3, $0x1, v0;
	(xrf0) =	vadd.scan.msk.s32 $0xffff, v9;
	v15 =	vadd.s32 v5, v11;
	v11 =	vmpcnt.ones.xlane vm4  }
0x137: {  	(xrf0) =	vadd.scan.msk.s32 $0xffff, v10;
	v16 =	vadd.s32 v15, v12  }
0x138: {  	v13 =	vadd.s32 v16, v11;
	v17, _, _ =	vpop (xrf0)  }
0x139: {  	v17 =	vadd.s32 v17, v13  }
0x13a: {  	s28 =	simm.s32 $0x1070;
	v10 =	vsel vm4, $0x1, v0  }
0x13b: {  	v9 =	vld [tilespmem:s28+$0x0];
	(xrf0) =	vadd.scan.msk.s32 $0xffff, v10  }
0x13c: {  	s30 =	simm.s32 $0x40;
	v12 =	vmpcnt.ones.xlane vm2;
	v10 =	vld [tilespmem:s28+$0xFFFFFFF0];
	v22 =	vadd.s32 $0xFFFFFFFF, v17;
	v17, _, _ =	vpop (xrf0)  }
0x13d: {  	s31 =	sand.u32 $0x7C0, s30;
	v11 =	vld [tilespmem:s28+$0xFFFFFFE0];
	v18, _, _ =	vpop (xrf0)  }
0x13e: {  	s29 =	simm.s32 $0x20;
	vm8 =	vmmov vm2;
	v13 =	vadd.s32 v13, v12;
	v12 =	vld [tilespmem:s31+$0x1000];
	v18 =	vadd.s32 v18, v5  }
0x13f: {  	vm3 =	vmmov vm3;
	vm1 =	vmmov vm1;
	v15 =	vadd.s32 v17, v15;
	v17 =	vld [tilespmem:s29+$0x10]  }
0x140: {  	v19 =	vld [tilespmem:s29+$0xFFFFFFF0];
	vm2 =	vmmov vm4;
	vm4 =	veq.f32 v9, v9;
	v5 =	vadd.s32 $0xFFFFFFFF, v15  }
0x141: {  	vm5 =	vmand vm4, vm0;
	vm6 =	veq.f32 v10, v10;
	v15 =	vadd.s32 $0xFFFFFFFF, v18;
	v18, _, _ =	vpop (xrf0)  }
0x142: {  	vm7 =	veq.f32 v11, v11;
	v20 =	vsel vm5, $0x1, v0;
	v16 =	vadd.s32 v18, v16;
	v18 =	vld [tilespmem:s29+$0xFFFFFFE0]  }
0x143: {  	vm4 =	vmand vm6, vm0;
	vm6 =	vmand vm7, vm0;
	(xrf0) =	vadd.scan.msk.s32 $0xffff, v20;
	vm15 =	veq.f32 v12, v12  }
0x144: {  	v21 =	vsel vm6, $0x1, v0;
	vm7 =	vmand vm15, vm0;
	[tilespmem:v22+s20+$0x0] =	vst.idx.msk vm8, v17;
	v17 =	vld [tilespmem:s29+$0x0];
	v16 =	vadd.s32 $0xFFFFFFFF, v16  }
0x145: {  	(xrf0) =	vadd.scan.msk.s32 $0xffff, v21;
	v23 =	vsel vm7, $0x1, v0;
	v20 =	vmpcnt.ones.xlane vm7;
	[tilespmem:v5+s20+$0x0] =	vst.idx.msk vm1, v19  }
0x146: {  	s31 =	simm.s32 $0x4;
	v21 =	vsel vm4, $0x1, v0;
	(xrf0) =	vadd.scan.msk.s32 $0xffff, v23;
	v19 =	vmpcnt.ones.xlane vm6;
	[tilespmem:v22+s23+$0x0] =	vst.idx.msk vm8, v14;
	v14 =	vmovc v13  }
.LBB2_4:
0x147: {  	s31 =	sadd.s32 $0x4, s31;
	v20 =	vadd.s32 v13, v20;
	v23 =	vmpcnt.ones.xlane vm4;
	s28 =	sadd.s32 $0x40, s28;
	(xrf0) =	vadd.scan.msk.s32 $0xffff, v21;
	[tilespmem:v15+s20+$0x0] =	vst.idx.msk vm3, v18;
	s29 =	sadd.s32 $0x40, s29  }
0x148: {  	v18 =	vmpcnt.ones.xlane vm5;
	vm8 =	vmmov vm5;
	v22 =	vld [tilespmem:s28+$0x0];
	p0 =	slt.u32 s31, $0x7C;
	v19 =	vadd.s32 v20, v19;
	[tilespmem:v15+s23+$0x0] =	vst.idx.msk vm3, v8;
	v8 =	vmovc v12  }
0x149: {  	s30 =	sadd.s32 $0x40, s30;
	vm3 =	vmmov vm7;
	v21 =	vld [tilespmem:s28+$0xFFFFFFF0];
	v12 =	vadd.s32 v19, v23;
	v13, _, _ =	vpop (xrf0);
	[tilespmem:v16+s20+$0x0] =	vst.idx.msk vm2, v17  }
0x14a: {  	s1 =	sand.u32 $0x7C0, s30;
	v17 =	vld [tilespmem:s28+$0xFFFFFFE0];
	v15 =	vadd.s32 v13, v12;
	v13 =	vadd.s32 v12, v18;
	[tilespmem:v16+s23+$0x0] =	vst.idx.msk vm2, v7;
	v7 =	vmov v10  }
0x14b: {  	vm2 =	vmmov vm4;
	v12 =	vld [tilespmem:s1+$0x1000];
	v23 =	vadd.s32 $0xFFFFFFFF, v15;
	v10, _, _ =	vpop (xrf0);
	[tilespmem:v5+s23+$0x0] =	vst.idx.msk vm1, v6;
	v6 =	vmov v11  }
0x14c: {  	vm1 =	vmmov vm6;
	v5 =	vadd.s32 v10, v20;
	v20 =	vld [tilespmem:s29+$0x10];
	v10, _, _ =	vpop (xrf0)  }
0x14d: {  	vm4 =	veq.f32 v22, v22;
	v25 =	vadd.s32 v10, v14;
	v5 =	vadd.s32 $0xFFFFFFFF, v5;
	v24 =	vld [tilespmem:s29+$0xFFFFFFF0];
	v16, _, _ =	vpop (xrf0)  }
0x14e: {  	v14 =	vmovc v13;
	vm6 =	veq.f32 v21, v21;
	vm5 =	vmand vm4, vm0;
	v15 =	vadd.s32 $0xFFFFFFFF, v25;
	v10 =	vmovc v21  }
.Ltmp1:
0x14f: {  	vm7 =	veq.f32 v17, v17;
	vm4 =	vmand vm6, vm0;
	v21 =	vsel vm5, $0x1, v0;
	v18 =	vld [tilespmem:s29+$0xFFFFFFE0];
	v11 =	vmovc v17;
	(pc) =	sbr.rel @p0 .LBB2_4-.Ltmp1, $4  }
0x150: {  	v16 =	vadd.s32 v16, v19;
	vm9 =	veq.f32 v12, v12;
	vm6 =	vmand vm7, vm0;
	(xrf0) =	vadd.scan.msk.s32 $0xffff, v21  }
0x151: {  	v16 =	vadd.s32 $0xFFFFFFFF, v16;
	vm7 =	vmand vm9, vm0;
	v19 =	vsel vm6, $0x1, v0;
	v17 =	vld [tilespmem:s29+$0x0];
	[tilespmem:v23+s20+$0x0] =	vst.idx.msk vm8, v20  }
0x152: {  	v25 =	vsel vm7, $0x1, v0;
	v20 =	vmpcnt.ones.xlane vm7;
	(xrf0) =	vadd.scan.msk.s32 $0xffff, v19;
	[tilespmem:v5+s20+$0x0] =	vst.idx.msk vm1, v24  }
0x153: {  	v21 =	vsel vm4, $0x1, v0;
	v19 =	vmpcnt.ones.xlane vm6;
	(xrf0) =	vadd.scan.msk.s32 $0xffff, v25;
	[tilespmem:v23+s23+$0x0] =	vst.idx.msk vm8, v9;
	v9 =	vmovc v22  }
0x154: {  	_ = 	snop  }
0x155: {  	v13 =	vadd.s32 v13, v20;
	v20 =	vmpcnt.ones.xlane vm4  }
0x156: {  	v19 =	vadd.s32 v13, v19  }
0x157: {  	(xrf0) =	vadd.scan.msk.s32 $0xffff, v21;
	v20 =	vadd.s32 v19, v20;
	v21, _, _ =	vpop (xrf0)  }
0x158: {  	s1 =	sadd.s32 $0x40, s29;
	v21 =	vadd.s32 v21, v20  }
0x159: {  	[tilespmem:v15+s20+$0x0] =	vst.idx.msk vm3, v18;
	v22, _, _ =	vpop (xrf0);
	v18 =	vadd.s32 $0xFFFFFFFF, v21;
	v21 =	vld [tilespmem:s1+$0x10]  }
0x15a: {  	vm6 =	vmmov vm6;
	[tilespmem:v15+s23+$0x0] =	vst.idx.msk vm3, v8;
	v13 =	vadd.s32 v22, v13;
	v8, _, _ =	vpop (xrf0)  }
0x15b: {  	v15 =	vld [tilespmem:s1+$0xFFFFFFF0];
	[tilespmem:v16+s20+$0x0] =	vst.idx.msk vm2, v17;
	v13 =	vadd.s32 $0xFFFFFFFF, v13;
	v8 =	vadd.s32 v8, v14  }
0x15c: {  	[tilespmem:v16+s23+$0x0] =	vst.idx.msk vm2, v7;
	v14 =	vmpcnt.ones.xlane vm5;
	v16 =	vadd.s32 $0xFFFFFFFF, v8;
	v8 =	vld [tilespmem:s1+$0xFFFFFFE0]  }
0x15d: {  	[tilespmem:v5+s23+$0x0] =	vst.idx.msk vm1, v6;
	v7, _, _ =	vpop (xrf0)  }
0x15e: {  	v5 =	vadd.s32 v7, v19;
	v7 =	vadd.s32 v20, v14;
	[tilespmem:v18+s20+$0x0] =	vst.idx.msk vm5, v21  }
0x15f: {  	v6 =	vld [tilespmem:s1+$0x0];
	v5 =	vadd.s32 $0xFFFFFFFF, v5;
	v14 =	vadd.s32 $0xFFFFFFFF, v7;
	[tilespmem:v18+s23+$0x0] =	vst.idx.msk vm5, v9  }
0x160: {  	vm2 =	vgt.s32 v14, $0x0;
	[tilespmem:v13+s20+$0x0] =	vst.idx.msk vm6, v15  }
0x161: {  	[tilespmem:v16+s20+$0x0] =	vst.idx.msk vm7, v8;
	v8 =	vnsel vm2, $0x0, v14  }
0x162: {  	[tilespmem:v13+s23+$0x0] =	vst.idx.msk vm6, v11  }
0x163: {  	[tilespmem:v16+s23+$0x0] =	vst.idx.msk vm7, v12;
	v9 =	vmin.u32 v8, $0x3FF  }
0x164: {  	[tilespmem:v5+s20+$0x0] =	vst.idx.msk vm4, v6  }
0x165: {  	[tilespmem:v5+s23+$0x0] =	vst.idx.msk vm4, v10  }
0x166: {  	v6 =	vld.idx.msk [tilespmem:v8+s20+$0x0], $0xffff;
	_ =	sdelay $0x1  }
0x167: {  	v5 =	vld.idx.msk [tilespmem:v9+s20+$0x0], $0xffff;
	_ =	sdelay $0x2  }
0x168: {  	v10 =	vmul.f32 v6, v3  }
0x169: {  	vm1 =	vmmov vm4  }
0x16a: {  	vm1 =	vgt.s32 v7, $0x3FF;
	vm2 =	vle.f32 v5, v10  }
0x16b: {  	v5 =	vimm.s32 $0x0;
	vm2 =	vmand vm1, vm2  }
0x16c: {  	v11 =	vsel vm2, $0x400, v5  }
0x16d: {  	v12 =	vor.u32 $0x1FF, v11  }
0x16e: {  	v12 =	vmin.u32 v12, v8;
	_ =	sdelay $0x4  }
0x16f: {  	v12 =	vld.idx.msk [tilespmem:v12+s20+$0x0], $0xffff;
	_ =	sdelay $0x3  }
0x170: {  	vm3 =	vmmov vm7;
	v13 =	vor.u32 $0x200, v11  }
0x171: {  	vm2 =	vle.s32 v13, v7;
	vm3 =	vle.f32 v12, v10  }
0x172: {  	vm2 =	vmand vm3, vm2  }
0x173: {  	v11 =	vsel vm2, v13, v11  }
0x174: {  	v12 =	vor.u32 $0xFF, v11  }
0x175: {  	v12 =	vmin.u32 v12, v8;
	_ =	sdelay $0x4  }
0x176: {  	v12 =	vld.idx.msk [tilespmem:v12+s20+$0x0], $0xffff;
	_ =	sdelay $0x3  }
0x177: {  	v13 =	vor.u32 $0x100, v11  }
0x178: {  	vm2 =	vle.s32 v13, v7;
	vm3 =	vle.f32 v12, v10  }
0x179: {  	vm2 =	vmand vm3, vm2  }
0x17a: {  	v11 =	vsel vm2, v13, v11  }
0x17b: {  	v12 =	vor.u32 $0x7F, v11  }
0x17c: {  	v12 =	vmin.u32 v12, v8;
	_ =	sdelay $0x4  }
0x17d: {  	v12 =	vld.idx.msk [tilespmem:v12+s20+$0x0], $0xffff;
	_ =	sdelay $0x3  }
0x17e: {  	v13 =	vor.u32 $0x80, v11  }
0x17f: {  	vm2 =	vle.s32 v13, v7;
	vm3 =	vle.f32 v12, v10  }
0x180: {  	vm2 =	vmand vm3, vm2  }
0x181: {  	v11 =	vsel vm2, v13, v11  }
0x182: {  	v12 =	vadd.s32 $0x3F, v11  }
0x183: {  	v12 =	vmin.u32 v12, v8;
	_ =	sdelay $0x4  }
0x184: {  	v12 =	vld.idx.msk [tilespmem:v12+s20+$0x0], $0xffff;
	_ =	sdelay $0x3  }
0x185: {  	v13 =	vadd.s32 $0x40, v11  }
0x186: {  	vm2 =	vle.s32 v13, v7;
	vm3 =	vle.f32 v12, v10  }
0x187: {  	vm2 =	vmand vm3, vm2  }
0x188: {  	v11 =	vsel vm2, v13, v11  }
0x189: {  	v12 =	vadd.s32 $0x1F, v11  }
0x18a: {  	v12 =	vmin.u32 v12, v8;
	_ =	sdelay $0x4  }
0x18b: {  	v12 =	vld.idx.msk [tilespmem:v12+s20+$0x0], $0xffff;
	_ =	sdelay $0x3  }
0x18c: {  	v13 =	vadd.s32 $0x20, v11  }
0x18d: {  	vm2 =	vle.s32 v13, v7;
	vm3 =	vle.f32 v12, v10  }
0x18e: {  	vm2 =	vmand vm3, vm2  }
0x18f: {  	v11 =	vsel vm2, v13, v11  }
0x190: {  	v12 =	vadd.s32 $0xF, v11  }
0x191: {  	v12 =	vmin.u32 v12, v8;
	_ =	sdelay $0x4  }
0x192: {  	v12 =	vld.idx.msk [tilespmem:v12+s20+$0x0], $0xffff;
	_ =	sdelay $0x3  }
0x193: {  	v13 =	vadd.s32 $0x10, v11  }
0x194: {  	vm2 =	vle.s32 v13, v7;
	vm3 =	vle.f32 v12, v10  }
0x195: {  	vm2 =	vmand vm3, vm2  }
0x196: {  	v11 =	vsel vm2, v13, v11  }
0x197: {  	v12 =	vadd.s32 $0x7, v11  }
0x198: {  	v12 =	vmin.u32 v12, v8;
	_ =	sdelay $0x4  }
0x199: {  	v12 =	vld.idx.msk [tilespmem:v12+s20+$0x0], $0xffff;
	_ =	sdelay $0x3  }
0x19a: {  	v13 =	vadd.s32 $0x8, v11  }
0x19b: {  	vm2 =	vle.s32 v13, v7;
	vm3 =	vle.f32 v12, v10  }
0x19c: {  	vm2 =	vmand vm3, vm2  }
0x19d: {  	v11 =	vsel vm2, v13, v11  }
0x19e: {  	v12 =	vadd.s32 $0x3, v11  }
0x19f: {  	v12 =	vmin.u32 v12, v8;
	_ =	sdelay $0x4  }
0x1a0: {  	v12 =	vld.idx.msk [tilespmem:v12+s20+$0x0], $0xffff;
	_ =	sdelay $0x3  }
0x1a1: {  	v13 =	vadd.s32 $0x4, v11  }
0x1a2: {  	vm2 =	vle.s32 v13, v7;
	vm3 =	vle.f32 v12, v10  }
0x1a3: {  	vm2 =	vmand vm3, vm2  }
0x1a4: {  	v11 =	vsel vm2, v13, v11  }
0x1a5: {  	v12 =	vadd.s32 $0x1, v11  }
0x1a6: {  	v12 =	vmin.u32 v12, v8;
	_ =	sdelay $0x4  }
0x1a7: {  	v12 =	vld.idx.msk [tilespmem:v12+s20+$0x0], $0xffff;
	_ =	sdelay $0x3  }
0x1a8: {  	v13 =	vadd.s32 $0x2, v11  }
0x1a9: {  	vm2 =	vle.s32 v13, v7;
	vm3 =	vle.f32 v12, v10  }
0x1aa: {  	vm2 =	vmand vm3, vm2  }
0x1ab: {  	v11 =	vsel vm2, v13, v11  }
0x1ac: {  	v12 =	vmin.u32 v11, v8;
	_ =	sdelay $0x4  }
0x1ad: {  	v12 =	vld.idx.msk [tilespmem:v12+s20+$0x0], $0xffff;
	_ =	sdelay $0x4  }
0x1ae: {  	vm2 =	vle.f32 v12, v10  }
0x1af: {  	vm3 =	vge.s32 v11, v7;
	vm2 =	vmneg vm2  }
0x1b0: {  	vm2 =	vmor vm2, vm3  }
0x1b1: {  	v12 =	vsel vm2, $0xFFFFFFFF, v0  }
0x1b2: {  	v13 =	vadd.s32 $0xFFFFFFFE, v7;
	v11 =	vadd.s32 v12, v11  }
0x1b3: {  	vm2 =	vgt.s32 v13, $0x0;
	vm3 =	vgt.s32 v11, $0x0  }
0x1b4: {  	v12 =	vnsel vm2, $0x0, v13;
	v11 =	vnsel vm3, $0x0, v11  }
0x1b5: {  	v11 =	vmin.u32 v12, v11  }
0x1b6: {  	v13 =	vadd.s32 $0x1, v11;
	_ =	sdelay $0x3  }
0x1b7: {  	v14 =	vld.idx.msk [tilespmem:v11+s20+$0x0], $0xffff  }
0x1b8: {  	v15 =	vld.idx.msk [tilespmem:v13+s20+$0x0], $0xffff;
	_ =	sdelay $0x4  }
0x1b9: {  	v15 =	vsub.f32 v15, v14;
	_ =	sdelay $0x1  }
0x1ba: {  	(erf) = vrcp.f32 v15;
	_ =	sdelay $0x3  }
0x1bb: {  	v11 =	vld.idx.msk [tilespmem:v11+s23+$0x0], $0xffff  }
0x1bc: {  	v13 =	vld.idx.msk [tilespmem:v13+s23+$0x0], $0xffff;
	_ =	sdelay $0x2  }
0x1bd: {  	v15 =	vsub.f32 v10, v14  }
0x1be: {  	v16 =	vpop (erf)  }
0x1bf: {  	v13 =	vsub.f32 v13, v11;
	v15 =	vmul.f32 v16, v15;
	_ =	sdelay $0x1  }
0x1c0: {  	v16 =	vld.idx.msk [tilespmem:v8+s23+$0x0], $0xffff;
	v13 =	vmul.f32 v13, v15;
	_ =	sdelay $0x1  }
0x1c1: {  	v13 =	vadd.f32 v13, v11  }
0x1c2: {  	vm4 =	vgt.f32 v10, v6;
	vm2 =	veq.s32 v7, $0x1;
	vm3 =	vlt.f32 v10, v14  }
0x1c3: {  	v10 =	vsel vm3, v11, v13;
	vm3 =	vmor vm2, vm4  }
0x1c4: {  	v10 =	vsel vm3, v16, v10;
	vm3 =	veq.s32 v7, $0x0  }
0x1c5: {  	v10 =	vsel vm3, $0x0, v10  }
0x1c6: {  	[tilespmem:$0x29A0] =	vst v10  }
0x1c7: {  	v9 =	vld.idx.msk [tilespmem:v9+s20+$0x0], $0xffff;
	_ =	sdelay $0x2  }
0x1c8: {  	v10 =	vmul.f32 v6, v4;
	_ =	sdelay $0x1  }
0x1c9: {  	vm4 =	vle.f32 v9, v10  }
0x1ca: {  	vm1 =	vmand vm1, vm4  }
0x1cb: {  	v9 =	vsel vm1, $0x400, v5  }
0x1cc: {  	v11 =	vor.u32 $0x1FF, v9  }
0x1cd: {  	v11 =	vmin.u32 v11, v8;
	_ =	sdelay $0x4  }
0x1ce: {  	v11 =	vld.idx.msk [tilespmem:v11+s20+$0x0], $0xffff;
	_ =	sdelay $0x3  }
0x1cf: {  	v13 =	vor.u32 $0x200, v9  }
0x1d0: {  	vm1 =	vle.s32 v13, v7;
	vm4 =	vle.f32 v11, v10  }
0x1d1: {  	vm1 =	vmand vm4, vm1  }
0x1d2: {  	v9 =	vsel vm1, v13, v9  }
0x1d3: {  	v11 =	vor.u32 $0xFF, v9  }
0x1d4: {  	v11 =	vmin.u32 v11, v8;
	_ =	sdelay $0x4  }
0x1d5: {  	v11 =	vld.idx.msk [tilespmem:v11+s20+$0x0], $0xffff;
	_ =	sdelay $0x3  }
0x1d6: {  	v13 =	vor.u32 $0x100, v9  }
0x1d7: {  	vm1 =	vle.s32 v13, v7;
	vm4 =	vle.f32 v11, v10  }
0x1d8: {  	vm1 =	vmand vm4, vm1  }
0x1d9: {  	v9 =	vsel vm1, v13, v9  }
0x1da: {  	v11 =	vor.u32 $0x7F, v9  }
0x1db: {  	v11 =	vmin.u32 v11, v8;
	_ =	sdelay $0x4  }
0x1dc: {  	v11 =	vld.idx.msk [tilespmem:v11+s20+$0x0], $0xffff;
	_ =	sdelay $0x3  }
0x1dd: {  	v13 =	vor.u32 $0x80, v9  }
0x1de: {  	vm1 =	vle.s32 v13, v7;
	vm4 =	vle.f32 v11, v10  }
0x1df: {  	vm1 =	vmand vm4, vm1  }
0x1e0: {  	v9 =	vsel vm1, v13, v9  }
0x1e1: {  	v11 =	vadd.s32 $0x3F, v9  }
0x1e2: {  	v11 =	vmin.u32 v11, v8;
	_ =	sdelay $0x4  }
0x1e3: {  	v11 =	vld.idx.msk [tilespmem:v11+s20+$0x0], $0xffff;
	_ =	sdelay $0x3  }
0x1e4: {  	v13 =	vadd.s32 $0x40, v9  }
0x1e5: {  	vm1 =	vle.s32 v13, v7;
	vm4 =	vle.f32 v11, v10  }
0x1e6: {  	vm1 =	vmand vm4, vm1  }
0x1e7: {  	v9 =	vsel vm1, v13, v9  }
0x1e8: {  	v11 =	vadd.s32 $0x1F, v9  }
0x1e9: {  	v11 =	vmin.u32 v11, v8;
	_ =	sdelay $0x4  }
0x1ea: {  	v11 =	vld.idx.msk [tilespmem:v11+s20+$0x0], $0xffff;
	_ =	sdelay $0x3  }
0x1eb: {  	v13 =	vadd.s32 $0x20, v9  }
0x1ec: {  	vm1 =	vle.s32 v13, v7;
	vm4 =	vle.f32 v11, v10  }
0x1ed: {  	vm1 =	vmand vm4, vm1  }
0x1ee: {  	v9 =	vsel vm1, v13, v9  }
0x1ef: {  	v11 =	vadd.s32 $0xF, v9  }
0x1f0: {  	v11 =	vmin.u32 v11, v8;
	_ =	sdelay $0x4  }
0x1f1: {  	v11 =	vld.idx.msk [tilespmem:v11+s20+$0x0], $0xffff;
	_ =	sdelay $0x3  }
0x1f2: {  	v13 =	vadd.s32 $0x10, v9  }
0x1f3: {  	vm1 =	vle.s32 v13, v7;
	vm4 =	vle.f32 v11, v10  }
0x1f4: {  	vm1 =	vmand vm4, vm1  }
0x1f5: {  	v9 =	vsel vm1, v13, v9  }
0x1f6: {  	v11 =	vadd.s32 $0x7, v9  }
0x1f7: {  	v11 =	vmin.u32 v11, v8;
	_ =	sdelay $0x4  }
0x1f8: {  	v11 =	vld.idx.msk [tilespmem:v11+s20+$0x0], $0xffff;
	_ =	sdelay $0x3  }
0x1f9: {  	v13 =	vadd.s32 $0x8, v9  }
0x1fa: {  	vm1 =	vle.s32 v13, v7;
	vm4 =	vle.f32 v11, v10  }
0x1fb: {  	vm1 =	vmand vm4, vm1  }
0x1fc: {  	v9 =	vsel vm1, v13, v9  }
0x1fd: {  	v11 =	vadd.s32 $0x3, v9  }
0x1fe: {  	v11 =	vmin.u32 v11, v8;
	_ =	sdelay $0x4  }
0x1ff: {  	v11 =	vld.idx.msk [tilespmem:v11+s20+$0x0], $0xffff;
	_ =	sdelay $0x3  }
0x200: {  	v13 =	vadd.s32 $0x4, v9  }
0x201: {  	vm1 =	vle.s32 v13, v7;
	vm4 =	vle.f32 v11, v10  }
0x202: {  	vm1 =	vmand vm4, vm1  }
0x203: {  	v9 =	vsel vm1, v13, v9  }
0x204: {  	v11 =	vadd.s32 $0x1, v9  }
0x205: {  	v11 =	vmin.u32 v11, v8;
	_ =	sdelay $0x4  }
0x206: {  	v11 =	vld.idx.msk [tilespmem:v11+s20+$0x0], $0xffff;
	_ =	sdelay $0x3  }
0x207: {  	v13 =	vadd.s32 $0x2, v9  }
0x208: {  	vm1 =	vle.s32 v13, v7;
	vm4 =	vle.f32 v11, v10  }
0x209: {  	vm1 =	vmand vm4, vm1  }
0x20a: {  	v9 =	vsel vm1, v13, v9  }
0x20b: {  	v8 =	vmin.u32 v9, v8;
	_ =	sdelay $0x4  }
0x20c: {  	v8 =	vld.idx.msk [tilespmem:v8+s20+$0x0], $0xffff;
	_ =	sdelay $0x4  }
0x20d: {  	vm1 =	vle.f32 v8, v10  }
0x20e: {  	vm4 =	vge.s32 v9, v7;
	vm1 =	vmneg vm1  }
0x20f: {  	vm1 =	vmor vm1, vm4  }
0x210: {  	v7 =	vsel vm1, $0xFFFFFFFF, v0  }
0x211: {  	v7 =	vadd.s32 v7, v9  }
0x212: {  	vm1 =	vgt.s32 v7, $0x0  }
0x213: {  	v7 =	vnsel vm1, $0x0, v7  }
0x214: {  	v7 =	vmin.u32 v12, v7  }
0x215: {  	v8 =	vadd.s32 $0x1, v7;
	_ =	sdelay $0x3  }
0x216: {  	v9 =	vld.idx.msk [tilespmem:v7+s20+$0x0], $0xffff  }
0x217: {  	v11 =	vld.idx.msk [tilespmem:v8+s20+$0x0], $0xffff;
	_ =	sdelay $0x4  }
0x218: {  	v11 =	vsub.f32 v11, v9;
	_ =	sdelay $0x1  }
0x219: {  	(erf) = vrcp.f32 v11;
	_ =	sdelay $0x3  }
0x21a: {  	v7 =	vld.idx.msk [tilespmem:v7+s23+$0x0], $0xffff  }
0x21b: {  	v8 =	vld.idx.msk [tilespmem:v8+s23+$0x0], $0xffff;
	_ =	sdelay $0x2  }
0x21c: {  	v11 =	vsub.f32 v10, v9  }
0x21d: {  	v12 =	vpop (erf)  }
0x21e: {  	v8 =	vsub.f32 v8, v7;
	v11 =	vmul.f32 v12, v11;
	_ =	sdelay $0x1  }
0x21f: {  	v8 =	vmul.f32 v8, v11;
	_ =	sdelay $0x1  }
0x220: {  	v8 =	vadd.f32 v8, v7  }
0x221: {  	vm4 =	vgt.f32 v10, v6;
	vm1 =	vlt.f32 v10, v9  }
0x222: {  	v6 =	vsel vm1, v7, v8;
	vm1 =	vmor vm2, vm4  }
0x223: {  	v6 =	vsel vm1, v16, v6  }
0x224: {  	v6 =	vsel vm3, $0x0, v6  }
0x225: {  	[tilespmem:$0x29B0] =	vst v6  }
0x226: {  	[tilespmem:s17], [sflag:$0x2] =	stream.strided.gather [hbm4b:s5+s19], $0x800, s11, s19, $0x38;
	[tilespmem:$0x2A80] =	vst v63  }
0x227: {  	_ =	swait.ge [sflag:s22], $0x800  }
0x228: {  	[sflag:s22] =	ssyncset.done $0x0  }
0x229: {  	s31 =	simm.s32 $0x820;
	[sflag:s22] =	ssyncadd.s32 $0xFFFFF800  }
0x22a: {  	v13 =	vld [tilespmem:s31+$0xFFFFFFE0];
	_ =	sdelay $0x1  }
0x22b: {  	v12 =	vld [tilespmem:s31+$0xFFFFFFF0]  }
0x22c: {  	v11 =	vld [tilespmem:s31+$0x0];
	_ =	sdelay $0x1  }
0x22d: {  	v9 =	vld [tilespmem:s31+$0x10];
	vm1 =	veq.f32 v13, v13  }
0x22e: {  	vm2 =	vmand vm1, vm0  }
0x22f: {  	vm1 =	veq.f32 v12, v12;
	v6 =	vsel vm2, $0x1, v0  }
0x230: {  	vm3 =	veq.f32 v11, v11;
	vm1 =	vmand vm1, vm0;
	(xrf0) =	vadd.scan.msk.s32 $0xffff, v6  }
0x231: {  	vm3 =	vmand vm3, vm0;
	v7 =	vsel vm1, $0x1, v0;
	v6 =	vmpcnt.ones.xlane vm2  }
0x232: {  	s31 =	simm.s32 $0x860;
	vm4 =	veq.f32 v9, v9;
	v8 =	vsel vm3, $0x1, v0;
	(xrf0) =	vadd.scan.msk.s32 $0xffff, v7;
	v7 =	vmpcnt.ones.xlane vm1  }
0x233: {  	vm4 =	vmand vm4, vm0;
	(xrf0) =	vadd.scan.msk.s32 $0xffff, v8;
	v8 =	vld [tilespmem:s31+$0xFFFFFFE0];
	v14 =	vadd.s32 v5, v6;
	v6 =	vmpcnt.ones.xlane vm3  }
0x234: {  	v10 =	vld [tilespmem:s31+$0xFFFFFFF0];
	v15 =	vadd.s32 v14, v7;
	v7 =	vmpcnt.ones.xlane vm4  }
0x235: {  	v16 =	vadd.s32 v15, v6  }
0x236: {  	vm8 =	vmmov vm5;
	v17 =	vsel vm4, $0x1, v0;
	v18 =	vadd.s32 v16, v7;
	v7 =	vld [tilespmem:s31+$0x0];
	v19, _, _ =	vpop (xrf0)  }
0x237: {  	vm5 =	vmmov vm3;
	vm2 =	vmmov vm2;
	v5 =	vadd.s32 v19, v5  }
0x238: {  	vm1 =	vmmov vm1;
	v6 =	vld [tilespmem:s31+$0x10];
	s31 =	simm.s32 $0x20;
	(xrf0) =	vadd.scan.msk.s32 $0xffff, v17;
	v19, _, _ =	vpop (xrf0);
	vm3 =	veq.f32 v8, v8;
	v26 =	vadd.s32 $0xFFFFFFFF, v5  }
0x239: {  	v17 =	vld [tilespmem:s31+$0xFFFFFFE0];
	v5 =	vadd.s32 v19, v14;
	v14, _, _ =	vpop (xrf0);
	vm6 =	vmand vm3, vm0;
	vm3 =	veq.f32 v10, v10  }
0x23a: {  	v15 =	vadd.s32 v14, v15;
	v14 =	vmpcnt.ones.xlane vm6;
	vm3 =	vmand vm3, vm0  }
0x23b: {  	v19 =	vsel vm6, $0x1, v0;
	v25 =	vadd.s32 $0xFFFFFFFF, v5;
	vm7 =	veq.f32 v7, v7  }
0x23c: {  	v20 =	vmpcnt.ones.xlane vm3;
	v21 =	vsel vm3, $0x1, v0;
	(xrf0) =	vadd.scan.msk.s32 $0xffff, v19;
	vm8 =	vmand vm7, vm0  }
0x23d: {  	v28 =	vld [tilespmem:s31+$0xFFFFFFF0];
	vm7 =	veq.f32 v6, v6;
	v19 =	vadd.s32 v18, v14;
	(xrf0) =	vadd.scan.msk.s32 $0xffff, v21;
	v14 =	vmpcnt.ones.xlane vm8  }
0x23e: {  	s29 =	simm.s32 $0x8A0;
	v23 =	vld [tilespmem:s31+$0x0];
	vm9 =	vmand vm7, vm0;
	v5, _, _ =	vpop (xrf0);
	v20 =	vadd.s32 v19, v20;
	[tilespmem:v26+s20+$0x0] =	vst.idx.msk vm2, v17;
	v17 =	vsel vm8, $0x1, v0  }
0x23f: {  	v21 =	vmpcnt.ones.xlane vm9;
	v16 =	vadd.s32 v5, v16;
	v27 =	vsel vm9, $0x1, v0;
	v5 =	vld [tilespmem:s29+$0xFFFFFFE0];
	(xrf0) =	vadd.scan.msk.s32 $0xffff, v17  }
0x240: {  	vm4 =	vmmov vm4;
	v22 =	vld [tilespmem:s31+$0x10];
	vm7 =	vmmov vm5;
	v14 =	vadd.s32 v20, v14;
	(xrf0) =	vadd.scan.msk.s32 $0xffff, v27  }
0x241: {  	v24 =	vadd.s32 $0xFFFFFFFF, v15;
	v17 =	vadd.s32 v14, v21;
	v21 =	vadd.s32 $0xFFFFFFFF, v16;
	v16 =	vld [tilespmem:s29+$0xFFFFFFF0]  }
0x242: {  	v15 =	vld [tilespmem:s29+$0x0];
	vm5 =	vmmov vm8;
	[tilespmem:v26+s23+$0x0] =	vst.idx.msk vm2, v13;
	vm2 =	vmmov vm6;
	vm6 =	vmmov vm4;
	v26, _, _ =	vpop (xrf0)  }
0x243: {  	s30 =	simm.s32 $0x8;
	s28 =	simm.s32 $0x60;
	vm4 =	vmmov vm9;
	v13 =	vld [tilespmem:s29+$0x10];
	[tilespmem:v25+s20+$0x0] =	vst.idx.msk vm1, v28;
	v27 =	vadd.s32 v26, v18;
	v26, _, _ =	vpop (xrf0);
	v18 =	vmov v17  }
.LBB2_6:
0x244: {  	vm8 =	veq.f32 v5, v5;
	v27 =	vadd.s32 $0xFFFFFFFF, v27  }
0x245: {  	s30 =	sadd.s32 $0x4, s30;
	v28 =	vld [tilespmem:s28+$0xFFFFFFE0];
	v26 =	vadd.s32 v26, v19;
	v19, _, _ =	vpop (xrf0);
	[tilespmem:v25+s23+$0x0] =	vst.idx.msk vm1, v12;
	v12 =	vmov v10;
	vm1 =	vmmov vm3  }
0x246: {  	p0 =	slt.u32 s30, $0x7C;
	vm8 =	vmand vm8, vm0;
	vm3 =	veq.f32 v16, v16;
	v29 =	vadd.s32 v19, v20;
	v25, _, _ =	vpop (xrf0);
	[tilespmem:v24+s20+$0x0] =	vst.idx.msk vm7, v23  }
0x247: {  	v10 =	vmovc v16;
	v19 =	vmpcnt.ones.xlane vm8;
	vm3 =	vmand vm3, vm0;
	vm9 =	veq.f32 v15, v15;
	[tilespmem:v24+s23+$0x0] =	vst.idx.msk vm7, v11  }
0x248: {  	v11 =	vmovc v7;
	v16 =	vmpcnt.ones.xlane vm3;
	vm9 =	vmand vm9, vm0;
	vm7 =	veq.f32 v13, v13;
	[tilespmem:v21+s20+$0x0] =	vst.idx.msk vm6, v22  }
0x249: {  	v7 =	vmovc v15;
	v19 =	vadd.s32 v17, v19;
	v17 =	vmpcnt.ones.xlane vm9;
	vm10 =	vmand vm7, vm0;
	[tilespmem:v21+s23+$0x0] =	vst.idx.msk vm6, v9  }
0x24a: {  	v15 =	vsel vm8, $0x1, v0;
	v9 =	vmovc v6;
	v20 =	vadd.s32 v19, v16;
	v16 =	vmpcnt.ones.xlane vm10;
	[tilespmem:v27+s20+$0x0] =	vst.idx.msk vm2, v28  }
0x24b: {  	v21 =	vsel vm3, $0x1, v0;
	v22 =	vsel vm9, $0x1, v0;
	v6 =	vmovc v13;
	v24 =	vadd.s32 v20, v17;
	(xrf0) =	vadd.scan.msk.s32 $0xffff, v15;
	v28 =	vld [tilespmem:s28+$0xFFFFFFF0]  }
0x24c: {  	v13 =	vsel vm10, $0x1, v0;
	v15 =	vadd.s32 v25, v14;
	v17 =	vadd.s32 v24, v16;
	(xrf0) =	vadd.scan.msk.s32 $0xffff, v21;
	v23 =	vld [tilespmem:s28+$0x0];
	v14 =	vmovc v24  }
0x24d: {  	s29 =	sadd.s32 $0x40, s29;
	v25 =	vadd.s32 $0xFFFFFFFF, v26;
	v24 =	vadd.s32 $0xFFFFFFFF, v29;
	v21 =	vadd.s32 $0xFFFFFFFF, v15;
	(xrf0) =	vadd.scan.msk.s32 $0xffff, v22;
	v22 =	vld [tilespmem:s28+$0x10]  }
.Ltmp2:
0x24e: {  	vm7 =	vmmov vm5;
	(xrf0) =	vadd.scan.msk.s32 $0xffff, v13;
	[tilespmem:v27+s23+$0x0] =	vst.idx.msk vm2, v8;
	v8 =	vmovc v5;
	v5 =	vld [tilespmem:s29+$0xFFFFFFE0];
	vm2 =	vmmov vm8;
	(pc) =	sbr.rel @p0 .LBB2_6-.Ltmp2, $4  }
0x24f: {  	vm5 =	vmmov vm9;
	vm6 =	vmmov vm4;
	vm4 =	vmmov vm10;
	v16 =	vld [tilespmem:s29+$0xFFFFFFF0]  }
0x250: {  	v15 =	vld [tilespmem:s29+$0x0]  }
0x251: {  	v13 =	vld [tilespmem:s29+$0x10];
	v26, _, _ =	vpop (xrf0)  }
0x252: {  	s28 =	sadd.s32 $0x40, s28;
	v27 =	vadd.s32 v26, v18;
	v26, _, _ =	vpop (xrf0);
	[tilespmem:v25+s20+$0x0] =	vst.idx.msk vm1, v28;
	v18 =	vmov v17  }
0x253: {  	_ =	sdelay $0x2  }
0x254: {  	vm8 =	veq.f32 v5, v5  }
0x255: {  	v27 =	vadd.s32 $0xFFFFFFFF, v27;
	v19 =	vadd.s32 v26, v19;
	vm8 =	vmand vm8, vm0  }
0x256: {  	[tilespmem:v25+s23+$0x0] =	vst.idx.msk vm1, v12;
	v62 =	vld [tilespmem:s28+$0xFFFFFFE0];
	vm3 =	vmmov vm3;
	vm1 =	veq.f32 v16, v16;
	v12 =	vsel vm8, $0x1, v0  }
0x257: {  	v63, _, _ =	vpop (xrf0);
	[tilespmem:v24+s20+$0x0] =	vst.idx.msk vm7, v23;
	v19 =	vadd.s32 $0xFFFFFFFF, v19;
	vm1 =	vmand vm1, vm0;
	(xrf0) =	vadd.scan.msk.s32 $0xffff, v12  }
0x258: {  	[tilespmem:v24+s23+$0x0] =	vst.idx.msk vm7, v11;
	v11 =	vld [tilespmem:s28+$0xFFFFFFF0];
	vm9 =	veq.f32 v15, v15;
	v12 =	vadd.s32 v63, v20;
	v20 =	vsel vm1, $0x1, v0  }
0x259: {  	[tilespmem:v21+s20+$0x0] =	vst.idx.msk vm6, v22;
	vm14 =	vmmov vm5;
	vm7 =	vmand vm9, vm0;
	(xrf0) =	vadd.scan.msk.s32 $0xffff, v20  }
0x25a: {  	vm4 =	vmmov vm4;
	[tilespmem:v21+s23+$0x0] =	vst.idx.msk vm6, v9;
	vm10 =	veq.f32 v13, v13;
	v20 =	vsel vm7, $0x1, v0  }
0x25b: {  	v22, _, _ =	vpop (xrf0);
	v9 =	vld [tilespmem:s28+$0x0];
	vm5 =	vmand vm10, vm0;
	v12 =	vadd.s32 $0xFFFFFFFF, v12;
	(xrf0) =	vadd.scan.msk.s32 $0xffff, v20;
	[tilespmem:v27+s20+$0x0] =	vst.idx.msk vm2, v62  }
0x25c: {  	v14 =	vadd.s32 v22, v14;
	v21 =	vmpcnt.ones.xlane vm8;
	v20 =	vsel vm5, $0x1, v0;
	[tilespmem:v27+s23+$0x0] =	vst.idx.msk vm2, v8  }
0x25d: {  	v22 =	vld [tilespmem:s28+$0x10];
	v14 =	vadd.s32 $0xFFFFFFFF, v14;
	(xrf0) =	vadd.scan.msk.s32 $0xffff, v20;
	[tilespmem:v19+s20+$0x0] =	vst.idx.msk vm3, v11;
	v11 =	vmpcnt.ones.xlane vm1;
	v8, _, _ =	vpop (xrf0)  }
0x25e: {  	s1 =	sadd.s32 $0x40, s28;
	v8 =	vadd.s32 v8, v18  }
0x25f: {  	v17 =	vadd.s32 v17, v21;
	v20 =	vld [tilespmem:s1+$0xFFFFFFE0];
	[tilespmem:v19+s23+$0x0] =	vst.idx.msk vm3, v10;
	v10 =	vmpcnt.ones.xlane vm7;
	v18, _, _ =	vpop (xrf0);
	v8 =	vadd.s32 $0xFFFFFFFF, v8  }
0x260: {  	vm1 =	vmmov vm1;
	[tilespmem:v12+s20+$0x0] =	vst.idx.msk vm14, v9;
	v18 =	vadd.s32 v18, v17  }
0x261: {  	vm3 =	vmmov vm7;
	v9 =	vadd.s32 v17, v11;
	[tilespmem:v12+s23+$0x0] =	vst.idx.msk vm14, v7;
	v12 =	vld [tilespmem:s1+$0xFFFFFFF0];
	v11, _, _ =	vpop (xrf0);
	v17 =	vadd.s32 $0xFFFFFFFF, v18  }
0x262: {  	[tilespmem:v14+s20+$0x0] =	vst.idx.msk vm4, v22;
	vm3 =	vmmov vm3;
	v7 =	vmpcnt.ones.xlane vm5;
	v11 =	vadd.s32 v11, v9  }
0x263: {  	[tilespmem:v14+s23+$0x0] =	vst.idx.msk vm4, v6;
	v6 =	vld [tilespmem:s1+$0x0];
	v9 =	vadd.s32 v9, v10;
	v10, _, _ =	vpop (xrf0);
	v11 =	vadd.s32 $0xFFFFFFFF, v11  }
0x264: {  	vm5 =	vmmov vm5;
	v7 =	vadd.s32 v9, v7;
	v9 =	vadd.s32 v10, v9;
	[tilespmem:v8+s20+$0x0] =	vst.idx.msk vm8, v20  }
0x265: {  	vm2 =	vmmov vm8;
	v10 =	vld [tilespmem:s1+$0x10];
	v9 =	vadd.s32 $0xFFFFFFFF, v9;
	[tilespmem:v8+s23+$0x0] =	vst.idx.msk vm8, v5;
	v5 =	vadd.s32 $0xFFFFFFFF, v7  }
0x266: {  	[tilespmem:v17+s20+$0x0] =	vst.idx.msk vm1, v12;
	vm2 =	vgt.s32 v5, $0x0  }
0x267: {  	[tilespmem:v17+s23+$0x0] =	vst.idx.msk vm1, v16;
	v8 =	vnsel vm2, $0x0, v5  }
0x268: {  	[tilespmem:v11+s20+$0x0] =	vst.idx.msk vm3, v6  }
0x269: {  	[tilespmem:v11+s23+$0x0] =	vst.idx.msk vm3, v15;
	v11 =	vmin.u32 v8, $0x3FF  }
0x26a: {  	[tilespmem:v9+s20+$0x0] =	vst.idx.msk vm5, v10  }
0x26b: {  	[tilespmem:v9+s23+$0x0] =	vst.idx.msk vm5, v13  }
0x26c: {  	v6 =	vld.idx.msk [tilespmem:v8+s20+$0x0], $0xffff;
	_ =	sdelay $0x1  }
0x26d: {  	v5 =	vld.idx.msk [tilespmem:v11+s20+$0x0], $0xffff;
	_ =	sdelay $0x2  }
0x26e: {  	v9 =	vmul.f32 v6, v3;
	_ =	sdelay $0x1  }
0x26f: {  	vm1 =	vgt.s32 v7, $0x3FF;
	vm2 =	vle.f32 v5, v9  }
0x270: {  	v5 =	vimm.s32 $0x0;
	vm2 =	vmand vm1, vm2  }
0x271: {  	v10 =	vsel vm2, $0x400, v5  }
0x272: {  	v12 =	vor.u32 $0x1FF, v10  }
0x273: {  	v12 =	vmin.u32 v12, v8;
	_ =	sdelay $0x4  }
0x274: {  	v12 =	vld.idx.msk [tilespmem:v12+s20+$0x0], $0xffff;
	_ =	sdelay $0x3  }
0x275: {  	v13 =	vor.u32 $0x200, v10  }
0x276: {  	vm2 =	vle.s32 v13, v7;
	vm3 =	vle.f32 v12, v9  }
0x277: {  	vm2 =	vmand vm3, vm2  }
0x278: {  	v10 =	vsel vm2, v13, v10  }
0x279: {  	v12 =	vor.u32 $0xFF, v10  }
0x27a: {  	v12 =	vmin.u32 v12, v8;
	_ =	sdelay $0x4  }
0x27b: {  	v12 =	vld.idx.msk [tilespmem:v12+s20+$0x0], $0xffff;
	_ =	sdelay $0x3  }
0x27c: {  	v13 =	vor.u32 $0x100, v10  }
0x27d: {  	vm2 =	vle.s32 v13, v7;
	vm3 =	vle.f32 v12, v9  }
0x27e: {  	vm2 =	vmand vm3, vm2  }
0x27f: {  	v10 =	vsel vm2, v13, v10  }
0x280: {  	v12 =	vor.u32 $0x7F, v10  }
0x281: {  	v12 =	vmin.u32 v12, v8;
	_ =	sdelay $0x4  }
0x282: {  	v12 =	vld.idx.msk [tilespmem:v12+s20+$0x0], $0xffff;
	_ =	sdelay $0x3  }
0x283: {  	v13 =	vor.u32 $0x80, v10  }
0x284: {  	vm2 =	vle.s32 v13, v7;
	vm3 =	vle.f32 v12, v9  }
0x285: {  	vm2 =	vmand vm3, vm2  }
0x286: {  	v10 =	vsel vm2, v13, v10  }
0x287: {  	v12 =	vadd.s32 $0x3F, v10  }
0x288: {  	v12 =	vmin.u32 v12, v8;
	_ =	sdelay $0x4  }
0x289: {  	v12 =	vld.idx.msk [tilespmem:v12+s20+$0x0], $0xffff;
	_ =	sdelay $0x3  }
0x28a: {  	v13 =	vadd.s32 $0x40, v10  }
0x28b: {  	vm2 =	vle.s32 v13, v7;
	vm3 =	vle.f32 v12, v9  }
0x28c: {  	vm2 =	vmand vm3, vm2  }
0x28d: {  	v10 =	vsel vm2, v13, v10  }
0x28e: {  	v12 =	vadd.s32 $0x1F, v10  }
0x28f: {  	v12 =	vmin.u32 v12, v8;
	_ =	sdelay $0x4  }
0x290: {  	v12 =	vld.idx.msk [tilespmem:v12+s20+$0x0], $0xffff;
	_ =	sdelay $0x3  }
0x291: {  	v13 =	vadd.s32 $0x20, v10  }
0x292: {  	vm2 =	vle.s32 v13, v7;
	vm3 =	vle.f32 v12, v9  }
0x293: {  	vm2 =	vmand vm3, vm2  }
0x294: {  	v10 =	vsel vm2, v13, v10  }
0x295: {  	v12 =	vadd.s32 $0xF, v10  }
0x296: {  	v12 =	vmin.u32 v12, v8;
	_ =	sdelay $0x4  }
0x297: {  	v12 =	vld.idx.msk [tilespmem:v12+s20+$0x0], $0xffff;
	_ =	sdelay $0x3  }
0x298: {  	v13 =	vadd.s32 $0x10, v10  }
0x299: {  	vm2 =	vle.s32 v13, v7;
	vm3 =	vle.f32 v12, v9  }
0x29a: {  	vm2 =	vmand vm3, vm2  }
0x29b: {  	v10 =	vsel vm2, v13, v10  }
0x29c: {  	v12 =	vadd.s32 $0x7, v10  }
0x29d: {  	v12 =	vmin.u32 v12, v8;
	_ =	sdelay $0x4  }
0x29e: {  	v12 =	vld.idx.msk [tilespmem:v12+s20+$0x0], $0xffff;
	_ =	sdelay $0x3  }
0x29f: {  	v13 =	vadd.s32 $0x8, v10  }
0x2a0: {  	vm2 =	vle.s32 v13, v7;
	vm3 =	vle.f32 v12, v9  }
0x2a1: {  	vm2 =	vmand vm3, vm2  }
0x2a2: {  	v10 =	vsel vm2, v13, v10  }
0x2a3: {  	v12 =	vadd.s32 $0x3, v10  }
0x2a4: {  	v12 =	vmin.u32 v12, v8;
	_ =	sdelay $0x4  }
0x2a5: {  	v12 =	vld.idx.msk [tilespmem:v12+s20+$0x0], $0xffff;
	_ =	sdelay $0x3  }
0x2a6: {  	v13 =	vadd.s32 $0x4, v10  }
0x2a7: {  	vm2 =	vle.s32 v13, v7;
	vm3 =	vle.f32 v12, v9  }
0x2a8: {  	vm2 =	vmand vm3, vm2  }
0x2a9: {  	v10 =	vsel vm2, v13, v10  }
0x2aa: {  	v12 =	vadd.s32 $0x1, v10  }
0x2ab: {  	v12 =	vmin.u32 v12, v8;
	_ =	sdelay $0x4  }
0x2ac: {  	v12 =	vld.idx.msk [tilespmem:v12+s20+$0x0], $0xffff;
	_ =	sdelay $0x3  }
0x2ad: {  	v13 =	vadd.s32 $0x2, v10  }
0x2ae: {  	vm2 =	vle.s32 v13, v7;
	vm3 =	vle.f32 v12, v9  }
0x2af: {  	vm2 =	vmand vm3, vm2  }
0x2b0: {  	v10 =	vsel vm2, v13, v10  }
0x2b1: {  	v12 =	vmin.u32 v10, v8;
	_ =	sdelay $0x4  }
0x2b2: {  	v12 =	vld.idx.msk [tilespmem:v12+s20+$0x0], $0xffff;
	_ =	sdelay $0x4  }
0x2b3: {  	vm2 =	vle.f32 v12, v9  }
0x2b4: {  	vm3 =	vge.s32 v10, v7;
	vm2 =	vmneg vm2  }
0x2b5: {  	vm2 =	vmor vm2, vm3  }
0x2b6: {  	v12 =	vsel vm2, $0xFFFFFFFF, v0  }
0x2b7: {  	v13 =	vadd.s32 $0xFFFFFFFE, v7;
	v10 =	vadd.s32 v12, v10  }
0x2b8: {  	vm2 =	vgt.s32 v13, $0x0;
	vm3 =	vgt.s32 v10, $0x0  }
0x2b9: {  	v12 =	vnsel vm2, $0x0, v13;
	v10 =	vnsel vm3, $0x0, v10  }
0x2ba: {  	v10 =	vmin.u32 v12, v10  }
0x2bb: {  	v13 =	vadd.s32 $0x1, v10;
	_ =	sdelay $0x3  }
0x2bc: {  	v14 =	vld.idx.msk [tilespmem:v10+s20+$0x0], $0xffff  }
0x2bd: {  	v15 =	vld.idx.msk [tilespmem:v13+s20+$0x0], $0xffff;
	_ =	sdelay $0x4  }
0x2be: {  	v15 =	vsub.f32 v15, v14;
	_ =	sdelay $0x1  }
0x2bf: {  	(erf) = vrcp.f32 v15;
	_ =	sdelay $0x3  }
0x2c0: {  	v10 =	vld.idx.msk [tilespmem:v10+s23+$0x0], $0xffff  }
0x2c1: {  	v13 =	vld.idx.msk [tilespmem:v13+s23+$0x0], $0xffff;
	_ =	sdelay $0x2  }
0x2c2: {  	v15 =	vsub.f32 v9, v14  }
0x2c3: {  	v16 =	vpop (erf)  }
0x2c4: {  	v13 =	vsub.f32 v13, v10;
	v15 =	vmul.f32 v16, v15;
	_ =	sdelay $0x1  }
0x2c5: {  	v16 =	vld.idx.msk [tilespmem:v8+s23+$0x0], $0xffff;
	v13 =	vmul.f32 v13, v15;
	_ =	sdelay $0x1  }
0x2c6: {  	vm4 =	vmmov vm5;
	v13 =	vadd.f32 v13, v10  }
0x2c7: {  	vm4 =	vgt.f32 v9, v6;
	vm2 =	veq.s32 v7, $0x1;
	vm3 =	vlt.f32 v9, v14  }
0x2c8: {  	v9 =	vsel vm3, v10, v13;
	vm3 =	vmor vm2, vm4  }
0x2c9: {  	v9 =	vsel vm3, v16, v9;
	vm3 =	veq.s32 v7, $0x0  }
0x2ca: {  	v9 =	vsel vm3, $0x0, v9  }
0x2cb: {  	[tilespmem:$0x29C0] =	vst v9  }
0x2cc: {  	v9 =	vld.idx.msk [tilespmem:v11+s20+$0x0], $0xffff;
	_ =	sdelay $0x2  }
0x2cd: {  	v10 =	vmul.f32 v6, v4;
	_ =	sdelay $0x1  }
0x2ce: {  	vm4 =	vle.f32 v9, v10  }
0x2cf: {  	vm1 =	vmand vm1, vm4  }
0x2d0: {  	v9 =	vsel vm1, $0x400, v5  }
0x2d1: {  	v11 =	vor.u32 $0x1FF, v9  }
0x2d2: {  	v11 =	vmin.u32 v11, v8;
	_ =	sdelay $0x4  }
0x2d3: {  	v11 =	vld.idx.msk [tilespmem:v11+s20+$0x0], $0xffff;
	_ =	sdelay $0x3  }
0x2d4: {  	v13 =	vor.u32 $0x200, v9  }
0x2d5: {  	vm1 =	vle.s32 v13, v7;
	vm4 =	vle.f32 v11, v10  }
0x2d6: {  	vm1 =	vmand vm4, vm1  }
0x2d7: {  	v9 =	vsel vm1, v13, v9  }
0x2d8: {  	v11 =	vor.u32 $0xFF, v9  }
0x2d9: {  	v11 =	vmin.u32 v11, v8;
	_ =	sdelay $0x4  }
0x2da: {  	v11 =	vld.idx.msk [tilespmem:v11+s20+$0x0], $0xffff;
	_ =	sdelay $0x3  }
0x2db: {  	v13 =	vor.u32 $0x100, v9  }
0x2dc: {  	vm1 =	vle.s32 v13, v7;
	vm4 =	vle.f32 v11, v10  }
0x2dd: {  	vm1 =	vmand vm4, vm1  }
0x2de: {  	v9 =	vsel vm1, v13, v9  }
0x2df: {  	v11 =	vor.u32 $0x7F, v9  }
0x2e0: {  	v11 =	vmin.u32 v11, v8;
	_ =	sdelay $0x4  }
0x2e1: {  	v11 =	vld.idx.msk [tilespmem:v11+s20+$0x0], $0xffff;
	_ =	sdelay $0x3  }
0x2e2: {  	v13 =	vor.u32 $0x80, v9  }
0x2e3: {  	vm1 =	vle.s32 v13, v7;
	vm4 =	vle.f32 v11, v10  }
0x2e4: {  	vm1 =	vmand vm4, vm1  }
0x2e5: {  	v9 =	vsel vm1, v13, v9  }
0x2e6: {  	v11 =	vadd.s32 $0x3F, v9  }
0x2e7: {  	v11 =	vmin.u32 v11, v8;
	_ =	sdelay $0x4  }
0x2e8: {  	v11 =	vld.idx.msk [tilespmem:v11+s20+$0x0], $0xffff;
	_ =	sdelay $0x3  }
0x2e9: {  	v13 =	vadd.s32 $0x40, v9  }
0x2ea: {  	vm1 =	vle.s32 v13, v7;
	vm4 =	vle.f32 v11, v10  }
0x2eb: {  	vm1 =	vmand vm4, vm1  }
0x2ec: {  	v9 =	vsel vm1, v13, v9  }
0x2ed: {  	v11 =	vadd.s32 $0x1F, v9  }
0x2ee: {  	v11 =	vmin.u32 v11, v8;
	_ =	sdelay $0x4  }
0x2ef: {  	v11 =	vld.idx.msk [tilespmem:v11+s20+$0x0], $0xffff;
	_ =	sdelay $0x3  }
0x2f0: {  	v13 =	vadd.s32 $0x20, v9  }
0x2f1: {  	vm1 =	vle.s32 v13, v7;
	vm4 =	vle.f32 v11, v10  }
0x2f2: {  	vm1 =	vmand vm4, vm1  }
0x2f3: {  	v9 =	vsel vm1, v13, v9  }
0x2f4: {  	v11 =	vadd.s32 $0xF, v9  }
0x2f5: {  	v11 =	vmin.u32 v11, v8;
	_ =	sdelay $0x4  }
0x2f6: {  	v11 =	vld.idx.msk [tilespmem:v11+s20+$0x0], $0xffff;
	_ =	sdelay $0x3  }
0x2f7: {  	v13 =	vadd.s32 $0x10, v9  }
0x2f8: {  	vm1 =	vle.s32 v13, v7;
	vm4 =	vle.f32 v11, v10  }
0x2f9: {  	vm1 =	vmand vm4, vm1  }
0x2fa: {  	v9 =	vsel vm1, v13, v9  }
0x2fb: {  	v11 =	vadd.s32 $0x7, v9  }
0x2fc: {  	v11 =	vmin.u32 v11, v8;
	_ =	sdelay $0x4  }
0x2fd: {  	v11 =	vld.idx.msk [tilespmem:v11+s20+$0x0], $0xffff;
	_ =	sdelay $0x3  }
0x2fe: {  	v13 =	vadd.s32 $0x8, v9  }
0x2ff: {  	vm1 =	vle.s32 v13, v7;
	vm4 =	vle.f32 v11, v10  }
0x300: {  	vm1 =	vmand vm4, vm1  }
0x301: {  	v9 =	vsel vm1, v13, v9  }
0x302: {  	v11 =	vadd.s32 $0x3, v9  }
0x303: {  	v11 =	vmin.u32 v11, v8;
	_ =	sdelay $0x4  }
0x304: {  	v11 =	vld.idx.msk [tilespmem:v11+s20+$0x0], $0xffff;
	_ =	sdelay $0x3  }
0x305: {  	v13 =	vadd.s32 $0x4, v9  }
0x306: {  	vm1 =	vle.s32 v13, v7;
	vm4 =	vle.f32 v11, v10  }
0x307: {  	vm1 =	vmand vm4, vm1  }
0x308: {  	v9 =	vsel vm1, v13, v9  }
0x309: {  	v11 =	vadd.s32 $0x1, v9  }
0x30a: {  	v11 =	vmin.u32 v11, v8;
	_ =	sdelay $0x4  }
0x30b: {  	v11 =	vld.idx.msk [tilespmem:v11+s20+$0x0], $0xffff;
	_ =	sdelay $0x3  }
0x30c: {  	v13 =	vadd.s32 $0x2, v9  }
0x30d: {  	vm1 =	vle.s32 v13, v7;
	vm4 =	vle.f32 v11, v10  }
0x30e: {  	vm1 =	vmand vm4, vm1  }
0x30f: {  	v9 =	vsel vm1, v13, v9  }
0x310: {  	v8 =	vmin.u32 v9, v8;
	_ =	sdelay $0x4  }
0x311: {  	v8 =	vld.idx.msk [tilespmem:v8+s20+$0x0], $0xffff;
	_ =	sdelay $0x4  }
0x312: {  	vm1 =	vle.f32 v8, v10  }
0x313: {  	vm4 =	vge.s32 v9, v7;
	vm1 =	vmneg vm1  }
0x314: {  	vm1 =	vmor vm1, vm4  }
0x315: {  	v7 =	vsel vm1, $0xFFFFFFFF, v0  }
0x316: {  	v7 =	vadd.s32 v7, v9  }
0x317: {  	vm1 =	vgt.s32 v7, $0x0  }
0x318: {  	v7 =	vnsel vm1, $0x0, v7  }
0x319: {  	v7 =	vmin.u32 v12, v7  }
0x31a: {  	v8 =	vadd.s32 $0x1, v7;
	_ =	sdelay $0x3  }
0x31b: {  	v9 =	vld.idx.msk [tilespmem:v7+s20+$0x0], $0xffff  }
0x31c: {  	v11 =	vld.idx.msk [tilespmem:v8+s20+$0x0], $0xffff;
	_ =	sdelay $0x4  }
0x31d: {  	v11 =	vsub.f32 v11, v9;
	_ =	sdelay $0x1  }
0x31e: {  	(erf) = vrcp.f32 v11;
	_ =	sdelay $0x3  }
0x31f: {  	v7 =	vld.idx.msk [tilespmem:v7+s23+$0x0], $0xffff  }
0x320: {  	v8 =	vld.idx.msk [tilespmem:v8+s23+$0x0], $0xffff;
	_ =	sdelay $0x2  }
0x321: {  	v11 =	vsub.f32 v10, v9  }
0x322: {  	v12 =	vpop (erf)  }
0x323: {  	v8 =	vsub.f32 v8, v7;
	v11 =	vmul.f32 v12, v11;
	_ =	sdelay $0x1  }
0x324: {  	v8 =	vmul.f32 v8, v11;
	_ =	sdelay $0x1  }
0x325: {  	v8 =	vadd.f32 v8, v7  }
0x326: {  	vm4 =	vgt.f32 v10, v6;
	vm1 =	vlt.f32 v10, v9  }
0x327: {  	v6 =	vsel vm1, v7, v8;
	vm1 =	vmor vm2, vm4  }
0x328: {  	v6 =	vsel vm1, v16, v6  }
0x329: {  	v6 =	vsel vm3, $0x0, v6  }
0x32a: {  	[tilespmem:$0x29D0] =	vst v6  }
0x32b: {  	[tilespmem:s13], [sflag:$0x1] =	stream.strided.gather [hbm4b:s6+s19], $0x800, s11, s19, $0x38;
	[tilespmem:$0x2A80] =	vst v63  }
0x32c: {  	_ =	swait.ge [sflag:s24], $0x800  }
0x32d: {  	[sflag:s24] =	ssyncset.done $0x0  }
0x32e: {  	s1 =	simm.s32 $0x1030;
	[sflag:s24] =	ssyncadd.s32 $0xFFFFF800  }
0x32f: {  	v14 =	vld [tilespmem:s1+$0x0]  }
0x330: {  	s28 =	simm.s32 $0x0  }
0x331: {  	s28 =	sand.u32 $0x7C0, s28  }
0x332: {  	v8 =	vld [tilespmem:s28+$0x1000]  }
0x333: {  	v6 =	vld [tilespmem:s1+$0xFFFFFFE0]  }
0x334: {  	v7 =	vld [tilespmem:s1+$0xFFFFFFF0];
	vm1 =	veq.f32 v14, v14  }
0x335: {  	vm2 =	vmand vm1, vm0  }
0x336: {  	v9 =	vsel vm2, $0x1, v0  }
0x337: {  	vm3 =	veq.f32 v8, v8;
	(xrf0) =	vadd.scan.msk.s32 $0xffff, v9  }
0x338: {  	vm1 =	veq.f32 v6, v6;
	vm3 =	vmand vm3, vm0  }
0x339: {  	vm4 =	veq.f32 v7, v7;
	vm1 =	vmand vm1, vm0;
	v11 =	vmpcnt.ones.xlane vm3  }
0x33a: {  	vm4 =	vmand vm4, vm0;
	v9 =	vsel vm1, $0x1, v0;
	v12 =	vmpcnt.ones.xlane vm1  }
0x33b: {  	v10 =	vsel vm3, $0x1, v0;
	(xrf0) =	vadd.scan.msk.s32 $0xffff, v9;
	v15 =	vadd.s32 v5, v11;
	v11 =	vmpcnt.ones.xlane vm4  }
0x33c: {  	(xrf0) =	vadd.scan.msk.s32 $0xffff, v10;
	v16 =	vadd.s32 v15, v12  }
0x33d: {  	v13 =	vadd.s32 v16, v11;
	v17, _, _ =	vpop (xrf0)  }
0x33e: {  	v17 =	vadd.s32 v17, v13  }
0x33f: {  	s28 =	simm.s32 $0x1070;
	v10 =	vsel vm4, $0x1, v0  }
0x340: {  	v9 =	vld [tilespmem:s28+$0x0];
	(xrf0) =	vadd.scan.msk.s32 $0xffff, v10  }
0x341: {  	s30 =	simm.s32 $0x40;
	v12 =	vmpcnt.ones.xlane vm2;
	v10 =	vld [tilespmem:s28+$0xFFFFFFF0];
	v22 =	vadd.s32 $0xFFFFFFFF, v17;
	v17, _, _ =	vpop (xrf0)  }
0x342: {  	s1 =	sand.u32 $0x7C0, s30;
	v11 =	vld [tilespmem:s28+$0xFFFFFFE0];
	v18, _, _ =	vpop (xrf0)  }
0x343: {  	s29 =	simm.s32 $0x20;
	vm8 =	vmmov vm2;
	v13 =	vadd.s32 v13, v12;
	v12 =	vld [tilespmem:s1+$0x1000];
	v18 =	vadd.s32 v18, v5  }
0x344: {  	vm3 =	vmmov vm3;
	vm1 =	vmmov vm1;
	v15 =	vadd.s32 v17, v15;
	v17 =	vld [tilespmem:s29+$0x10]  }
0x345: {  	v19 =	vld [tilespmem:s29+$0xFFFFFFF0];
	vm2 =	vmmov vm4;
	vm4 =	veq.f32 v9, v9;
	v5 =	vadd.s32 $0xFFFFFFFF, v15  }
0x346: {  	vm5 =	vmand vm4, vm0;
	vm6 =	veq.f32 v10, v10;
	v15 =	vadd.s32 $0xFFFFFFFF, v18;
	v18, _, _ =	vpop (xrf0)  }
0x347: {  	vm7 =	veq.f32 v11, v11;
	v20 =	vsel vm5, $0x1, v0;
	v16 =	vadd.s32 v18, v16;
	v18 =	vld [tilespmem:s29+$0xFFFFFFE0]  }
0x348: {  	vm4 =	vmand vm6, vm0;
	vm6 =	vmand vm7, vm0;
	(xrf0) =	vadd.scan.msk.s32 $0xffff, v20;
	vm15 =	veq.f32 v12, v12  }
0x349: {  	v21 =	vsel vm6, $0x1, v0;
	vm7 =	vmand vm15, vm0;
	[tilespmem:v22+s20+$0x0] =	vst.idx.msk vm8, v17;
	v17 =	vld [tilespmem:s29+$0x0];
	v16 =	vadd.s32 $0xFFFFFFFF, v16  }
0x34a: {  	(xrf0) =	vadd.scan.msk.s32 $0xffff, v21;
	v23 =	vsel vm7, $0x1, v0;
	v20 =	vmpcnt.ones.xlane vm7;
	[tilespmem:v5+s20+$0x0] =	vst.idx.msk vm1, v19  }
0x34b: {  	s31 =	simm.s32 $0x4;
	v21 =	vsel vm4, $0x1, v0;
	(xrf0) =	vadd.scan.msk.s32 $0xffff, v23;
	v19 =	vmpcnt.ones.xlane vm6;
	[tilespmem:v22+s23+$0x0] =	vst.idx.msk vm8, v14;
	v14 =	vmovc v13  }
.LBB2_8:
0x34c: {  	s31 =	sadd.s32 $0x4, s31;
	v20 =	vadd.s32 v13, v20;
	v23 =	vmpcnt.ones.xlane vm4;
	s28 =	sadd.s32 $0x40, s28;
	(xrf0) =	vadd.scan.msk.s32 $0xffff, v21;
	[tilespmem:v15+s20+$0x0] =	vst.idx.msk vm3, v18;
	s29 =	sadd.s32 $0x40, s29  }
0x34d: {  	v18 =	vmpcnt.ones.xlane vm5;
	vm8 =	vmmov vm5;
	v22 =	vld [tilespmem:s28+$0x0];
	p0 =	slt.u32 s31, $0x7C;
	v19 =	vadd.s32 v20, v19;
	[tilespmem:v15+s23+$0x0] =	vst.idx.msk vm3, v8;
	v8 =	vmovc v12  }
0x34e: {  	s30 =	sadd.s32 $0x40, s30;
	vm3 =	vmmov vm7;
	v21 =	vld [tilespmem:s28+$0xFFFFFFF0];
	v12 =	vadd.s32 v19, v23;
	v13, _, _ =	vpop (xrf0);
	[tilespmem:v16+s20+$0x0] =	vst.idx.msk vm2, v17  }
0x34f: {  	s1 =	sand.u32 $0x7C0, s30;
	v17 =	vld [tilespmem:s28+$0xFFFFFFE0];
	v15 =	vadd.s32 v13, v12;
	v13 =	vadd.s32 v12, v18;
	[tilespmem:v16+s23+$0x0] =	vst.idx.msk vm2, v7;
	v7 =	vmov v10  }
0x350: {  	vm2 =	vmmov vm4;
	v12 =	vld [tilespmem:s1+$0x1000];
	v23 =	vadd.s32 $0xFFFFFFFF, v15;
	v10, _, _ =	vpop (xrf0);
	[tilespmem:v5+s23+$0x0] =	vst.idx.msk vm1, v6;
	v6 =	vmov v11  }
0x351: {  	vm1 =	vmmov vm6;
	v5 =	vadd.s32 v10, v20;
	v20 =	vld [tilespmem:s29+$0x10];
	v10, _, _ =	vpop (xrf0)  }
0x352: {  	vm4 =	veq.f32 v22, v22;
	v25 =	vadd.s32 v10, v14;
	v5 =	vadd.s32 $0xFFFFFFFF, v5;
	v24 =	vld [tilespmem:s29+$0xFFFFFFF0];
	v16, _, _ =	vpop (xrf0)  }
0x353: {  	v14 =	vmovc v13;
	vm6 =	veq.f32 v21, v21;
	vm5 =	vmand vm4, vm0;
	v15 =	vadd.s32 $0xFFFFFFFF, v25;
	v10 =	vmovc v21  }
.Ltmp3:
0x354: {  	vm7 =	veq.f32 v17, v17;
	vm4 =	vmand vm6, vm0;
	v21 =	vsel vm5, $0x1, v0;
	v18 =	vld [tilespmem:s29+$0xFFFFFFE0];
	v11 =	vmovc v17;
	(pc) =	sbr.rel @p0 .LBB2_8-.Ltmp3, $4  }
0x355: {  	v16 =	vadd.s32 v16, v19;
	vm9 =	veq.f32 v12, v12;
	vm6 =	vmand vm7, vm0;
	(xrf0) =	vadd.scan.msk.s32 $0xffff, v21  }
0x356: {  	v16 =	vadd.s32 $0xFFFFFFFF, v16;
	vm7 =	vmand vm9, vm0;
	v19 =	vsel vm6, $0x1, v0;
	v17 =	vld [tilespmem:s29+$0x0];
	[tilespmem:v23+s20+$0x0] =	vst.idx.msk vm8, v20  }
0x357: {  	v25 =	vsel vm7, $0x1, v0;
	v20 =	vmpcnt.ones.xlane vm7;
	(xrf0) =	vadd.scan.msk.s32 $0xffff, v19;
	[tilespmem:v5+s20+$0x0] =	vst.idx.msk vm1, v24  }
0x358: {  	v21 =	vsel vm4, $0x1, v0;
	v19 =	vmpcnt.ones.xlane vm6;
	(xrf0) =	vadd.scan.msk.s32 $0xffff, v25;
	[tilespmem:v23+s23+$0x0] =	vst.idx.msk vm8, v9;
	v9 =	vmovc v22  }
0x359: {  	_ = 	snop  }
0x35a: {  	v13 =	vadd.s32 v13, v20;
	v20 =	vmpcnt.ones.xlane vm4  }
0x35b: {  	v19 =	vadd.s32 v13, v19  }
0x35c: {  	(xrf0) =	vadd.scan.msk.s32 $0xffff, v21;
	v20 =	vadd.s32 v19, v20;
	v21, _, _ =	vpop (xrf0)  }
0x35d: {  	s1 =	sadd.s32 $0x40, s29;
	v21 =	vadd.s32 v21, v20  }
0x35e: {  	[tilespmem:v15+s20+$0x0] =	vst.idx.msk vm3, v18;
	v22, _, _ =	vpop (xrf0);
	v18 =	vadd.s32 $0xFFFFFFFF, v21;
	v21 =	vld [tilespmem:s1+$0x10]  }
0x35f: {  	vm6 =	vmmov vm6;
	[tilespmem:v15+s23+$0x0] =	vst.idx.msk vm3, v8;
	v13 =	vadd.s32 v22, v13;
	v8, _, _ =	vpop (xrf0)  }
0x360: {  	v15 =	vld [tilespmem:s1+$0xFFFFFFF0];
	[tilespmem:v16+s20+$0x0] =	vst.idx.msk vm2, v17;
	v13 =	vadd.s32 $0xFFFFFFFF, v13;
	v8 =	vadd.s32 v8, v14  }
0x361: {  	[tilespmem:v16+s23+$0x0] =	vst.idx.msk vm2, v7;
	v14 =	vmpcnt.ones.xlane vm5;
	v16 =	vadd.s32 $0xFFFFFFFF, v8;
	v8 =	vld [tilespmem:s1+$0xFFFFFFE0]  }
0x362: {  	[tilespmem:v5+s23+$0x0] =	vst.idx.msk vm1, v6;
	v7, _, _ =	vpop (xrf0)  }
0x363: {  	v5 =	vadd.s32 v7, v19;
	v7 =	vadd.s32 v20, v14;
	[tilespmem:v18+s20+$0x0] =	vst.idx.msk vm5, v21  }
0x364: {  	v6 =	vld [tilespmem:s1+$0x0];
	v5 =	vadd.s32 $0xFFFFFFFF, v5;
	v14 =	vadd.s32 $0xFFFFFFFF, v7;
	[tilespmem:v18+s23+$0x0] =	vst.idx.msk vm5, v9  }
0x365: {  	vm2 =	vgt.s32 v14, $0x0;
	[tilespmem:v13+s20+$0x0] =	vst.idx.msk vm6, v15  }
0x366: {  	[tilespmem:v16+s20+$0x0] =	vst.idx.msk vm7, v8;
	v8 =	vnsel vm2, $0x0, v14  }
0x367: {  	[tilespmem:v13+s23+$0x0] =	vst.idx.msk vm6, v11  }
0x368: {  	[tilespmem:v16+s23+$0x0] =	vst.idx.msk vm7, v12;
	v9 =	vmin.u32 v8, $0x3FF  }
0x369: {  	[tilespmem:v5+s20+$0x0] =	vst.idx.msk vm4, v6  }
0x36a: {  	[tilespmem:v5+s23+$0x0] =	vst.idx.msk vm4, v10  }
0x36b: {  	v6 =	vld.idx.msk [tilespmem:v8+s20+$0x0], $0xffff;
	_ =	sdelay $0x1  }
0x36c: {  	v5 =	vld.idx.msk [tilespmem:v9+s20+$0x0], $0xffff;
	_ =	sdelay $0x2  }
0x36d: {  	v10 =	vmul.f32 v6, v3  }
0x36e: {  	vm1 =	vmmov vm4  }
0x36f: {  	vm1 =	vgt.s32 v7, $0x3FF;
	vm2 =	vle.f32 v5, v10  }
0x370: {  	v5 =	vimm.s32 $0x0;
	vm2 =	vmand vm1, vm2  }
0x371: {  	v11 =	vsel vm2, $0x400, v5  }
0x372: {  	v12 =	vor.u32 $0x1FF, v11  }
0x373: {  	v12 =	vmin.u32 v12, v8;
	_ =	sdelay $0x4  }
0x374: {  	v12 =	vld.idx.msk [tilespmem:v12+s20+$0x0], $0xffff;
	_ =	sdelay $0x3  }
0x375: {  	vm3 =	vmmov vm7;
	v13 =	vor.u32 $0x200, v11  }
0x376: {  	vm2 =	vle.s32 v13, v7;
	vm3 =	vle.f32 v12, v10  }
0x377: {  	vm2 =	vmand vm3, vm2  }
0x378: {  	v11 =	vsel vm2, v13, v11  }
0x379: {  	v12 =	vor.u32 $0xFF, v11  }
0x37a: {  	v12 =	vmin.u32 v12, v8;
	_ =	sdelay $0x4  }
0x37b: {  	v12 =	vld.idx.msk [tilespmem:v12+s20+$0x0], $0xffff;
	_ =	sdelay $0x3  }
0x37c: {  	v13 =	vor.u32 $0x100, v11  }
0x37d: {  	vm2 =	vle.s32 v13, v7;
	vm3 =	vle.f32 v12, v10  }
0x37e: {  	vm2 =	vmand vm3, vm2  }
0x37f: {  	v11 =	vsel vm2, v13, v11  }
0x380: {  	v12 =	vor.u32 $0x7F, v11  }
0x381: {  	v12 =	vmin.u32 v12, v8;
	_ =	sdelay $0x4  }
0x382: {  	v12 =	vld.idx.msk [tilespmem:v12+s20+$0x0], $0xffff;
	_ =	sdelay $0x3  }
0x383: {  	v13 =	vor.u32 $0x80, v11  }
0x384: {  	vm2 =	vle.s32 v13, v7;
	vm3 =	vle.f32 v12, v10  }
0x385: {  	vm2 =	vmand vm3, vm2  }
0x386: {  	v11 =	vsel vm2, v13, v11  }
0x387: {  	v12 =	vadd.s32 $0x3F, v11  }
0x388: {  	v12 =	vmin.u32 v12, v8;
	_ =	sdelay $0x4  }
0x389: {  	v12 =	vld.idx.msk [tilespmem:v12+s20+$0x0], $0xffff;
	_ =	sdelay $0x3  }
0x38a: {  	v13 =	vadd.s32 $0x40, v11  }
0x38b: {  	vm2 =	vle.s32 v13, v7;
	vm3 =	vle.f32 v12, v10  }
0x38c: {  	vm2 =	vmand vm3, vm2  }
0x38d: {  	v11 =	vsel vm2, v13, v11  }
0x38e: {  	v12 =	vadd.s32 $0x1F, v11  }
0x38f: {  	v12 =	vmin.u32 v12, v8;
	_ =	sdelay $0x4  }
0x390: {  	v12 =	vld.idx.msk [tilespmem:v12+s20+$0x0], $0xffff;
	_ =	sdelay $0x3  }
0x391: {  	v13 =	vadd.s32 $0x20, v11  }
0x392: {  	vm2 =	vle.s32 v13, v7;
	vm3 =	vle.f32 v12, v10  }
0x393: {  	vm2 =	vmand vm3, vm2  }
0x394: {  	v11 =	vsel vm2, v13, v11  }
0x395: {  	v12 =	vadd.s32 $0xF, v11  }
0x396: {  	v12 =	vmin.u32 v12, v8;
	_ =	sdelay $0x4  }
0x397: {  	v12 =	vld.idx.msk [tilespmem:v12+s20+$0x0], $0xffff;
	_ =	sdelay $0x3  }
0x398: {  	v13 =	vadd.s32 $0x10, v11  }
0x399: {  	vm2 =	vle.s32 v13, v7;
	vm3 =	vle.f32 v12, v10  }
0x39a: {  	vm2 =	vmand vm3, vm2  }
0x39b: {  	v11 =	vsel vm2, v13, v11  }
0x39c: {  	v12 =	vadd.s32 $0x7, v11  }
0x39d: {  	v12 =	vmin.u32 v12, v8;
	_ =	sdelay $0x4  }
0x39e: {  	v12 =	vld.idx.msk [tilespmem:v12+s20+$0x0], $0xffff;
	_ =	sdelay $0x3  }
0x39f: {  	v13 =	vadd.s32 $0x8, v11  }
0x3a0: {  	vm2 =	vle.s32 v13, v7;
	vm3 =	vle.f32 v12, v10  }
0x3a1: {  	vm2 =	vmand vm3, vm2  }
0x3a2: {  	v11 =	vsel vm2, v13, v11  }
0x3a3: {  	v12 =	vadd.s32 $0x3, v11  }
0x3a4: {  	v12 =	vmin.u32 v12, v8;
	_ =	sdelay $0x4  }
0x3a5: {  	v12 =	vld.idx.msk [tilespmem:v12+s20+$0x0], $0xffff;
	_ =	sdelay $0x3  }
0x3a6: {  	v13 =	vadd.s32 $0x4, v11  }
0x3a7: {  	vm2 =	vle.s32 v13, v7;
	vm3 =	vle.f32 v12, v10  }
0x3a8: {  	vm2 =	vmand vm3, vm2  }
0x3a9: {  	v11 =	vsel vm2, v13, v11  }
0x3aa: {  	v12 =	vadd.s32 $0x1, v11  }
0x3ab: {  	v12 =	vmin.u32 v12, v8;
	_ =	sdelay $0x4  }
0x3ac: {  	v12 =	vld.idx.msk [tilespmem:v12+s20+$0x0], $0xffff;
	_ =	sdelay $0x3  }
0x3ad: {  	v13 =	vadd.s32 $0x2, v11  }
0x3ae: {  	vm2 =	vle.s32 v13, v7;
	vm3 =	vle.f32 v12, v10  }
0x3af: {  	vm2 =	vmand vm3, vm2  }
0x3b0: {  	v11 =	vsel vm2, v13, v11  }
0x3b1: {  	v12 =	vmin.u32 v11, v8;
	_ =	sdelay $0x4  }
0x3b2: {  	v12 =	vld.idx.msk [tilespmem:v12+s20+$0x0], $0xffff;
	_ =	sdelay $0x4  }
0x3b3: {  	vm2 =	vle.f32 v12, v10  }
0x3b4: {  	vm3 =	vge.s32 v11, v7;
	vm2 =	vmneg vm2  }
0x3b5: {  	vm2 =	vmor vm2, vm3  }
0x3b6: {  	v12 =	vsel vm2, $0xFFFFFFFF, v0  }
0x3b7: {  	v13 =	vadd.s32 $0xFFFFFFFE, v7;
	v11 =	vadd.s32 v12, v11  }
0x3b8: {  	vm2 =	vgt.s32 v13, $0x0;
	vm3 =	vgt.s32 v11, $0x0  }
0x3b9: {  	v12 =	vnsel vm2, $0x0, v13;
	v11 =	vnsel vm3, $0x0, v11  }
0x3ba: {  	v11 =	vmin.u32 v12, v11  }
0x3bb: {  	v13 =	vadd.s32 $0x1, v11;
	_ =	sdelay $0x3  }
0x3bc: {  	v14 =	vld.idx.msk [tilespmem:v11+s20+$0x0], $0xffff  }
0x3bd: {  	v15 =	vld.idx.msk [tilespmem:v13+s20+$0x0], $0xffff;
	_ =	sdelay $0x4  }
0x3be: {  	v15 =	vsub.f32 v15, v14;
	_ =	sdelay $0x1  }
0x3bf: {  	(erf) = vrcp.f32 v15;
	_ =	sdelay $0x3  }
0x3c0: {  	v11 =	vld.idx.msk [tilespmem:v11+s23+$0x0], $0xffff  }
0x3c1: {  	v13 =	vld.idx.msk [tilespmem:v13+s23+$0x0], $0xffff;
	_ =	sdelay $0x2  }
0x3c2: {  	v15 =	vsub.f32 v10, v14  }
0x3c3: {  	v16 =	vpop (erf)  }
0x3c4: {  	v13 =	vsub.f32 v13, v11;
	v15 =	vmul.f32 v16, v15;
	_ =	sdelay $0x1  }
0x3c5: {  	v16 =	vld.idx.msk [tilespmem:v8+s23+$0x0], $0xffff;
	v13 =	vmul.f32 v13, v15;
	_ =	sdelay $0x1  }
0x3c6: {  	v13 =	vadd.f32 v13, v11  }
0x3c7: {  	vm4 =	vgt.f32 v10, v6;
	vm2 =	veq.s32 v7, $0x1;
	vm3 =	vlt.f32 v10, v14  }
0x3c8: {  	v10 =	vsel vm3, v11, v13;
	vm3 =	vmor vm2, vm4  }
0x3c9: {  	v10 =	vsel vm3, v16, v10;
	vm3 =	veq.s32 v7, $0x0  }
0x3ca: {  	v10 =	vsel vm3, $0x0, v10  }
0x3cb: {  	[tilespmem:$0x29E0] =	vst v10  }
0x3cc: {  	v9 =	vld.idx.msk [tilespmem:v9+s20+$0x0], $0xffff;
	_ =	sdelay $0x2  }
0x3cd: {  	v10 =	vmul.f32 v6, v4;
	_ =	sdelay $0x1  }
0x3ce: {  	vm4 =	vle.f32 v9, v10  }
0x3cf: {  	vm1 =	vmand vm1, vm4  }
0x3d0: {  	v9 =	vsel vm1, $0x400, v5  }
0x3d1: {  	v11 =	vor.u32 $0x1FF, v9  }
0x3d2: {  	v11 =	vmin.u32 v11, v8;
	_ =	sdelay $0x4  }
0x3d3: {  	v11 =	vld.idx.msk [tilespmem:v11+s20+$0x0], $0xffff;
	_ =	sdelay $0x3  }
0x3d4: {  	v13 =	vor.u32 $0x200, v9  }
0x3d5: {  	vm1 =	vle.s32 v13, v7;
	vm4 =	vle.f32 v11, v10  }
0x3d6: {  	vm1 =	vmand vm4, vm1  }
0x3d7: {  	v9 =	vsel vm1, v13, v9  }
0x3d8: {  	v11 =	vor.u32 $0xFF, v9  }
0x3d9: {  	v11 =	vmin.u32 v11, v8;
	_ =	sdelay $0x4  }
0x3da: {  	v11 =	vld.idx.msk [tilespmem:v11+s20+$0x0], $0xffff;
	_ =	sdelay $0x3  }
0x3db: {  	v13 =	vor.u32 $0x100, v9  }
0x3dc: {  	vm1 =	vle.s32 v13, v7;
	vm4 =	vle.f32 v11, v10  }
0x3dd: {  	vm1 =	vmand vm4, vm1  }
0x3de: {  	v9 =	vsel vm1, v13, v9  }
0x3df: {  	v11 =	vor.u32 $0x7F, v9  }
0x3e0: {  	v11 =	vmin.u32 v11, v8;
	_ =	sdelay $0x4  }
0x3e1: {  	v11 =	vld.idx.msk [tilespmem:v11+s20+$0x0], $0xffff;
	_ =	sdelay $0x3  }
0x3e2: {  	v13 =	vor.u32 $0x80, v9  }
0x3e3: {  	vm1 =	vle.s32 v13, v7;
	vm4 =	vle.f32 v11, v10  }
0x3e4: {  	vm1 =	vmand vm4, vm1  }
0x3e5: {  	v9 =	vsel vm1, v13, v9  }
0x3e6: {  	v11 =	vadd.s32 $0x3F, v9  }
0x3e7: {  	v11 =	vmin.u32 v11, v8;
	_ =	sdelay $0x4  }
0x3e8: {  	v11 =	vld.idx.msk [tilespmem:v11+s20+$0x0], $0xffff;
	_ =	sdelay $0x3  }
0x3e9: {  	v13 =	vadd.s32 $0x40, v9  }
0x3ea: {  	vm1 =	vle.s32 v13, v7;
	vm4 =	vle.f32 v11, v10  }
0x3eb: {  	vm1 =	vmand vm4, vm1  }
0x3ec: {  	v9 =	vsel vm1, v13, v9  }
0x3ed: {  	v11 =	vadd.s32 $0x1F, v9  }
0x3ee: {  	v11 =	vmin.u32 v11, v8;
	_ =	sdelay $0x4  }
0x3ef: {  	v11 =	vld.idx.msk [tilespmem:v11+s20+$0x0], $0xffff;
	_ =	sdelay $0x3  }
0x3f0: {  	v13 =	vadd.s32 $0x20, v9  }
0x3f1: {  	vm1 =	vle.s32 v13, v7;
	vm4 =	vle.f32 v11, v10  }
0x3f2: {  	vm1 =	vmand vm4, vm1  }
0x3f3: {  	v9 =	vsel vm1, v13, v9  }
0x3f4: {  	v11 =	vadd.s32 $0xF, v9  }
0x3f5: {  	v11 =	vmin.u32 v11, v8;
	_ =	sdelay $0x4  }
0x3f6: {  	v11 =	vld.idx.msk [tilespmem:v11+s20+$0x0], $0xffff;
	_ =	sdelay $0x3  }
0x3f7: {  	v13 =	vadd.s32 $0x10, v9  }
0x3f8: {  	vm1 =	vle.s32 v13, v7;
	vm4 =	vle.f32 v11, v10  }
0x3f9: {  	vm1 =	vmand vm4, vm1  }
0x3fa: {  	v9 =	vsel vm1, v13, v9  }
0x3fb: {  	v11 =	vadd.s32 $0x7, v9  }
0x3fc: {  	v11 =	vmin.u32 v11, v8;
	_ =	sdelay $0x4  }
0x3fd: {  	v11 =	vld.idx.msk [tilespmem:v11+s20+$0x0], $0xffff;
	_ =	sdelay $0x3  }
0x3fe: {  	v13 =	vadd.s32 $0x8, v9  }
0x3ff: {  	vm1 =	vle.s32 v13, v7;
	vm4 =	vle.f32 v11, v10  }
0x400: {  	vm1 =	vmand vm4, vm1  }
0x401: {  	v9 =	vsel vm1, v13, v9  }
0x402: {  	v11 =	vadd.s32 $0x3, v9  }
0x403: {  	v11 =	vmin.u32 v11, v8;
	_ =	sdelay $0x4  }
0x404: {  	v11 =	vld.idx.msk [tilespmem:v11+s20+$0x0], $0xffff;
	_ =	sdelay $0x3  }
0x405: {  	v13 =	vadd.s32 $0x4, v9  }
0x406: {  	vm1 =	vle.s32 v13, v7;
	vm4 =	vle.f32 v11, v10  }
0x407: {  	vm1 =	vmand vm4, vm1  }
0x408: {  	v9 =	vsel vm1, v13, v9  }
0x409: {  	v11 =	vadd.s32 $0x1, v9  }
0x40a: {  	v11 =	vmin.u32 v11, v8;
	_ =	sdelay $0x4  }
0x40b: {  	v11 =	vld.idx.msk [tilespmem:v11+s20+$0x0], $0xffff;
	_ =	sdelay $0x3  }
0x40c: {  	v13 =	vadd.s32 $0x2, v9  }
0x40d: {  	vm1 =	vle.s32 v13, v7;
	vm4 =	vle.f32 v11, v10  }
0x40e: {  	vm1 =	vmand vm4, vm1  }
0x40f: {  	v9 =	vsel vm1, v13, v9  }
0x410: {  	v8 =	vmin.u32 v9, v8;
	_ =	sdelay $0x4  }
0x411: {  	v8 =	vld.idx.msk [tilespmem:v8+s20+$0x0], $0xffff;
	_ =	sdelay $0x4  }
0x412: {  	vm1 =	vle.f32 v8, v10  }
0x413: {  	vm4 =	vge.s32 v9, v7;
	vm1 =	vmneg vm1  }
0x414: {  	vm1 =	vmor vm1, vm4  }
0x415: {  	v7 =	vsel vm1, $0xFFFFFFFF, v0  }
0x416: {  	v7 =	vadd.s32 v7, v9  }
0x417: {  	vm1 =	vgt.s32 v7, $0x0  }
0x418: {  	v7 =	vnsel vm1, $0x0, v7  }
0x419: {  	v7 =	vmin.u32 v12, v7  }
0x41a: {  	v8 =	vadd.s32 $0x1, v7;
	_ =	sdelay $0x3  }
0x41b: {  	v9 =	vld.idx.msk [tilespmem:v7+s20+$0x0], $0xffff  }
0x41c: {  	v11 =	vld.idx.msk [tilespmem:v8+s20+$0x0], $0xffff;
	_ =	sdelay $0x4  }
0x41d: {  	v11 =	vsub.f32 v11, v9;
	_ =	sdelay $0x1  }
0x41e: {  	(erf) = vrcp.f32 v11;
	_ =	sdelay $0x3  }
0x41f: {  	v7 =	vld.idx.msk [tilespmem:v7+s23+$0x0], $0xffff  }
0x420: {  	v8 =	vld.idx.msk [tilespmem:v8+s23+$0x0], $0xffff;
	_ =	sdelay $0x2  }
0x421: {  	v11 =	vsub.f32 v10, v9  }
0x422: {  	v12 =	vpop (erf)  }
0x423: {  	v8 =	vsub.f32 v8, v7;
	v11 =	vmul.f32 v12, v11;
	_ =	sdelay $0x1  }
0x424: {  	v8 =	vmul.f32 v8, v11;
	_ =	sdelay $0x1  }
0x425: {  	v8 =	vadd.f32 v8, v7  }
0x426: {  	vm4 =	vgt.f32 v10, v6;
	vm1 =	vlt.f32 v10, v9  }
0x427: {  	v6 =	vsel vm1, v7, v8;
	vm1 =	vmor vm2, vm4  }
0x428: {  	v6 =	vsel vm1, v16, v6  }
0x429: {  	v6 =	vsel vm3, $0x0, v6  }
0x42a: {  	[tilespmem:$0x29F0] =	vst v6  }
0x42b: {  	[tilespmem:s17], [sflag:$0x2] =	stream.strided.gather [hbm4b:s7+s19], $0x800, s11, s19, $0x38;
	[tilespmem:$0x2A80] =	vst v63  }
0x42c: {  	_ =	swait.ge [sflag:s22], $0x800  }
0x42d: {  	[sflag:s22] =	ssyncset.done $0x0  }
0x42e: {  	s31 =	simm.s32 $0x820;
	[sflag:s22] =	ssyncadd.s32 $0xFFFFF800  }
0x42f: {  	v13 =	vld [tilespmem:s31+$0xFFFFFFE0];
	_ =	sdelay $0x1  }
0x430: {  	v12 =	vld [tilespmem:s31+$0xFFFFFFF0]  }
0x431: {  	v11 =	vld [tilespmem:s31+$0x0];
	_ =	sdelay $0x1  }
0x432: {  	v9 =	vld [tilespmem:s31+$0x10];
	vm1 =	veq.f32 v13, v13  }
0x433: {  	vm2 =	vmand vm1, vm0  }
0x434: {  	vm1 =	veq.f32 v12, v12;
	v6 =	vsel vm2, $0x1, v0  }
0x435: {  	vm3 =	veq.f32 v11, v11;
	vm1 =	vmand vm1, vm0;
	(xrf0) =	vadd.scan.msk.s32 $0xffff, v6  }
0x436: {  	vm3 =	vmand vm3, vm0;
	v7 =	vsel vm1, $0x1, v0;
	v6 =	vmpcnt.ones.xlane vm2  }
0x437: {  	s31 =	simm.s32 $0x860;
	vm4 =	veq.f32 v9, v9;
	v8 =	vsel vm3, $0x1, v0;
	(xrf0) =	vadd.scan.msk.s32 $0xffff, v7;
	v7 =	vmpcnt.ones.xlane vm1  }
0x438: {  	vm4 =	vmand vm4, vm0;
	(xrf0) =	vadd.scan.msk.s32 $0xffff, v8;
	v8 =	vld [tilespmem:s31+$0xFFFFFFE0];
	v14 =	vadd.s32 v5, v6;
	v6 =	vmpcnt.ones.xlane vm3  }
0x439: {  	v10 =	vld [tilespmem:s31+$0xFFFFFFF0];
	v15 =	vadd.s32 v14, v7;
	v7 =	vmpcnt.ones.xlane vm4  }
0x43a: {  	v16 =	vadd.s32 v15, v6  }
0x43b: {  	vm8 =	vmmov vm5;
	v17 =	vsel vm4, $0x1, v0;
	v18 =	vadd.s32 v16, v7;
	v7 =	vld [tilespmem:s31+$0x0];
	v19, _, _ =	vpop (xrf0)  }
0x43c: {  	vm5 =	vmmov vm3;
	vm2 =	vmmov vm2;
	v5 =	vadd.s32 v19, v5  }
0x43d: {  	vm1 =	vmmov vm1;
	v6 =	vld [tilespmem:s31+$0x10];
	s31 =	simm.s32 $0x20;
	(xrf0) =	vadd.scan.msk.s32 $0xffff, v17;
	v19, _, _ =	vpop (xrf0);
	vm3 =	veq.f32 v8, v8;
	v26 =	vadd.s32 $0xFFFFFFFF, v5  }
0x43e: {  	v17 =	vld [tilespmem:s31+$0xFFFFFFE0];
	v5 =	vadd.s32 v19, v14;
	v14, _, _ =	vpop (xrf0);
	vm6 =	vmand vm3, vm0;
	vm3 =	veq.f32 v10, v10  }
0x43f: {  	v15 =	vadd.s32 v14, v15;
	v14 =	vmpcnt.ones.xlane vm6;
	vm3 =	vmand vm3, vm0  }
0x440: {  	v19 =	vsel vm6, $0x1, v0;
	v25 =	vadd.s32 $0xFFFFFFFF, v5;
	vm7 =	veq.f32 v7, v7  }
0x441: {  	v20 =	vmpcnt.ones.xlane vm3;
	v21 =	vsel vm3, $0x1, v0;
	(xrf0) =	vadd.scan.msk.s32 $0xffff, v19;
	vm8 =	vmand vm7, vm0  }
0x442: {  	v28 =	vld [tilespmem:s31+$0xFFFFFFF0];
	vm7 =	veq.f32 v6, v6;
	v19 =	vadd.s32 v18, v14;
	(xrf0) =	vadd.scan.msk.s32 $0xffff, v21;
	v14 =	vmpcnt.ones.xlane vm8  }
0x443: {  	s29 =	simm.s32 $0x8A0;
	v23 =	vld [tilespmem:s31+$0x0];
	vm9 =	vmand vm7, vm0;
	v5, _, _ =	vpop (xrf0);
	v20 =	vadd.s32 v19, v20;
	[tilespmem:v26+s20+$0x0] =	vst.idx.msk vm2, v17;
	v17 =	vsel vm8, $0x1, v0  }
0x444: {  	v21 =	vmpcnt.ones.xlane vm9;
	v16 =	vadd.s32 v5, v16;
	v27 =	vsel vm9, $0x1, v0;
	v5 =	vld [tilespmem:s29+$0xFFFFFFE0];
	(xrf0) =	vadd.scan.msk.s32 $0xffff, v17  }
0x445: {  	vm4 =	vmmov vm4;
	v22 =	vld [tilespmem:s31+$0x10];
	vm7 =	vmmov vm5;
	v14 =	vadd.s32 v20, v14;
	(xrf0) =	vadd.scan.msk.s32 $0xffff, v27  }
0x446: {  	v24 =	vadd.s32 $0xFFFFFFFF, v15;
	v17 =	vadd.s32 v14, v21;
	v21 =	vadd.s32 $0xFFFFFFFF, v16;
	v16 =	vld [tilespmem:s29+$0xFFFFFFF0]  }
0x447: {  	v15 =	vld [tilespmem:s29+$0x0];
	vm5 =	vmmov vm8;
	[tilespmem:v26+s23+$0x0] =	vst.idx.msk vm2, v13;
	vm2 =	vmmov vm6;
	vm6 =	vmmov vm4;
	v26, _, _ =	vpop (xrf0)  }
0x448: {  	s30 =	simm.s32 $0x8;
	s28 =	simm.s32 $0x60;
	vm4 =	vmmov vm9;
	v13 =	vld [tilespmem:s29+$0x10];
	[tilespmem:v25+s20+$0x0] =	vst.idx.msk vm1, v28;
	v27 =	vadd.s32 v26, v18;
	v26, _, _ =	vpop (xrf0);
	v18 =	vmov v17  }
.LBB2_10:
0x449: {  	vm8 =	veq.f32 v5, v5;
	v27 =	vadd.s32 $0xFFFFFFFF, v27  }
0x44a: {  	s30 =	sadd.s32 $0x4, s30;
	v28 =	vld [tilespmem:s28+$0xFFFFFFE0];
	v26 =	vadd.s32 v26, v19;
	v19, _, _ =	vpop (xrf0);
	[tilespmem:v25+s23+$0x0] =	vst.idx.msk vm1, v12;
	v12 =	vmov v10;
	vm1 =	vmmov vm3  }
0x44b: {  	p0 =	slt.u32 s30, $0x7C;
	vm8 =	vmand vm8, vm0;
	vm3 =	veq.f32 v16, v16;
	v29 =	vadd.s32 v19, v20;
	v25, _, _ =	vpop (xrf0);
	[tilespmem:v24+s20+$0x0] =	vst.idx.msk vm7, v23  }
0x44c: {  	v10 =	vmovc v16;
	v19 =	vmpcnt.ones.xlane vm8;
	vm3 =	vmand vm3, vm0;
	vm9 =	veq.f32 v15, v15;
	[tilespmem:v24+s23+$0x0] =	vst.idx.msk vm7, v11  }
0x44d: {  	v11 =	vmovc v7;
	v16 =	vmpcnt.ones.xlane vm3;
	vm9 =	vmand vm9, vm0;
	vm7 =	veq.f32 v13, v13;
	[tilespmem:v21+s20+$0x0] =	vst.idx.msk vm6, v22  }
0x44e: {  	v7 =	vmovc v15;
	v19 =	vadd.s32 v17, v19;
	v17 =	vmpcnt.ones.xlane vm9;
	vm10 =	vmand vm7, vm0;
	[tilespmem:v21+s23+$0x0] =	vst.idx.msk vm6, v9  }
0x44f: {  	v15 =	vsel vm8, $0x1, v0;
	v9 =	vmovc v6;
	v20 =	vadd.s32 v19, v16;
	v16 =	vmpcnt.ones.xlane vm10;
	[tilespmem:v27+s20+$0x0] =	vst.idx.msk vm2, v28  }
0x450: {  	v21 =	vsel vm3, $0x1, v0;
	v22 =	vsel vm9, $0x1, v0;
	v6 =	vmovc v13;
	v24 =	vadd.s32 v20, v17;
	(xrf0) =	vadd.scan.msk.s32 $0xffff, v15;
	v28 =	vld [tilespmem:s28+$0xFFFFFFF0]  }
0x451: {  	v13 =	vsel vm10, $0x1, v0;
	v15 =	vadd.s32 v25, v14;
	v17 =	vadd.s32 v24, v16;
	(xrf0) =	vadd.scan.msk.s32 $0xffff, v21;
	v23 =	vld [tilespmem:s28+$0x0];
	v14 =	vmovc v24  }
0x452: {  	s29 =	sadd.s32 $0x40, s29;
	v25 =	vadd.s32 $0xFFFFFFFF, v26;
	v24 =	vadd.s32 $0xFFFFFFFF, v29;
	v21 =	vadd.s32 $0xFFFFFFFF, v15;
	(xrf0) =	vadd.scan.msk.s32 $0xffff, v22;
	v22 =	vld [tilespmem:s28+$0x10]  }
.Ltmp4:
0x453: {  	vm7 =	vmmov vm5;
	(xrf0) =	vadd.scan.msk.s32 $0xffff, v13;
	[tilespmem:v27+s23+$0x0] =	vst.idx.msk vm2, v8;
	v8 =	vmovc v5;
	v5 =	vld [tilespmem:s29+$0xFFFFFFE0];
	vm2 =	vmmov vm8;
	(pc) =	sbr.rel @p0 .LBB2_10-.Ltmp4, $4  }
0x454: {  	vm5 =	vmmov vm9;
	vm6 =	vmmov vm4;
	vm4 =	vmmov vm10;
	v16 =	vld [tilespmem:s29+$0xFFFFFFF0]  }
0x455: {  	v15 =	vld [tilespmem:s29+$0x0]  }
0x456: {  	v13 =	vld [tilespmem:s29+$0x10];
	v26, _, _ =	vpop (xrf0)  }
0x457: {  	s28 =	sadd.s32 $0x40, s28;
	v27 =	vadd.s32 v26, v18;
	v26, _, _ =	vpop (xrf0);
	[tilespmem:v25+s20+$0x0] =	vst.idx.msk vm1, v28;
	v18 =	vmov v17  }
0x458: {  	_ =	sdelay $0x2  }
0x459: {  	vm8 =	veq.f32 v5, v5  }
0x45a: {  	v27 =	vadd.s32 $0xFFFFFFFF, v27;
	v19 =	vadd.s32 v26, v19;
	vm8 =	vmand vm8, vm0  }
0x45b: {  	[tilespmem:v25+s23+$0x0] =	vst.idx.msk vm1, v12;
	v62 =	vld [tilespmem:s28+$0xFFFFFFE0];
	vm3 =	vmmov vm3;
	vm1 =	veq.f32 v16, v16;
	v12 =	vsel vm8, $0x1, v0  }
0x45c: {  	v63, _, _ =	vpop (xrf0);
	[tilespmem:v24+s20+$0x0] =	vst.idx.msk vm7, v23;
	v19 =	vadd.s32 $0xFFFFFFFF, v19;
	vm1 =	vmand vm1, vm0;
	(xrf0) =	vadd.scan.msk.s32 $0xffff, v12  }
0x45d: {  	[tilespmem:v24+s23+$0x0] =	vst.idx.msk vm7, v11;
	v11 =	vld [tilespmem:s28+$0xFFFFFFF0];
	vm9 =	veq.f32 v15, v15;
	v12 =	vadd.s32 v63, v20;
	v20 =	vsel vm1, $0x1, v0  }
0x45e: {  	[tilespmem:v21+s20+$0x0] =	vst.idx.msk vm6, v22;
	vm14 =	vmmov vm5;
	vm7 =	vmand vm9, vm0;
	(xrf0) =	vadd.scan.msk.s32 $0xffff, v20  }
0x45f: {  	vm4 =	vmmov vm4;
	[tilespmem:v21+s23+$0x0] =	vst.idx.msk vm6, v9;
	vm10 =	veq.f32 v13, v13;
	v20 =	vsel vm7, $0x1, v0  }
0x460: {  	v22, _, _ =	vpop (xrf0);
	v9 =	vld [tilespmem:s28+$0x0];
	vm5 =	vmand vm10, vm0;
	v12 =	vadd.s32 $0xFFFFFFFF, v12;
	(xrf0) =	vadd.scan.msk.s32 $0xffff, v20;
	[tilespmem:v27+s20+$0x0] =	vst.idx.msk vm2, v62  }
0x461: {  	v14 =	vadd.s32 v22, v14;
	v21 =	vmpcnt.ones.xlane vm8;
	v20 =	vsel vm5, $0x1, v0;
	[tilespmem:v27+s23+$0x0] =	vst.idx.msk vm2, v8  }
0x462: {  	v22 =	vld [tilespmem:s28+$0x10];
	v14 =	vadd.s32 $0xFFFFFFFF, v14;
	(xrf0) =	vadd.scan.msk.s32 $0xffff, v20;
	[tilespmem:v19+s20+$0x0] =	vst.idx.msk vm3, v11;
	v11 =	vmpcnt.ones.xlane vm1;
	v8, _, _ =	vpop (xrf0)  }
0x463: {  	s1 =	sadd.s32 $0x40, s28;
	v8 =	vadd.s32 v8, v18  }
0x464: {  	v17 =	vadd.s32 v17, v21;
	v20 =	vld [tilespmem:s1+$0xFFFFFFE0];
	[tilespmem:v19+s23+$0x0] =	vst.idx.msk vm3, v10;
	v10 =	vmpcnt.ones.xlane vm7;
	v18, _, _ =	vpop (xrf0);
	v8 =	vadd.s32 $0xFFFFFFFF, v8  }
0x465: {  	vm1 =	vmmov vm1;
	[tilespmem:v12+s20+$0x0] =	vst.idx.msk vm14, v9;
	v18 =	vadd.s32 v18, v17  }
0x466: {  	vm3 =	vmmov vm7;
	v9 =	vadd.s32 v17, v11;
	[tilespmem:v12+s23+$0x0] =	vst.idx.msk vm14, v7;
	v12 =	vld [tilespmem:s1+$0xFFFFFFF0];
	v11, _, _ =	vpop (xrf0);
	v17 =	vadd.s32 $0xFFFFFFFF, v18  }
0x467: {  	[tilespmem:v14+s20+$0x0] =	vst.idx.msk vm4, v22;
	vm3 =	vmmov vm3;
	v7 =	vmpcnt.ones.xlane vm5;
	v11 =	vadd.s32 v11, v9  }
0x468: {  	[tilespmem:v14+s23+$0x0] =	vst.idx.msk vm4, v6;
	v6 =	vld [tilespmem:s1+$0x0];
	v9 =	vadd.s32 v9, v10;
	v10, _, _ =	vpop (xrf0);
	v11 =	vadd.s32 $0xFFFFFFFF, v11  }
0x469: {  	vm5 =	vmmov vm5;
	v7 =	vadd.s32 v9, v7;
	v9 =	vadd.s32 v10, v9;
	[tilespmem:v8+s20+$0x0] =	vst.idx.msk vm8, v20  }
0x46a: {  	vm2 =	vmmov vm8;
	v10 =	vld [tilespmem:s1+$0x10];
	v9 =	vadd.s32 $0xFFFFFFFF, v9;
	[tilespmem:v8+s23+$0x0] =	vst.idx.msk vm8, v5;
	v5 =	vadd.s32 $0xFFFFFFFF, v7  }
0x46b: {  	[tilespmem:v17+s20+$0x0] =	vst.idx.msk vm1, v12;
	vm2 =	vgt.s32 v5, $0x0  }
0x46c: {  	[tilespmem:v17+s23+$0x0] =	vst.idx.msk vm1, v16;
	v8 =	vnsel vm2, $0x0, v5  }
0x46d: {  	[tilespmem:v11+s20+$0x0] =	vst.idx.msk vm3, v6  }
0x46e: {  	[tilespmem:v11+s23+$0x0] =	vst.idx.msk vm3, v15;
	v11 =	vmin.u32 v8, $0x3FF  }
0x46f: {  	[tilespmem:v9+s20+$0x0] =	vst.idx.msk vm5, v10  }
0x470: {  	[tilespmem:v9+s23+$0x0] =	vst.idx.msk vm5, v13  }
0x471: {  	v6 =	vld.idx.msk [tilespmem:v8+s20+$0x0], $0xffff;
	_ =	sdelay $0x1  }
0x472: {  	v5 =	vld.idx.msk [tilespmem:v11+s20+$0x0], $0xffff;
	_ =	sdelay $0x2  }
0x473: {  	v9 =	vmul.f32 v6, v3;
	_ =	sdelay $0x1  }
0x474: {  	vm1 =	vgt.s32 v7, $0x3FF;
	vm2 =	vle.f32 v5, v9  }
0x475: {  	v5 =	vimm.s32 $0x0;
	vm2 =	vmand vm1, vm2  }
0x476: {  	v10 =	vsel vm2, $0x400, v5  }
0x477: {  	v12 =	vor.u32 $0x1FF, v10  }
0x478: {  	v12 =	vmin.u32 v12, v8;
	_ =	sdelay $0x4  }
0x479: {  	v12 =	vld.idx.msk [tilespmem:v12+s20+$0x0], $0xffff;
	_ =	sdelay $0x3  }
0x47a: {  	v13 =	vor.u32 $0x200, v10  }
0x47b: {  	vm2 =	vle.s32 v13, v7;
	vm3 =	vle.f32 v12, v9  }
0x47c: {  	vm2 =	vmand vm3, vm2  }
0x47d: {  	v10 =	vsel vm2, v13, v10  }
0x47e: {  	v12 =	vor.u32 $0xFF, v10  }
0x47f: {  	v12 =	vmin.u32 v12, v8;
	_ =	sdelay $0x4  }
0x480: {  	v12 =	vld.idx.msk [tilespmem:v12+s20+$0x0], $0xffff;
	_ =	sdelay $0x3  }
0x481: {  	v13 =	vor.u32 $0x100, v10  }
0x482: {  	vm2 =	vle.s32 v13, v7;
	vm3 =	vle.f32 v12, v9  }
0x483: {  	vm2 =	vmand vm3, vm2  }
0x484: {  	v10 =	vsel vm2, v13, v10  }
0x485: {  	v12 =	vor.u32 $0x7F, v10  }
0x486: {  	v12 =	vmin.u32 v12, v8;
	_ =	sdelay $0x4  }
0x487: {  	v12 =	vld.idx.msk [tilespmem:v12+s20+$0x0], $0xffff;
	_ =	sdelay $0x3  }
0x488: {  	v13 =	vor.u32 $0x80, v10  }
0x489: {  	vm2 =	vle.s32 v13, v7;
	vm3 =	vle.f32 v12, v9  }
0x48a: {  	vm2 =	vmand vm3, vm2  }
0x48b: {  	v10 =	vsel vm2, v13, v10  }
0x48c: {  	v12 =	vadd.s32 $0x3F, v10  }
0x48d: {  	v12 =	vmin.u32 v12, v8;
	_ =	sdelay $0x4  }
0x48e: {  	v12 =	vld.idx.msk [tilespmem:v12+s20+$0x0], $0xffff;
	_ =	sdelay $0x3  }
0x48f: {  	v13 =	vadd.s32 $0x40, v10  }
0x490: {  	vm2 =	vle.s32 v13, v7;
	vm3 =	vle.f32 v12, v9  }
0x491: {  	vm2 =	vmand vm3, vm2  }
0x492: {  	v10 =	vsel vm2, v13, v10  }
0x493: {  	v12 =	vadd.s32 $0x1F, v10  }
0x494: {  	v12 =	vmin.u32 v12, v8;
	_ =	sdelay $0x4  }
0x495: {  	v12 =	vld.idx.msk [tilespmem:v12+s20+$0x0], $0xffff;
	_ =	sdelay $0x3  }
0x496: {  	v13 =	vadd.s32 $0x20, v10  }
0x497: {  	vm2 =	vle.s32 v13, v7;
	vm3 =	vle.f32 v12, v9  }
0x498: {  	vm2 =	vmand vm3, vm2  }
0x499: {  	v10 =	vsel vm2, v13, v10  }
0x49a: {  	v12 =	vadd.s32 $0xF, v10  }
0x49b: {  	v12 =	vmin.u32 v12, v8;
	_ =	sdelay $0x4  }
0x49c: {  	v12 =	vld.idx.msk [tilespmem:v12+s20+$0x0], $0xffff;
	_ =	sdelay $0x3  }
0x49d: {  	v13 =	vadd.s32 $0x10, v10  }
0x49e: {  	vm2 =	vle.s32 v13, v7;
	vm3 =	vle.f32 v12, v9  }
0x49f: {  	vm2 =	vmand vm3, vm2  }
0x4a0: {  	v10 =	vsel vm2, v13, v10  }
0x4a1: {  	v12 =	vadd.s32 $0x7, v10  }
0x4a2: {  	v12 =	vmin.u32 v12, v8;
	_ =	sdelay $0x4  }
0x4a3: {  	v12 =	vld.idx.msk [tilespmem:v12+s20+$0x0], $0xffff;
	_ =	sdelay $0x3  }
0x4a4: {  	v13 =	vadd.s32 $0x8, v10  }
0x4a5: {  	vm2 =	vle.s32 v13, v7;
	vm3 =	vle.f32 v12, v9  }
0x4a6: {  	vm2 =	vmand vm3, vm2  }
0x4a7: {  	v10 =	vsel vm2, v13, v10  }
0x4a8: {  	v12 =	vadd.s32 $0x3, v10  }
0x4a9: {  	v12 =	vmin.u32 v12, v8;
	_ =	sdelay $0x4  }
0x4aa: {  	v12 =	vld.idx.msk [tilespmem:v12+s20+$0x0], $0xffff;
	_ =	sdelay $0x3  }
0x4ab: {  	v13 =	vadd.s32 $0x4, v10  }
0x4ac: {  	vm2 =	vle.s32 v13, v7;
	vm3 =	vle.f32 v12, v9  }
0x4ad: {  	vm2 =	vmand vm3, vm2  }
0x4ae: {  	v10 =	vsel vm2, v13, v10  }
0x4af: {  	v12 =	vadd.s32 $0x1, v10  }
0x4b0: {  	v12 =	vmin.u32 v12, v8;
	_ =	sdelay $0x4  }
0x4b1: {  	v12 =	vld.idx.msk [tilespmem:v12+s20+$0x0], $0xffff;
	_ =	sdelay $0x3  }
0x4b2: {  	v13 =	vadd.s32 $0x2, v10  }
0x4b3: {  	vm2 =	vle.s32 v13, v7;
	vm3 =	vle.f32 v12, v9  }
0x4b4: {  	vm2 =	vmand vm3, vm2  }
0x4b5: {  	v10 =	vsel vm2, v13, v10  }
0x4b6: {  	v12 =	vmin.u32 v10, v8;
	_ =	sdelay $0x4  }
0x4b7: {  	v12 =	vld.idx.msk [tilespmem:v12+s20+$0x0], $0xffff;
	_ =	sdelay $0x4  }
0x4b8: {  	vm2 =	vle.f32 v12, v9  }
0x4b9: {  	vm3 =	vge.s32 v10, v7;
	vm2 =	vmneg vm2  }
0x4ba: {  	vm2 =	vmor vm2, vm3  }
0x4bb: {  	v12 =	vsel vm2, $0xFFFFFFFF, v0  }
0x4bc: {  	v13 =	vadd.s32 $0xFFFFFFFE, v7;
	v10 =	vadd.s32 v12, v10  }
0x4bd: {  	vm2 =	vgt.s32 v13, $0x0;
	vm3 =	vgt.s32 v10, $0x0  }
0x4be: {  	v12 =	vnsel vm2, $0x0, v13;
	v10 =	vnsel vm3, $0x0, v10  }
0x4bf: {  	v10 =	vmin.u32 v12, v10  }
0x4c0: {  	v13 =	vadd.s32 $0x1, v10;
	_ =	sdelay $0x3  }
0x4c1: {  	v14 =	vld.idx.msk [tilespmem:v10+s20+$0x0], $0xffff  }
0x4c2: {  	v15 =	vld.idx.msk [tilespmem:v13+s20+$0x0], $0xffff;
	_ =	sdelay $0x4  }
0x4c3: {  	v15 =	vsub.f32 v15, v14;
	_ =	sdelay $0x1  }
0x4c4: {  	(erf) = vrcp.f32 v15;
	_ =	sdelay $0x3  }
0x4c5: {  	v10 =	vld.idx.msk [tilespmem:v10+s23+$0x0], $0xffff  }
0x4c6: {  	v13 =	vld.idx.msk [tilespmem:v13+s23+$0x0], $0xffff;
	_ =	sdelay $0x2  }
0x4c7: {  	v15 =	vsub.f32 v9, v14  }
0x4c8: {  	v16 =	vpop (erf)  }
0x4c9: {  	v13 =	vsub.f32 v13, v10;
	v15 =	vmul.f32 v16, v15;
	_ =	sdelay $0x1  }
0x4ca: {  	v16 =	vld.idx.msk [tilespmem:v8+s23+$0x0], $0xffff;
	v13 =	vmul.f32 v13, v15;
	_ =	sdelay $0x1  }
0x4cb: {  	vm4 =	vmmov vm5;
	v13 =	vadd.f32 v13, v10  }
0x4cc: {  	vm4 =	vgt.f32 v9, v6;
	vm2 =	veq.s32 v7, $0x1;
	vm3 =	vlt.f32 v9, v14  }
0x4cd: {  	v9 =	vsel vm3, v10, v13;
	vm3 =	vmor vm2, vm4  }
0x4ce: {  	v9 =	vsel vm3, v16, v9;
	vm3 =	veq.s32 v7, $0x0  }
0x4cf: {  	v9 =	vsel vm3, $0x0, v9  }
0x4d0: {  	[tilespmem:$0x2A00] =	vst v9  }
0x4d1: {  	v9 =	vld.idx.msk [tilespmem:v11+s20+$0x0], $0xffff;
	_ =	sdelay $0x2  }
0x4d2: {  	v10 =	vmul.f32 v6, v4;
	_ =	sdelay $0x1  }
0x4d3: {  	vm4 =	vle.f32 v9, v10  }
0x4d4: {  	vm1 =	vmand vm1, vm4  }
0x4d5: {  	v9 =	vsel vm1, $0x400, v5  }
0x4d6: {  	v11 =	vor.u32 $0x1FF, v9  }
0x4d7: {  	v11 =	vmin.u32 v11, v8;
	_ =	sdelay $0x4  }
0x4d8: {  	v11 =	vld.idx.msk [tilespmem:v11+s20+$0x0], $0xffff;
	_ =	sdelay $0x3  }
0x4d9: {  	v13 =	vor.u32 $0x200, v9  }
0x4da: {  	vm1 =	vle.s32 v13, v7;
	vm4 =	vle.f32 v11, v10  }
0x4db: {  	vm1 =	vmand vm4, vm1  }
0x4dc: {  	v9 =	vsel vm1, v13, v9  }
0x4dd: {  	v11 =	vor.u32 $0xFF, v9  }
0x4de: {  	v11 =	vmin.u32 v11, v8;
	_ =	sdelay $0x4  }
0x4df: {  	v11 =	vld.idx.msk [tilespmem:v11+s20+$0x0], $0xffff;
	_ =	sdelay $0x3  }
0x4e0: {  	v13 =	vor.u32 $0x100, v9  }
0x4e1: {  	vm1 =	vle.s32 v13, v7;
	vm4 =	vle.f32 v11, v10  }
0x4e2: {  	vm1 =	vmand vm4, vm1  }
0x4e3: {  	v9 =	vsel vm1, v13, v9  }
0x4e4: {  	v11 =	vor.u32 $0x7F, v9  }
0x4e5: {  	v11 =	vmin.u32 v11, v8;
	_ =	sdelay $0x4  }
0x4e6: {  	v11 =	vld.idx.msk [tilespmem:v11+s20+$0x0], $0xffff;
	_ =	sdelay $0x3  }
0x4e7: {  	v13 =	vor.u32 $0x80, v9  }
0x4e8: {  	vm1 =	vle.s32 v13, v7;
	vm4 =	vle.f32 v11, v10  }
0x4e9: {  	vm1 =	vmand vm4, vm1  }
0x4ea: {  	v9 =	vsel vm1, v13, v9  }
0x4eb: {  	v11 =	vadd.s32 $0x3F, v9  }
0x4ec: {  	v11 =	vmin.u32 v11, v8;
	_ =	sdelay $0x4  }
0x4ed: {  	v11 =	vld.idx.msk [tilespmem:v11+s20+$0x0], $0xffff;
	_ =	sdelay $0x3  }
0x4ee: {  	v13 =	vadd.s32 $0x40, v9  }
0x4ef: {  	vm1 =	vle.s32 v13, v7;
	vm4 =	vle.f32 v11, v10  }
0x4f0: {  	vm1 =	vmand vm4, vm1  }
0x4f1: {  	v9 =	vsel vm1, v13, v9  }
0x4f2: {  	v11 =	vadd.s32 $0x1F, v9  }
0x4f3: {  	v11 =	vmin.u32 v11, v8;
	_ =	sdelay $0x4  }
0x4f4: {  	v11 =	vld.idx.msk [tilespmem:v11+s20+$0x0], $0xffff;
	_ =	sdelay $0x3  }
0x4f5: {  	v13 =	vadd.s32 $0x20, v9  }
0x4f6: {  	vm1 =	vle.s32 v13, v7;
	vm4 =	vle.f32 v11, v10  }
0x4f7: {  	vm1 =	vmand vm4, vm1  }
0x4f8: {  	v9 =	vsel vm1, v13, v9  }
0x4f9: {  	v11 =	vadd.s32 $0xF, v9  }
0x4fa: {  	v11 =	vmin.u32 v11, v8;
	_ =	sdelay $0x4  }
0x4fb: {  	v11 =	vld.idx.msk [tilespmem:v11+s20+$0x0], $0xffff;
	_ =	sdelay $0x3  }
0x4fc: {  	v13 =	vadd.s32 $0x10, v9  }
0x4fd: {  	vm1 =	vle.s32 v13, v7;
	vm4 =	vle.f32 v11, v10  }
0x4fe: {  	vm1 =	vmand vm4, vm1  }
0x4ff: {  	v9 =	vsel vm1, v13, v9  }
0x500: {  	v11 =	vadd.s32 $0x7, v9  }
0x501: {  	v11 =	vmin.u32 v11, v8;
	_ =	sdelay $0x4  }
0x502: {  	v11 =	vld.idx.msk [tilespmem:v11+s20+$0x0], $0xffff;
	_ =	sdelay $0x3  }
0x503: {  	v13 =	vadd.s32 $0x8, v9  }
0x504: {  	vm1 =	vle.s32 v13, v7;
	vm4 =	vle.f32 v11, v10  }
0x505: {  	vm1 =	vmand vm4, vm1  }
0x506: {  	v9 =	vsel vm1, v13, v9  }
0x507: {  	v11 =	vadd.s32 $0x3, v9  }
0x508: {  	v11 =	vmin.u32 v11, v8;
	_ =	sdelay $0x4  }
0x509: {  	v11 =	vld.idx.msk [tilespmem:v11+s20+$0x0], $0xffff;
	_ =	sdelay $0x3  }
0x50a: {  	v13 =	vadd.s32 $0x4, v9  }
0x50b: {  	vm1 =	vle.s32 v13, v7;
	vm4 =	vle.f32 v11, v10  }
0x50c: {  	vm1 =	vmand vm4, vm1  }
0x50d: {  	v9 =	vsel vm1, v13, v9  }
0x50e: {  	v11 =	vadd.s32 $0x1, v9  }
0x50f: {  	v11 =	vmin.u32 v11, v8;
	_ =	sdelay $0x4  }
0x510: {  	v11 =	vld.idx.msk [tilespmem:v11+s20+$0x0], $0xffff;
	_ =	sdelay $0x3  }
0x511: {  	v13 =	vadd.s32 $0x2, v9  }
0x512: {  	vm1 =	vle.s32 v13, v7;
	vm4 =	vle.f32 v11, v10  }
0x513: {  	vm1 =	vmand vm4, vm1  }
0x514: {  	v9 =	vsel vm1, v13, v9  }
0x515: {  	v8 =	vmin.u32 v9, v8;
	_ =	sdelay $0x4  }
0x516: {  	v8 =	vld.idx.msk [tilespmem:v8+s20+$0x0], $0xffff;
	_ =	sdelay $0x4  }
0x517: {  	vm1 =	vle.f32 v8, v10  }
0x518: {  	vm4 =	vge.s32 v9, v7;
	vm1 =	vmneg vm1  }
0x519: {  	vm1 =	vmor vm1, vm4  }
0x51a: {  	v7 =	vsel vm1, $0xFFFFFFFF, v0  }
0x51b: {  	v7 =	vadd.s32 v7, v9  }
0x51c: {  	vm1 =	vgt.s32 v7, $0x0  }
0x51d: {  	v7 =	vnsel vm1, $0x0, v7  }
0x51e: {  	v7 =	vmin.u32 v12, v7  }
0x51f: {  	v8 =	vadd.s32 $0x1, v7;
	_ =	sdelay $0x3  }
0x520: {  	v9 =	vld.idx.msk [tilespmem:v7+s20+$0x0], $0xffff  }
0x521: {  	v11 =	vld.idx.msk [tilespmem:v8+s20+$0x0], $0xffff;
	_ =	sdelay $0x4  }
0x522: {  	v11 =	vsub.f32 v11, v9;
	_ =	sdelay $0x1  }
0x523: {  	(erf) = vrcp.f32 v11;
	_ =	sdelay $0x3  }
0x524: {  	v7 =	vld.idx.msk [tilespmem:v7+s23+$0x0], $0xffff  }
0x525: {  	v8 =	vld.idx.msk [tilespmem:v8+s23+$0x0], $0xffff;
	_ =	sdelay $0x2  }
0x526: {  	v11 =	vsub.f32 v10, v9  }
0x527: {  	v12 =	vpop (erf)  }
0x528: {  	v8 =	vsub.f32 v8, v7;
	v11 =	vmul.f32 v12, v11;
	_ =	sdelay $0x1  }
0x529: {  	v8 =	vmul.f32 v8, v11;
	_ =	sdelay $0x1  }
0x52a: {  	v8 =	vadd.f32 v8, v7  }
0x52b: {  	vm4 =	vgt.f32 v10, v6;
	vm1 =	vlt.f32 v10, v9  }
0x52c: {  	v6 =	vsel vm1, v7, v8;
	vm1 =	vmor vm2, vm4  }
0x52d: {  	v6 =	vsel vm1, v16, v6  }
0x52e: {  	v6 =	vsel vm3, $0x0, v6  }
0x52f: {  	[tilespmem:$0x2A10] =	vst v6  }
0x530: {  	[tilespmem:s13], [sflag:$0x1] =	stream.strided.gather [hbm4b:s8+s19], $0x800, s11, s19, $0x38;
	[tilespmem:$0x2A80] =	vst v63  }
0x531: {  	_ =	swait.ge [sflag:s24], $0x800  }
0x532: {  	[sflag:s24] =	ssyncset.done $0x0  }
0x533: {  	s1 =	simm.s32 $0x1030;
	[sflag:s24] =	ssyncadd.s32 $0xFFFFF800  }
0x534: {  	v14 =	vld [tilespmem:s1+$0x0]  }
0x535: {  	s28 =	simm.s32 $0x0  }
0x536: {  	s28 =	sand.u32 $0x7C0, s28  }
0x537: {  	v8 =	vld [tilespmem:s28+$0x1000]  }
0x538: {  	v6 =	vld [tilespmem:s1+$0xFFFFFFE0]  }
0x539: {  	v7 =	vld [tilespmem:s1+$0xFFFFFFF0];
	vm1 =	veq.f32 v14, v14  }
0x53a: {  	vm2 =	vmand vm1, vm0  }
0x53b: {  	v9 =	vsel vm2, $0x1, v0  }
0x53c: {  	vm3 =	veq.f32 v8, v8;
	(xrf0) =	vadd.scan.msk.s32 $0xffff, v9  }
0x53d: {  	vm1 =	veq.f32 v6, v6;
	vm3 =	vmand vm3, vm0  }
0x53e: {  	vm4 =	veq.f32 v7, v7;
	vm1 =	vmand vm1, vm0;
	v11 =	vmpcnt.ones.xlane vm3  }
0x53f: {  	vm4 =	vmand vm4, vm0;
	v9 =	vsel vm1, $0x1, v0;
	v12 =	vmpcnt.ones.xlane vm1  }
0x540: {  	v10 =	vsel vm3, $0x1, v0;
	(xrf0) =	vadd.scan.msk.s32 $0xffff, v9;
	v15 =	vadd.s32 v5, v11;
	v11 =	vmpcnt.ones.xlane vm4  }
0x541: {  	(xrf0) =	vadd.scan.msk.s32 $0xffff, v10;
	v16 =	vadd.s32 v15, v12  }
0x542: {  	v13 =	vadd.s32 v16, v11;
	v17, _, _ =	vpop (xrf0)  }
0x543: {  	v17 =	vadd.s32 v17, v13  }
0x544: {  	s28 =	simm.s32 $0x1070;
	v10 =	vsel vm4, $0x1, v0  }
0x545: {  	v9 =	vld [tilespmem:s28+$0x0];
	(xrf0) =	vadd.scan.msk.s32 $0xffff, v10  }
0x546: {  	s30 =	simm.s32 $0x40;
	v12 =	vmpcnt.ones.xlane vm2;
	v10 =	vld [tilespmem:s28+$0xFFFFFFF0];
	v22 =	vadd.s32 $0xFFFFFFFF, v17;
	v17, _, _ =	vpop (xrf0)  }
0x547: {  	s1 =	sand.u32 $0x7C0, s30;
	v11 =	vld [tilespmem:s28+$0xFFFFFFE0];
	v18, _, _ =	vpop (xrf0)  }
0x548: {  	s29 =	simm.s32 $0x20;
	vm8 =	vmmov vm2;
	v13 =	vadd.s32 v13, v12;
	v12 =	vld [tilespmem:s1+$0x1000];
	v18 =	vadd.s32 v18, v5  }
0x549: {  	vm3 =	vmmov vm3;
	vm1 =	vmmov vm1;
	v15 =	vadd.s32 v17, v15;
	v17 =	vld [tilespmem:s29+$0x10]  }
0x54a: {  	v19 =	vld [tilespmem:s29+$0xFFFFFFF0];
	vm2 =	vmmov vm4;
	vm4 =	veq.f32 v9, v9;
	v5 =	vadd.s32 $0xFFFFFFFF, v15  }
0x54b: {  	vm5 =	vmand vm4, vm0;
	vm6 =	veq.f32 v10, v10;
	v15 =	vadd.s32 $0xFFFFFFFF, v18;
	v18, _, _ =	vpop (xrf0)  }
0x54c: {  	vm7 =	veq.f32 v11, v11;
	v20 =	vsel vm5, $0x1, v0;
	v16 =	vadd.s32 v18, v16;
	v18 =	vld [tilespmem:s29+$0xFFFFFFE0]  }
0x54d: {  	vm4 =	vmand vm6, vm0;
	vm6 =	vmand vm7, vm0;
	(xrf0) =	vadd.scan.msk.s32 $0xffff, v20;
	vm15 =	veq.f32 v12, v12  }
0x54e: {  	v21 =	vsel vm6, $0x1, v0;
	vm7 =	vmand vm15, vm0;
	[tilespmem:v22+s20+$0x0] =	vst.idx.msk vm8, v17;
	v17 =	vld [tilespmem:s29+$0x0];
	v16 =	vadd.s32 $0xFFFFFFFF, v16  }
0x54f: {  	(xrf0) =	vadd.scan.msk.s32 $0xffff, v21;
	v23 =	vsel vm7, $0x1, v0;
	v20 =	vmpcnt.ones.xlane vm7;
	[tilespmem:v5+s20+$0x0] =	vst.idx.msk vm1, v19  }
0x550: {  	s31 =	simm.s32 $0x4;
	v21 =	vsel vm4, $0x1, v0;
	(xrf0) =	vadd.scan.msk.s32 $0xffff, v23;
	v19 =	vmpcnt.ones.xlane vm6;
	[tilespmem:v22+s23+$0x0] =	vst.idx.msk vm8, v14;
	v14 =	vmovc v13  }
.LBB2_12:
0x551: {  	s31 =	sadd.s32 $0x4, s31;
	v20 =	vadd.s32 v13, v20;
	v23 =	vmpcnt.ones.xlane vm4;
	s28 =	sadd.s32 $0x40, s28;
	(xrf0) =	vadd.scan.msk.s32 $0xffff, v21;
	[tilespmem:v15+s20+$0x0] =	vst.idx.msk vm3, v18;
	s29 =	sadd.s32 $0x40, s29  }
0x552: {  	v18 =	vmpcnt.ones.xlane vm5;
	vm8 =	vmmov vm5;
	v22 =	vld [tilespmem:s28+$0x0];
	p0 =	slt.u32 s31, $0x7C;
	v19 =	vadd.s32 v20, v19;
	[tilespmem:v15+s23+$0x0] =	vst.idx.msk vm3, v8;
	v8 =	vmovc v12  }
0x553: {  	s30 =	sadd.s32 $0x40, s30;
	vm3 =	vmmov vm7;
	v21 =	vld [tilespmem:s28+$0xFFFFFFF0];
	v12 =	vadd.s32 v19, v23;
	v13, _, _ =	vpop (xrf0);
	[tilespmem:v16+s20+$0x0] =	vst.idx.msk vm2, v17  }
0x554: {  	s1 =	sand.u32 $0x7C0, s30;
	v17 =	vld [tilespmem:s28+$0xFFFFFFE0];
	v15 =	vadd.s32 v13, v12;
	v13 =	vadd.s32 v12, v18;
	[tilespmem:v16+s23+$0x0] =	vst.idx.msk vm2, v7;
	v7 =	vmov v10  }
0x555: {  	vm2 =	vmmov vm4;
	v12 =	vld [tilespmem:s1+$0x1000];
	v23 =	vadd.s32 $0xFFFFFFFF, v15;
	v10, _, _ =	vpop (xrf0);
	[tilespmem:v5+s23+$0x0] =	vst.idx.msk vm1, v6;
	v6 =	vmov v11  }
0x556: {  	vm1 =	vmmov vm6;
	v5 =	vadd.s32 v10, v20;
	v20 =	vld [tilespmem:s29+$0x10];
	v10, _, _ =	vpop (xrf0)  }
0x557: {  	vm4 =	veq.f32 v22, v22;
	v25 =	vadd.s32 v10, v14;
	v5 =	vadd.s32 $0xFFFFFFFF, v5;
	v24 =	vld [tilespmem:s29+$0xFFFFFFF0];
	v16, _, _ =	vpop (xrf0)  }
0x558: {  	v14 =	vmovc v13;
	vm6 =	veq.f32 v21, v21;
	vm5 =	vmand vm4, vm0;
	v15 =	vadd.s32 $0xFFFFFFFF, v25;
	v10 =	vmovc v21  }
.Ltmp5:
0x559: {  	vm7 =	veq.f32 v17, v17;
	vm4 =	vmand vm6, vm0;
	v21 =	vsel vm5, $0x1, v0;
	v18 =	vld [tilespmem:s29+$0xFFFFFFE0];
	v11 =	vmovc v17;
	(pc) =	sbr.rel @p0 .LBB2_12-.Ltmp5, $4  }
0x55a: {  	v16 =	vadd.s32 v16, v19;
	vm9 =	veq.f32 v12, v12;
	vm6 =	vmand vm7, vm0;
	(xrf0) =	vadd.scan.msk.s32 $0xffff, v21  }
0x55b: {  	v16 =	vadd.s32 $0xFFFFFFFF, v16;
	vm7 =	vmand vm9, vm0;
	v19 =	vsel vm6, $0x1, v0;
	v17 =	vld [tilespmem:s29+$0x0];
	[tilespmem:v23+s20+$0x0] =	vst.idx.msk vm8, v20  }
0x55c: {  	v25 =	vsel vm7, $0x1, v0;
	v20 =	vmpcnt.ones.xlane vm7;
	(xrf0) =	vadd.scan.msk.s32 $0xffff, v19;
	[tilespmem:v5+s20+$0x0] =	vst.idx.msk vm1, v24  }
0x55d: {  	v21 =	vsel vm4, $0x1, v0;
	v19 =	vmpcnt.ones.xlane vm6;
	(xrf0) =	vadd.scan.msk.s32 $0xffff, v25;
	[tilespmem:v23+s23+$0x0] =	vst.idx.msk vm8, v9;
	v9 =	vmovc v22  }
0x55e: {  	_ = 	snop  }
0x55f: {  	v13 =	vadd.s32 v13, v20;
	v20 =	vmpcnt.ones.xlane vm4  }
0x560: {  	v19 =	vadd.s32 v13, v19  }
0x561: {  	(xrf0) =	vadd.scan.msk.s32 $0xffff, v21;
	v20 =	vadd.s32 v19, v20;
	v21, _, _ =	vpop (xrf0)  }
0x562: {  	s1 =	sadd.s32 $0x40, s29;
	v21 =	vadd.s32 v21, v20  }
0x563: {  	[tilespmem:v15+s20+$0x0] =	vst.idx.msk vm3, v18;
	v22, _, _ =	vpop (xrf0);
	v18 =	vadd.s32 $0xFFFFFFFF, v21;
	v21 =	vld [tilespmem:s1+$0x10]  }
0x564: {  	vm6 =	vmmov vm6;
	[tilespmem:v15+s23+$0x0] =	vst.idx.msk vm3, v8;
	v13 =	vadd.s32 v22, v13;
	v8, _, _ =	vpop (xrf0)  }
0x565: {  	v15 =	vld [tilespmem:s1+$0xFFFFFFF0];
	[tilespmem:v16+s20+$0x0] =	vst.idx.msk vm2, v17;
	v13 =	vadd.s32 $0xFFFFFFFF, v13;
	v8 =	vadd.s32 v8, v14  }
0x566: {  	[tilespmem:v16+s23+$0x0] =	vst.idx.msk vm2, v7;
	v14 =	vmpcnt.ones.xlane vm5;
	v16 =	vadd.s32 $0xFFFFFFFF, v8;
	v8 =	vld [tilespmem:s1+$0xFFFFFFE0]  }
0x567: {  	[tilespmem:v5+s23+$0x0] =	vst.idx.msk vm1, v6;
	v7, _, _ =	vpop (xrf0)  }
0x568: {  	v5 =	vadd.s32 v7, v19;
	v7 =	vadd.s32 v20, v14;
	[tilespmem:v18+s20+$0x0] =	vst.idx.msk vm5, v21  }
0x569: {  	v6 =	vld [tilespmem:s1+$0x0];
	v5 =	vadd.s32 $0xFFFFFFFF, v5;
	v14 =	vadd.s32 $0xFFFFFFFF, v7;
	[tilespmem:v18+s23+$0x0] =	vst.idx.msk vm5, v9  }
0x56a: {  	vm2 =	vgt.s32 v14, $0x0;
	[tilespmem:v13+s20+$0x0] =	vst.idx.msk vm6, v15  }
0x56b: {  	[tilespmem:v16+s20+$0x0] =	vst.idx.msk vm7, v8;
	v8 =	vnsel vm2, $0x0, v14  }
0x56c: {  	[tilespmem:v13+s23+$0x0] =	vst.idx.msk vm6, v11  }
0x56d: {  	[tilespmem:v16+s23+$0x0] =	vst.idx.msk vm7, v12;
	v9 =	vmin.u32 v8, $0x3FF  }
0x56e: {  	[tilespmem:v5+s20+$0x0] =	vst.idx.msk vm4, v6  }
0x56f: {  	[tilespmem:v5+s23+$0x0] =	vst.idx.msk vm4, v10  }
0x570: {  	v6 =	vld.idx.msk [tilespmem:v8+s20+$0x0], $0xffff;
	_ =	sdelay $0x1  }
0x571: {  	v5 =	vld.idx.msk [tilespmem:v9+s20+$0x0], $0xffff;
	_ =	sdelay $0x2  }
0x572: {  	v10 =	vmul.f32 v6, v3  }
0x573: {  	vm1 =	vmmov vm4  }
0x574: {  	vm1 =	vgt.s32 v7, $0x3FF;
	vm2 =	vle.f32 v5, v10  }
0x575: {  	v5 =	vimm.s32 $0x0;
	vm2 =	vmand vm1, vm2  }
0x576: {  	v11 =	vsel vm2, $0x400, v5  }
0x577: {  	v12 =	vor.u32 $0x1FF, v11  }
0x578: {  	v12 =	vmin.u32 v12, v8;
	_ =	sdelay $0x4  }
0x579: {  	v12 =	vld.idx.msk [tilespmem:v12+s20+$0x0], $0xffff;
	_ =	sdelay $0x3  }
0x57a: {  	vm3 =	vmmov vm7;
	v13 =	vor.u32 $0x200, v11  }
0x57b: {  	vm2 =	vle.s32 v13, v7;
	vm3 =	vle.f32 v12, v10  }
0x57c: {  	vm2 =	vmand vm3, vm2  }
0x57d: {  	v11 =	vsel vm2, v13, v11  }
0x57e: {  	v12 =	vor.u32 $0xFF, v11  }
0x57f: {  	v12 =	vmin.u32 v12, v8;
	_ =	sdelay $0x4  }
0x580: {  	v12 =	vld.idx.msk [tilespmem:v12+s20+$0x0], $0xffff;
	_ =	sdelay $0x3  }
0x581: {  	v13 =	vor.u32 $0x100, v11  }
0x582: {  	vm2 =	vle.s32 v13, v7;
	vm3 =	vle.f32 v12, v10  }
0x583: {  	vm2 =	vmand vm3, vm2  }
0x584: {  	v11 =	vsel vm2, v13, v11  }
0x585: {  	v12 =	vor.u32 $0x7F, v11  }
0x586: {  	v12 =	vmin.u32 v12, v8;
	_ =	sdelay $0x4  }
0x587: {  	v12 =	vld.idx.msk [tilespmem:v12+s20+$0x0], $0xffff;
	_ =	sdelay $0x3  }
0x588: {  	v13 =	vor.u32 $0x80, v11  }
0x589: {  	vm2 =	vle.s32 v13, v7;
	vm3 =	vle.f32 v12, v10  }
0x58a: {  	vm2 =	vmand vm3, vm2  }
0x58b: {  	v11 =	vsel vm2, v13, v11  }
0x58c: {  	v12 =	vadd.s32 $0x3F, v11  }
0x58d: {  	v12 =	vmin.u32 v12, v8;
	_ =	sdelay $0x4  }
0x58e: {  	v12 =	vld.idx.msk [tilespmem:v12+s20+$0x0], $0xffff;
	_ =	sdelay $0x3  }
0x58f: {  	v13 =	vadd.s32 $0x40, v11  }
0x590: {  	vm2 =	vle.s32 v13, v7;
	vm3 =	vle.f32 v12, v10  }
0x591: {  	vm2 =	vmand vm3, vm2  }
0x592: {  	v11 =	vsel vm2, v13, v11  }
0x593: {  	v12 =	vadd.s32 $0x1F, v11  }
0x594: {  	v12 =	vmin.u32 v12, v8;
	_ =	sdelay $0x4  }
0x595: {  	v12 =	vld.idx.msk [tilespmem:v12+s20+$0x0], $0xffff;
	_ =	sdelay $0x3  }
0x596: {  	v13 =	vadd.s32 $0x20, v11  }
0x597: {  	vm2 =	vle.s32 v13, v7;
	vm3 =	vle.f32 v12, v10  }
0x598: {  	vm2 =	vmand vm3, vm2  }
0x599: {  	v11 =	vsel vm2, v13, v11  }
0x59a: {  	v12 =	vadd.s32 $0xF, v11  }
0x59b: {  	v12 =	vmin.u32 v12, v8;
	_ =	sdelay $0x4  }
0x59c: {  	v12 =	vld.idx.msk [tilespmem:v12+s20+$0x0], $0xffff;
	_ =	sdelay $0x3  }
0x59d: {  	v13 =	vadd.s32 $0x10, v11  }
0x59e: {  	vm2 =	vle.s32 v13, v7;
	vm3 =	vle.f32 v12, v10  }
0x59f: {  	vm2 =	vmand vm3, vm2  }
0x5a0: {  	v11 =	vsel vm2, v13, v11  }
0x5a1: {  	v12 =	vadd.s32 $0x7, v11  }
0x5a2: {  	v12 =	vmin.u32 v12, v8;
	_ =	sdelay $0x4  }
0x5a3: {  	v12 =	vld.idx.msk [tilespmem:v12+s20+$0x0], $0xffff;
	_ =	sdelay $0x3  }
0x5a4: {  	v13 =	vadd.s32 $0x8, v11  }
0x5a5: {  	vm2 =	vle.s32 v13, v7;
	vm3 =	vle.f32 v12, v10  }
0x5a6: {  	vm2 =	vmand vm3, vm2  }
0x5a7: {  	v11 =	vsel vm2, v13, v11  }
0x5a8: {  	v12 =	vadd.s32 $0x3, v11  }
0x5a9: {  	v12 =	vmin.u32 v12, v8;
	_ =	sdelay $0x4  }
0x5aa: {  	v12 =	vld.idx.msk [tilespmem:v12+s20+$0x0], $0xffff;
	_ =	sdelay $0x3  }
0x5ab: {  	v13 =	vadd.s32 $0x4, v11  }
0x5ac: {  	vm2 =	vle.s32 v13, v7;
	vm3 =	vle.f32 v12, v10  }
0x5ad: {  	vm2 =	vmand vm3, vm2  }
0x5ae: {  	v11 =	vsel vm2, v13, v11  }
0x5af: {  	v12 =	vadd.s32 $0x1, v11  }
0x5b0: {  	v12 =	vmin.u32 v12, v8;
	_ =	sdelay $0x4  }
0x5b1: {  	v12 =	vld.idx.msk [tilespmem:v12+s20+$0x0], $0xffff;
	_ =	sdelay $0x3  }
0x5b2: {  	v13 =	vadd.s32 $0x2, v11  }
0x5b3: {  	vm2 =	vle.s32 v13, v7;
	vm3 =	vle.f32 v12, v10  }
0x5b4: {  	vm2 =	vmand vm3, vm2  }
0x5b5: {  	v11 =	vsel vm2, v13, v11  }
0x5b6: {  	v12 =	vmin.u32 v11, v8;
	_ =	sdelay $0x4  }
0x5b7: {  	v12 =	vld.idx.msk [tilespmem:v12+s20+$0x0], $0xffff;
	_ =	sdelay $0x4  }
0x5b8: {  	vm2 =	vle.f32 v12, v10  }
0x5b9: {  	vm3 =	vge.s32 v11, v7;
	vm2 =	vmneg vm2  }
0x5ba: {  	vm2 =	vmor vm2, vm3  }
0x5bb: {  	v12 =	vsel vm2, $0xFFFFFFFF, v0  }
0x5bc: {  	v13 =	vadd.s32 $0xFFFFFFFE, v7;
	v11 =	vadd.s32 v12, v11  }
0x5bd: {  	vm2 =	vgt.s32 v13, $0x0;
	vm3 =	vgt.s32 v11, $0x0  }
0x5be: {  	v12 =	vnsel vm2, $0x0, v13;
	v11 =	vnsel vm3, $0x0, v11  }
0x5bf: {  	v11 =	vmin.u32 v12, v11  }
0x5c0: {  	v13 =	vadd.s32 $0x1, v11;
	_ =	sdelay $0x3  }
0x5c1: {  	v14 =	vld.idx.msk [tilespmem:v11+s20+$0x0], $0xffff  }
0x5c2: {  	v15 =	vld.idx.msk [tilespmem:v13+s20+$0x0], $0xffff;
	_ =	sdelay $0x4  }
0x5c3: {  	v15 =	vsub.f32 v15, v14;
	_ =	sdelay $0x1  }
0x5c4: {  	(erf) = vrcp.f32 v15;
	_ =	sdelay $0x3  }
0x5c5: {  	v11 =	vld.idx.msk [tilespmem:v11+s23+$0x0], $0xffff  }
0x5c6: {  	v13 =	vld.idx.msk [tilespmem:v13+s23+$0x0], $0xffff;
	_ =	sdelay $0x2  }
0x5c7: {  	v15 =	vsub.f32 v10, v14  }
0x5c8: {  	v16 =	vpop (erf)  }
0x5c9: {  	v13 =	vsub.f32 v13, v11;
	v15 =	vmul.f32 v16, v15;
	_ =	sdelay $0x1  }
0x5ca: {  	v16 =	vld.idx.msk [tilespmem:v8+s23+$0x0], $0xffff;
	v13 =	vmul.f32 v13, v15;
	_ =	sdelay $0x1  }
0x5cb: {  	v13 =	vadd.f32 v13, v11  }
0x5cc: {  	vm4 =	vgt.f32 v10, v6;
	vm2 =	veq.s32 v7, $0x1;
	vm3 =	vlt.f32 v10, v14  }
0x5cd: {  	v10 =	vsel vm3, v11, v13;
	vm3 =	vmor vm2, vm4  }
0x5ce: {  	v10 =	vsel vm3, v16, v10;
	vm3 =	veq.s32 v7, $0x0  }
0x5cf: {  	v10 =	vsel vm3, $0x0, v10  }
0x5d0: {  	[tilespmem:$0x2A20] =	vst v10  }
0x5d1: {  	v9 =	vld.idx.msk [tilespmem:v9+s20+$0x0], $0xffff;
	_ =	sdelay $0x2  }
0x5d2: {  	v10 =	vmul.f32 v6, v4;
	_ =	sdelay $0x1  }
0x5d3: {  	vm4 =	vle.f32 v9, v10  }
0x5d4: {  	vm1 =	vmand vm1, vm4  }
0x5d5: {  	v9 =	vsel vm1, $0x400, v5  }
0x5d6: {  	v11 =	vor.u32 $0x1FF, v9  }
0x5d7: {  	v11 =	vmin.u32 v11, v8;
	_ =	sdelay $0x4  }
0x5d8: {  	v11 =	vld.idx.msk [tilespmem:v11+s20+$0x0], $0xffff;
	_ =	sdelay $0x3  }
0x5d9: {  	v13 =	vor.u32 $0x200, v9  }
0x5da: {  	vm1 =	vle.s32 v13, v7;
	vm4 =	vle.f32 v11, v10  }
0x5db: {  	vm1 =	vmand vm4, vm1  }
0x5dc: {  	v9 =	vsel vm1, v13, v9  }
0x5dd: {  	v11 =	vor.u32 $0xFF, v9  }
0x5de: {  	v11 =	vmin.u32 v11, v8;
	_ =	sdelay $0x4  }
0x5df: {  	v11 =	vld.idx.msk [tilespmem:v11+s20+$0x0], $0xffff;
	_ =	sdelay $0x3  }
0x5e0: {  	v13 =	vor.u32 $0x100, v9  }
0x5e1: {  	vm1 =	vle.s32 v13, v7;
	vm4 =	vle.f32 v11, v10  }
0x5e2: {  	vm1 =	vmand vm4, vm1  }
0x5e3: {  	v9 =	vsel vm1, v13, v9  }
0x5e4: {  	v11 =	vor.u32 $0x7F, v9  }
0x5e5: {  	v11 =	vmin.u32 v11, v8;
	_ =	sdelay $0x4  }
0x5e6: {  	v11 =	vld.idx.msk [tilespmem:v11+s20+$0x0], $0xffff;
	_ =	sdelay $0x3  }
0x5e7: {  	v13 =	vor.u32 $0x80, v9  }
0x5e8: {  	vm1 =	vle.s32 v13, v7;
	vm4 =	vle.f32 v11, v10  }
0x5e9: {  	vm1 =	vmand vm4, vm1  }
0x5ea: {  	v9 =	vsel vm1, v13, v9  }
0x5eb: {  	v11 =	vadd.s32 $0x3F, v9  }
0x5ec: {  	v11 =	vmin.u32 v11, v8;
	_ =	sdelay $0x4  }
0x5ed: {  	v11 =	vld.idx.msk [tilespmem:v11+s20+$0x0], $0xffff;
	_ =	sdelay $0x3  }
0x5ee: {  	v13 =	vadd.s32 $0x40, v9  }
0x5ef: {  	vm1 =	vle.s32 v13, v7;
	vm4 =	vle.f32 v11, v10  }
0x5f0: {  	vm1 =	vmand vm4, vm1  }
0x5f1: {  	v9 =	vsel vm1, v13, v9  }
0x5f2: {  	v11 =	vadd.s32 $0x1F, v9  }
0x5f3: {  	v11 =	vmin.u32 v11, v8;
	_ =	sdelay $0x4  }
0x5f4: {  	v11 =	vld.idx.msk [tilespmem:v11+s20+$0x0], $0xffff;
	_ =	sdelay $0x3  }
0x5f5: {  	v13 =	vadd.s32 $0x20, v9  }
0x5f6: {  	vm1 =	vle.s32 v13, v7;
	vm4 =	vle.f32 v11, v10  }
0x5f7: {  	vm1 =	vmand vm4, vm1  }
0x5f8: {  	v9 =	vsel vm1, v13, v9  }
0x5f9: {  	v11 =	vadd.s32 $0xF, v9  }
0x5fa: {  	v11 =	vmin.u32 v11, v8;
	_ =	sdelay $0x4  }
0x5fb: {  	v11 =	vld.idx.msk [tilespmem:v11+s20+$0x0], $0xffff;
	_ =	sdelay $0x3  }
0x5fc: {  	v13 =	vadd.s32 $0x10, v9  }
0x5fd: {  	vm1 =	vle.s32 v13, v7;
	vm4 =	vle.f32 v11, v10  }
0x5fe: {  	vm1 =	vmand vm4, vm1  }
0x5ff: {  	v9 =	vsel vm1, v13, v9  }
0x600: {  	v11 =	vadd.s32 $0x7, v9  }
0x601: {  	v11 =	vmin.u32 v11, v8;
	_ =	sdelay $0x4  }
0x602: {  	v11 =	vld.idx.msk [tilespmem:v11+s20+$0x0], $0xffff;
	_ =	sdelay $0x3  }
0x603: {  	v13 =	vadd.s32 $0x8, v9  }
0x604: {  	vm1 =	vle.s32 v13, v7;
	vm4 =	vle.f32 v11, v10  }
0x605: {  	vm1 =	vmand vm4, vm1  }
0x606: {  	v9 =	vsel vm1, v13, v9  }
0x607: {  	v11 =	vadd.s32 $0x3, v9  }
0x608: {  	v11 =	vmin.u32 v11, v8;
	_ =	sdelay $0x4  }
0x609: {  	v11 =	vld.idx.msk [tilespmem:v11+s20+$0x0], $0xffff;
	_ =	sdelay $0x3  }
0x60a: {  	v13 =	vadd.s32 $0x4, v9  }
0x60b: {  	vm1 =	vle.s32 v13, v7;
	vm4 =	vle.f32 v11, v10  }
0x60c: {  	vm1 =	vmand vm4, vm1  }
0x60d: {  	v9 =	vsel vm1, v13, v9  }
0x60e: {  	v11 =	vadd.s32 $0x1, v9  }
0x60f: {  	v11 =	vmin.u32 v11, v8;
	_ =	sdelay $0x4  }
0x610: {  	v11 =	vld.idx.msk [tilespmem:v11+s20+$0x0], $0xffff;
	_ =	sdelay $0x3  }
0x611: {  	v13 =	vadd.s32 $0x2, v9  }
0x612: {  	vm1 =	vle.s32 v13, v7;
	vm4 =	vle.f32 v11, v10  }
0x613: {  	vm1 =	vmand vm4, vm1  }
0x614: {  	v9 =	vsel vm1, v13, v9  }
0x615: {  	v8 =	vmin.u32 v9, v8;
	_ =	sdelay $0x4  }
0x616: {  	v8 =	vld.idx.msk [tilespmem:v8+s20+$0x0], $0xffff;
	_ =	sdelay $0x4  }
0x617: {  	vm1 =	vle.f32 v8, v10  }
0x618: {  	vm4 =	vge.s32 v9, v7;
	vm1 =	vmneg vm1  }
0x619: {  	vm1 =	vmor vm1, vm4  }
0x61a: {  	v7 =	vsel vm1, $0xFFFFFFFF, v0  }
0x61b: {  	v7 =	vadd.s32 v7, v9  }
0x61c: {  	vm1 =	vgt.s32 v7, $0x0  }
0x61d: {  	v7 =	vnsel vm1, $0x0, v7  }
0x61e: {  	v7 =	vmin.u32 v12, v7  }
0x61f: {  	v8 =	vadd.s32 $0x1, v7;
	_ =	sdelay $0x3  }
0x620: {  	v9 =	vld.idx.msk [tilespmem:v7+s20+$0x0], $0xffff  }
0x621: {  	v11 =	vld.idx.msk [tilespmem:v8+s20+$0x0], $0xffff;
	_ =	sdelay $0x4  }
0x622: {  	v11 =	vsub.f32 v11, v9;
	_ =	sdelay $0x1  }
0x623: {  	(erf) = vrcp.f32 v11;
	_ =	sdelay $0x3  }
0x624: {  	v7 =	vld.idx.msk [tilespmem:v7+s23+$0x0], $0xffff  }
0x625: {  	v8 =	vld.idx.msk [tilespmem:v8+s23+$0x0], $0xffff;
	_ =	sdelay $0x2  }
0x626: {  	v11 =	vsub.f32 v10, v9  }
0x627: {  	v12 =	vpop (erf)  }
0x628: {  	v8 =	vsub.f32 v8, v7;
	v11 =	vmul.f32 v12, v11;
	_ =	sdelay $0x1  }
0x629: {  	v8 =	vmul.f32 v8, v11;
	_ =	sdelay $0x1  }
0x62a: {  	v8 =	vadd.f32 v8, v7  }
0x62b: {  	vm4 =	vgt.f32 v10, v6;
	vm1 =	vlt.f32 v10, v9  }
0x62c: {  	v6 =	vsel vm1, v7, v8;
	vm1 =	vmor vm2, vm4  }
0x62d: {  	v6 =	vsel vm1, v16, v6  }
0x62e: {  	v6 =	vsel vm3, $0x0, v6  }
0x62f: {  	[tilespmem:$0x2A30] =	vst v6  }
0x630: {  	[tilespmem:s17], [sflag:$0x2] =	stream.strided.gather [hbm4b:s9+s19], $0x800, s11, s19, $0x38;
	[tilespmem:$0x2A80] =	vst v63  }
0x631: {  	_ =	swait.ge [sflag:s22], $0x800  }
0x632: {  	[sflag:s22] =	ssyncset.done $0x0  }
0x633: {  	s31 =	simm.s32 $0x820;
	[sflag:s22] =	ssyncadd.s32 $0xFFFFF800  }
0x634: {  	v13 =	vld [tilespmem:s31+$0xFFFFFFE0];
	_ =	sdelay $0x1  }
0x635: {  	v12 =	vld [tilespmem:s31+$0xFFFFFFF0]  }
0x636: {  	v11 =	vld [tilespmem:s31+$0x0];
	_ =	sdelay $0x1  }
0x637: {  	v9 =	vld [tilespmem:s31+$0x10];
	vm1 =	veq.f32 v13, v13  }
0x638: {  	vm2 =	vmand vm1, vm0  }
0x639: {  	vm1 =	veq.f32 v12, v12;
	v6 =	vsel vm2, $0x1, v0  }
0x63a: {  	vm3 =	veq.f32 v11, v11;
	vm1 =	vmand vm1, vm0;
	(xrf0) =	vadd.scan.msk.s32 $0xffff, v6  }
0x63b: {  	vm3 =	vmand vm3, vm0;
	v7 =	vsel vm1, $0x1, v0;
	v6 =	vmpcnt.ones.xlane vm2  }
0x63c: {  	s31 =	simm.s32 $0x860;
	vm4 =	veq.f32 v9, v9;
	v8 =	vsel vm3, $0x1, v0;
	(xrf0) =	vadd.scan.msk.s32 $0xffff, v7;
	v7 =	vmpcnt.ones.xlane vm1  }
0x63d: {  	vm4 =	vmand vm4, vm0;
	(xrf0) =	vadd.scan.msk.s32 $0xffff, v8;
	v8 =	vld [tilespmem:s31+$0xFFFFFFE0];
	v14 =	vadd.s32 v5, v6;
	v6 =	vmpcnt.ones.xlane vm3  }
0x63e: {  	v10 =	vld [tilespmem:s31+$0xFFFFFFF0];
	v15 =	vadd.s32 v14, v7;
	v7 =	vmpcnt.ones.xlane vm4  }
0x63f: {  	v16 =	vadd.s32 v15, v6  }
0x640: {  	vm8 =	vmmov vm5;
	v17 =	vsel vm4, $0x1, v0;
	v18 =	vadd.s32 v16, v7;
	v7 =	vld [tilespmem:s31+$0x0];
	v19, _, _ =	vpop (xrf0)  }
0x641: {  	vm5 =	vmmov vm3;
	vm2 =	vmmov vm2;
	v5 =	vadd.s32 v19, v5  }
0x642: {  	vm1 =	vmmov vm1;
	v6 =	vld [tilespmem:s31+$0x10];
	s31 =	simm.s32 $0x20;
	(xrf0) =	vadd.scan.msk.s32 $0xffff, v17;
	v19, _, _ =	vpop (xrf0);
	vm3 =	veq.f32 v8, v8;
	v26 =	vadd.s32 $0xFFFFFFFF, v5  }
0x643: {  	v17 =	vld [tilespmem:s31+$0xFFFFFFE0];
	v5 =	vadd.s32 v19, v14;
	v14, _, _ =	vpop (xrf0);
	vm6 =	vmand vm3, vm0;
	vm3 =	veq.f32 v10, v10  }
0x644: {  	v15 =	vadd.s32 v14, v15;
	v14 =	vmpcnt.ones.xlane vm6;
	vm3 =	vmand vm3, vm0  }
0x645: {  	v19 =	vsel vm6, $0x1, v0;
	v25 =	vadd.s32 $0xFFFFFFFF, v5;
	vm7 =	veq.f32 v7, v7  }
0x646: {  	v20 =	vmpcnt.ones.xlane vm3;
	v21 =	vsel vm3, $0x1, v0;
	(xrf0) =	vadd.scan.msk.s32 $0xffff, v19;
	vm8 =	vmand vm7, vm0  }
0x647: {  	v28 =	vld [tilespmem:s31+$0xFFFFFFF0];
	vm7 =	veq.f32 v6, v6;
	v19 =	vadd.s32 v18, v14;
	(xrf0) =	vadd.scan.msk.s32 $0xffff, v21;
	v14 =	vmpcnt.ones.xlane vm8  }
0x648: {  	s29 =	simm.s32 $0x8A0;
	v23 =	vld [tilespmem:s31+$0x0];
	vm9 =	vmand vm7, vm0;
	v5, _, _ =	vpop (xrf0);
	v20 =	vadd.s32 v19, v20;
	[tilespmem:v26+s20+$0x0] =	vst.idx.msk vm2, v17;
	v17 =	vsel vm8, $0x1, v0  }
0x649: {  	v21 =	vmpcnt.ones.xlane vm9;
	v16 =	vadd.s32 v5, v16;
	v27 =	vsel vm9, $0x1, v0;
	v5 =	vld [tilespmem:s29+$0xFFFFFFE0];
	(xrf0) =	vadd.scan.msk.s32 $0xffff, v17  }
0x64a: {  	vm4 =	vmmov vm4;
	v22 =	vld [tilespmem:s31+$0x10];
	vm7 =	vmmov vm5;
	v14 =	vadd.s32 v20, v14;
	(xrf0) =	vadd.scan.msk.s32 $0xffff, v27  }
0x64b: {  	v24 =	vadd.s32 $0xFFFFFFFF, v15;
	v17 =	vadd.s32 v14, v21;
	v21 =	vadd.s32 $0xFFFFFFFF, v16;
	v16 =	vld [tilespmem:s29+$0xFFFFFFF0]  }
0x64c: {  	v15 =	vld [tilespmem:s29+$0x0];
	vm5 =	vmmov vm8;
	[tilespmem:v26+s23+$0x0] =	vst.idx.msk vm2, v13;
	vm2 =	vmmov vm6;
	vm6 =	vmmov vm4;
	v26, _, _ =	vpop (xrf0)  }
0x64d: {  	s30 =	simm.s32 $0x8;
	s28 =	simm.s32 $0x60;
	vm4 =	vmmov vm9;
	v13 =	vld [tilespmem:s29+$0x10];
	[tilespmem:v25+s20+$0x0] =	vst.idx.msk vm1, v28;
	v27 =	vadd.s32 v26, v18;
	v26, _, _ =	vpop (xrf0);
	v18 =	vmov v17  }
.LBB2_14:
0x64e: {  	vm8 =	veq.f32 v5, v5;
	v27 =	vadd.s32 $0xFFFFFFFF, v27  }
0x64f: {  	s30 =	sadd.s32 $0x4, s30;
	v28 =	vld [tilespmem:s28+$0xFFFFFFE0];
	v26 =	vadd.s32 v26, v19;
	v19, _, _ =	vpop (xrf0);
	[tilespmem:v25+s23+$0x0] =	vst.idx.msk vm1, v12;
	v12 =	vmov v10;
	vm1 =	vmmov vm3  }
0x650: {  	p0 =	slt.u32 s30, $0x7C;
	vm8 =	vmand vm8, vm0;
	vm3 =	veq.f32 v16, v16;
	v29 =	vadd.s32 v19, v20;
	v25, _, _ =	vpop (xrf0);
	[tilespmem:v24+s20+$0x0] =	vst.idx.msk vm7, v23  }
0x651: {  	v10 =	vmovc v16;
	v19 =	vmpcnt.ones.xlane vm8;
	vm3 =	vmand vm3, vm0;
	vm9 =	veq.f32 v15, v15;
	[tilespmem:v24+s23+$0x0] =	vst.idx.msk vm7, v11  }
0x652: {  	v11 =	vmovc v7;
	v16 =	vmpcnt.ones.xlane vm3;
	vm9 =	vmand vm9, vm0;
	vm7 =	veq.f32 v13, v13;
	[tilespmem:v21+s20+$0x0] =	vst.idx.msk vm6, v22  }
0x653: {  	v7 =	vmovc v15;
	v19 =	vadd.s32 v17, v19;
	v17 =	vmpcnt.ones.xlane vm9;
	vm10 =	vmand vm7, vm0;
	[tilespmem:v21+s23+$0x0] =	vst.idx.msk vm6, v9  }
0x654: {  	v15 =	vsel vm8, $0x1, v0;
	v9 =	vmovc v6;
	v20 =	vadd.s32 v19, v16;
	v16 =	vmpcnt.ones.xlane vm10;
	[tilespmem:v27+s20+$0x0] =	vst.idx.msk vm2, v28  }
0x655: {  	v21 =	vsel vm3, $0x1, v0;
	v22 =	vsel vm9, $0x1, v0;
	v6 =	vmovc v13;
	v24 =	vadd.s32 v20, v17;
	(xrf0) =	vadd.scan.msk.s32 $0xffff, v15;
	v28 =	vld [tilespmem:s28+$0xFFFFFFF0]  }
0x656: {  	v13 =	vsel vm10, $0x1, v0;
	v15 =	vadd.s32 v25, v14;
	v17 =	vadd.s32 v24, v16;
	(xrf0) =	vadd.scan.msk.s32 $0xffff, v21;
	v23 =	vld [tilespmem:s28+$0x0];
	v14 =	vmovc v24  }
0x657: {  	s29 =	sadd.s32 $0x40, s29;
	v25 =	vadd.s32 $0xFFFFFFFF, v26;
	v24 =	vadd.s32 $0xFFFFFFFF, v29;
	v21 =	vadd.s32 $0xFFFFFFFF, v15;
	(xrf0) =	vadd.scan.msk.s32 $0xffff, v22;
	v22 =	vld [tilespmem:s28+$0x10]  }
.Ltmp6:
0x658: {  	vm7 =	vmmov vm5;
	(xrf0) =	vadd.scan.msk.s32 $0xffff, v13;
	[tilespmem:v27+s23+$0x0] =	vst.idx.msk vm2, v8;
	v8 =	vmovc v5;
	v5 =	vld [tilespmem:s29+$0xFFFFFFE0];
	vm2 =	vmmov vm8;
	(pc) =	sbr.rel @p0 .LBB2_14-.Ltmp6, $4  }
0x659: {  	vm5 =	vmmov vm9;
	vm6 =	vmmov vm4;
	vm4 =	vmmov vm10;
	v16 =	vld [tilespmem:s29+$0xFFFFFFF0]  }
0x65a: {  	v15 =	vld [tilespmem:s29+$0x0]  }
0x65b: {  	v13 =	vld [tilespmem:s29+$0x10];
	v26, _, _ =	vpop (xrf0)  }
0x65c: {  	s28 =	sadd.s32 $0x40, s28;
	v27 =	vadd.s32 v26, v18;
	v26, _, _ =	vpop (xrf0);
	[tilespmem:v25+s20+$0x0] =	vst.idx.msk vm1, v28;
	v18 =	vmov v17  }
0x65d: {  	_ =	sdelay $0x2  }
0x65e: {  	vm8 =	veq.f32 v5, v5  }
0x65f: {  	v27 =	vadd.s32 $0xFFFFFFFF, v27;
	v19 =	vadd.s32 v26, v19;
	vm8 =	vmand vm8, vm0  }
0x660: {  	[tilespmem:v25+s23+$0x0] =	vst.idx.msk vm1, v12;
	v62 =	vld [tilespmem:s28+$0xFFFFFFE0];
	vm3 =	vmmov vm3;
	vm1 =	veq.f32 v16, v16;
	v12 =	vsel vm8, $0x1, v0  }
0x661: {  	v63, _, _ =	vpop (xrf0);
	[tilespmem:v24+s20+$0x0] =	vst.idx.msk vm7, v23;
	v19 =	vadd.s32 $0xFFFFFFFF, v19;
	vm1 =	vmand vm1, vm0;
	(xrf0) =	vadd.scan.msk.s32 $0xffff, v12  }
0x662: {  	[tilespmem:v24+s23+$0x0] =	vst.idx.msk vm7, v11;
	v11 =	vld [tilespmem:s28+$0xFFFFFFF0];
	vm9 =	veq.f32 v15, v15;
	v12 =	vadd.s32 v63, v20;
	v20 =	vsel vm1, $0x1, v0  }
0x663: {  	[tilespmem:v21+s20+$0x0] =	vst.idx.msk vm6, v22;
	vm14 =	vmmov vm5;
	vm7 =	vmand vm9, vm0;
	(xrf0) =	vadd.scan.msk.s32 $0xffff, v20  }
0x664: {  	vm4 =	vmmov vm4;
	[tilespmem:v21+s23+$0x0] =	vst.idx.msk vm6, v9;
	vm10 =	veq.f32 v13, v13;
	v20 =	vsel vm7, $0x1, v0  }
0x665: {  	v22, _, _ =	vpop (xrf0);
	v9 =	vld [tilespmem:s28+$0x0];
	vm5 =	vmand vm10, vm0;
	v12 =	vadd.s32 $0xFFFFFFFF, v12;
	(xrf0) =	vadd.scan.msk.s32 $0xffff, v20;
	[tilespmem:v27+s20+$0x0] =	vst.idx.msk vm2, v62  }
0x666: {  	v14 =	vadd.s32 v22, v14;
	v21 =	vmpcnt.ones.xlane vm8;
	v20 =	vsel vm5, $0x1, v0;
	[tilespmem:v27+s23+$0x0] =	vst.idx.msk vm2, v8  }
0x667: {  	v22 =	vld [tilespmem:s28+$0x10];
	v14 =	vadd.s32 $0xFFFFFFFF, v14;
	(xrf0) =	vadd.scan.msk.s32 $0xffff, v20;
	[tilespmem:v19+s20+$0x0] =	vst.idx.msk vm3, v11;
	v11 =	vmpcnt.ones.xlane vm1;
	v8, _, _ =	vpop (xrf0)  }
0x668: {  	s1 =	sadd.s32 $0x40, s28;
	v8 =	vadd.s32 v8, v18  }
0x669: {  	v17 =	vadd.s32 v17, v21;
	v20 =	vld [tilespmem:s1+$0xFFFFFFE0];
	[tilespmem:v19+s23+$0x0] =	vst.idx.msk vm3, v10;
	v10 =	vmpcnt.ones.xlane vm7;
	v18, _, _ =	vpop (xrf0);
	v8 =	vadd.s32 $0xFFFFFFFF, v8  }
0x66a: {  	vm1 =	vmmov vm1;
	[tilespmem:v12+s20+$0x0] =	vst.idx.msk vm14, v9;
	v18 =	vadd.s32 v18, v17  }
0x66b: {  	vm3 =	vmmov vm7;
	v9 =	vadd.s32 v17, v11;
	[tilespmem:v12+s23+$0x0] =	vst.idx.msk vm14, v7;
	v12 =	vld [tilespmem:s1+$0xFFFFFFF0];
	v11, _, _ =	vpop (xrf0);
	v17 =	vadd.s32 $0xFFFFFFFF, v18  }
0x66c: {  	[tilespmem:v14+s20+$0x0] =	vst.idx.msk vm4, v22;
	vm3 =	vmmov vm3;
	v7 =	vmpcnt.ones.xlane vm5;
	v11 =	vadd.s32 v11, v9  }
0x66d: {  	[tilespmem:v14+s23+$0x0] =	vst.idx.msk vm4, v6;
	v6 =	vld [tilespmem:s1+$0x0];
	v9 =	vadd.s32 v9, v10;
	v10, _, _ =	vpop (xrf0);
	v11 =	vadd.s32 $0xFFFFFFFF, v11  }
0x66e: {  	vm5 =	vmmov vm5;
	v7 =	vadd.s32 v9, v7;
	v9 =	vadd.s32 v10, v9;
	[tilespmem:v8+s20+$0x0] =	vst.idx.msk vm8, v20  }
0x66f: {  	vm2 =	vmmov vm8;
	v10 =	vld [tilespmem:s1+$0x10];
	v9 =	vadd.s32 $0xFFFFFFFF, v9;
	[tilespmem:v8+s23+$0x0] =	vst.idx.msk vm8, v5;
	v5 =	vadd.s32 $0xFFFFFFFF, v7  }
0x670: {  	[tilespmem:v17+s20+$0x0] =	vst.idx.msk vm1, v12;
	vm2 =	vgt.s32 v5, $0x0  }
0x671: {  	[tilespmem:v17+s23+$0x0] =	vst.idx.msk vm1, v16;
	v8 =	vnsel vm2, $0x0, v5  }
0x672: {  	[tilespmem:v11+s20+$0x0] =	vst.idx.msk vm3, v6  }
0x673: {  	[tilespmem:v11+s23+$0x0] =	vst.idx.msk vm3, v15;
	v11 =	vmin.u32 v8, $0x3FF  }
0x674: {  	[tilespmem:v9+s20+$0x0] =	vst.idx.msk vm5, v10  }
0x675: {  	[tilespmem:v9+s23+$0x0] =	vst.idx.msk vm5, v13  }
0x676: {  	v6 =	vld.idx.msk [tilespmem:v8+s20+$0x0], $0xffff;
	_ =	sdelay $0x1  }
0x677: {  	v5 =	vld.idx.msk [tilespmem:v11+s20+$0x0], $0xffff;
	_ =	sdelay $0x2  }
0x678: {  	v9 =	vmul.f32 v6, v3;
	_ =	sdelay $0x1  }
0x679: {  	vm1 =	vgt.s32 v7, $0x3FF;
	vm2 =	vle.f32 v5, v9  }
0x67a: {  	v5 =	vimm.s32 $0x0;
	vm2 =	vmand vm1, vm2  }
0x67b: {  	v10 =	vsel vm2, $0x400, v5  }
0x67c: {  	v12 =	vor.u32 $0x1FF, v10  }
0x67d: {  	v12 =	vmin.u32 v12, v8;
	_ =	sdelay $0x4  }
0x67e: {  	v12 =	vld.idx.msk [tilespmem:v12+s20+$0x0], $0xffff;
	_ =	sdelay $0x3  }
0x67f: {  	v13 =	vor.u32 $0x200, v10  }
0x680: {  	vm2 =	vle.s32 v13, v7;
	vm3 =	vle.f32 v12, v9  }
0x681: {  	vm2 =	vmand vm3, vm2  }
0x682: {  	v10 =	vsel vm2, v13, v10  }
0x683: {  	v12 =	vor.u32 $0xFF, v10  }
0x684: {  	v12 =	vmin.u32 v12, v8;
	_ =	sdelay $0x4  }
0x685: {  	v12 =	vld.idx.msk [tilespmem:v12+s20+$0x0], $0xffff;
	_ =	sdelay $0x3  }
0x686: {  	v13 =	vor.u32 $0x100, v10  }
0x687: {  	vm2 =	vle.s32 v13, v7;
	vm3 =	vle.f32 v12, v9  }
0x688: {  	vm2 =	vmand vm3, vm2  }
0x689: {  	v10 =	vsel vm2, v13, v10  }
0x68a: {  	v12 =	vor.u32 $0x7F, v10  }
0x68b: {  	v12 =	vmin.u32 v12, v8;
	_ =	sdelay $0x4  }
0x68c: {  	v12 =	vld.idx.msk [tilespmem:v12+s20+$0x0], $0xffff;
	_ =	sdelay $0x3  }
0x68d: {  	v13 =	vor.u32 $0x80, v10  }
0x68e: {  	vm2 =	vle.s32 v13, v7;
	vm3 =	vle.f32 v12, v9  }
0x68f: {  	vm2 =	vmand vm3, vm2  }
0x690: {  	v10 =	vsel vm2, v13, v10  }
0x691: {  	v12 =	vadd.s32 $0x3F, v10  }
0x692: {  	v12 =	vmin.u32 v12, v8;
	_ =	sdelay $0x4  }
0x693: {  	v12 =	vld.idx.msk [tilespmem:v12+s20+$0x0], $0xffff;
	_ =	sdelay $0x3  }
0x694: {  	v13 =	vadd.s32 $0x40, v10  }
0x695: {  	vm2 =	vle.s32 v13, v7;
	vm3 =	vle.f32 v12, v9  }
0x696: {  	vm2 =	vmand vm3, vm2  }
0x697: {  	v10 =	vsel vm2, v13, v10  }
0x698: {  	v12 =	vadd.s32 $0x1F, v10  }
0x699: {  	v12 =	vmin.u32 v12, v8;
	_ =	sdelay $0x4  }
0x69a: {  	v12 =	vld.idx.msk [tilespmem:v12+s20+$0x0], $0xffff;
	_ =	sdelay $0x3  }
0x69b: {  	v13 =	vadd.s32 $0x20, v10  }
0x69c: {  	vm2 =	vle.s32 v13, v7;
	vm3 =	vle.f32 v12, v9  }
0x69d: {  	vm2 =	vmand vm3, vm2  }
0x69e: {  	v10 =	vsel vm2, v13, v10  }
0x69f: {  	v12 =	vadd.s32 $0xF, v10  }
0x6a0: {  	v12 =	vmin.u32 v12, v8;
	_ =	sdelay $0x4  }
0x6a1: {  	v12 =	vld.idx.msk [tilespmem:v12+s20+$0x0], $0xffff;
	_ =	sdelay $0x3  }
0x6a2: {  	v13 =	vadd.s32 $0x10, v10  }
0x6a3: {  	vm2 =	vle.s32 v13, v7;
	vm3 =	vle.f32 v12, v9  }
0x6a4: {  	vm2 =	vmand vm3, vm2  }
0x6a5: {  	v10 =	vsel vm2, v13, v10  }
0x6a6: {  	v12 =	vadd.s32 $0x7, v10  }
0x6a7: {  	v12 =	vmin.u32 v12, v8;
	_ =	sdelay $0x4  }
0x6a8: {  	v12 =	vld.idx.msk [tilespmem:v12+s20+$0x0], $0xffff;
	_ =	sdelay $0x3  }
0x6a9: {  	v13 =	vadd.s32 $0x8, v10  }
0x6aa: {  	vm2 =	vle.s32 v13, v7;
	vm3 =	vle.f32 v12, v9  }
0x6ab: {  	vm2 =	vmand vm3, vm2  }
0x6ac: {  	v10 =	vsel vm2, v13, v10  }
0x6ad: {  	v12 =	vadd.s32 $0x3, v10  }
0x6ae: {  	v12 =	vmin.u32 v12, v8;
	_ =	sdelay $0x4  }
0x6af: {  	v12 =	vld.idx.msk [tilespmem:v12+s20+$0x0], $0xffff;
	_ =	sdelay $0x3  }
0x6b0: {  	v13 =	vadd.s32 $0x4, v10  }
0x6b1: {  	vm2 =	vle.s32 v13, v7;
	vm3 =	vle.f32 v12, v9  }
0x6b2: {  	vm2 =	vmand vm3, vm2  }
0x6b3: {  	v10 =	vsel vm2, v13, v10  }
0x6b4: {  	v12 =	vadd.s32 $0x1, v10  }
0x6b5: {  	v12 =	vmin.u32 v12, v8;
	_ =	sdelay $0x4  }
0x6b6: {  	v12 =	vld.idx.msk [tilespmem:v12+s20+$0x0], $0xffff;
	_ =	sdelay $0x3  }
0x6b7: {  	v13 =	vadd.s32 $0x2, v10  }
0x6b8: {  	vm2 =	vle.s32 v13, v7;
	vm3 =	vle.f32 v12, v9  }
0x6b9: {  	vm2 =	vmand vm3, vm2  }
0x6ba: {  	v10 =	vsel vm2, v13, v10  }
0x6bb: {  	v12 =	vmin.u32 v10, v8;
	_ =	sdelay $0x4  }
0x6bc: {  	v12 =	vld.idx.msk [tilespmem:v12+s20+$0x0], $0xffff;
	_ =	sdelay $0x4  }
0x6bd: {  	vm2 =	vle.f32 v12, v9  }
0x6be: {  	vm3 =	vge.s32 v10, v7;
	vm2 =	vmneg vm2  }
0x6bf: {  	vm2 =	vmor vm2, vm3  }
0x6c0: {  	v12 =	vsel vm2, $0xFFFFFFFF, v0  }
0x6c1: {  	v13 =	vadd.s32 $0xFFFFFFFE, v7;
	v10 =	vadd.s32 v12, v10  }
0x6c2: {  	vm2 =	vgt.s32 v13, $0x0;
	vm3 =	vgt.s32 v10, $0x0  }
0x6c3: {  	v12 =	vnsel vm2, $0x0, v13;
	v10 =	vnsel vm3, $0x0, v10  }
0x6c4: {  	v10 =	vmin.u32 v12, v10  }
0x6c5: {  	v13 =	vadd.s32 $0x1, v10;
	_ =	sdelay $0x3  }
0x6c6: {  	v14 =	vld.idx.msk [tilespmem:v10+s20+$0x0], $0xffff  }
0x6c7: {  	v15 =	vld.idx.msk [tilespmem:v13+s20+$0x0], $0xffff;
	_ =	sdelay $0x4  }
0x6c8: {  	v15 =	vsub.f32 v15, v14;
	_ =	sdelay $0x1  }
0x6c9: {  	(erf) = vrcp.f32 v15;
	_ =	sdelay $0x3  }
0x6ca: {  	v10 =	vld.idx.msk [tilespmem:v10+s23+$0x0], $0xffff  }
0x6cb: {  	v13 =	vld.idx.msk [tilespmem:v13+s23+$0x0], $0xffff;
	_ =	sdelay $0x2  }
0x6cc: {  	v15 =	vsub.f32 v9, v14  }
0x6cd: {  	v16 =	vpop (erf)  }
0x6ce: {  	v13 =	vsub.f32 v13, v10;
	v15 =	vmul.f32 v16, v15;
	_ =	sdelay $0x1  }
0x6cf: {  	v16 =	vld.idx.msk [tilespmem:v8+s23+$0x0], $0xffff;
	v13 =	vmul.f32 v13, v15;
	_ =	sdelay $0x1  }
0x6d0: {  	vm4 =	vmmov vm5;
	v13 =	vadd.f32 v13, v10  }
0x6d1: {  	vm4 =	vgt.f32 v9, v6;
	vm2 =	veq.s32 v7, $0x1;
	vm3 =	vlt.f32 v9, v14  }
0x6d2: {  	v9 =	vsel vm3, v10, v13;
	vm3 =	vmor vm2, vm4  }
0x6d3: {  	v9 =	vsel vm3, v16, v9;
	vm3 =	veq.s32 v7, $0x0  }
0x6d4: {  	v9 =	vsel vm3, $0x0, v9  }
0x6d5: {  	[tilespmem:$0x2A40] =	vst v9  }
0x6d6: {  	v9 =	vld.idx.msk [tilespmem:v11+s20+$0x0], $0xffff;
	_ =	sdelay $0x2  }
0x6d7: {  	v10 =	vmul.f32 v6, v4;
	_ =	sdelay $0x1  }
0x6d8: {  	vm4 =	vle.f32 v9, v10  }
0x6d9: {  	vm1 =	vmand vm1, vm4  }
0x6da: {  	v9 =	vsel vm1, $0x400, v5  }
0x6db: {  	v11 =	vor.u32 $0x1FF, v9  }
0x6dc: {  	v11 =	vmin.u32 v11, v8;
	_ =	sdelay $0x4  }
0x6dd: {  	v11 =	vld.idx.msk [tilespmem:v11+s20+$0x0], $0xffff;
	_ =	sdelay $0x3  }
0x6de: {  	v13 =	vor.u32 $0x200, v9  }
0x6df: {  	vm1 =	vle.s32 v13, v7;
	vm4 =	vle.f32 v11, v10  }
0x6e0: {  	vm1 =	vmand vm4, vm1  }
0x6e1: {  	v9 =	vsel vm1, v13, v9  }
0x6e2: {  	v11 =	vor.u32 $0xFF, v9  }
0x6e3: {  	v11 =	vmin.u32 v11, v8;
	_ =	sdelay $0x4  }
0x6e4: {  	v11 =	vld.idx.msk [tilespmem:v11+s20+$0x0], $0xffff;
	_ =	sdelay $0x3  }
0x6e5: {  	v13 =	vor.u32 $0x100, v9  }
0x6e6: {  	vm1 =	vle.s32 v13, v7;
	vm4 =	vle.f32 v11, v10  }
0x6e7: {  	vm1 =	vmand vm4, vm1  }
0x6e8: {  	v9 =	vsel vm1, v13, v9  }
0x6e9: {  	v11 =	vor.u32 $0x7F, v9  }
0x6ea: {  	v11 =	vmin.u32 v11, v8;
	_ =	sdelay $0x4  }
0x6eb: {  	v11 =	vld.idx.msk [tilespmem:v11+s20+$0x0], $0xffff;
	_ =	sdelay $0x3  }
0x6ec: {  	v13 =	vor.u32 $0x80, v9  }
0x6ed: {  	vm1 =	vle.s32 v13, v7;
	vm4 =	vle.f32 v11, v10  }
0x6ee: {  	vm1 =	vmand vm4, vm1  }
0x6ef: {  	v9 =	vsel vm1, v13, v9  }
0x6f0: {  	v11 =	vadd.s32 $0x3F, v9  }
0x6f1: {  	v11 =	vmin.u32 v11, v8;
	_ =	sdelay $0x4  }
0x6f2: {  	v11 =	vld.idx.msk [tilespmem:v11+s20+$0x0], $0xffff;
	_ =	sdelay $0x3  }
0x6f3: {  	v13 =	vadd.s32 $0x40, v9  }
0x6f4: {  	vm1 =	vle.s32 v13, v7;
	vm4 =	vle.f32 v11, v10  }
0x6f5: {  	vm1 =	vmand vm4, vm1  }
0x6f6: {  	v9 =	vsel vm1, v13, v9  }
0x6f7: {  	v11 =	vadd.s32 $0x1F, v9  }
0x6f8: {  	v11 =	vmin.u32 v11, v8;
	_ =	sdelay $0x4  }
0x6f9: {  	v11 =	vld.idx.msk [tilespmem:v11+s20+$0x0], $0xffff;
	_ =	sdelay $0x3  }
0x6fa: {  	v13 =	vadd.s32 $0x20, v9  }
0x6fb: {  	vm1 =	vle.s32 v13, v7;
	vm4 =	vle.f32 v11, v10  }
0x6fc: {  	vm1 =	vmand vm4, vm1  }
0x6fd: {  	v9 =	vsel vm1, v13, v9  }
0x6fe: {  	v11 =	vadd.s32 $0xF, v9  }
0x6ff: {  	v11 =	vmin.u32 v11, v8;
	_ =	sdelay $0x4  }
0x700: {  	v11 =	vld.idx.msk [tilespmem:v11+s20+$0x0], $0xffff;
	_ =	sdelay $0x3  }
0x701: {  	v13 =	vadd.s32 $0x10, v9  }
0x702: {  	vm1 =	vle.s32 v13, v7;
	vm4 =	vle.f32 v11, v10  }
0x703: {  	vm1 =	vmand vm4, vm1  }
0x704: {  	v9 =	vsel vm1, v13, v9  }
0x705: {  	v11 =	vadd.s32 $0x7, v9  }
0x706: {  	v11 =	vmin.u32 v11, v8;
	_ =	sdelay $0x4  }
0x707: {  	v11 =	vld.idx.msk [tilespmem:v11+s20+$0x0], $0xffff;
	_ =	sdelay $0x3  }
0x708: {  	v13 =	vadd.s32 $0x8, v9  }
0x709: {  	vm1 =	vle.s32 v13, v7;
	vm4 =	vle.f32 v11, v10  }
0x70a: {  	vm1 =	vmand vm4, vm1  }
0x70b: {  	v9 =	vsel vm1, v13, v9  }
0x70c: {  	v11 =	vadd.s32 $0x3, v9  }
0x70d: {  	v11 =	vmin.u32 v11, v8;
	_ =	sdelay $0x4  }
0x70e: {  	v11 =	vld.idx.msk [tilespmem:v11+s20+$0x0], $0xffff;
	_ =	sdelay $0x3  }
0x70f: {  	v13 =	vadd.s32 $0x4, v9  }
0x710: {  	vm1 =	vle.s32 v13, v7;
	vm4 =	vle.f32 v11, v10  }
0x711: {  	vm1 =	vmand vm4, vm1  }
0x712: {  	v9 =	vsel vm1, v13, v9  }
0x713: {  	v11 =	vadd.s32 $0x1, v9  }
0x714: {  	v11 =	vmin.u32 v11, v8;
	_ =	sdelay $0x4  }
0x715: {  	v11 =	vld.idx.msk [tilespmem:v11+s20+$0x0], $0xffff;
	_ =	sdelay $0x3  }
0x716: {  	v13 =	vadd.s32 $0x2, v9  }
0x717: {  	vm1 =	vle.s32 v13, v7;
	vm4 =	vle.f32 v11, v10  }
0x718: {  	vm1 =	vmand vm4, vm1  }
0x719: {  	v9 =	vsel vm1, v13, v9  }
0x71a: {  	v8 =	vmin.u32 v9, v8;
	_ =	sdelay $0x4  }
0x71b: {  	v8 =	vld.idx.msk [tilespmem:v8+s20+$0x0], $0xffff;
	_ =	sdelay $0x4  }
0x71c: {  	vm1 =	vle.f32 v8, v10  }
0x71d: {  	vm4 =	vge.s32 v9, v7;
	vm1 =	vmneg vm1  }
0x71e: {  	vm1 =	vmor vm1, vm4  }
0x71f: {  	v7 =	vsel vm1, $0xFFFFFFFF, v0  }
0x720: {  	v7 =	vadd.s32 v7, v9  }
0x721: {  	vm1 =	vgt.s32 v7, $0x0  }
0x722: {  	v7 =	vnsel vm1, $0x0, v7  }
0x723: {  	v7 =	vmin.u32 v12, v7  }
0x724: {  	v8 =	vadd.s32 $0x1, v7;
	_ =	sdelay $0x3  }
0x725: {  	v9 =	vld.idx.msk [tilespmem:v7+s20+$0x0], $0xffff  }
0x726: {  	v11 =	vld.idx.msk [tilespmem:v8+s20+$0x0], $0xffff;
	_ =	sdelay $0x4  }
0x727: {  	v11 =	vsub.f32 v11, v9;
	_ =	sdelay $0x1  }
0x728: {  	(erf) = vrcp.f32 v11;
	_ =	sdelay $0x3  }
0x729: {  	v7 =	vld.idx.msk [tilespmem:v7+s23+$0x0], $0xffff  }
0x72a: {  	v8 =	vld.idx.msk [tilespmem:v8+s23+$0x0], $0xffff;
	_ =	sdelay $0x2  }
0x72b: {  	v11 =	vsub.f32 v10, v9  }
0x72c: {  	v12 =	vpop (erf)  }
0x72d: {  	v8 =	vsub.f32 v8, v7;
	v11 =	vmul.f32 v12, v11;
	_ =	sdelay $0x1  }
0x72e: {  	v8 =	vmul.f32 v8, v11;
	_ =	sdelay $0x1  }
0x72f: {  	v8 =	vadd.f32 v8, v7  }
0x730: {  	vm4 =	vgt.f32 v10, v6;
	vm1 =	vlt.f32 v10, v9  }
0x731: {  	v6 =	vsel vm1, v7, v8;
	vm1 =	vmor vm2, vm4  }
0x732: {  	v6 =	vsel vm1, v16, v6  }
0x733: {  	v6 =	vsel vm3, $0x0, v6  }
0x734: {  	[tilespmem:$0x2A50] =	vst v6  }
0x735: {  	_ =	swait.ge [sflag:s24], $0x800  }
0x736: {  	[sflag:s24] =	ssyncset.done $0x0  }
0x737: {  	s1 =	simm.s32 $0x1030;
	[sflag:s24] =	ssyncadd.s32 $0xFFFFF800  }
0x738: {  	v14 =	vld [tilespmem:s1+$0x0]  }
0x739: {  	s28 =	simm.s32 $0x0  }
0x73a: {  	s28 =	sand.u32 $0x7C0, s28  }
0x73b: {  	v8 =	vld [tilespmem:s28+$0x1000]  }
0x73c: {  	v6 =	vld [tilespmem:s1+$0xFFFFFFE0]  }
0x73d: {  	v7 =	vld [tilespmem:s1+$0xFFFFFFF0];
	vm1 =	veq.f32 v14, v14  }
0x73e: {  	vm2 =	vmand vm1, vm0  }
0x73f: {  	v9 =	vsel vm2, $0x1, v0  }
0x740: {  	vm3 =	veq.f32 v8, v8;
	(xrf0) =	vadd.scan.msk.s32 $0xffff, v9  }
0x741: {  	vm1 =	veq.f32 v6, v6;
	vm3 =	vmand vm3, vm0  }
0x742: {  	vm4 =	veq.f32 v7, v7;
	vm1 =	vmand vm1, vm0;
	v11 =	vmpcnt.ones.xlane vm3  }
0x743: {  	vm4 =	vmand vm4, vm0;
	v9 =	vsel vm1, $0x1, v0;
	v12 =	vmpcnt.ones.xlane vm1  }
0x744: {  	v10 =	vsel vm3, $0x1, v0;
	(xrf0) =	vadd.scan.msk.s32 $0xffff, v9;
	v15 =	vadd.s32 v5, v11;
	v11 =	vmpcnt.ones.xlane vm4  }
0x745: {  	(xrf0) =	vadd.scan.msk.s32 $0xffff, v10;
	v16 =	vadd.s32 v15, v12  }
0x746: {  	v13 =	vadd.s32 v16, v11;
	v17, _, _ =	vpop (xrf0)  }
0x747: {  	v17 =	vadd.s32 v17, v13  }
0x748: {  	s28 =	simm.s32 $0x1070;
	v10 =	vsel vm4, $0x1, v0  }
0x749: {  	v9 =	vld [tilespmem:s28+$0x0];
	(xrf0) =	vadd.scan.msk.s32 $0xffff, v10  }
0x74a: {  	s30 =	simm.s32 $0x40;
	v12 =	vmpcnt.ones.xlane vm2;
	v10 =	vld [tilespmem:s28+$0xFFFFFFF0];
	v22 =	vadd.s32 $0xFFFFFFFF, v17;
	v17, _, _ =	vpop (xrf0)  }
0x74b: {  	s1 =	sand.u32 $0x7C0, s30;
	v11 =	vld [tilespmem:s28+$0xFFFFFFE0];
	v18, _, _ =	vpop (xrf0)  }
0x74c: {  	s29 =	simm.s32 $0x20;
	vm8 =	vmmov vm2;
	v13 =	vadd.s32 v13, v12;
	v12 =	vld [tilespmem:s1+$0x1000];
	v18 =	vadd.s32 v18, v5  }
0x74d: {  	vm3 =	vmmov vm3;
	vm1 =	vmmov vm1;
	v15 =	vadd.s32 v17, v15;
	v17 =	vld [tilespmem:s29+$0x10]  }
0x74e: {  	v19 =	vld [tilespmem:s29+$0xFFFFFFF0];
	vm2 =	vmmov vm4;
	vm4 =	veq.f32 v9, v9;
	v5 =	vadd.s32 $0xFFFFFFFF, v15  }
0x74f: {  	vm5 =	vmand vm4, vm0;
	vm6 =	veq.f32 v10, v10;
	v15 =	vadd.s32 $0xFFFFFFFF, v18;
	v18, _, _ =	vpop (xrf0)  }
0x750: {  	vm7 =	veq.f32 v11, v11;
	v20 =	vsel vm5, $0x1, v0;
	v16 =	vadd.s32 v18, v16;
	v18 =	vld [tilespmem:s29+$0xFFFFFFE0]  }
0x751: {  	vm4 =	vmand vm6, vm0;
	vm6 =	vmand vm7, vm0;
	(xrf0) =	vadd.scan.msk.s32 $0xffff, v20;
	vm15 =	veq.f32 v12, v12  }
0x752: {  	v21 =	vsel vm6, $0x1, v0;
	vm7 =	vmand vm15, vm0;
	[tilespmem:v22+s20+$0x0] =	vst.idx.msk vm8, v17;
	v17 =	vld [tilespmem:s29+$0x0];
	v16 =	vadd.s32 $0xFFFFFFFF, v16  }
0x753: {  	(xrf0) =	vadd.scan.msk.s32 $0xffff, v21;
	v23 =	vsel vm7, $0x1, v0;
	v20 =	vmpcnt.ones.xlane vm7;
	[tilespmem:v5+s20+$0x0] =	vst.idx.msk vm1, v19  }
0x754: {  	s31 =	simm.s32 $0x4;
	v21 =	vsel vm4, $0x1, v0;
	(xrf0) =	vadd.scan.msk.s32 $0xffff, v23;
	v19 =	vmpcnt.ones.xlane vm6;
	[tilespmem:v22+s23+$0x0] =	vst.idx.msk vm8, v14;
	v14 =	vmovc v13  }
.LBB2_16:
0x755: {  	s31 =	sadd.s32 $0x4, s31;
	v20 =	vadd.s32 v13, v20;
	v23 =	vmpcnt.ones.xlane vm4;
	s28 =	sadd.s32 $0x40, s28;
	(xrf0) =	vadd.scan.msk.s32 $0xffff, v21;
	[tilespmem:v15+s20+$0x0] =	vst.idx.msk vm3, v18;
	s29 =	sadd.s32 $0x40, s29  }
0x756: {  	v18 =	vmpcnt.ones.xlane vm5;
	vm8 =	vmmov vm5;
	v22 =	vld [tilespmem:s28+$0x0];
	p0 =	slt.u32 s31, $0x7C;
	v19 =	vadd.s32 v20, v19;
	[tilespmem:v15+s23+$0x0] =	vst.idx.msk vm3, v8;
	v8 =	vmovc v12  }
0x757: {  	s30 =	sadd.s32 $0x40, s30;
	vm3 =	vmmov vm7;
	v21 =	vld [tilespmem:s28+$0xFFFFFFF0];
	v12 =	vadd.s32 v19, v23;
	v13, _, _ =	vpop (xrf0);
	[tilespmem:v16+s20+$0x0] =	vst.idx.msk vm2, v17  }
0x758: {  	s1 =	sand.u32 $0x7C0, s30;
	v17 =	vld [tilespmem:s28+$0xFFFFFFE0];
	v15 =	vadd.s32 v13, v12;
	v13 =	vadd.s32 v12, v18;
	[tilespmem:v16+s23+$0x0] =	vst.idx.msk vm2, v7;
	v7 =	vmov v10  }
0x759: {  	vm2 =	vmmov vm4;
	v12 =	vld [tilespmem:s1+$0x1000];
	v23 =	vadd.s32 $0xFFFFFFFF, v15;
	v10, _, _ =	vpop (xrf0);
	[tilespmem:v5+s23+$0x0] =	vst.idx.msk vm1, v6;
	v6 =	vmov v11  }
0x75a: {  	vm1 =	vmmov vm6;
	v5 =	vadd.s32 v10, v20;
	v20 =	vld [tilespmem:s29+$0x10];
	v10, _, _ =	vpop (xrf0)  }
0x75b: {  	vm4 =	veq.f32 v22, v22;
	v25 =	vadd.s32 v10, v14;
	v5 =	vadd.s32 $0xFFFFFFFF, v5;
	v24 =	vld [tilespmem:s29+$0xFFFFFFF0];
	v16, _, _ =	vpop (xrf0)  }
0x75c: {  	v14 =	vmovc v13;
	vm6 =	veq.f32 v21, v21;
	vm5 =	vmand vm4, vm0;
	v15 =	vadd.s32 $0xFFFFFFFF, v25;
	v10 =	vmovc v21  }
.Ltmp7:
0x75d: {  	vm7 =	veq.f32 v17, v17;
	vm4 =	vmand vm6, vm0;
	v21 =	vsel vm5, $0x1, v0;
	v18 =	vld [tilespmem:s29+$0xFFFFFFE0];
	v11 =	vmovc v17;
	(pc) =	sbr.rel @p0 .LBB2_16-.Ltmp7, $4  }
0x75e: {  	v16 =	vadd.s32 v16, v19;
	vm9 =	veq.f32 v12, v12;
	vm6 =	vmand vm7, vm0;
	(xrf0) =	vadd.scan.msk.s32 $0xffff, v21  }
0x75f: {  	v16 =	vadd.s32 $0xFFFFFFFF, v16;
	vm7 =	vmand vm9, vm0;
	v19 =	vsel vm6, $0x1, v0;
	v17 =	vld [tilespmem:s29+$0x0];
	[tilespmem:v23+s20+$0x0] =	vst.idx.msk vm8, v20  }
0x760: {  	v25 =	vsel vm7, $0x1, v0;
	v20 =	vmpcnt.ones.xlane vm7;
	(xrf0) =	vadd.scan.msk.s32 $0xffff, v19;
	[tilespmem:v5+s20+$0x0] =	vst.idx.msk vm1, v24  }
0x761: {  	v21 =	vsel vm4, $0x1, v0;
	v19 =	vmpcnt.ones.xlane vm6;
	(xrf0) =	vadd.scan.msk.s32 $0xffff, v25;
	[tilespmem:v23+s23+$0x0] =	vst.idx.msk vm8, v9;
	v9 =	vmovc v22  }
0x762: {  	_ = 	snop  }
0x763: {  	v13 =	vadd.s32 v13, v20;
	v57 =	vmpcnt.ones.xlane vm4  }
0x764: {  	v19 =	vadd.s32 v13, v19  }
0x765: {  	(xrf0) =	vadd.scan.msk.s32 $0xffff, v21;
	v20 =	vadd.s32 v19, v57;
	v58, _, _ =	vpop (xrf0)  }
0x766: {  	s1 =	sadd.s32 $0x40, s29;
	v21 =	vadd.s32 v58, v20  }
0x767: {  	[tilespmem:v15+s20+$0x0] =	vst.idx.msk vm3, v18;
	v60 =	vld [tilespmem:s1+$0x10];
	v22, _, _ =	vpop (xrf0);
	v59 =	vadd.s32 $0xFFFFFFFF, v21  }
0x768: {  	vm6 =	vmmov vm6;
	[tilespmem:v5+s23+$0x0] =	vst.idx.msk vm1, v6;
	v13 =	vadd.s32 v22, v13;
	v61, _, _ =	vpop (xrf0)  }
0x769: {  	[tilespmem:v15+s23+$0x0] =	vst.idx.msk vm3, v8;
	v62 =	vld [tilespmem:s1+$0xFFFFFFF0];
	v13 =	vadd.s32 $0xFFFFFFFF, v13;
	v8 =	vadd.s32 v61, v14  }
0x76a: {  	v63 =	vmpcnt.ones.xlane vm5;
	v23 =	vld [tilespmem:s1+$0xFFFFFFE0];
	[tilespmem:v16+s20+$0x0] =	vst.idx.msk vm2, v17;
	v8 =	vadd.s32 $0xFFFFFFFF, v8  }
0x76b: {  	[tilespmem:v16+s23+$0x0] =	vst.idx.msk vm2, v7;
	v22, _, _ =	vpop (xrf0)  }
0x76c: {  	v25 =	vadd.s32 v20, v63;
	v24 =	vadd.s32 v22, v19;
	[tilespmem:v59+s20+$0x0] =	vst.idx.msk vm5, v60  }
0x76d: {  	v26 =	vld [tilespmem:s1+$0x0];
	v27 =	vadd.s32 $0xFFFFFFFF, v25;
	v5 =	vadd.s32 $0xFFFFFFFF, v24;
	[tilespmem:v59+s23+$0x0] =	vst.idx.msk vm5, v9  }
0x76e: {  	vm2 =	vgt.s32 v27, $0x0;
	[tilespmem:v13+s20+$0x0] =	vst.idx.msk vm6, v62  }
0x76f: {  	v7 =	vnsel vm2, $0x0, v27;
	[tilespmem:v8+s20+$0x0] =	vst.idx.msk vm7, v23  }
0x770: {  	[tilespmem:v13+s23+$0x0] =	vst.idx.msk vm6, v11  }
0x771: {  	v28 =	vmin.u32 v7, $0x3FF;
	[tilespmem:v8+s23+$0x0] =	vst.idx.msk vm7, v12  }
0x772: {  	[tilespmem:v5+s20+$0x0] =	vst.idx.msk vm4, v26  }
0x773: {  	[tilespmem:v5+s23+$0x0] =	vst.idx.msk vm4, v10  }
0x774: {  	v5 =	vld.idx.msk [tilespmem:v7+s20+$0x0], $0xffff;
	_ =	sdelay $0x1  }
0x775: {  	v9 =	vld.idx.msk [tilespmem:v28+s20+$0x0], $0xffff;
	_ =	sdelay $0x2  }
0x776: {  	v3 =	vmul.f32 v5, v3  }
0x777: {  	vm1 =	vmmov vm4  }
0x778: {  	vm1 =	vgt.s32 v25, $0x3FF;
	vm2 =	vle.f32 v9, v3  }
0x779: {  	vm2 =	vmand vm1, vm2  }
0x77a: {  	v29 =	vsel vm2, $0x400, v0  }
0x77b: {  	v30 =	vor.u32 $0x1FF, v29  }
0x77c: {  	v10 =	vmin.u32 v30, v7;
	_ =	sdelay $0x4  }
0x77d: {  	v10 =	vld.idx.msk [tilespmem:v10+s20+$0x0], $0xffff;
	_ =	sdelay $0x3  }
0x77e: {  	vm3 =	vmmov vm7;
	v31 =	vor.u32 $0x200, v29  }
0x77f: {  	vm2 =	vle.s32 v31, v25;
	vm3 =	vle.f32 v10, v3  }
0x780: {  	vm2 =	vmand vm3, vm2  }
0x781: {  	v9 =	vsel vm2, v31, v29  }
0x782: {  	v32 =	vor.u32 $0xFF, v9  }
0x783: {  	v10 =	vmin.u32 v32, v7;
	_ =	sdelay $0x4  }
0x784: {  	v10 =	vld.idx.msk [tilespmem:v10+s20+$0x0], $0xffff;
	_ =	sdelay $0x3  }
0x785: {  	v11 =	vor.u32 $0x100, v9  }
0x786: {  	vm2 =	vle.s32 v11, v25;
	vm3 =	vle.f32 v10, v3  }
0x787: {  	vm2 =	vmand vm3, vm2  }
0x788: {  	v9 =	vsel vm2, v11, v9  }
0x789: {  	v33 =	vor.u32 $0x7F, v9  }
0x78a: {  	v10 =	vmin.u32 v33, v7;
	_ =	sdelay $0x4  }
0x78b: {  	v10 =	vld.idx.msk [tilespmem:v10+s20+$0x0], $0xffff;
	_ =	sdelay $0x3  }
0x78c: {  	v11 =	vor.u32 $0x80, v9  }
0x78d: {  	vm2 =	vle.s32 v11, v25;
	vm3 =	vle.f32 v10, v3  }
0x78e: {  	vm2 =	vmand vm3, vm2  }
0x78f: {  	v9 =	vsel vm2, v11, v9  }
0x790: {  	v34 =	vadd.s32 $0x3F, v9  }
0x791: {  	v10 =	vmin.u32 v34, v7;
	_ =	sdelay $0x4  }
0x792: {  	v10 =	vld.idx.msk [tilespmem:v10+s20+$0x0], $0xffff;
	_ =	sdelay $0x3  }
0x793: {  	v11 =	vadd.s32 $0x40, v9  }
0x794: {  	vm2 =	vle.s32 v11, v25;
	vm3 =	vle.f32 v10, v3  }
0x795: {  	vm2 =	vmand vm3, vm2  }
0x796: {  	v9 =	vsel vm2, v11, v9  }
0x797: {  	v35 =	vadd.s32 $0x1F, v9  }
0x798: {  	v10 =	vmin.u32 v35, v7;
	_ =	sdelay $0x4  }
0x799: {  	v10 =	vld.idx.msk [tilespmem:v10+s20+$0x0], $0xffff;
	_ =	sdelay $0x3  }
0x79a: {  	v11 =	vadd.s32 $0x20, v9  }
0x79b: {  	vm2 =	vle.s32 v11, v25;
	vm3 =	vle.f32 v10, v3  }
0x79c: {  	vm2 =	vmand vm3, vm2  }
0x79d: {  	v9 =	vsel vm2, v11, v9  }
0x79e: {  	v36 =	vadd.s32 $0xF, v9  }
0x79f: {  	v10 =	vmin.u32 v36, v7;
	_ =	sdelay $0x4  }
0x7a0: {  	v10 =	vld.idx.msk [tilespmem:v10+s20+$0x0], $0xffff;
	_ =	sdelay $0x3  }
0x7a1: {  	v11 =	vadd.s32 $0x10, v9  }
0x7a2: {  	vm2 =	vle.s32 v11, v25;
	vm3 =	vle.f32 v10, v3  }
0x7a3: {  	vm2 =	vmand vm3, vm2  }
0x7a4: {  	v9 =	vsel vm2, v11, v9  }
0x7a5: {  	v37 =	vadd.s32 $0x7, v9  }
0x7a6: {  	v10 =	vmin.u32 v37, v7;
	_ =	sdelay $0x4  }
0x7a7: {  	v10 =	vld.idx.msk [tilespmem:v10+s20+$0x0], $0xffff;
	_ =	sdelay $0x3  }
0x7a8: {  	v11 =	vadd.s32 $0x8, v9  }
0x7a9: {  	vm2 =	vle.s32 v11, v25;
	vm3 =	vle.f32 v10, v3  }
0x7aa: {  	vm2 =	vmand vm3, vm2  }
0x7ab: {  	v9 =	vsel vm2, v11, v9  }
0x7ac: {  	v38 =	vadd.s32 $0x3, v9  }
0x7ad: {  	v10 =	vmin.u32 v38, v7;
	_ =	sdelay $0x4  }
0x7ae: {  	v10 =	vld.idx.msk [tilespmem:v10+s20+$0x0], $0xffff;
	_ =	sdelay $0x3  }
0x7af: {  	v11 =	vadd.s32 $0x4, v9  }
0x7b0: {  	vm2 =	vle.s32 v11, v25;
	vm3 =	vle.f32 v10, v3  }
0x7b1: {  	vm2 =	vmand vm3, vm2  }
0x7b2: {  	v9 =	vsel vm2, v11, v9  }
0x7b3: {  	v39 =	vadd.s32 $0x1, v9  }
0x7b4: {  	v10 =	vmin.u32 v39, v7;
	_ =	sdelay $0x4  }
0x7b5: {  	v10 =	vld.idx.msk [tilespmem:v10+s20+$0x0], $0xffff;
	_ =	sdelay $0x3  }
0x7b6: {  	v11 =	vadd.s32 $0x2, v9  }
0x7b7: {  	vm2 =	vle.s32 v11, v25;
	vm3 =	vle.f32 v10, v3  }
0x7b8: {  	vm2 =	vmand vm3, vm2  }
0x7b9: {  	v9 =	vsel vm2, v11, v9  }
0x7ba: {  	v40 =	vmin.u32 v9, v7;
	_ =	sdelay $0x4  }
0x7bb: {  	v10 =	vld.idx.msk [tilespmem:v40+s20+$0x0], $0xffff;
	_ =	sdelay $0x4  }
0x7bc: {  	vm2 =	vle.f32 v10, v3  }
0x7bd: {  	vm3 =	vge.s32 v9, v25;
	vm2 =	vmneg vm2  }
0x7be: {  	vm2 =	vmor vm2, vm3  }
0x7bf: {  	v41 =	vsel vm2, $0xFFFFFFFF, v0  }
0x7c0: {  	v42 =	vadd.s32 $0xFFFFFFFE, v25;
	v9 =	vadd.s32 v41, v9  }
0x7c1: {  	vm2 =	vgt.s32 v42, $0x0;
	vm3 =	vgt.s32 v9, $0x0  }
0x7c2: {  	v43 =	vnsel vm2, $0x0, v42;
	v9 =	vnsel vm3, $0x0, v9  }
0x7c3: {  	v9 =	vmin.u32 v43, v9  }
0x7c4: {  	v44 =	vadd.s32 $0x1, v9;
	_ =	sdelay $0x3  }
0x7c5: {  	v12 =	vld.idx.msk [tilespmem:v9+s20+$0x0], $0xffff  }
0x7c6: {  	v13 =	vld.idx.msk [tilespmem:v44+s20+$0x0], $0xffff;
	_ =	sdelay $0x4  }
0x7c7: {  	v13 =	vsub.f32 v13, v12;
	_ =	sdelay $0x1  }
0x7c8: {  	(erf) = vrcp.f32 v13;
	_ =	sdelay $0x3  }
0x7c9: {  	v9 =	vld.idx.msk [tilespmem:v9+s23+$0x0], $0xffff  }
0x7ca: {  	v11 =	vld.idx.msk [tilespmem:v44+s23+$0x0], $0xffff;
	_ =	sdelay $0x2  }
0x7cb: {  	v45 =	vsub.f32 v3, v12  }
0x7cc: {  	v46 =	vpop (erf)  }
0x7cd: {  	v11 =	vsub.f32 v11, v9;
	v13 =	vmul.f32 v46, v45;
	_ =	sdelay $0x1  }
0x7ce: {  	v47 =	vld.idx.msk [tilespmem:v7+s23+$0x0], $0xffff;
	v11 =	vmul.f32 v11, v13;
	_ =	sdelay $0x1  }
0x7cf: {  	v11 =	vadd.f32 v11, v9  }
0x7d0: {  	vm11 =	vgt.f32 v3, v5;
	vm2 =	veq.s32 v25, $0x1;
	vm3 =	vlt.f32 v3, v12  }
0x7d1: {  	v3 =	vsel vm3, v9, v11;
	vm3 =	vmor vm2, vm11  }
0x7d2: {  	v3 =	vsel vm3, v47, v3;
	vm3 =	veq.s32 v25, $0x0  }
0x7d3: {  	v3 =	vsel vm3, $0x0, v3  }
0x7d4: {  	[tilespmem:$0x2A60] =	vst v3  }
0x7d5: {  	v3 =	vld.idx.msk [tilespmem:v28+s20+$0x0], $0xffff;
	_ =	sdelay $0x2  }
0x7d6: {  	v4 =	vmul.f32 v5, v4;
	_ =	sdelay $0x1  }
0x7d7: {  	vm12 =	vle.f32 v3, v4  }
0x7d8: {  	vm1 =	vmand vm1, vm12  }
0x7d9: {  	v3 =	vsel vm1, $0x400, v0  }
0x7da: {  	v48 =	vor.u32 $0x1FF, v3  }
0x7db: {  	v8 =	vmin.u32 v48, v7;
	_ =	sdelay $0x4  }
0x7dc: {  	v8 =	vld.idx.msk [tilespmem:v8+s20+$0x0], $0xffff;
	_ =	sdelay $0x3  }
0x7dd: {  	v49 =	vor.u32 $0x200, v3  }
0x7de: {  	vm1 =	vle.s32 v49, v25;
	vm13 =	vle.f32 v8, v4  }
0x7df: {  	vm1 =	vmand vm13, vm1  }
0x7e0: {  	v3 =	vsel vm1, v49, v3  }
0x7e1: {  	v50 =	vor.u32 $0xFF, v3  }
0x7e2: {  	v8 =	vmin.u32 v50, v7;
	_ =	sdelay $0x4  }
0x7e3: {  	v8 =	vld.idx.msk [tilespmem:v8+s20+$0x0], $0xffff;
	_ =	sdelay $0x3  }
0x7e4: {  	v9 =	vor.u32 $0x100, v3  }
0x7e5: {  	vm1 =	vle.s32 v9, v25;
	vm14 =	vle.f32 v8, v4  }
0x7e6: {  	vm1 =	vmand vm14, vm1  }
0x7e7: {  	v3 =	vsel vm1, v9, v3  }
0x7e8: {  	v51 =	vor.u32 $0x7F, v3  }
0x7e9: {  	v8 =	vmin.u32 v51, v7;
	_ =	sdelay $0x4  }
0x7ea: {  	v8 =	vld.idx.msk [tilespmem:v8+s20+$0x0], $0xffff;
	_ =	sdelay $0x3  }
0x7eb: {  	v9 =	vor.u32 $0x80, v3  }
0x7ec: {  	vm1 =	vle.s32 v9, v25;
	vm15 =	vle.f32 v8, v4  }
0x7ed: {  	vm1 =	vmand vm15, vm1  }
0x7ee: {  	v3 =	vsel vm1, v9, v3  }
0x7ef: {  	v52 =	vadd.s32 $0x3F, v3  }
0x7f0: {  	v8 =	vmin.u32 v52, v7;
	_ =	sdelay $0x4  }
0x7f1: {  	v8 =	vld.idx.msk [tilespmem:v8+s20+$0x0], $0xffff;
	_ =	sdelay $0x3  }
0x7f2: {  	vm8 =	vmmov vm5;
	v9 =	vadd.s32 $0x40, v3  }
0x7f3: {  	vm1 =	vle.s32 v9, v25;
	vm8 =	vle.f32 v8, v4  }
0x7f4: {  	vm1 =	vmand vm8, vm1  }
0x7f5: {  	v3 =	vsel vm1, v9, v3  }
0x7f6: {  	v53 =	vadd.s32 $0x1F, v3  }
0x7f7: {  	v8 =	vmin.u32 v53, v7;
	_ =	sdelay $0x4  }
0x7f8: {  	v8 =	vld.idx.msk [tilespmem:v8+s20+$0x0], $0xffff;
	_ =	sdelay $0x3  }
0x7f9: {  	v9 =	vadd.s32 $0x20, v3  }
0x7fa: {  	vm1 =	vle.s32 v9, v25;
	vm9 =	vle.f32 v8, v4  }
0x7fb: {  	vm1 =	vmand vm9, vm1  }
0x7fc: {  	v3 =	vsel vm1, v9, v3  }
0x7fd: {  	v54 =	vadd.s32 $0xF, v3  }
0x7fe: {  	v8 =	vmin.u32 v54, v7;
	_ =	sdelay $0x4  }
0x7ff: {  	v8 =	vld.idx.msk [tilespmem:v8+s20+$0x0], $0xffff;
	_ =	sdelay $0x3  }
0x800: {  	v9 =	vadd.s32 $0x10, v3  }
0x801: {  	vm1 =	vle.s32 v9, v25;
	vm10 =	vle.f32 v8, v4  }
0x802: {  	vm1 =	vmand vm10, vm1  }
0x803: {  	v3 =	vsel vm1, v9, v3  }
0x804: {  	v55 =	vadd.s32 $0x7, v3  }
0x805: {  	v8 =	vmin.u32 v55, v7;
	_ =	sdelay $0x4  }
0x806: {  	v8 =	vld.idx.msk [tilespmem:v8+s20+$0x0], $0xffff;
	_ =	sdelay $0x3  }
0x807: {  	v9 =	vadd.s32 $0x8, v3  }
0x808: {  	vm1 =	vle.s32 v9, v25;
	vm11 =	vle.f32 v8, v4  }
0x809: {  	vm1 =	vmand vm11, vm1  }
0x80a: {  	v3 =	vsel vm1, v9, v3  }
0x80b: {  	v56 =	vadd.s32 $0x3, v3  }
0x80c: {  	v8 =	vmin.u32 v56, v7;
	_ =	sdelay $0x4  }
0x80d: {  	v8 =	vld.idx.msk [tilespmem:v8+s20+$0x0], $0xffff;
	_ =	sdelay $0x3  }
0x80e: {  	v9 =	vadd.s32 $0x4, v3  }
0x80f: {  	vm1 =	vle.s32 v9, v25;
	vm12 =	vle.f32 v8, v4  }
0x810: {  	vm1 =	vmand vm12, vm1  }
0x811: {  	v3 =	vsel vm1, v9, v3  }
0x812: {  	v57 =	vadd.s32 $0x1, v3  }
0x813: {  	v8 =	vmin.u32 v57, v7;
	_ =	sdelay $0x4  }
0x814: {  	v8 =	vld.idx.msk [tilespmem:v8+s20+$0x0], $0xffff;
	_ =	sdelay $0x3  }
0x815: {  	v9 =	vadd.s32 $0x2, v3  }
0x816: {  	vm1 =	vle.s32 v9, v25;
	vm13 =	vle.f32 v8, v4  }
0x817: {  	vm1 =	vmand vm13, vm1  }
0x818: {  	v3 =	vsel vm1, v9, v3  }
0x819: {  	v7 =	vmin.u32 v3, v7;
	_ =	sdelay $0x4  }
0x81a: {  	v7 =	vld.idx.msk [tilespmem:v7+s20+$0x0], $0xffff;
	_ =	sdelay $0x4  }
0x81b: {  	vm1 =	vle.f32 v7, v4  }
0x81c: {  	vm14 =	vge.s32 v3, v25;
	vm1 =	vmneg vm1  }
0x81d: {  	vm1 =	vmor vm1, vm14  }
0x81e: {  	v58 =	vsel vm1, $0xFFFFFFFF, v0  }
0x81f: {  	v3 =	vadd.s32 v58, v3  }
0x820: {  	vm1 =	vgt.s32 v3, $0x0  }
0x821: {  	v3 =	vnsel vm1, $0x0, v3  }
0x822: {  	v3 =	vmin.u32 v43, v3  }
0x823: {  	v59 =	vadd.s32 $0x1, v3;
	_ =	sdelay $0x3  }
0x824: {  	v60 =	vld.idx.msk [tilespmem:v3+s20+$0x0], $0xffff  }
0x825: {  	v61 =	vld.idx.msk [tilespmem:v59+s20+$0x0], $0xffff;
	_ =	sdelay $0x4  }
0x826: {  	v8 =	vsub.f32 v61, v60;
	_ =	sdelay $0x1  }
0x827: {  	(erf) = vrcp.f32 v8;
	_ =	sdelay $0x3  }
0x828: {  	v3 =	vld.idx.msk [tilespmem:v3+s23+$0x0], $0xffff  }
0x829: {  	v6 =	vld.idx.msk [tilespmem:v59+s23+$0x0], $0xffff;
	_ =	sdelay $0x2  }
0x82a: {  	v62 =	vsub.f32 v4, v60  }
0x82b: {  	v63 =	vpop (erf)  }
0x82c: {  	v6 =	vsub.f32 v6, v3;
	v8 =	vmul.f32 v63, v62;
	_ =	sdelay $0x1  }
0x82d: {  	v6 =	vmul.f32 v6, v8;
	_ =	sdelay $0x1  }
0x82e: {  	v6 =	vadd.f32 v6, v3  }
0x82f: {  	vm15 =	vgt.f32 v4, v5;
	vm1 =	vlt.f32 v4, v60  }
0x830: {  	v3 =	vsel vm1, v3, v6;
	vm1 =	vmor vm2, vm15  }
0x831: {  	s26 =	sadd.s32 $0x1, s26;
	v3 =	vsel vm1, v47, v3  }
0x832: {  	p0 =	sne.s32 s26, s18;
	v3 =	vsel vm3, $0x0, v3  }
.Ltmp8:
0x833: {  	[tilespmem:$0x2A70] =	vst v3;
	(pc) =	sbr.rel @p0 .LBB2_1-.Ltmp8, $4  }
0x834: {  	[hbm4b:s10+s19] =	stream.strided.scatter [tilespmem:s25], [sflag:$0x3], $0x100, s11, s19, $0x38;
	[tilespmem:$0x2A80] =	vst v63  }
0x835: {  	_ =	swait.ge [sflag:s21], $0x100  }
0x836: {  	[sflag:s21] =	ssyncset.done $0x0  }
0x837: {  	[sflag:s21] =	ssyncadd.s32 $0xFFFFFF00  }
0x838: {  	_ =	sfence.sel $0x180000  }
0x839: {  	[bflag:$0x0] =	sbarrier.arrive $0xFFFF  }
0x83a: {  	_ =	strace $0x90000047  }
0x83b: {  	[bflag:$0x2] =	sbarrier.arrive $0xFFFF  }
0x83c: {  	p0 =	sne.s32 s0, $0x0;
	s0 =	rddreg [dreg:$0x3]  }
0x83d: {  	s0 =	sadd.s32 @!p0 $0x100000, s0  }
0x83e: {  	[sflag:s0] =	ssyncadd.tile.s32 @!p0 $0x1;
	_ =	shalt  }
.Lfunc_end2:
_tile_overlayer_lowered:
.L_overlay_start_2:
0x83f: {  	(tag) =	ssettag $0x2  }
0x840: {  	s0 =	rddreg [dreg:$0x0];
	s2 =	stileid.u32  }
0x841: {  	s1 =	rddreg [dreg:$0x1];
	p0 =	sne.s32 s2, $0x0  }
0x842: {  	s3 =	rddreg [dreg:$0x2];
	[bflag:$0x3] =	sbarrier.arrive $0xFFFF;
	s2 =	simm.s32 @!p0 $0x1C03  }
0x843: {  	[timem:s3], [sflag:s2] =	dma.local @!p0 [hbm:s0], s1  }
0x844: {  	s0 =	simm.s32 @!p0 $0x3  }
0x845: {  	_ =	swait.ge @!p0 [sflag:s0], s1  }
0x846: {  	s1 =	ssub.s32 @!p0 $0x0, s1;
	[sflag:s0] =	ssyncset.done @!p0 $0x0  }
0x847: {  	[sflag:s0] =	ssyncadd.s32 @!p0 s1  }
0x848: {  	[bflag:$0x3] =	sbarrier.arrive $0xFFFF  }
0x849: {  	_ =	shalt  }

</sc_bundles>
